<compile_context>
chip_gen: v7x
topology: tpu7x:2x2x1
jax: 0.10.2.dev20260603
libtpu: 0.0.44.dev20260713+nightly
codegen_flags: <defaults>
</compile_context>

<pallas_src>
import functools

import jax
import jax.numpy as jnp
from jax import lax
from jax.experimental import pallas as pl
from jax.experimental.pallas import tpu as pltpu
from jax.experimental.pallas import tpu_sc as plsc

_NC = 2
_NS = 16
_L = 16
_CH = 128


def _k1_body(n, p, x_ref, w_ref, we_ref, h16_ref, ab_ref, m_ref):
    d = x_ref.shape[1]
    x = x_ref[...]
    h = lax.dot_general(x, w_ref[...], (((1,), (1,)), ((), ())),
                        preferred_element_type=jnp.float32)
    h16_ref[pl.ds(0, n), :] = h.astype(jnp.bfloat16)
    h16_ref[pl.ds(n, p - n), :] = jnp.zeros((p - n, d), jnp.bfloat16)
    ab = lax.dot_general(h, we_ref[...], (((1,), (1,)), ((), ())),
                         preferred_element_type=jnp.float32)
    ab_ref[pl.ds(0, n), :] = ab
    ab_ref[pl.ds(n, p - n), :] = jnp.full((p - n, 2), -1e30, jnp.float32)
    m = jnp.max(ab[:, 0]) + jnp.max(ab[:, 1])
    m_ref[...] = jnp.full((1, _L), m, jnp.float32)


def _make_k2(p, d, ncht):
    nw = _NC * _NS
    nch = -(-ncht // nw)
    base_q, rem = divmod(ncht, nw)
    rpt = p // _NS
    mesh = plsc.VectorSubcoreMesh(core_axis_name="c", subcore_axis_name="s")

    @functools.partial(
        pl.kernel,
        mesh=mesh,
        compiler_params=pltpu.CompilerParams(needs_layout_passes=False,
                                             use_tc_tiling_on_sc=False),
        out_type=[
            jax.ShapeDtypeStruct((_NC, p, d), jnp.bfloat16),
            jax.ShapeDtypeStruct((_NC, p), jnp.float32),
        ],
        scratch_types=[
            pltpu.VMEM((2 * p,), jnp.float32),
            pltpu.VMEM((nch, _CH), jnp.int32),
            pltpu.VMEM((nch, _CH), jnp.int32),
            pltpu.VMEM((_CH,), jnp.float32),
            pltpu.VMEM((_CH,), jnp.float32),
            pltpu.VMEM((_L,), jnp.float32),
            pltpu.VMEM((_CH, d), jnp.bfloat16),
            pltpu.VMEM((_CH, d), jnp.bfloat16),
            pltpu.VMEM((rpt,), jnp.float32),
            pltpu.VMEM_SHARED((p, d), jnp.bfloat16),
            pltpu.VMEM_SHARED((p,), jnp.float32),
            pltpu.SemaphoreType.DMA,
            pltpu.SemaphoreType.DMA,
            pltpu.SemaphoreType.DMA,
            pltpu.SemaphoreType.DMA,
            pltpu.SemaphoreType.DMA,
            pltpu.SemaphoreType.DMA,
        ],
    )
    def k2(h_hbm, ei_hbm, ab_hbm, m_hbm, uagg_out, den_out,
           ab_v, src_v, dst_v, attn_a, attn_b, m_v, rows_a, rows_b, zero_v,
           uagg_sh, den_sh, sem_a, sem_b, sem_sa, sem_sb, sem_da, sem_db):
        cid = lax.axis_index("c")
        sid = lax.axis_index("s")
        w = cid * _NS + sid
        my_n = base_q + jnp.where(w < rem, 1, 0)
        my_off = w * base_q + jnp.minimum(w, rem)
        cp_ab = pltpu.async_copy(ab_hbm, ab_v, sem_sa)
        cp_m = pltpu.async_copy(m_hbm.at[0], m_v, sem_sb)
        pltpu.sync_copy(ei_hbm.at[0, pl.ds(my_off, base_q)],
                        src_v.at[pl.ds(0, base_q)])
        pltpu.sync_copy(ei_hbm.at[1, pl.ds(my_off, base_q)],
                        dst_v.at[pl.ds(0, base_q)])
        if rem:
            @pl.when(my_n == nch)
            def _():
                pltpu.sync_copy(ei_hbm.at[0, pl.ds(my_off + base_q, 1)],
                                src_v.at[pl.ds(base_q, 1)])
                pltpu.sync_copy(ei_hbm.at[1, pl.ds(my_off + base_q, 1)],
                                dst_v.at[pl.ds(base_q, 1)])
        z32 = jnp.zeros((2 * _L,), jnp.bfloat16)

        def zrow(i, _):
            ra = rows_a.at[i]
            rb = rows_b.at[i]
            for j in range(d // (2 * _L)):
                ra[pl.ds(j * 2 * _L, 2 * _L)] = z32
                rb[pl.ds(j * 2 * _L, 2 * _L)] = z32
            return 0

        lax.fori_loop(0, _CH, zrow, 0)
        z16 = jnp.zeros((_L,), jnp.float32)

        def zvec(i, _):
            zero_v[pl.ds(i * _L, _L)] = z16
            return 0

        lax.fori_loop(0, rpt // _L, zvec, 0)

        base = sid * rpt
        pltpu.sync_copy(zero_v, den_sh.at[pl.ds(base, rpt)])
        for k in range(rpt // _CH):
            pltpu.sync_copy(rows_a, uagg_sh.at[pl.ds(base + k * _CH, _CH)])
        cp_ab.wait()
        cp_m.wait()
        mval = m_v[...]
        plsc.subcore_barrier()

        zi = jnp.zeros((_L,), jnp.int32)

        def do_attn(c, attn_v):
            srow = src_v.at[c]
            drow = dst_v.at[c]
            for j in range(_CH // _L):
                si = srow[pl.ds(j * _L, _L)]
                di = drow[pl.ds(j * _L, _L)]
                ga = plsc.load_gather(ab_v, [si * 2])
                gb = plsc.load_gather(ab_v, [di * 2 + 1])
                s = ga + gb
                s = jnp.where(s >= 0, s, 0.2 * s)
                attn_v[pl.ds(j * _L, _L)] = jnp.exp(s - mval)

        def scale(rows_v, attn_v):
            def body(i4, _):
                for u in range(4):
                    i = i4 * 4 + u
                    wsp = plsc.load_gather(attn_v, [zi + i])
                    r = rows_v.at[i]
                    for j in range(d // (2 * _L)):
                        x32 = r[pl.ds(j * 2 * _L, 2 * _L)]
                        lo, hi = plsc.unpack(
                            x32, format=plsc.PackFormat.INTERLEAVED,
                            preferred_element_type=jnp.float32)
                        r[pl.ds(j * 2 * _L, 2 * _L)] = plsc.pack(
                            lo * wsp, hi * wsp,
                            format=plsc.PackFormat.INTERLEAVED,
                            preferred_element_type=jnp.bfloat16)
                return 0

            lax.fori_loop(0, _CH // 4, body, 0)

        def zattn(i, _):
            attn_a[pl.ds(i * _L, _L)] = z16
            attn_b[pl.ds(i * _L, _L)] = z16
            return 0

        lax.fori_loop(0, _CH // _L, zattn, 0)

        pltpu.async_copy(h_hbm.at[src_v.at[0]], rows_a, sem_a)
        pltpu.async_copy(rows_b, uagg_sh.at[dst_v.at[0]], sem_sb, add=True)
        pltpu.async_copy(attn_a, den_sh.at[dst_v.at[0]], sem_da, add=True)
        pltpu.async_copy(attn_b, den_sh.at[dst_v.at[0]], sem_db, add=True)

        def pair(q, _):
            c0 = q * 2
            pltpu.make_async_copy(rows_b, uagg_sh.at[dst_v.at[c0]],
                                  sem_sb).wait()
            pltpu.make_async_copy(attn_a, den_sh.at[dst_v.at[c0]],
                                  sem_da).wait()
            do_attn(c0, attn_a)
            pltpu.async_copy(attn_a, den_sh.at[dst_v.at[c0]], sem_da,
                             add=True)
            pltpu.async_copy(h_hbm.at[src_v.at[c0 + 1]], rows_b, sem_b)
            pltpu.make_async_copy(h_hbm.at[src_v.at[c0]], rows_a, sem_a).wait()
            scale(rows_a, attn_a)
            pltpu.async_copy(rows_a, uagg_sh.at[dst_v.at[c0]], sem_sa,
                             add=True)
            pltpu.make_async_copy(attn_b, den_sh.at[dst_v.at[c0]],
                                  sem_db).wait()
            do_attn(c0 + 1, attn_b)
            pltpu.async_copy(attn_b, den_sh.at[dst_v.at[c0 + 1]], sem_db,
                             add=True)
            pltpu.make_async_copy(h_hbm.at[src_v.at[c0 + 1]], rows_b,
                                  sem_b).wait()
            scale(rows_b, attn_b)
            pltpu.make_async_copy(rows_a, uagg_sh.at[dst_v.at[c0]],
                                  sem_sa).wait()
            cnext = jnp.minimum(c0 + 2, my_n - 1)
            pltpu.async_copy(h_hbm.at[src_v.at[cnext]], rows_a, sem_a)
            pltpu.async_copy(rows_b, uagg_sh.at[dst_v.at[c0 + 1]], sem_sb,
                             add=True)
            return 0

        lax.fori_loop(0, my_n // 2, pair, 0)
        pltpu.make_async_copy(rows_b, uagg_sh.at[dst_v.at[0]], sem_sb).wait()
        pltpu.make_async_copy(attn_a, den_sh.at[dst_v.at[0]], sem_da).wait()
        pltpu.make_async_copy(attn_b, den_sh.at[dst_v.at[0]], sem_db).wait()
        pltpu.make_async_copy(h_hbm.at[src_v.at[0]], rows_a, sem_a).wait()

        @pl.when(my_n % 2 == 1)
        def _():
            t = my_n - 1
            do_attn(t, attn_a)
            pltpu.sync_copy(attn_a, den_sh.at[dst_v.at[t]], add=True)
            scale(rows_a, attn_a)
            pltpu.sync_copy(rows_a, uagg_sh.at[dst_v.at[t]], add=True)

        plsc.subcore_barrier()
        cu = pltpu.async_copy(uagg_sh.at[pl.ds(base, rpt)],
                              uagg_out.at[cid, pl.ds(base, rpt)], sem_a)
        cd = pltpu.async_copy(den_sh.at[pl.ds(base, rpt)],
                              den_out.at[cid, pl.ds(base, rpt)], sem_b)
        cu.wait()
        cd.wait()

    return k2


def _k3_body(up_ref, dp_ref, x_ref, g_ref, b_ref, o_ref):
    u = up_ref[0].astype(jnp.float32) + up_ref[1].astype(jnp.float32)
    den = dp_ref[0] + dp_ref[1] + 1e-6
    y = u / den[:, None] + x_ref[...]
    mean = jnp.mean(y, axis=1, keepdims=True)
    yc = y - mean
    var = jnp.mean(yc * yc, axis=1, keepdims=True)
    o = yc * lax.rsqrt(var + 1e-5) * g_ref[...] + b_ref[...]
    o_ref[...] = o * 0.5 * (1.0 + lax.erf(o * 0.7071067811865476))


def kernel(node_states, edge_index, W_proj, w_edge, gamma, beta):
    n, d = node_states.shape
    e = edge_index.shape[1]
    p = -(-(n + 1) // (_NS * _CH)) * (_NS * _CH)
    if e % _CH:
        npad = _CH - e % _CH
        pad = n + jnp.arange(npad, dtype=jnp.int32) % (p - n)
        edge_index = jnp.concatenate(
            [edge_index, jnp.stack([pad, pad])], axis=1)
        e += npad
    ncht = e // _CH

    we2 = w_edge.reshape(2, d)
    h16, ab_ext, m16 = pl.pallas_call(
        functools.partial(_k1_body, n, p),
        out_shape=[
            jax.ShapeDtypeStruct((p, d), jnp.bfloat16),
            jax.ShapeDtypeStruct((p, 2), jnp.float32),
            jax.ShapeDtypeStruct((1, _L), jnp.float32),
        ],
    )(node_states, W_proj, we2)

    uagg_p, den_p = _make_k2(p, d, ncht)(
        h16, edge_index.reshape(2, ncht, _CH), ab_ext.reshape(2 * p), m16)

    br = 1024
    out = pl.pallas_call(
        _k3_body,
        grid=(pl.cdiv(n, br),),
        in_specs=[
            pl.BlockSpec((_NC, br, d), lambda i: (0, i, 0)),
            pl.BlockSpec((_NC, br), lambda i: (0, i)),
            pl.BlockSpec((br, d), lambda i: (i, 0)),
            pl.BlockSpec((1, d), lambda i: (0, 0)),
            pl.BlockSpec((1, d), lambda i: (0, 0)),
        ],
        out_specs=pl.BlockSpec((br, d), lambda i: (i, 0)),
        out_shape=jax.ShapeDtypeStruct((n, d), jnp.float32),
    )(uagg_p, den_p, node_states, gamma.reshape(1, d), beta.reshape(1, d))
    return out

# --- scband reference (transcript-rebuilt; emitter-appended) ---
"""Pipeline reference for scband-graph-attention-layer-50749333569597 (READ-ONLY COPY).

The authoritative reference and input builder live on the scoring server;
editing this copy changes nothing except your own understanding.
"""

import jax, jax.numpy as jnp
import numpy as np

N = 10000
E = 320000
D = 128

def setup_inputs(seed: int = 0) -> dict:
    key = jax.random.key(seed)
    k1, k2, k3, k4 = jax.random.split(key, 4)
    node_states = jax.random.normal(k1, (N, D), dtype=jnp.float32)
    edge_index = jax.random.randint(k2, (2, E), 0, N, dtype=jnp.int32)
    W_proj = jax.random.normal(k3, (D, D), dtype=jnp.float32) * 0.05
    w_edge = jax.random.normal(k4, (2 * D,), dtype=jnp.float32) * 0.05
    gamma = jnp.ones((D,), dtype=jnp.float32)
    beta = jnp.zeros((D,), dtype=jnp.float32)
    return {"node_states": node_states, "edge_index": edge_index, "W_proj": W_proj,
            "w_edge": w_edge, "gamma": gamma, "beta": beta}

def _layer_norm(x, gamma, beta, eps=1e-5):
    mean = jnp.mean(x, axis=-1, keepdims=True)
    var = jnp.var(x, axis=-1, keepdims=True)
    return (x - mean) / jnp.sqrt(var + eps) * gamma + beta

def reference(node_states, edge_index, W_proj, w_edge, gamma, beta):
    n = node_states.shape[0]
    src = edge_index[0]
    dst = edge_index[1]
    # h = proj(node_states), Linear without bias: x @ W.T
    h = node_states @ W_proj.T
    # edge_feat = cat([h[src], h[dst]], dim=-1)
    edge_feat = jnp.concatenate([jnp.take(h, src, axis=0), jnp.take(h, dst, axis=0)], axis=-1)
    # edge_mlp(edge_feat).squeeze(-1) -> [E]
    scores = edge_feat @ w_edge
    # leaky_relu, negative_slope=0.2
    scores = jnp.where(scores >= 0, scores, 0.2 * scores)
    scores = scores - jnp.max(scores)
    attn = jnp.exp(scores)
    denom = jnp.zeros((n,), dtype=attn.dtype).at[dst].add(attn)
    denom = denom + 1e-06
    weights = attn / jnp.take(denom, dst, axis=0)
    messages = jnp.take(h, src, axis=0) * weights[:, None]
    agg = jnp.zeros_like(h).at[dst].add(messages)
    # dropout is identity in eval mode
    out = _layer_norm(agg + node_states, gamma, beta)
    # exact GELU (torch default)
    return jax.nn.gelu(out, approximate=False)

if __name__ == "__main__":
    import jax
    _d = setup_inputs()
    print(jax.jit(kernel)(*tuple(_d.values())))

</pallas_src>

<mosaic_0001>
#map = affine_map<(d0, d1) -> (0, 0)>
#map1 = affine_map<(d0, d1) -> (0, 0, 0)>
#map2 = affine_map<(d0, d1) -> (0)>
module attributes {stable_mosaic.version = 14 : i64} {
  func.func @k2(%arg0: i32, %arg1: i32, %arg2: memref<10240x128xbf16, #tpu.memory_space<hbm>>, %arg3: memref<2x2500x128xi32, #tpu.memory_space<hbm>>, %arg4: memref<20480xf32, #tpu.memory_space<hbm>>, %arg5: memref<1x16xf32, #tpu.memory_space<hbm>>, %arg6: memref<2x10240x128xbf16, #tpu.memory_space<hbm>>, %arg7: memref<2x10240xf32, #tpu.memory_space<hbm>>, %arg8: memref<20480xf32, #tpu.memory_space<vmem>>, %arg9: memref<79x128xi32, #tpu.memory_space<vmem>>, %arg10: memref<79x128xi32, #tpu.memory_space<vmem>>, %arg11: memref<128xf32, #tpu.memory_space<vmem>>, %arg12: memref<128xf32, #tpu.memory_space<vmem>>, %arg13: memref<16xf32, #tpu.memory_space<vmem>>, %arg14: memref<128x128xbf16, #tpu.memory_space<vmem>>, %arg15: memref<128x128xbf16, #tpu.memory_space<vmem>>, %arg16: memref<640xf32, #tpu.memory_space<vmem>>, %arg17: memref<10240x128xbf16, #tpu.memory_space<vmem_shared>>, %arg18: memref<10240xf32, #tpu.memory_space<vmem_shared>>, %arg19: memref<!tpu.dma_semaphore, #tpu.memory_space<semaphore_mem>>, %arg20: memref<!tpu.dma_semaphore, #tpu.memory_space<semaphore_mem>>, %arg21: memref<!tpu.dma_semaphore, #tpu.memory_space<semaphore_mem>>, %arg22: memref<!tpu.dma_semaphore, #tpu.memory_space<semaphore_mem>>, %arg23: memref<!tpu.dma_semaphore, #tpu.memory_space<semaphore_mem>>, %arg24: memref<!tpu.dma_semaphore, #tpu.memory_space<semaphore_mem>>) attributes {dimension_semantics = [#tpu.dimension_semantics<core_parallel>, #tpu.dimension_semantics<subcore_parallel>], iteration_bounds = array<i64: 2, 16>, scalar_prefetch = 0 : i64, scratch_operands = 17 : i64, tpu.core_type = #tpu.core_type<sc_vector_subcore>, window_params = [{transform_indices = #map}, {transform_indices = #map1}, {transform_indices = #map2}, {transform_indices = #map}, {transform_indices = #map1}, {transform_indices = #map}]} {
    %mul3A = arith.constant 16 : i32
    %mul3A_0 = arith.muli %arg0, %mul3A : i32
    %add3A = arith.addi %mul3A_0, %arg1 : i32
    %lt3A = arith.constant 4 : i32
    %lt3A_1 = arith.cmpi slt, %add3A, %lt3A : i32
    %jit3A = arith.constant 1 : i32
    %jit3A_2 = arith.constant 0 : i32
    %select_n3A = arith.select %lt3A_1, %jit3A, %jit3A_2 : i32
    %add3A_3 = arith.constant 78 : i32
    %add3A_4 = arith.addi %add3A_3, %select_n3A : i32
    %mul3A_5 = arith.constant 78 : i32
    %mul3A_6 = arith.muli %add3A, %mul3A_5 : i32
    %min3A = arith.constant 4 : i32
    %min3A_7 = arith.minsi %add3A, %min3A : i32
    %add3A_8 = arith.addi %mul3A_6, %min3A_7 : i32
    tpu.enqueue_dma source(%arg4 : memref<20480xf32, #tpu.memory_space<hbm>>) target(%arg8 : memref<20480xf32, #tpu.memory_space<vmem>>) target_semaphore(%arg21 : memref<!tpu.dma_semaphore, #tpu.memory_space<semaphore_mem>>)
    %dma_start3A = arith.constant 0 : i32
    %dma_start3A_9 = arith.constant 0 : i32
    %dma_start3A_10 = tpu.memref_slice %arg5[%dma_start3A, %dma_start3A_9] : memref<1x16xf32, #tpu.memory_space<hbm>> -> memref<1x16xf32, #tpu.memory_space<hbm>>
    %dma_start3A_11 = tpu.memref_squeeze %dma_start3A_10 : memref<1x16xf32, #tpu.memory_space<hbm>> -> memref<16xf32, #tpu.memory_space<hbm>>
    %dma_start3A_12 = arith.constant 0 : i32
    %dma_start3A_13 = tpu.memref_slice %arg5[%dma_start3A, %dma_start3A_12] : memref<1x16xf32, #tpu.memory_space<hbm>> -> memref<1x16xf32, #tpu.memory_space<hbm>>
    %dma_start3A_14 = tpu.memref_squeeze %dma_start3A_13 : memref<1x16xf32, #tpu.memory_space<hbm>> -> memref<16xf32, #tpu.memory_space<hbm>>
    tpu.enqueue_dma source(%dma_start3A_14 : memref<16xf32, #tpu.memory_space<hbm>>) target(%arg13 : memref<16xf32, #tpu.memory_space<vmem>>) target_semaphore(%arg22 : memref<!tpu.dma_semaphore, #tpu.memory_space<semaphore_mem>>)
    %run_scoped3A = arith.constant 0 : i32
    "tpu.region"() ({
      %run_scoped3A_181 = tpu.sem_alloc : memref<!tpu.dma_semaphore, #tpu.memory_space<semaphore_mem>>
      %dma_start3A_182 = arith.constant 0 : i32
      %dma_start3A_183 = arith.constant 0 : i32
      %dma_start3A_184 = tpu.memref_slice %arg9[%dma_start3A_182, %dma_start3A_183] : memref<79x128xi32, #tpu.memory_space<vmem>> -> memref<78x128xi32, #tpu.memory_space<vmem>>
      %dma_start3A_185 = arith.constant 0 : i32
      %dma_start3A_186 = tpu.memref_slice %arg3[%run_scoped3A, %add3A_8, %dma_start3A_185] : memref<2x2500x128xi32, #tpu.memory_space<hbm>> -> memref<1x78x128xi32, #tpu.memory_space<hbm>>
      %dma_start3A_187 = tpu.memref_squeeze %dma_start3A_186 : memref<1x78x128xi32, #tpu.memory_space<hbm>> -> memref<78x128xi32, #tpu.memory_space<hbm>>
      %dma_start3A_188 = arith.constant 0 : i32
      %dma_start3A_189 = arith.constant 0 : i32
      %dma_start3A_190 = tpu.memref_slice %arg9[%dma_start3A_188, %dma_start3A_189] : memref<79x128xi32, #tpu.memory_space<vmem>> -> memref<78x128xi32, #tpu.memory_space<vmem>>
      %dma_start3A_191 = arith.constant 0 : i32
      %dma_start3A_192 = tpu.memref_slice %arg3[%run_scoped3A, %add3A_8, %dma_start3A_191] : memref<2x2500x128xi32, #tpu.memory_space<hbm>> -> memref<1x78x128xi32, #tpu.memory_space<hbm>>
      %dma_start3A_193 = tpu.memref_squeeze %dma_start3A_192 : memref<1x78x128xi32, #tpu.memory_space<hbm>> -> memref<78x128xi32, #tpu.memory_space<hbm>>
      tpu.enqueue_dma source(%dma_start3A_193 : memref<78x128xi32, #tpu.memory_space<hbm>>) target(%dma_start3A_190 : memref<78x128xi32, #tpu.memory_space<vmem>>) target_semaphore(%run_scoped3A_181 : memref<!tpu.dma_semaphore, #tpu.memory_space<semaphore_mem>>)
      %dma_wait3A_194 = arith.constant 0 : i32
      %dma_wait3A_195 = arith.constant 0 : i32
      %dma_wait3A_196 = tpu.memref_slice %arg9[%dma_wait3A_194, %dma_wait3A_195] : memref<79x128xi32, #tpu.memory_space<vmem>> -> memref<78x128xi32, #tpu.memory_space<vmem>>
      %dma_wait3A_197 = arith.constant 0 : i32
      %dma_wait3A_198 = tpu.memref_slice %arg3[%run_scoped3A, %add3A_8, %dma_wait3A_197] : memref<2x2500x128xi32, #tpu.memory_space<hbm>> -> memref<1x78x128xi32, #tpu.memory_space<hbm>>
      %dma_wait3A_199 = tpu.memref_squeeze %dma_wait3A_198 : memref<1x78x128xi32, #tpu.memory_space<hbm>> -> memref<78x128xi32, #tpu.memory_space<hbm>>
      %dma_wait3A_200 = arith.constant 0 : i32
      %dma_wait3A_201 = arith.constant 0 : i32
      %dma_wait3A_202 = tpu.memref_slice %arg9[%dma_wait3A_200, %dma_wait3A_201] : memref<79x128xi32, #tpu.memory_space<vmem>> -> memref<78x128xi32, #tpu.memory_space<vmem>>
      %dma_wait3A_203 = arith.constant 0 : i32
      %dma_wait3A_204 = tpu.memref_slice %arg3[%run_scoped3A, %add3A_8, %dma_wait3A_203] : memref<2x2500x128xi32, #tpu.memory_space<hbm>> -> memref<1x78x128xi32, #tpu.memory_space<hbm>>
      %dma_wait3A_205 = tpu.memref_squeeze %dma_wait3A_204 : memref<1x78x128xi32, #tpu.memory_space<hbm>> -> memref<78x128xi32, #tpu.memory_space<hbm>>
      tpu.wait_dma2 semaphore(%run_scoped3A_181 : memref<!tpu.dma_semaphore, #tpu.memory_space<semaphore_mem>>) src(%dma_wait3A_205 : memref<78x128xi32, #tpu.memory_space<hbm>>) dst(%dma_wait3A_202 : memref<78x128xi32, #tpu.memory_space<vmem>>)
      tpu.yield
    }) : () -> ()
    %run_scoped3A_15 = arith.constant 1 : i32
    "tpu.region"() ({
      %run_scoped3A_181 = tpu.sem_alloc : memref<!tpu.dma_semaphore, #tpu.memory_space<semaphore_mem>>
      %dma_start3A_182 = arith.constant 0 : i32
      %dma_start3A_183 = arith.constant 0 : i32
      %dma_start3A_184 = tpu.memref_slice %arg10[%dma_start3A_182, %dma_start3A_183] : memref<79x128xi32, #tpu.memory_space<vmem>> -> memref<78x128xi32, #tpu.memory_space<vmem>>
      %dma_start3A_185 = arith.constant 0 : i32
      %dma_start3A_186 = tpu.memref_slice %arg3[%run_scoped3A_15, %add3A_8, %dma_start3A_185] : memref<2x2500x128xi32, #tpu.memory_space<hbm>> -> memref<1x78x128xi32, #tpu.memory_space<hbm>>
      %dma_start3A_187 = tpu.memref_squeeze %dma_start3A_186 : memref<1x78x128xi32, #tpu.memory_space<hbm>> -> memref<78x128xi32, #tpu.memory_space<hbm>>
      %dma_start3A_188 = arith.constant 0 : i32
      %dma_start3A_189 = arith.constant 0 : i32
      %dma_start3A_190 = tpu.memref_slice %arg10[%dma_start3A_188, %dma_start3A_189] : memref<79x128xi32, #tpu.memory_space<vmem>> -> memref<78x128xi32, #tpu.memory_space<vmem>>
      %dma_start3A_191 = arith.constant 0 : i32
      %dma_start3A_192 = tpu.memref_slice %arg3[%run_scoped3A_15, %add3A_8, %dma_start3A_191] : memref<2x2500x128xi32, #tpu.memory_space<hbm>> -> memref<1x78x128xi32, #tpu.memory_space<hbm>>
      %dma_start3A_193 = tpu.memref_squeeze %dma_start3A_192 : memref<1x78x128xi32, #tpu.memory_space<hbm>> -> memref<78x128xi32, #tpu.memory_space<hbm>>
      tpu.enqueue_dma source(%dma_start3A_193 : memref<78x128xi32, #tpu.memory_space<hbm>>) target(%dma_start3A_190 : memref<78x128xi32, #tpu.memory_space<vmem>>) target_semaphore(%run_scoped3A_181 : memref<!tpu.dma_semaphore, #tpu.memory_space<semaphore_mem>>)
      %dma_wait3A_194 = arith.constant 0 : i32
      %dma_wait3A_195 = arith.constant 0 : i32
      %dma_wait3A_196 = tpu.memref_slice %arg10[%dma_wait3A_194, %dma_wait3A_195] : memref<79x128xi32, #tpu.memory_space<vmem>> -> memref<78x128xi32, #tpu.memory_space<vmem>>
      %dma_wait3A_197 = arith.constant 0 : i32
      %dma_wait3A_198 = tpu.memref_slice %arg3[%run_scoped3A_15, %add3A_8, %dma_wait3A_197] : memref<2x2500x128xi32, #tpu.memory_space<hbm>> -> memref<1x78x128xi32, #tpu.memory_space<hbm>>
      %dma_wait3A_199 = tpu.memref_squeeze %dma_wait3A_198 : memref<1x78x128xi32, #tpu.memory_space<hbm>> -> memref<78x128xi32, #tpu.memory_space<hbm>>
      %dma_wait3A_200 = arith.constant 0 : i32
      %dma_wait3A_201 = arith.constant 0 : i32
      %dma_wait3A_202 = tpu.memref_slice %arg10[%dma_wait3A_200, %dma_wait3A_201] : memref<79x128xi32, #tpu.memory_space<vmem>> -> memref<78x128xi32, #tpu.memory_space<vmem>>
      %dma_wait3A_203 = arith.constant 0 : i32
      %dma_wait3A_204 = tpu.memref_slice %arg3[%run_scoped3A_15, %add3A_8, %dma_wait3A_203] : memref<2x2500x128xi32, #tpu.memory_space<hbm>> -> memref<1x78x128xi32, #tpu.memory_space<hbm>>
      %dma_wait3A_205 = tpu.memref_squeeze %dma_wait3A_204 : memref<1x78x128xi32, #tpu.memory_space<hbm>> -> memref<78x128xi32, #tpu.memory_space<hbm>>
      tpu.wait_dma2 semaphore(%run_scoped3A_181 : memref<!tpu.dma_semaphore, #tpu.memory_space<semaphore_mem>>) src(%dma_wait3A_205 : memref<78x128xi32, #tpu.memory_space<hbm>>) dst(%dma_wait3A_202 : memref<78x128xi32, #tpu.memory_space<vmem>>)
      tpu.yield
    }) : () -> ()
    %eq3A = arith.constant 79 : i32
    %eq3A_16 = arith.cmpi eq, %add3A_4, %eq3A : i32
    %convert_element_type3A = arith.extui %eq3A_16 : i1 to i32
    %cond3A = arith.constant 0 : i32
    %cond3A_17 = arith.cmpi ne, %convert_element_type3A, %cond3A : i32
    scf.if %cond3A_17 {
      %add3A_181 = arith.constant 78 : i32
      %add3A_182 = arith.addi %add3A_8, %add3A_181 : i32
      %run_scoped3A_183 = arith.constant 0 : i32
      "tpu.region"() ({
        %run_scoped3A_187 = tpu.sem_alloc : memref<!tpu.dma_semaphore, #tpu.memory_space<semaphore_mem>>
        %dma_start3A_188 = arith.constant 78 : i32
        %dma_start3A_189 = arith.constant 0 : i32
        %dma_start3A_190 = tpu.memref_slice %arg9[%dma_start3A_188, %dma_start3A_189] : memref<79x128xi32, #tpu.memory_space<vmem>> -> memref<1x128xi32, #tpu.memory_space<vmem>>
        %dma_start3A_191 = arith.constant 0 : i32
        %dma_start3A_192 = tpu.memref_slice %arg3[%run_scoped3A_183, %add3A_182, %dma_start3A_191] : memref<2x2500x128xi32, #tpu.memory_space<hbm>> -> memref<1x1x128xi32, #tpu.memory_space<hbm>>
        %dma_start3A_193 = tpu.memref_squeeze %dma_start3A_192 : memref<1x1x128xi32, #tpu.memory_space<hbm>> -> memref<1x128xi32, #tpu.memory_space<hbm>>
        %dma_start3A_194 = arith.constant 78 : i32
        %dma_start3A_195 = arith.constant 0 : i32
        %dma_start3A_196 = tpu.memref_slice %arg9[%dma_start3A_194, %dma_start3A_195] : memref<79x128xi32, #tpu.memory_space<vmem>> -> memref<1x128xi32, #tpu.memory_space<vmem>>
        %dma_start3A_197 = arith.constant 0 : i32
        %dma_start3A_198 = tpu.memref_slice %arg3[%run_scoped3A_183, %add3A_182, %dma_start3A_197] : memref<2x2500x128xi32, #tpu.memory_space<hbm>> -> memref<1x1x128xi32, #tpu.memory_space<hbm>>
        %dma_start3A_199 = tpu.memref_squeeze %dma_start3A_198 : memref<1x1x128xi32, #tpu.memory_space<hbm>> -> memref<1x128xi32, #tpu.memory_space<hbm>>
        tpu.enqueue_dma source(%dma_start3A_199 : memref<1x128xi32, #tpu.memory_space<hbm>>) target(%dma_start3A_196 : memref<1x128xi32, #tpu.memory_space<vmem>>) target_semaphore(%run_scoped3A_187 : memref<!tpu.dma_semaphore, #tpu.memory_space<semaphore_mem>>)
        %dma_wait3A_200 = arith.constant 78 : i32
        %dma_wait3A_201 = arith.constant 0 : i32
        %dma_wait3A_202 = tpu.memref_slice %arg9[%dma_wait3A_200, %dma_wait3A_201] : memref<79x128xi32, #tpu.memory_space<vmem>> -> memref<1x128xi32, #tpu.memory_space<vmem>>
        %dma_wait3A_203 = arith.constant 0 : i32
        %dma_wait3A_204 = tpu.memref_slice %arg3[%run_scoped3A_183, %add3A_182, %dma_wait3A_203] : memref<2x2500x128xi32, #tpu.memory_space<hbm>> -> memref<1x1x128xi32, #tpu.memory_space<hbm>>
        %dma_wait3A_205 = tpu.memref_squeeze %dma_wait3A_204 : memref<1x1x128xi32, #tpu.memory_space<hbm>> -> memref<1x128xi32, #tpu.memory_space<hbm>>
        %dma_wait3A_206 = arith.constant 78 : i32
        %dma_wait3A_207 = arith.constant 0 : i32
        %dma_wait3A_208 = tpu.memref_slice %arg9[%dma_wait3A_206, %dma_wait3A_207] : memref<79x128xi32, #tpu.memory_space<vmem>> -> memref<1x128xi32, #tpu.memory_space<vmem>>
        %dma_wait3A_209 = arith.constant 0 : i32
        %dma_wait3A_210 = tpu.memref_slice %arg3[%run_scoped3A_183, %add3A_182, %dma_wait3A_209] : memref<2x2500x128xi32, #tpu.memory_space<hbm>> -> memref<1x1x128xi32, #tpu.memory_space<hbm>>
        %dma_wait3A_211 = tpu.memref_squeeze %dma_wait3A_210 : memref<1x1x128xi32, #tpu.memory_space<hbm>> -> memref<1x128xi32, #tpu.memory_space<hbm>>
        tpu.wait_dma2 semaphore(%run_scoped3A_187 : memref<!tpu.dma_semaphore, #tpu.memory_space<semaphore_mem>>) src(%dma_wait3A_211 : memref<1x128xi32, #tpu.memory_space<hbm>>) dst(%dma_wait3A_208 : memref<1x128xi32, #tpu.memory_space<vmem>>)
        tpu.yield
      }) : () -> ()
      %add3A_184 = arith.constant 78 : i32
      %add3A_185 = arith.addi %add3A_8, %add3A_184 : i32
      %run_scoped3A_186 = arith.constant 1 : i32
      "tpu.region"() ({
        %run_scoped3A_187 = tpu.sem_alloc : memref<!tpu.dma_semaphore, #tpu.memory_space<semaphore_mem>>
        %dma_start3A_188 = arith.constant 78 : i32
        %dma_start3A_189 = arith.constant 0 : i32
        %dma_start3A_190 = tpu.memref_slice %arg10[%dma_start3A_188, %dma_start3A_189] : memref<79x128xi32, #tpu.memory_space<vmem>> -> memref<1x128xi32, #tpu.memory_space<vmem>>
        %dma_start3A_191 = arith.constant 0 : i32
        %dma_start3A_192 = tpu.memref_slice %arg3[%run_scoped3A_186, %add3A_185, %dma_start3A_191] : memref<2x2500x128xi32, #tpu.memory_space<hbm>> -> memref<1x1x128xi32, #tpu.memory_space<hbm>>
        %dma_start3A_193 = tpu.memref_squeeze %dma_start3A_192 : memref<1x1x128xi32, #tpu.memory_space<hbm>> -> memref<1x128xi32, #tpu.memory_space<hbm>>
        %dma_start3A_194 = arith.constant 78 : i32
        %dma_start3A_195 = arith.constant 0 : i32
        %dma_start3A_196 = tpu.memref_slice %arg10[%dma_start3A_194, %dma_start3A_195] : memref<79x128xi32, #tpu.memory_space<vmem>> -> memref<1x128xi32, #tpu.memory_space<vmem>>
        %dma_start3A_197 = arith.constant 0 : i32
        %dma_start3A_198 = tpu.memref_slice %arg3[%run_scoped3A_186, %add3A_185, %dma_start3A_197] : memref<2x2500x128xi32, #tpu.memory_space<hbm>> -> memref<1x1x128xi32, #tpu.memory_space<hbm>>
        %dma_start3A_199 = tpu.memref_squeeze %dma_start3A_198 : memref<1x1x128xi32, #tpu.memory_space<hbm>> -> memref<1x128xi32, #tpu.memory_space<hbm>>
        tpu.enqueue_dma source(%dma_start3A_199 : memref<1x128xi32, #tpu.memory_space<hbm>>) target(%dma_start3A_196 : memref<1x128xi32, #tpu.memory_space<vmem>>) target_semaphore(%run_scoped3A_187 : memref<!tpu.dma_semaphore, #tpu.memory_space<semaphore_mem>>)
        %dma_wait3A_200 = arith.constant 78 : i32
        %dma_wait3A_201 = arith.constant 0 : i32
        %dma_wait3A_202 = tpu.memref_slice %arg10[%dma_wait3A_200, %dma_wait3A_201] : memref<79x128xi32, #tpu.memory_space<vmem>> -> memref<1x128xi32, #tpu.memory_space<vmem>>
        %dma_wait3A_203 = arith.constant 0 : i32
        %dma_wait3A_204 = tpu.memref_slice %arg3[%run_scoped3A_186, %add3A_185, %dma_wait3A_203] : memref<2x2500x128xi32, #tpu.memory_space<hbm>> -> memref<1x1x128xi32, #tpu.memory_space<hbm>>
        %dma_wait3A_205 = tpu.memref_squeeze %dma_wait3A_204 : memref<1x1x128xi32, #tpu.memory_space<hbm>> -> memref<1x128xi32, #tpu.memory_space<hbm>>
        %dma_wait3A_206 = arith.constant 78 : i32
        %dma_wait3A_207 = arith.constant 0 : i32
        %dma_wait3A_208 = tpu.memref_slice %arg10[%dma_wait3A_206, %dma_wait3A_207] : memref<79x128xi32, #tpu.memory_space<vmem>> -> memref<1x128xi32, #tpu.memory_space<vmem>>
        %dma_wait3A_209 = arith.constant 0 : i32
        %dma_wait3A_210 = tpu.memref_slice %arg3[%run_scoped3A_186, %add3A_185, %dma_wait3A_209] : memref<2x2500x128xi32, #tpu.memory_space<hbm>> -> memref<1x1x128xi32, #tpu.memory_space<hbm>>
        %dma_wait3A_211 = tpu.memref_squeeze %dma_wait3A_210 : memref<1x1x128xi32, #tpu.memory_space<hbm>> -> memref<1x128xi32, #tpu.memory_space<hbm>>
        tpu.wait_dma2 semaphore(%run_scoped3A_187 : memref<!tpu.dma_semaphore, #tpu.memory_space<semaphore_mem>>) src(%dma_wait3A_211 : memref<1x128xi32, #tpu.memory_space<hbm>>) dst(%dma_wait3A_208 : memref<1x128xi32, #tpu.memory_space<vmem>>)
        tpu.yield
      }) : () -> ()
    } else {
    }
    %broadcast_in_dim3A = arith.constant 0.000000e+00 : bf16
    %broadcast_in_dim3A_18 = vector.broadcast %broadcast_in_dim3A : bf16 to vector<32xbf16>
    %scan3A = arith.constant 0 : i32
    %scan3A_19 = arith.constant 0 : i32
    %scan3A_20 = arith.constant 128 : i32
    %scan3A_21 = arith.addi %scan3A_19, %scan3A_20 : i32
    %scan3A_22 = arith.constant 1 : i32
    %scan3A_23 = scf.for %scan3A_181 = %scan3A_19 to %scan3A_21 step %scan3A_22 iter_args(%scan3A_182 = %scan3A) -> (i32)  : i32 {
      %swap3A = arith.constant 0 : i32
      %swap3A_183 = tpu.memref_slice %arg14[%scan3A_181, %swap3A] : memref<128x128xbf16, #tpu.memory_space<vmem>> -> memref<1x128xbf16, #tpu.memory_space<vmem>>
      %swap3A_184 = tpu.memref_squeeze %swap3A_183 : memref<1x128xbf16, #tpu.memory_space<vmem>> -> memref<128xbf16, #tpu.memory_space<vmem>>
      %swap3A_185 = arith.constant 0 : index
      %swap3A_186 = tpu.vector_load %swap3A_184[%swap3A_185] {strides = array<i32>} : memref<128xbf16, #tpu.memory_space<vmem>>, vector<32xbf16>,
      tpu.vector_store %swap3A_184[%swap3A_185], %broadcast_in_dim3A_18 {strides = array<i32>} : memref<128xbf16, #tpu.memory_space<vmem>>, vector<32xbf16>,
      %swap3A_187 = arith.constant 0 : i32
      %swap3A_188 = tpu.memref_slice %arg15[%scan3A_181, %swap3A_187] : memref<128x128xbf16, #tpu.memory_space<vmem>> -> memref<1x128xbf16, #tpu.memory_space<vmem>>
      %swap3A_189 = tpu.memref_squeeze %swap3A_188 : memref<1x128xbf16, #tpu.memory_space<vmem>> -> memref<128xbf16, #tpu.memory_space<vmem>>
      %swap3A_190 = arith.constant 0 : index
      %swap3A_191 = tpu.vector_load %swap3A_189[%swap3A_190] {strides = array<i32>} : memref<128xbf16, #tpu.memory_space<vmem>>, vector<32xbf16>,
      tpu.vector_store %swap3A_189[%swap3A_190], %broadcast_in_dim3A_18 {strides = array<i32>} : memref<128xbf16, #tpu.memory_space<vmem>>, vector<32xbf16>,
      %swap3A_192 = arith.constant 0 : i32
      %swap3A_193 = tpu.memref_slice %arg14[%scan3A_181, %swap3A_192] : memref<128x128xbf16, #tpu.memory_space<vmem>> -> memref<1x128xbf16, #tpu.memory_space<vmem>>
      %swap3A_194 = tpu.memref_squeeze %swap3A_193 : memref<1x128xbf16, #tpu.memory_space<vmem>> -> memref<128xbf16, #tpu.memory_space<vmem>>
      %swap3A_195 = arith.constant 32 : index
      %swap3A_196 = tpu.vector_load %swap3A_194[%swap3A_195] {strides = array<i32>} : memref<128xbf16, #tpu.memory_space<vmem>>, vector<32xbf16>,
      tpu.vector_store %swap3A_194[%swap3A_195], %broadcast_in_dim3A_18 {strides = array<i32>} : memref<128xbf16, #tpu.memory_space<vmem>>, vector<32xbf16>,
      %swap3A_197 = arith.constant 0 : i32
      %swap3A_198 = tpu.memref_slice %arg15[%scan3A_181, %swap3A_197] : memref<128x128xbf16, #tpu.memory_space<vmem>> -> memref<1x128xbf16, #tpu.memory_space<vmem>>
      %swap3A_199 = tpu.memref_squeeze %swap3A_198 : memref<1x128xbf16, #tpu.memory_space<vmem>> -> memref<128xbf16, #tpu.memory_space<vmem>>
      %swap3A_200 = arith.constant 32 : index
      %swap3A_201 = tpu.vector_load %swap3A_199[%swap3A_200] {strides = array<i32>} : memref<128xbf16, #tpu.memory_space<vmem>>, vector<32xbf16>,
      tpu.vector_store %swap3A_199[%swap3A_200], %broadcast_in_dim3A_18 {strides = array<i32>} : memref<128xbf16, #tpu.memory_space<vmem>>, vector<32xbf16>,
      %swap3A_202 = arith.constant 0 : i32
      %swap3A_203 = tpu.memref_slice %arg14[%scan3A_181, %swap3A_202] : memref<128x128xbf16, #tpu.memory_space<vmem>> -> memref<1x128xbf16, #tpu.memory_space<vmem>>
      %swap3A_204 = tpu.memref_squeeze %swap3A_203 : memref<1x128xbf16, #tpu.memory_space<vmem>> -> memref<128xbf16, #tpu.memory_space<vmem>>
      %swap3A_205 = arith.constant 64 : index
      %swap3A_206 = tpu.vector_load %swap3A_204[%swap3A_205] {strides = array<i32>} : memref<128xbf16, #tpu.memory_space<vmem>>, vector<32xbf16>,
      tpu.vector_store %swap3A_204[%swap3A_205], %broadcast_in_dim3A_18 {strides = array<i32>} : memref<128xbf16, #tpu.memory_space<vmem>>, vector<32xbf16>,
      %swap3A_207 = arith.constant 0 : i32
      %swap3A_208 = tpu.memref_slice %arg15[%scan3A_181, %swap3A_207] : memref<128x128xbf16, #tpu.memory_space<vmem>> -> memref<1x128xbf16, #tpu.memory_space<vmem>>
      %swap3A_209 = tpu.memref_squeeze %swap3A_208 : memref<1x128xbf16, #tpu.memory_space<vmem>> -> memref<128xbf16, #tpu.memory_space<vmem>>
      %swap3A_210 = arith.constant 64 : index
      %swap3A_211 = tpu.vector_load %swap3A_209[%swap3A_210] {strides = array<i32>} : memref<128xbf16, #tpu.memory_space<vmem>>, vector<32xbf16>,
      tpu.vector_store %swap3A_209[%swap3A_210], %broadcast_in_dim3A_18 {strides = array<i32>} : memref<128xbf16, #tpu.memory_space<vmem>>, vector<32xbf16>,
      %swap3A_212 = arith.constant 0 : i32
      %swap3A_213 = tpu.memref_slice %arg14[%scan3A_181, %swap3A_212] : memref<128x128xbf16, #tpu.memory_space<vmem>> -> memref<1x128xbf16, #tpu.memory_space<vmem>>
      %swap3A_214 = tpu.memref_squeeze %swap3A_213 : memref<1x128xbf16, #tpu.memory_space<vmem>> -> memref<128xbf16, #tpu.memory_space<vmem>>
      %swap3A_215 = arith.constant 96 : index
      %swap3A_216 = tpu.vector_load %swap3A_214[%swap3A_215] {strides = array<i32>} : memref<128xbf16, #tpu.memory_space<vmem>>, vector<32xbf16>,
      tpu.vector_store %swap3A_214[%swap3A_215], %broadcast_in_dim3A_18 {strides = array<i32>} : memref<128xbf16, #tpu.memory_space<vmem>>, vector<32xbf16>,
      %swap3A_217 = arith.constant 0 : i32
      %swap3A_218 = tpu.memref_slice %arg15[%scan3A_181, %swap3A_217] : memref<128x128xbf16, #tpu.memory_space<vmem>> -> memref<1x128xbf16, #tpu.memory_space<vmem>>
      %swap3A_219 = tpu.memref_squeeze %swap3A_218 : memref<1x128xbf16, #tpu.memory_space<vmem>> -> memref<128xbf16, #tpu.memory_space<vmem>>
      %swap3A_220 = arith.constant 96 : index
      %swap3A_221 = tpu.vector_load %swap3A_219[%swap3A_220] {strides = array<i32>} : memref<128xbf16, #tpu.memory_space<vmem>>, vector<32xbf16>,
      tpu.vector_store %swap3A_219[%swap3A_220], %broadcast_in_dim3A_18 {strides = array<i32>} : memref<128xbf16, #tpu.memory_space<vmem>>, vector<32xbf16>,
      %scan3A_222 = arith.constant 0 : i32
      scf.yield %scan3A_222 : i32
    }
    %scan3A_24 = arith.constant 128 : i32
    %broadcast_in_dim3A_25 = arith.constant 0.000000e+00 : f32
    %broadcast_in_dim3A_26 = vector.broadcast %broadcast_in_dim3A_25 : f32 to vector<16xf32>
    %scan3A_27 = arith.constant 0 : i32
    %scan3A_28 = arith.constant 0 : i32
    %scan3A_29 = arith.constant 40 : i32
    %scan3A_30 = arith.addi %scan3A_28, %scan3A_29 : i32
    %scan3A_31 = arith.constant 1 : i32
    %scan3A_32 = scf.for %scan3A_181 = %scan3A_28 to %scan3A_30 step %scan3A_31 iter_args(%scan3A_182 = %scan3A_27) -> (i32)  : i32 {
      %mul3A_183 = arith.constant 16 : i32
      %mul3A_184 = arith.muli %scan3A_181, %mul3A_183 : i32
      %swap3A = arith.index_cast %mul3A_184 : i32 to index
      %swap3A_185 = tpu.vector_load %arg16[%swap3A] {strides = array<i32>} : memref<640xf32, #tpu.memory_space<vmem>>, vector<16xf32>,
      tpu.vector_store %arg16[%swap3A], %broadcast_in_dim3A_26 {strides = array<i32>} : memref<640xf32, #tpu.memory_space<vmem>>, vector<16xf32>,
      %scan3A_186 = arith.constant 0 : i32
      scf.yield %scan3A_186 : i32
    }
    %scan3A_33 = arith.constant 40 : i32
    %mul3A_34 = arith.constant 640 : i32
    %mul3A_35 = arith.muli %arg1, %mul3A_34 : i32
    "tpu.region"() ({
      %run_scoped3A_181 = tpu.sem_alloc : memref<!tpu.dma_semaphore, #tpu.memory_space<semaphore_mem>>
      %dma_start3A_182 = tpu.memref_slice %arg18[%mul3A_35] : memref<10240xf32, #tpu.memory_space<vmem_shared>> -> memref<640xf32, #tpu.memory_space<vmem_shared>>
      %dma_start3A_183 = tpu.memref_slice %arg18[%mul3A_35] : memref<10240xf32, #tpu.memory_space<vmem_shared>> -> memref<640xf32, #tpu.memory_space<vmem_shared>>
      tpu.enqueue_dma source(%arg16 : memref<640xf32, #tpu.memory_space<vmem>>) target(%dma_start3A_183 : memref<640xf32, #tpu.memory_space<vmem_shared>>) target_semaphore(%run_scoped3A_181 : memref<!tpu.dma_semaphore, #tpu.memory_space<semaphore_mem>>)
      %dma_wait3A_184 = tpu.memref_slice %arg18[%mul3A_35] : memref<10240xf32, #tpu.memory_space<vmem_shared>> -> memref<640xf32, #tpu.memory_space<vmem_shared>>
      %dma_wait3A_185 = tpu.memref_slice %arg18[%mul3A_35] : memref<10240xf32, #tpu.memory_space<vmem_shared>> -> memref<640xf32, #tpu.memory_space<vmem_shared>>
      tpu.wait_dma2 semaphore(%run_scoped3A_181 : memref<!tpu.dma_semaphore, #tpu.memory_space<semaphore_mem>>) src(%arg16 : memref<640xf32, #tpu.memory_space<vmem>>) dst(%dma_wait3A_185 : memref<640xf32, #tpu.memory_space<vmem_shared>>)
      tpu.yield
    }) : () -> ()
    %add3A_36 = arith.constant 0 : i32
    %add3A_37 = arith.addi %mul3A_35, %add3A_36 : i32
    "tpu.region"() ({
      %run_scoped3A_181 = tpu.sem_alloc : memref<!tpu.dma_semaphore, #tpu.memory_space<semaphore_mem>>
      %dma_start3A_182 = arith.constant 0 : i32
      %dma_start3A_183 = tpu.memref_slice %arg17[%add3A_37, %dma_start3A_182] : memref<10240x128xbf16, #tpu.memory_space<vmem_shared>> -> memref<128x128xbf16, #tpu.memory_space<vmem_shared>>
      %dma_start3A_184 = arith.constant 0 : i32
      %dma_start3A_185 = tpu.memref_slice %arg17[%add3A_37, %dma_start3A_184] : memref<10240x128xbf16, #tpu.memory_space<vmem_shared>> -> memref<128x128xbf16, #tpu.memory_space<vmem_shared>>
      tpu.enqueue_dma source(%arg14 : memref<128x128xbf16, #tpu.memory_space<vmem>>) target(%dma_start3A_185 : memref<128x128xbf16, #tpu.memory_space<vmem_shared>>) target_semaphore(%run_scoped3A_181 : memref<!tpu.dma_semaphore, #tpu.memory_space<semaphore_mem>>)
      %dma_wait3A_186 = arith.constant 0 : i32
      %dma_wait3A_187 = tpu.memref_slice %arg17[%add3A_37, %dma_wait3A_186] : memref<10240x128xbf16, #tpu.memory_space<vmem_shared>> -> memref<128x128xbf16, #tpu.memory_space<vmem_shared>>
      %dma_wait3A_188 = arith.constant 0 : i32
      %dma_wait3A_189 = tpu.memref_slice %arg17[%add3A_37, %dma_wait3A_188] : memref<10240x128xbf16, #tpu.memory_space<vmem_shared>> -> memref<128x128xbf16, #tpu.memory_space<vmem_shared>>
      tpu.wait_dma2 semaphore(%run_scoped3A_181 : memref<!tpu.dma_semaphore, #tpu.memory_space<semaphore_mem>>) src(%arg14 : memref<128x128xbf16, #tpu.memory_space<vmem>>) dst(%dma_wait3A_189 : memref<128x128xbf16, #tpu.memory_space<vmem_shared>>)
      tpu.yield
    }) : () -> ()
    %add3A_38 = arith.constant 128 : i32
    %add3A_39 = arith.addi %mul3A_35, %add3A_38 : i32
    "tpu.region"() ({
      %run_scoped3A_181 = tpu.sem_alloc : memref<!tpu.dma_semaphore, #tpu.memory_space<semaphore_mem>>
      %dma_start3A_182 = arith.constant 0 : i32
      %dma_start3A_183 = tpu.memref_slice %arg17[%add3A_39, %dma_start3A_182] : memref<10240x128xbf16, #tpu.memory_space<vmem_shared>> -> memref<128x128xbf16, #tpu.memory_space<vmem_shared>>
      %dma_start3A_184 = arith.constant 0 : i32
      %dma_start3A_185 = tpu.memref_slice %arg17[%add3A_39, %dma_start3A_184] : memref<10240x128xbf16, #tpu.memory_space<vmem_shared>> -> memref<128x128xbf16, #tpu.memory_space<vmem_shared>>
      tpu.enqueue_dma source(%arg14 : memref<128x128xbf16, #tpu.memory_space<vmem>>) target(%dma_start3A_185 : memref<128x128xbf16, #tpu.memory_space<vmem_shared>>) target_semaphore(%run_scoped3A_181 : memref<!tpu.dma_semaphore, #tpu.memory_space<semaphore_mem>>)
      %dma_wait3A_186 = arith.constant 0 : i32
      %dma_wait3A_187 = tpu.memref_slice %arg17[%add3A_39, %dma_wait3A_186] : memref<10240x128xbf16, #tpu.memory_space<vmem_shared>> -> memref<128x128xbf16, #tpu.memory_space<vmem_shared>>
      %dma_wait3A_188 = arith.constant 0 : i32
      %dma_wait3A_189 = tpu.memref_slice %arg17[%add3A_39, %dma_wait3A_188] : memref<10240x128xbf16, #tpu.memory_space<vmem_shared>> -> memref<128x128xbf16, #tpu.memory_space<vmem_shared>>
      tpu.wait_dma2 semaphore(%run_scoped3A_181 : memref<!tpu.dma_semaphore, #tpu.memory_space<semaphore_mem>>) src(%arg14 : memref<128x128xbf16, #tpu.memory_space<vmem>>) dst(%dma_wait3A_189 : memref<128x128xbf16, #tpu.memory_space<vmem_shared>>)
      tpu.yield
    }) : () -> ()
    %add3A_40 = arith.constant 256 : i32
    %add3A_41 = arith.addi %mul3A_35, %add3A_40 : i32
    "tpu.region"() ({
      %run_scoped3A_181 = tpu.sem_alloc : memref<!tpu.dma_semaphore, #tpu.memory_space<semaphore_mem>>
      %dma_start3A_182 = arith.constant 0 : i32
      %dma_start3A_183 = tpu.memref_slice %arg17[%add3A_41, %dma_start3A_182] : memref<10240x128xbf16, #tpu.memory_space<vmem_shared>> -> memref<128x128xbf16, #tpu.memory_space<vmem_shared>>
      %dma_start3A_184 = arith.constant 0 : i32
      %dma_start3A_185 = tpu.memref_slice %arg17[%add3A_41, %dma_start3A_184] : memref<10240x128xbf16, #tpu.memory_space<vmem_shared>> -> memref<128x128xbf16, #tpu.memory_space<vmem_shared>>
      tpu.enqueue_dma source(%arg14 : memref<128x128xbf16, #tpu.memory_space<vmem>>) target(%dma_start3A_185 : memref<128x128xbf16, #tpu.memory_space<vmem_shared>>) target_semaphore(%run_scoped3A_181 : memref<!tpu.dma_semaphore, #tpu.memory_space<semaphore_mem>>)
      %dma_wait3A_186 = arith.constant 0 : i32
      %dma_wait3A_187 = tpu.memref_slice %arg17[%add3A_41, %dma_wait3A_186] : memref<10240x128xbf16, #tpu.memory_space<vmem_shared>> -> memref<128x128xbf16, #tpu.memory_space<vmem_shared>>
      %dma_wait3A_188 = arith.constant 0 : i32
      %dma_wait3A_189 = tpu.memref_slice %arg17[%add3A_41, %dma_wait3A_188] : memref<10240x128xbf16, #tpu.memory_space<vmem_shared>> -> memref<128x128xbf16, #tpu.memory_space<vmem_shared>>
      tpu.wait_dma2 semaphore(%run_scoped3A_181 : memref<!tpu.dma_semaphore, #tpu.memory_space<semaphore_mem>>) src(%arg14 : memref<128x128xbf16, #tpu.memory_space<vmem>>) dst(%dma_wait3A_189 : memref<128x128xbf16, #tpu.memory_space<vmem_shared>>)
      tpu.yield
    }) : () -> ()
    %add3A_42 = arith.constant 384 : i32
    %add3A_43 = arith.addi %mul3A_35, %add3A_42 : i32
    "tpu.region"() ({
      %run_scoped3A_181 = tpu.sem_alloc : memref<!tpu.dma_semaphore, #tpu.memory_space<semaphore_mem>>
      %dma_start3A_182 = arith.constant 0 : i32
      %dma_start3A_183 = tpu.memref_slice %arg17[%add3A_43, %dma_start3A_182] : memref<10240x128xbf16, #tpu.memory_space<vmem_shared>> -> memref<128x128xbf16, #tpu.memory_space<vmem_shared>>
      %dma_start3A_184 = arith.constant 0 : i32
      %dma_start3A_185 = tpu.memref_slice %arg17[%add3A_43, %dma_start3A_184] : memref<10240x128xbf16, #tpu.memory_space<vmem_shared>> -> memref<128x128xbf16, #tpu.memory_space<vmem_shared>>
      tpu.enqueue_dma source(%arg14 : memref<128x128xbf16, #tpu.memory_space<vmem>>) target(%dma_start3A_185 : memref<128x128xbf16, #tpu.memory_space<vmem_shared>>) target_semaphore(%run_scoped3A_181 : memref<!tpu.dma_semaphore, #tpu.memory_space<semaphore_mem>>)
      %dma_wait3A_186 = arith.constant 0 : i32
      %dma_wait3A_187 = tpu.memref_slice %arg17[%add3A_43, %dma_wait3A_186] : memref<10240x128xbf16, #tpu.memory_space<vmem_shared>> -> memref<128x128xbf16, #tpu.memory_space<vmem_shared>>
      %dma_wait3A_188 = arith.constant 0 : i32
      %dma_wait3A_189 = tpu.memref_slice %arg17[%add3A_43, %dma_wait3A_188] : memref<10240x128xbf16, #tpu.memory_space<vmem_shared>> -> memref<128x128xbf16, #tpu.memory_space<vmem_shared>>
      tpu.wait_dma2 semaphore(%run_scoped3A_181 : memref<!tpu.dma_semaphore, #tpu.memory_space<semaphore_mem>>) src(%arg14 : memref<128x128xbf16, #tpu.memory_space<vmem>>) dst(%dma_wait3A_189 : memref<128x128xbf16, #tpu.memory_space<vmem_shared>>)
      tpu.yield
    }) : () -> ()
    %add3A_44 = arith.constant 512 : i32
    %add3A_45 = arith.addi %mul3A_35, %add3A_44 : i32
    "tpu.region"() ({
      %run_scoped3A_181 = tpu.sem_alloc : memref<!tpu.dma_semaphore, #tpu.memory_space<semaphore_mem>>
      %dma_start3A_182 = arith.constant 0 : i32
      %dma_start3A_183 = tpu.memref_slice %arg17[%add3A_45, %dma_start3A_182] : memref<10240x128xbf16, #tpu.memory_space<vmem_shared>> -> memref<128x128xbf16, #tpu.memory_space<vmem_shared>>
      %dma_start3A_184 = arith.constant 0 : i32
      %dma_start3A_185 = tpu.memref_slice %arg17[%add3A_45, %dma_start3A_184] : memref<10240x128xbf16, #tpu.memory_space<vmem_shared>> -> memref<128x128xbf16, #tpu.memory_space<vmem_shared>>
      tpu.enqueue_dma source(%arg14 : memref<128x128xbf16, #tpu.memory_space<vmem>>) target(%dma_start3A_185 : memref<128x128xbf16, #tpu.memory_space<vmem_shared>>) target_semaphore(%run_scoped3A_181 : memref<!tpu.dma_semaphore, #tpu.memory_space<semaphore_mem>>)
      %dma_wait3A_186 = arith.constant 0 : i32
      %dma_wait3A_187 = tpu.memref_slice %arg17[%add3A_45, %dma_wait3A_186] : memref<10240x128xbf16, #tpu.memory_space<vmem_shared>> -> memref<128x128xbf16, #tpu.memory_space<vmem_shared>>
      %dma_wait3A_188 = arith.constant 0 : i32
      %dma_wait3A_189 = tpu.memref_slice %arg17[%add3A_45, %dma_wait3A_188] : memref<10240x128xbf16, #tpu.memory_space<vmem_shared>> -> memref<128x128xbf16, #tpu.memory_space<vmem_shared>>
      tpu.wait_dma2 semaphore(%run_scoped3A_181 : memref<!tpu.dma_semaphore, #tpu.memory_space<semaphore_mem>>) src(%arg14 : memref<128x128xbf16, #tpu.memory_space<vmem>>) dst(%dma_wait3A_189 : memref<128x128xbf16, #tpu.memory_space<vmem_shared>>)
      tpu.yield
    }) : () -> ()
    tpu.wait_dma2 semaphore(%arg21 : memref<!tpu.dma_semaphore, #tpu.memory_space<semaphore_mem>>) src(%arg4 : memref<20480xf32, #tpu.memory_space<hbm>>) dst(%arg8 : memref<20480xf32, #tpu.memory_space<vmem>>)
    %dma_wait3A = arith.constant 0 : i32
    %dma_wait3A_46 = arith.constant 0 : i32
    %dma_wait3A_47 = tpu.memref_slice %arg5[%dma_wait3A, %dma_wait3A_46] : memref<1x16xf32, #tpu.memory_space<hbm>> -> memref<1x16xf32, #tpu.memory_space<hbm>>
    %dma_wait3A_48 = tpu.memref_squeeze %dma_wait3A_47 : memref<1x16xf32, #tpu.memory_space<hbm>> -> memref<16xf32, #tpu.memory_space<hbm>>
    %dma_wait3A_49 = arith.constant 0 : i32
    %dma_wait3A_50 = tpu.memref_slice %arg5[%dma_wait3A, %dma_wait3A_49] : memref<1x16xf32, #tpu.memory_space<hbm>> -> memref<1x16xf32, #tpu.memory_space<hbm>>
    %dma_wait3A_51 = tpu.memref_squeeze %dma_wait3A_50 : memref<1x16xf32, #tpu.memory_space<hbm>> -> memref<16xf32, #tpu.memory_space<hbm>>
    tpu.wait_dma2 semaphore(%arg22 : memref<!tpu.dma_semaphore, #tpu.memory_space<semaphore_mem>>) src(%dma_wait3A_51 : memref<16xf32, #tpu.memory_space<hbm>>) dst(%arg13 : memref<16xf32, #tpu.memory_space<vmem>>)
    %get3A = arith.constant 0 : index
    %get3A_52 = tpu.vector_load %arg13[%get3A] {strides = array<i32>} : memref<16xf32, #tpu.memory_space<vmem>>, vector<16xf32>,
    %barrier3A = arith.constant 0 : index
    tpu.barrier barrier_id(%barrier3A)
    %broadcast_in_dim3A_53 = arith.constant 0 : i32
    %broadcast_in_dim3A_54 = vector.broadcast %broadcast_in_dim3A_53 : i32 to vector<16xi32>
    %scan3A_55 = arith.constant 0 : i32
    %scan3A_56 = arith.constant 0 : i32
    %scan3A_57 = arith.constant 8 : i32
    %scan3A_58 = arith.addi %scan3A_56, %scan3A_57 : i32
    %scan3A_59 = arith.constant 1 : i32
    %scan3A_60 = scf.for %scan3A_181 = %scan3A_56 to %scan3A_58 step %scan3A_59 iter_args(%scan3A_182 = %scan3A_55) -> (i32)  : i32 {
      %mul3A_183 = arith.constant 16 : i32
      %mul3A_184 = arith.muli %scan3A_181, %mul3A_183 : i32
      %swap3A = arith.index_cast %mul3A_184 : i32 to index
      %swap3A_185 = tpu.vector_load %arg11[%swap3A] {strides = array<i32>} : memref<128xf32, #tpu.memory_space<vmem>>, vector<16xf32>,
      tpu.vector_store %arg11[%swap3A], %broadcast_in_dim3A_26 {strides = array<i32>} : memref<128xf32, #tpu.memory_space<vmem>>, vector<16xf32>,
      %mul3A_186 = arith.constant 16 : i32
      %mul3A_187 = arith.muli %scan3A_181, %mul3A_186 : i32
      %swap3A_188 = arith.index_cast %mul3A_187 : i32 to index
      %swap3A_189 = tpu.vector_load %arg12[%swap3A_188] {strides = array<i32>} : memref<128xf32, #tpu.memory_space<vmem>>, vector<16xf32>,
      tpu.vector_store %arg12[%swap3A_188], %broadcast_in_dim3A_26 {strides = array<i32>} : memref<128xf32, #tpu.memory_space<vmem>>, vector<16xf32>,
      %scan3A_190 = arith.constant 0 : i32
      scf.yield %scan3A_190 : i32
    }
    %scan3A_61 = arith.constant 8 : i32
    %dma_start3A_62 = arith.constant 0 : i32
    %dma_start3A_63 = arith.constant 0 : i32
    %dma_start3A_64 = tpu.memref_slice %arg9[%dma_start3A_62, %dma_start3A_63] : memref<79x128xi32, #tpu.memory_space<vmem>> -> memref<1x128xi32, #tpu.memory_space<vmem>>
    %dma_start3A_65 = tpu.memref_squeeze %dma_start3A_64 : memref<1x128xi32, #tpu.memory_space<vmem>> -> memref<128xi32, #tpu.memory_space<vmem>>
    %dma_start3A_66 = arith.constant 0 : i32
    %dma_start3A_67 = arith.constant 0 : i32
    %dma_start3A_68 = tpu.memref_slice %arg2[%dma_start3A_66, %dma_start3A_67] : memref<10240x128xbf16, #tpu.memory_space<hbm>> -> memref<10240x128xbf16, #tpu.memory_space<hbm>>
    tpu.enqueue_indirect_dma source(%dma_start3A_68 : memref<10240x128xbf16, #tpu.memory_space<hbm>>) target(%arg14 : memref<128x128xbf16, #tpu.memory_space<vmem>>) offsets(%dma_start3A_65 : memref<128xi32, #tpu.memory_space<vmem>>) semaphore(%arg19 : memref<!tpu.dma_semaphore, #tpu.memory_space<semaphore_mem>>)
    %dma_start3A_69 = arith.constant 0 : i32
    %dma_start3A_70 = arith.constant 0 : i32
    %dma_start3A_71 = tpu.memref_slice %arg10[%dma_start3A_69, %dma_start3A_70] : memref<79x128xi32, #tpu.memory_space<vmem>> -> memref<1x128xi32, #tpu.memory_space<vmem>>
    %dma_start3A_72 = tpu.memref_squeeze %dma_start3A_71 : memref<1x128xi32, #tpu.memory_space<vmem>> -> memref<128xi32, #tpu.memory_space<vmem>>
    %dma_start3A_73 = arith.constant 0 : i32
    %dma_start3A_74 = arith.constant 0 : i32
    %dma_start3A_75 = tpu.memref_slice %arg17[%dma_start3A_73, %dma_start3A_74] : memref<10240x128xbf16, #tpu.memory_space<vmem_shared>> -> memref<10240x128xbf16, #tpu.memory_space<vmem_shared>>
    tpu.enqueue_indirect_dma source(%arg15 : memref<128x128xbf16, #tpu.memory_space<vmem>>) target(%dma_start3A_75 : memref<10240x128xbf16, #tpu.memory_space<vmem_shared>>) offsets(%dma_start3A_72 : memref<128xi32, #tpu.memory_space<vmem>>) semaphore(%arg22 : memref<!tpu.dma_semaphore, #tpu.memory_space<semaphore_mem>>) {add = true}
    %dma_start3A_76 = arith.constant 0 : i32
    %dma_start3A_77 = arith.constant 0 : i32
    %dma_start3A_78 = tpu.memref_slice %arg10[%dma_start3A_76, %dma_start3A_77] : memref<79x128xi32, #tpu.memory_space<vmem>> -> memref<1x128xi32, #tpu.memory_space<vmem>>
    %dma_start3A_79 = tpu.memref_squeeze %dma_start3A_78 : memref<1x128xi32, #tpu.memory_space<vmem>> -> memref<128xi32, #tpu.memory_space<vmem>>
    %dma_start3A_80 = arith.constant 0 : i32
    %dma_start3A_81 = tpu.memref_slice %arg18[%dma_start3A_80] : memref<10240xf32, #tpu.memory_space<vmem_shared>> -> memref<10240xf32, #tpu.memory_space<vmem_shared>>
    tpu.enqueue_indirect_dma source(%arg11 : memref<128xf32, #tpu.memory_space<vmem>>) target(%dma_start3A_81 : memref<10240xf32, #tpu.memory_space<vmem_shared>>) offsets(%dma_start3A_79 : memref<128xi32, #tpu.memory_space<vmem>>) semaphore(%arg23 : memref<!tpu.dma_semaphore, #tpu.memory_space<semaphore_mem>>) {add = true}
    %dma_start3A_82 = arith.constant 0 : i32
    %dma_start3A_83 = arith.constant 0 : i32
    %dma_start3A_84 = tpu.memref_slice %arg10[%dma_start3A_82, %dma_start3A_83] : memref<79x128xi32, #tpu.memory_space<vmem>> -> memref<1x128xi32, #tpu.memory_space<vmem>>
    %dma_start3A_85 = tpu.memref_squeeze %dma_start3A_84 : memref<1x128xi32, #tpu.memory_space<vmem>> -> memref<128xi32, #tpu.memory_space<vmem>>
    %dma_start3A_86 = arith.constant 0 : i32
    %dma_start3A_87 = tpu.memref_slice %arg18[%dma_start3A_86] : memref<10240xf32, #tpu.memory_space<vmem_shared>> -> memref<10240xf32, #tpu.memory_space<vmem_shared>>
    tpu.enqueue_indirect_dma source(%arg12 : memref<128xf32, #tpu.memory_space<vmem>>) target(%dma_start3A_87 : memref<10240xf32, #tpu.memory_space<vmem_shared>>) offsets(%dma_start3A_85 : memref<128xi32, #tpu.memory_space<vmem>>) semaphore(%arg24 : memref<!tpu.dma_semaphore, #tpu.memory_space<semaphore_mem>>) {add = true}
    %jit3A_88 = arith.constant 2 : i32
    %div3A = arith.divsi %add3A_4, %jit3A_88 : i32
    %sign3A = arith.constant 0 : i32
    %sign3A_89 = arith.cmpi sgt, %add3A_4, %sign3A : i32
    %sign3A_90 = arith.extui %sign3A_89 : i1 to i32
    %sign3A_91 = arith.constant 0 : i32
    %sign3A_92 = arith.cmpi slt, %add3A_4, %sign3A_91 : i32
    %sign3A_93 = arith.extui %sign3A_92 : i1 to i32
    %sign3A_94 = arith.subi %sign3A_90, %sign3A_93 : i32
    %sign3A_95 = arith.constant 0 : i32
    %sign3A_96 = arith.cmpi sgt, %jit3A_88, %sign3A_95 : i32
    %sign3A_97 = arith.extui %sign3A_96 : i1 to i32
    %sign3A_98 = arith.constant 0 : i32
    %sign3A_99 = arith.cmpi slt, %jit3A_88, %sign3A_98 : i32
    %sign3A_100 = arith.extui %sign3A_99 : i1 to i32
    %sign3A_101 = arith.subi %sign3A_97, %sign3A_100 : i32
    %ne3A = arith.cmpi ne, %sign3A_94, %sign3A_101 : i32
    %rem3A = arith.remsi %add3A_4, %jit3A_88 : i32
    %ne3A_102 = arith.constant 0 : i32
    %ne3A_103 = arith.cmpi ne, %rem3A, %ne3A_102 : i32
    %and3A = arith.andi %ne3A, %ne3A_103 : i1
    %sub3A = arith.constant 1 : i32
    %sub3A_104 = arith.subi %div3A, %sub3A : i32
    %select_n3A_105 = arith.select %and3A, %sub3A_104, %div3A : i32
    %while3A = arith.constant 0 : i32
    %while3A_106 = arith.constant 0 : i32
    %while3A_107 = arith.subi %select_n3A_105, %while3A : i32
    %while3A_108 = arith.addi %while3A, %while3A_107 : i32
    %while3A_109 = arith.constant 1 : i32
    %while3A_110 = arith.divsi %while3A_107, %while3A_109 : i32
    %while3A_111 = arith.muli %while3A_110, %while3A_109 : i32
    %while3A_112 = arith.addi %while3A, %while3A_111 : i32
    %while3A_113 = arith.constant 1 : i32
    %while3A_114 = scf.for %while3A_181 = %while3A to %while3A_112 step %while3A_113 iter_args(%while3A_182 = %while3A_106) -> (i32)  : i32 {
      %mul3A_183 = arith.constant 2 : i32
      %mul3A_184 = arith.muli %while3A_181, %mul3A_183 : i32
      %dma_wait3A_185 = arith.constant 0 : i32
      %dma_wait3A_186 = tpu.memref_slice %arg10[%mul3A_184, %dma_wait3A_185] : memref<79x128xi32, #tpu.memory_space<vmem>> -> memref<1x128xi32, #tpu.memory_space<vmem>>
      %dma_wait3A_187 = tpu.memref_squeeze %dma_wait3A_186 : memref<1x128xi32, #tpu.memory_space<vmem>> -> memref<128xi32, #tpu.memory_space<vmem>>
      %dma_wait3A_188 = arith.constant 0 : i32
      %dma_wait3A_189 = arith.constant 0 : i32
      %dma_wait3A_190 = tpu.memref_slice %arg17[%dma_wait3A_188, %dma_wait3A_189] : memref<10240x128xbf16, #tpu.memory_space<vmem_shared>> -> memref<10240x128xbf16, #tpu.memory_space<vmem_shared>>
      tpu.wait_indirect_dma semaphore(%arg22 : memref<!tpu.dma_semaphore, #tpu.memory_space<semaphore_mem>>) src(%arg15 : memref<128x128xbf16, #tpu.memory_space<vmem>>) dst(%dma_wait3A_190 : memref<10240x128xbf16, #tpu.memory_space<vmem_shared>>)
      %dma_wait3A_191 = arith.constant 0 : i32
      %dma_wait3A_192 = tpu.memref_slice %arg10[%mul3A_184, %dma_wait3A_191] : memref<79x128xi32, #tpu.memory_space<vmem>> -> memref<1x128xi32, #tpu.memory_space<vmem>>
      %dma_wait3A_193 = tpu.memref_squeeze %dma_wait3A_192 : memref<1x128xi32, #tpu.memory_space<vmem>> -> memref<128xi32, #tpu.memory_space<vmem>>
      %dma_wait3A_194 = arith.constant 0 : i32
      %dma_wait3A_195 = tpu.memref_slice %arg18[%dma_wait3A_194] : memref<10240xf32, #tpu.memory_space<vmem_shared>> -> memref<10240xf32, #tpu.memory_space<vmem_shared>>
      tpu.wait_indirect_dma semaphore(%arg23 : memref<!tpu.dma_semaphore, #tpu.memory_space<semaphore_mem>>) src(%arg11 : memref<128xf32, #tpu.memory_space<vmem>>) dst(%dma_wait3A_195 : memref<10240xf32, #tpu.memory_space<vmem_shared>>)
      %get3A_196 = arith.constant 0 : i32
      %get3A_197 = tpu.memref_slice %arg9[%mul3A_184, %get3A_196] : memref<79x128xi32, #tpu.memory_space<vmem>> -> memref<1x128xi32, #tpu.memory_space<vmem>>
      %get3A_198 = tpu.memref_squeeze %get3A_197 : memref<1x128xi32, #tpu.memory_space<vmem>> -> memref<128xi32, #tpu.memory_space<vmem>>
      %get3A_199 = arith.constant 0 : index
      %get3A_200 = tpu.vector_load %get3A_198[%get3A_199] {strides = array<i32>} : memref<128xi32, #tpu.memory_space<vmem>>, vector<16xi32>,
      %get3A_201 = arith.constant 0 : i32
      %get3A_202 = tpu.memref_slice %arg10[%mul3A_184, %get3A_201] : memref<79x128xi32, #tpu.memory_space<vmem>> -> memref<1x128xi32, #tpu.memory_space<vmem>>
      %get3A_203 = tpu.memref_squeeze %get3A_202 : memref<1x128xi32, #tpu.memory_space<vmem>> -> memref<128xi32, #tpu.memory_space<vmem>>
      %get3A_204 = arith.constant 0 : index
      %get3A_205 = tpu.vector_load %get3A_203[%get3A_204] {strides = array<i32>} : memref<128xi32, #tpu.memory_space<vmem>>, vector<16xi32>,
      %mul3A_206 = arith.constant 2 : i32
      %mul3A_207 = vector.broadcast %mul3A_206 : i32 to vector<16xi32>
      %mul3A_208 = arith.muli %get3A_200, %mul3A_207 : vector<16xi32>
      %gather3A = tpu.vector_load_idx %arg8[%mul3A_208] : memref<20480xf32, #tpu.memory_space<vmem>>[vector<16xi32>], vector<16xf32>,
      %mul3A_209 = arith.constant 2 : i32
      %mul3A_210 = vector.broadcast %mul3A_209 : i32 to vector<16xi32>
      %mul3A_211 = arith.muli %get3A_205, %mul3A_210 : vector<16xi32>
      %add3A_212 = arith.constant 1 : i32
      %add3A_213 = vector.broadcast %add3A_212 : i32 to vector<16xi32>
      %add3A_214 = arith.addi %mul3A_211, %add3A_213 : vector<16xi32>
      %gather3A_215 = tpu.vector_load_idx %arg8[%add3A_214] : memref<20480xf32, #tpu.memory_space<vmem>>[vector<16xi32>], vector<16xf32>,
      %add3A_216 = arith.addf %gather3A, %gather3A_215 : vector<16xf32>
      %ge3A = arith.constant 0.000000e+00 : f32
      %ge3A_217 = vector.broadcast %ge3A : f32 to vector<16xf32>
      %ge3A_218 = arith.cmpf oge, %add3A_216, %ge3A_217 : vector<16xf32>
      %mul3A_219 = arith.constant 2.000000e-01 : f32
      %mul3A_220 = vector.broadcast %mul3A_219 : f32 to vector<16xf32>
      %mul3A_221 = arith.mulf %mul3A_220, %add3A_216 : vector<16xf32>
      %select_n3A_222 = arith.select %ge3A_218, %add3A_216, %mul3A_221 : vector<16xi1>, vector<16xf32>
      %sub3A_223 = arith.subf %select_n3A_222, %get3A_52 : vector<16xf32>
      %exp3A = math.exp %sub3A_223 : vector<16xf32>
      %swap3A = arith.constant 0 : index
      %swap3A_224 = tpu.vector_load %arg11[%swap3A] {strides = array<i32>} : memref<128xf32, #tpu.memory_space<vmem>>, vector<16xf32>,
      tpu.vector_store %arg11[%swap3A], %exp3A {strides = array<i32>} : memref<128xf32, #tpu.memory_space<vmem>>, vector<16xf32>,
      %get3A_225 = arith.constant 0 : i32
      %get3A_226 = tpu.memref_slice %arg9[%mul3A_184, %get3A_225] : memref<79x128xi32, #tpu.memory_space<vmem>> -> memref<1x128xi32, #tpu.memory_space<vmem>>
      %get3A_227 = tpu.memref_squeeze %get3A_226 : memref<1x128xi32, #tpu.memory_space<vmem>> -> memref<128xi32, #tpu.memory_space<vmem>>
      %get3A_228 = arith.constant 16 : index
      %get3A_229 = tpu.vector_load %get3A_227[%get3A_228] {strides = array<i32>} : memref<128xi32, #tpu.memory_space<vmem>>, vector<16xi32>,
      %get3A_230 = arith.constant 0 : i32
      %get3A_231 = tpu.memref_slice %arg10[%mul3A_184, %get3A_230] : memref<79x128xi32, #tpu.memory_space<vmem>> -> memref<1x128xi32, #tpu.memory_space<vmem>>
      %get3A_232 = tpu.memref_squeeze %get3A_231 : memref<1x128xi32, #tpu.memory_space<vmem>> -> memref<128xi32, #tpu.memory_space<vmem>>
      %get3A_233 = arith.constant 16 : index
      %get3A_234 = tpu.vector_load %get3A_232[%get3A_233] {strides = array<i32>} : memref<128xi32, #tpu.memory_space<vmem>>, vector<16xi32>,
      %mul3A_235 = arith.constant 2 : i32
      %mul3A_236 = vector.broadcast %mul3A_235 : i32 to vector<16xi32>
      %mul3A_237 = arith.muli %get3A_229, %mul3A_236 : vector<16xi32>
      %gather3A_238 = tpu.vector_load_idx %arg8[%mul3A_237] : memref<20480xf32, #tpu.memory_space<vmem>>[vector<16xi32>], vector<16xf32>,
      %mul3A_239 = arith.constant 2 : i32
      %mul3A_240 = vector.broadcast %mul3A_239 : i32 to vector<16xi32>
      %mul3A_241 = arith.muli %get3A_234, %mul3A_240 : vector<16xi32>
      %add3A_242 = arith.constant 1 : i32
      %add3A_243 = vector.broadcast %add3A_242 : i32 to vector<16xi32>
      %add3A_244 = arith.addi %mul3A_241, %add3A_243 : vector<16xi32>
      %gather3A_245 = tpu.vector_load_idx %arg8[%add3A_244] : memref<20480xf32, #tpu.memory_space<vmem>>[vector<16xi32>], vector<16xf32>,
      %add3A_246 = arith.addf %gather3A_238, %gather3A_245 : vector<16xf32>
      %ge3A_247 = arith.constant 0.000000e+00 : f32
      %ge3A_248 = vector.broadcast %ge3A_247 : f32 to vector<16xf32>
      %ge3A_249 = arith.cmpf oge, %add3A_246, %ge3A_248 : vector<16xf32>
      %mul3A_250 = arith.constant 2.000000e-01 : f32
      %mul3A_251 = vector.broadcast %mul3A_250 : f32 to vector<16xf32>
      %mul3A_252 = arith.mulf %mul3A_251, %add3A_246 : vector<16xf32>
      %select_n3A_253 = arith.select %ge3A_249, %add3A_246, %mul3A_252 : vector<16xi1>, vector<16xf32>
      %sub3A_254 = arith.subf %select_n3A_253, %get3A_52 : vector<16xf32>
      %exp3A_255 = math.exp %sub3A_254 : vector<16xf32>
      %swap3A_256 = arith.constant 16 : index
      %swap3A_257 = tpu.vector_load %arg11[%swap3A_256] {strides = array<i32>} : memref<128xf32, #tpu.memory_space<vmem>>, vector<16xf32>,
      tpu.vector_store %arg11[%swap3A_256], %exp3A_255 {strides = array<i32>} : memref<128xf32, #tpu.memory_space<vmem>>, vector<16xf32>,
      %get3A_258 = arith.constant 0 : i32
      %get3A_259 = tpu.memref_slice %arg9[%mul3A_184, %get3A_258] : memref<79x128xi32, #tpu.memory_space<vmem>> -> memref<1x128xi32, #tpu.memory_space<vmem>>
      %get3A_260 = tpu.memref_squeeze %get3A_259 : memref<1x128xi32, #tpu.memory_space<vmem>> -> memref<128xi32, #tpu.memory_space<vmem>>
      %get3A_261 = arith.constant 32 : index
      %get3A_262 = tpu.vector_load %get3A_260[%get3A_261] {strides = array<i32>} : memref<128xi32, #tpu.memory_space<vmem>>, vector<16xi32>,
      %get3A_263 = arith.constant 0 : i32
      %get3A_264 = tpu.memref_slice %arg10[%mul3A_184, %get3A_263] : memref<79x128xi32, #tpu.memory_space<vmem>> -> memref<1x128xi32, #tpu.memory_space<vmem>>
      %get3A_265 = tpu.memref_squeeze %get3A_264 : memref<1x128xi32, #tpu.memory_space<vmem>> -> memref<128xi32, #tpu.memory_space<vmem>>
      %get3A_266 = arith.constant 32 : index
      %get3A_267 = tpu.vector_load %get3A_265[%get3A_266] {strides = array<i32>} : memref<128xi32, #tpu.memory_space<vmem>>, vector<16xi32>,
      %mul3A_268 = arith.constant 2 : i32
      %mul3A_269 = vector.broadcast %mul3A_268 : i32 to vector<16xi32>
      %mul3A_270 = arith.muli %get3A_262, %mul3A_269 : vector<16xi32>
      %gather3A_271 = tpu.vector_load_idx %arg8[%mul3A_270] : memref<20480xf32, #tpu.memory_space<vmem>>[vector<16xi32>], vector<16xf32>,
      %mul3A_272 = arith.constant 2 : i32
      %mul3A_273 = vector.broadcast %mul3A_272 : i32 to vector<16xi32>
      %mul3A_274 = arith.muli %get3A_267, %mul3A_273 : vector<16xi32>
      %add3A_275 = arith.constant 1 : i32
      %add3A_276 = vector.broadcast %add3A_275 : i32 to vector<16xi32>
      %add3A_277 = arith.addi %mul3A_274, %add3A_276 : vector<16xi32>
      %gather3A_278 = tpu.vector_load_idx %arg8[%add3A_277] : memref<20480xf32, #tpu.memory_space<vmem>>[vector<16xi32>], vector<16xf32>,
      %add3A_279 = arith.addf %gather3A_271, %gather3A_278 : vector<16xf32>
      %ge3A_280 = arith.constant 0.000000e+00 : f32
      %ge3A_281 = vector.broadcast %ge3A_280 : f32 to vector<16xf32>
      %ge3A_282 = arith.cmpf oge, %add3A_279, %ge3A_281 : vector<16xf32>
      %mul3A_283 = arith.constant 2.000000e-01 : f32
      %mul3A_284 = vector.broadcast %mul3A_283 : f32 to vector<16xf32>
      %mul3A_285 = arith.mulf %mul3A_284, %add3A_279 : vector<16xf32>
      %select_n3A_286 = arith.select %ge3A_282, %add3A_279, %mul3A_285 : vector<16xi1>, vector<16xf32>
      %sub3A_287 = arith.subf %select_n3A_286, %get3A_52 : vector<16xf32>
      %exp3A_288 = math.exp %sub3A_287 : vector<16xf32>
      %swap3A_289 = arith.constant 32 : index
      %swap3A_290 = tpu.vector_load %arg11[%swap3A_289] {strides = array<i32>} : memref<128xf32, #tpu.memory_space<vmem>>, vector<16xf32>,
      tpu.vector_store %arg11[%swap3A_289], %exp3A_288 {strides = array<i32>} : memref<128xf32, #tpu.memory_space<vmem>>, vector<16xf32>,
      %get3A_291 = arith.constant 0 : i32
      %get3A_292 = tpu.memref_slice %arg9[%mul3A_184, %get3A_291] : memref<79x128xi32, #tpu.memory_space<vmem>> -> memref<1x128xi32, #tpu.memory_space<vmem>>
      %get3A_293 = tpu.memref_squeeze %get3A_292 : memref<1x128xi32, #tpu.memory_space<vmem>> -> memref<128xi32, #tpu.memory_space<vmem>>
      %get3A_294 = arith.constant 48 : index
      %get3A_295 = tpu.vector_load %get3A_293[%get3A_294] {strides = array<i32>} : memref<128xi32, #tpu.memory_space<vmem>>, vector<16xi32>,
      %get3A_296 = arith.constant 0 : i32
      %get3A_297 = tpu.memref_slice %arg10[%mul3A_184, %get3A_296] : memref<79x128xi32, #tpu.memory_space<vmem>> -> memref<1x128xi32, #tpu.memory_space<vmem>>
      %get3A_298 = tpu.memref_squeeze %get3A_297 : memref<1x128xi32, #tpu.memory_space<vmem>> -> memref<128xi32, #tpu.memory_space<vmem>>
      %get3A_299 = arith.constant 48 : index
      %get3A_300 = tpu.vector_load %get3A_298[%get3A_299] {strides = array<i32>} : memref<128xi32, #tpu.memory_space<vmem>>, vector<16xi32>,
      %mul3A_301 = arith.constant 2 : i32
      %mul3A_302 = vector.broadcast %mul3A_301 : i32 to vector<16xi32>
      %mul3A_303 = arith.muli %get3A_295, %mul3A_302 : vector<16xi32>
      %gather3A_304 = tpu.vector_load_idx %arg8[%mul3A_303] : memref<20480xf32, #tpu.memory_space<vmem>>[vector<16xi32>], vector<16xf32>,
      %mul3A_305 = arith.constant 2 : i32
      %mul3A_306 = vector.broadcast %mul3A_305 : i32 to vector<16xi32>
      %mul3A_307 = arith.muli %get3A_300, %mul3A_306 : vector<16xi32>
      %add3A_308 = arith.constant 1 : i32
      %add3A_309 = vector.broadcast %add3A_308 : i32 to vector<16xi32>
      %add3A_310 = arith.addi %mul3A_307, %add3A_309 : vector<16xi32>
      %gather3A_311 = tpu.vector_load_idx %arg8[%add3A_310] : memref<20480xf32, #tpu.memory_space<vmem>>[vector<16xi32>], vector<16xf32>,
      %add3A_312 = arith.addf %gather3A_304, %gather3A_311 : vector<16xf32>
      %ge3A_313 = arith.constant 0.000000e+00 : f32
      %ge3A_314 = vector.broadcast %ge3A_313 : f32 to vector<16xf32>
      %ge3A_315 = arith.cmpf oge, %add3A_312, %ge3A_314 : vector<16xf32>
      %mul3A_316 = arith.constant 2.000000e-01 : f32
      %mul3A_317 = vector.broadcast %mul3A_316 : f32 to vector<16xf32>
      %mul3A_318 = arith.mulf %mul3A_317, %add3A_312 : vector<16xf32>
      %select_n3A_319 = arith.select %ge3A_315, %add3A_312, %mul3A_318 : vector<16xi1>, vector<16xf32>
      %sub3A_320 = arith.subf %select_n3A_319, %get3A_52 : vector<16xf32>
      %exp3A_321 = math.exp %sub3A_320 : vector<16xf32>
      %swap3A_322 = arith.constant 48 : index
      %swap3A_323 = tpu.vector_load %arg11[%swap3A_322] {strides = array<i32>} : memref<128xf32, #tpu.memory_space<vmem>>, vector<16xf32>,
      tpu.vector_store %arg11[%swap3A_322], %exp3A_321 {strides = array<i32>} : memref<128xf32, #tpu.memory_space<vmem>>, vector<16xf32>,
      %get3A_324 = arith.constant 0 : i32
      %get3A_325 = tpu.memref_slice %arg9[%mul3A_184, %get3A_324] : memref<79x128xi32, #tpu.memory_space<vmem>> -> memref<1x128xi32, #tpu.memory_space<vmem>>
      %get3A_326 = tpu.memref_squeeze %get3A_325 : memref<1x128xi32, #tpu.memory_space<vmem>> -> memref<128xi32, #tpu.memory_space<vmem>>
      %get3A_327 = arith.constant 64 : index
      %get3A_328 = tpu.vector_load %get3A_326[%get3A_327] {strides = array<i32>} : memref<128xi32, #tpu.memory_space<vmem>>, vector<16xi32>,
      %get3A_329 = arith.constant 0 : i32
      %get3A_330 = tpu.memref_slice %arg10[%mul3A_184, %get3A_329] : memref<79x128xi32, #tpu.memory_space<vmem>> -> memref<1x128xi32, #tpu.memory_space<vmem>>
      %get3A_331 = tpu.memref_squeeze %get3A_330 : memref<1x128xi32, #tpu.memory_space<vmem>> -> memref<128xi32, #tpu.memory_space<vmem>>
      %get3A_332 = arith.constant 64 : index
      %get3A_333 = tpu.vector_load %get3A_331[%get3A_332] {strides = array<i32>} : memref<128xi32, #tpu.memory_space<vmem>>, vector<16xi32>,
      %mul3A_334 = arith.constant 2 : i32
      %mul3A_335 = vector.broadcast %mul3A_334 : i32 to vector<16xi32>
      %mul3A_336 = arith.muli %get3A_328, %mul3A_335 : vector<16xi32>
      %gather3A_337 = tpu.vector_load_idx %arg8[%mul3A_336] : memref<20480xf32, #tpu.memory_space<vmem>>[vector<16xi32>], vector<16xf32>,
      %mul3A_338 = arith.constant 2 : i32
      %mul3A_339 = vector.broadcast %mul3A_338 : i32 to vector<16xi32>
      %mul3A_340 = arith.muli %get3A_333, %mul3A_339 : vector<16xi32>
      %add3A_341 = arith.constant 1 : i32
      %add3A_342 = vector.broadcast %add3A_341 : i32 to vector<16xi32>
      %add3A_343 = arith.addi %mul3A_340, %add3A_342 : vector<16xi32>
      %gather3A_344 = tpu.vector_load_idx %arg8[%add3A_343] : memref<20480xf32, #tpu.memory_space<vmem>>[vector<16xi32>], vector<16xf32>,
      %add3A_345 = arith.addf %gather3A_337, %gather3A_344 : vector<16xf32>
      %ge3A_346 = arith.constant 0.000000e+00 : f32
      %ge3A_347 = vector.broadcast %ge3A_346 : f32 to vector<16xf32>
      %ge3A_348 = arith.cmpf oge, %add3A_345, %ge3A_347 : vector<16xf32>
      %mul3A_349 = arith.constant 2.000000e-01 : f32
      %mul3A_350 = vector.broadcast %mul3A_349 : f32 to vector<16xf32>
      %mul3A_351 = arith.mulf %mul3A_350, %add3A_345 : vector<16xf32>
      %select_n3A_352 = arith.select %ge3A_348, %add3A_345, %mul3A_351 : vector<16xi1>, vector<16xf32>
      %sub3A_353 = arith.subf %select_n3A_352, %get3A_52 : vector<16xf32>
      %exp3A_354 = math.exp %sub3A_353 : vector<16xf32>
      %swap3A_355 = arith.constant 64 : index
      %swap3A_356 = tpu.vector_load %arg11[%swap3A_355] {strides = array<i32>} : memref<128xf32, #tpu.memory_space<vmem>>, vector<16xf32>,
      tpu.vector_store %arg11[%swap3A_355], %exp3A_354 {strides = array<i32>} : memref<128xf32, #tpu.memory_space<vmem>>, vector<16xf32>,
      %get3A_357 = arith.constant 0 : i32
      %get3A_358 = tpu.memref_slice %arg9[%mul3A_184, %get3A_357] : memref<79x128xi32, #tpu.memory_space<vmem>> -> memref<1x128xi32, #tpu.memory_space<vmem>>
      %get3A_359 = tpu.memref_squeeze %get3A_358 : memref<1x128xi32, #tpu.memory_space<vmem>> -> memref<128xi32, #tpu.memory_space<vmem>>
      %get3A_360 = arith.constant 80 : index
      %get3A_361 = tpu.vector_load %get3A_359[%get3A_360] {strides = array<i32>} : memref<128xi32, #tpu.memory_space<vmem>>, vector<16xi32>,
      %get3A_362 = arith.constant 0 : i32
      %get3A_363 = tpu.memref_slice %arg10[%mul3A_184, %get3A_362] : memref<79x128xi32, #tpu.memory_space<vmem>> -> memref<1x128xi32, #tpu.memory_space<vmem>>
      %get3A_364 = tpu.memref_squeeze %get3A_363 : memref<1x128xi32, #tpu.memory_space<vmem>> -> memref<128xi32, #tpu.memory_space<vmem>>
      %get3A_365 = arith.constant 80 : index
      %get3A_366 = tpu.vector_load %get3A_364[%get3A_365] {strides = array<i32>} : memref<128xi32, #tpu.memory_space<vmem>>, vector<16xi32>,
      %mul3A_367 = arith.constant 2 : i32
      %mul3A_368 = vector.broadcast %mul3A_367 : i32 to vector<16xi32>
      %mul3A_369 = arith.muli %get3A_361, %mul3A_368 : vector<16xi32>
      %gather3A_370 = tpu.vector_load_idx %arg8[%mul3A_369] : memref<20480xf32, #tpu.memory_space<vmem>>[vector<16xi32>], vector<16xf32>,
      %mul3A_371 = arith.constant 2 : i32
      %mul3A_372 = vector.broadcast %mul3A_371 : i32 to vector<16xi32>
      %mul3A_373 = arith.muli %get3A_366, %mul3A_372 : vector<16xi32>
      %add3A_374 = arith.constant 1 : i32
      %add3A_375 = vector.broadcast %add3A_374 : i32 to vector<16xi32>
      %add3A_376 = arith.addi %mul3A_373, %add3A_375 : vector<16xi32>
      %gather3A_377 = tpu.vector_load_idx %arg8[%add3A_376] : memref<20480xf32, #tpu.memory_space<vmem>>[vector<16xi32>], vector<16xf32>,
      %add3A_378 = arith.addf %gather3A_370, %gather3A_377 : vector<16xf32>
      %ge3A_379 = arith.constant 0.000000e+00 : f32
      %ge3A_380 = vector.broadcast %ge3A_379 : f32 to vector<16xf32>
      %ge3A_381 = arith.cmpf oge, %add3A_378, %ge3A_380 : vector<16xf32>
      %mul3A_382 = arith.constant 2.000000e-01 : f32
      %mul3A_383 = vector.broadcast %mul3A_382 : f32 to vector<16xf32>
      %mul3A_384 = arith.mulf %mul3A_383, %add3A_378 : vector<16xf32>
      %select_n3A_385 = arith.select %ge3A_381, %add3A_378, %mul3A_384 : vector<16xi1>, vector<16xf32>
      %sub3A_386 = arith.subf %select_n3A_385, %get3A_52 : vector<16xf32>
      %exp3A_387 = math.exp %sub3A_386 : vector<16xf32>
      %swap3A_388 = arith.constant 80 : index
      %swap3A_389 = tpu.vector_load %arg11[%swap3A_388] {strides = array<i32>} : memref<128xf32, #tpu.memory_space<vmem>>, vector<16xf32>,
      tpu.vector_store %arg11[%swap3A_388], %exp3A_387 {strides = array<i32>} : memref<128xf32, #tpu.memory_space<vmem>>, vector<16xf32>,
      %get3A_390 = arith.constant 0 : i32
      %get3A_391 = tpu.memref_slice %arg9[%mul3A_184, %get3A_390] : memref<79x128xi32, #tpu.memory_space<vmem>> -> memref<1x128xi32, #tpu.memory_space<vmem>>
      %get3A_392 = tpu.memref_squeeze %get3A_391 : memref<1x128xi32, #tpu.memory_space<vmem>> -> memref<128xi32, #tpu.memory_space<vmem>>
      %get3A_393 = arith.constant 96 : index
      %get3A_394 = tpu.vector_load %get3A_392[%get3A_393] {strides = array<i32>} : memref<128xi32, #tpu.memory_space<vmem>>, vector<16xi32>,
      %get3A_395 = arith.constant 0 : i32
      %get3A_396 = tpu.memref_slice %arg10[%mul3A_184, %get3A_395] : memref<79x128xi32, #tpu.memory_space<vmem>> -> memref<1x128xi32, #tpu.memory_space<vmem>>
      %get3A_397 = tpu.memref_squeeze %get3A_396 : memref<1x128xi32, #tpu.memory_space<vmem>> -> memref<128xi32, #tpu.memory_space<vmem>>
      %get3A_398 = arith.constant 96 : index
      %get3A_399 = tpu.vector_load %get3A_397[%get3A_398] {strides = array<i32>} : memref<128xi32, #tpu.memory_space<vmem>>, vector<16xi32>,
      %mul3A_400 = arith.constant 2 : i32
      %mul3A_401 = vector.broadcast %mul3A_400 : i32 to vector<16xi32>
      %mul3A_402 = arith.muli %get3A_394, %mul3A_401 : vector<16xi32>
      %gather3A_403 = tpu.vector_load_idx %arg8[%mul3A_402] : memref<20480xf32, #tpu.memory_space<vmem>>[vector<16xi32>], vector<16xf32>,
      %mul3A_404 = arith.constant 2 : i32
      %mul3A_405 = vector.broadcast %mul3A_404 : i32 to vector<16xi32>
      %mul3A_406 = arith.muli %get3A_399, %mul3A_405 : vector<16xi32>
      %add3A_407 = arith.constant 1 : i32
      %add3A_408 = vector.broadcast %add3A_407 : i32 to vector<16xi32>
      %add3A_409 = arith.addi %mul3A_406, %add3A_408 : vector<16xi32>
      %gather3A_410 = tpu.vector_load_idx %arg8[%add3A_409] : memref<20480xf32, #tpu.memory_space<vmem>>[vector<16xi32>], vector<16xf32>,
      %add3A_411 = arith.addf %gather3A_403, %gather3A_410 : vector<16xf32>
      %ge3A_412 = arith.constant 0.000000e+00 : f32
      %ge3A_413 = vector.broadcast %ge3A_412 : f32 to vector<16xf32>
      %ge3A_414 = arith.cmpf oge, %add3A_411, %ge3A_413 : vector<16xf32>
      %mul3A_415 = arith.constant 2.000000e-01 : f32
      %mul3A_416 = vector.broadcast %mul3A_415 : f32 to vector<16xf32>
      %mul3A_417 = arith.mulf %mul3A_416, %add3A_411 : vector<16xf32>
      %select_n3A_418 = arith.select %ge3A_414, %add3A_411, %mul3A_417 : vector<16xi1>, vector<16xf32>
      %sub3A_419 = arith.subf %select_n3A_418, %get3A_52 : vector<16xf32>
      %exp3A_420 = math.exp %sub3A_419 : vector<16xf32>
      %swap3A_421 = arith.constant 96 : index
      %swap3A_422 = tpu.vector_load %arg11[%swap3A_421] {strides = array<i32>} : memref<128xf32, #tpu.memory_space<vmem>>, vector<16xf32>,
      tpu.vector_store %arg11[%swap3A_421], %exp3A_420 {strides = array<i32>} : memref<128xf32, #tpu.memory_space<vmem>>, vector<16xf32>,
      %get3A_423 = arith.constant 0 : i32
      %get3A_424 = tpu.memref_slice %arg9[%mul3A_184, %get3A_423] : memref<79x128xi32, #tpu.memory_space<vmem>> -> memref<1x128xi32, #tpu.memory_space<vmem>>
      %get3A_425 = tpu.memref_squeeze %get3A_424 : memref<1x128xi32, #tpu.memory_space<vmem>> -> memref<128xi32, #tpu.memory_space<vmem>>
      %get3A_426 = arith.constant 112 : index
      %get3A_427 = tpu.vector_load %get3A_425[%get3A_426] {strides = array<i32>} : memref<128xi32, #tpu.memory_space<vmem>>, vector<16xi32>,
      %get3A_428 = arith.constant 0 : i32
      %get3A_429 = tpu.memref_slice %arg10[%mul3A_184, %get3A_428] : memref<79x128xi32, #tpu.memory_space<vmem>> -> memref<1x128xi32, #tpu.memory_space<vmem>>
      %get3A_430 = tpu.memref_squeeze %get3A_429 : memref<1x128xi32, #tpu.memory_space<vmem>> -> memref<128xi32, #tpu.memory_space<vmem>>
      %get3A_431 = arith.constant 112 : index
      %get3A_432 = tpu.vector_load %get3A_430[%get3A_431] {strides = array<i32>} : memref<128xi32, #tpu.memory_space<vmem>>, vector<16xi32>,
      %mul3A_433 = arith.constant 2 : i32
      %mul3A_434 = vector.broadcast %mul3A_433 : i32 to vector<16xi32>
      %mul3A_435 = arith.muli %get3A_427, %mul3A_434 : vector<16xi32>
      %gather3A_436 = tpu.vector_load_idx %arg8[%mul3A_435] : memref<20480xf32, #tpu.memory_space<vmem>>[vector<16xi32>], vector<16xf32>,
      %mul3A_437 = arith.constant 2 : i32
      %mul3A_438 = vector.broadcast %mul3A_437 : i32 to vector<16xi32>
      %mul3A_439 = arith.muli %get3A_432, %mul3A_438 : vector<16xi32>
      %add3A_440 = arith.constant 1 : i32
      %add3A_441 = vector.broadcast %add3A_440 : i32 to vector<16xi32>
      %add3A_442 = arith.addi %mul3A_439, %add3A_441 : vector<16xi32>
      %gather3A_443 = tpu.vector_load_idx %arg8[%add3A_442] : memref<20480xf32, #tpu.memory_space<vmem>>[vector<16xi32>], vector<16xf32>,
      %add3A_444 = arith.addf %gather3A_436, %gather3A_443 : vector<16xf32>
      %ge3A_445 = arith.constant 0.000000e+00 : f32
      %ge3A_446 = vector.broadcast %ge3A_445 : f32 to vector<16xf32>
      %ge3A_447 = arith.cmpf oge, %add3A_444, %ge3A_446 : vector<16xf32>
      %mul3A_448 = arith.constant 2.000000e-01 : f32
      %mul3A_449 = vector.broadcast %mul3A_448 : f32 to vector<16xf32>
      %mul3A_450 = arith.mulf %mul3A_449, %add3A_444 : vector<16xf32>
      %select_n3A_451 = arith.select %ge3A_447, %add3A_444, %mul3A_450 : vector<16xi1>, vector<16xf32>
      %sub3A_452 = arith.subf %select_n3A_451, %get3A_52 : vector<16xf32>
      %exp3A_453 = math.exp %sub3A_452 : vector<16xf32>
      %swap3A_454 = arith.constant 112 : index
      %swap3A_455 = tpu.vector_load %arg11[%swap3A_454] {strides = array<i32>} : memref<128xf32, #tpu.memory_space<vmem>>, vector<16xf32>,
      tpu.vector_store %arg11[%swap3A_454], %exp3A_453 {strides = array<i32>} : memref<128xf32, #tpu.memory_space<vmem>>, vector<16xf32>,
      %dma_start3A_456 = arith.constant 0 : i32
      %dma_start3A_457 = tpu.memref_slice %arg10[%mul3A_184, %dma_start3A_456] : memref<79x128xi32, #tpu.memory_space<vmem>> -> memref<1x128xi32, #tpu.memory_space<vmem>>
      %dma_start3A_458 = tpu.memref_squeeze %dma_start3A_457 : memref<1x128xi32, #tpu.memory_space<vmem>> -> memref<128xi32, #tpu.memory_space<vmem>>
      %dma_start3A_459 = arith.constant 0 : i32
      %dma_start3A_460 = tpu.memref_slice %arg18[%dma_start3A_459] : memref<10240xf32, #tpu.memory_space<vmem_shared>> -> memref<10240xf32, #tpu.memory_space<vmem_shared>>
      tpu.enqueue_indirect_dma source(%arg11 : memref<128xf32, #tpu.memory_space<vmem>>) target(%dma_start3A_460 : memref<10240xf32, #tpu.memory_space<vmem_shared>>) offsets(%dma_start3A_458 : memref<128xi32, #tpu.memory_space<vmem>>) semaphore(%arg23 : memref<!tpu.dma_semaphore, #tpu.memory_space<semaphore_mem>>) {add = true}
      %add3A_461 = arith.constant 1 : i32
      %add3A_462 = arith.addi %mul3A_184, %add3A_461 : i32
      %dma_start3A_463 = arith.constant 0 : i32
      %dma_start3A_464 = tpu.memref_slice %arg9[%add3A_462, %dma_start3A_463] : memref<79x128xi32, #tpu.memory_space<vmem>> -> memref<1x128xi32, #tpu.memory_space<vmem>>
      %dma_start3A_465 = tpu.memref_squeeze %dma_start3A_464 : memref<1x128xi32, #tpu.memory_space<vmem>> -> memref<128xi32, #tpu.memory_space<vmem>>
      %dma_start3A_466 = arith.constant 0 : i32
      %dma_start3A_467 = arith.constant 0 : i32
      %dma_start3A_468 = tpu.memref_slice %arg2[%dma_start3A_466, %dma_start3A_467] : memref<10240x128xbf16, #tpu.memory_space<hbm>> -> memref<10240x128xbf16, #tpu.memory_space<hbm>>
      tpu.enqueue_indirect_dma source(%dma_start3A_468 : memref<10240x128xbf16, #tpu.memory_space<hbm>>) target(%arg15 : memref<128x128xbf16, #tpu.memory_space<vmem>>) offsets(%dma_start3A_465 : memref<128xi32, #tpu.memory_space<vmem>>) semaphore(%arg20 : memref<!tpu.dma_semaphore, #tpu.memory_space<semaphore_mem>>)
      %dma_wait3A_469 = arith.constant 0 : i32
      %dma_wait3A_470 = tpu.memref_slice %arg9[%mul3A_184, %dma_wait3A_469] : memref<79x128xi32, #tpu.memory_space<vmem>> -> memref<1x128xi32, #tpu.memory_space<vmem>>
      %dma_wait3A_471 = tpu.memref_squeeze %dma_wait3A_470 : memref<1x128xi32, #tpu.memory_space<vmem>> -> memref<128xi32, #tpu.memory_space<vmem>>
      %dma_wait3A_472 = arith.constant 0 : i32
      %dma_wait3A_473 = arith.constant 0 : i32
      %dma_wait3A_474 = tpu.memref_slice %arg2[%dma_wait3A_472, %dma_wait3A_473] : memref<10240x128xbf16, #tpu.memory_space<hbm>> -> memref<10240x128xbf16, #tpu.memory_space<hbm>>
      tpu.wait_indirect_dma semaphore(%arg19 : memref<!tpu.dma_semaphore, #tpu.memory_space<semaphore_mem>>) src(%dma_wait3A_474 : memref<10240x128xbf16, #tpu.memory_space<hbm>>) dst(%arg14 : memref<128x128xbf16, #tpu.memory_space<vmem>>)
      %scan3A_475 = arith.constant 0 : i32
      %scan3A_476 = arith.constant 0 : i32
      %scan3A_477 = arith.constant 32 : i32
      %scan3A_478 = arith.addi %scan3A_476, %scan3A_477 : i32
      %scan3A_479 = arith.constant 1 : i32
      %scan3A_480 = scf.for %scan3A_807 = %scan3A_476 to %scan3A_478 step %scan3A_479 iter_args(%scan3A_808 = %scan3A_475) -> (i32)  : i32 {
        %mul3A_809 = arith.constant 4 : i32
        %mul3A_810 = arith.muli %scan3A_807, %mul3A_809 : i32
        %add3A_811 = arith.constant 0 : i32
        %add3A_812 = arith.addi %mul3A_810, %add3A_811 : i32
        %add3A_813 = vector.broadcast %add3A_812 : i32 to vector<16xi32>
        %add3A_814 = arith.addi %broadcast_in_dim3A_54, %add3A_813 : vector<16xi32>
        %gather3A_815 = tpu.vector_load_idx %arg11[%add3A_814] : memref<128xf32, #tpu.memory_space<vmem>>[vector<16xi32>], vector<16xf32>,
        %get3A_816 = arith.constant 0 : i32
        %get3A_817 = tpu.memref_slice %arg14[%add3A_812, %get3A_816] : memref<128x128xbf16, #tpu.memory_space<vmem>> -> memref<1x128xbf16, #tpu.memory_space<vmem>>
        %get3A_818 = tpu.memref_squeeze %get3A_817 : memref<1x128xbf16, #tpu.memory_space<vmem>> -> memref<128xbf16, #tpu.memory_space<vmem>>
        %get3A_819 = arith.constant 0 : index
        %get3A_820 = tpu.vector_load %get3A_818[%get3A_819] {strides = array<i32>} : memref<128xbf16, #tpu.memory_space<vmem>>, vector<32xbf16>,
        %unpack3A = tpu.unpack_subelements %get3A_820, 0 {pack_format = #tpu.pack_format<interleaved>} : vector<32xbf16> -> vector<16xf32>
        %unpack3A_821 = tpu.unpack_subelements %get3A_820, 1 {pack_format = #tpu.pack_format<interleaved>} : vector<32xbf16> -> vector<16xf32>
        %mul3A_822 = arith.mulf %unpack3A, %gather3A_815 : vector<16xf32>
        %mul3A_823 = arith.mulf %unpack3A_821, %gather3A_815 : vector<16xf32>
        %pack3A = tpu.pack_subelements %mul3A_822, %mul3A_823 {pack_format = #tpu.pack_format<interleaved>, positions = array<i32: 0, 1>} : vector<16xf32>, vector<16xf32> -> vector<32xbf16>
        %swap3A_824 = arith.constant 0 : i32
        %swap3A_825 = tpu.memref_slice %arg14[%add3A_812, %swap3A_824] : memref<128x128xbf16, #tpu.memory_space<vmem>> -> memref<1x128xbf16, #tpu.memory_space<vmem>>
        %swap3A_826 = tpu.memref_squeeze %swap3A_825 : memref<1x128xbf16, #tpu.memory_space<vmem>> -> memref<128xbf16, #tpu.memory_space<vmem>>
        %swap3A_827 = arith.constant 0 : index
        %swap3A_828 = tpu.vector_load %swap3A_826[%swap3A_827] {strides = array<i32>} : memref<128xbf16, #tpu.memory_space<vmem>>, vector<32xbf16>,
        tpu.vector_store %swap3A_826[%swap3A_827], %pack3A {strides = array<i32>} : memref<128xbf16, #tpu.memory_space<vmem>>, vector<32xbf16>,
        %get3A_829 = arith.constant 0 : i32
        %get3A_830 = tpu.memref_slice %arg14[%add3A_812, %get3A_829] : memref<128x128xbf16, #tpu.memory_space<vmem>> -> memref<1x128xbf16, #tpu.memory_space<vmem>>
        %get3A_831 = tpu.memref_squeeze %get3A_830 : memref<1x128xbf16, #tpu.memory_space<vmem>> -> memref<128xbf16, #tpu.memory_space<vmem>>
        %get3A_832 = arith.constant 32 : index
        %get3A_833 = tpu.vector_load %get3A_831[%get3A_832] {strides = array<i32>} : memref<128xbf16, #tpu.memory_space<vmem>>, vector<32xbf16>,
        %unpack3A_834 = tpu.unpack_subelements %get3A_833, 0 {pack_format = #tpu.pack_format<interleaved>} : vector<32xbf16> -> vector<16xf32>
        %unpack3A_835 = tpu.unpack_subelements %get3A_833, 1 {pack_format = #tpu.pack_format<interleaved>} : vector<32xbf16> -> vector<16xf32>
        %mul3A_836 = arith.mulf %unpack3A_834, %gather3A_815 : vector<16xf32>
        %mul3A_837 = arith.mulf %unpack3A_835, %gather3A_815 : vector<16xf32>
        %pack3A_838 = tpu.pack_subelements %mul3A_836, %mul3A_837 {pack_format = #tpu.pack_format<interleaved>, positions = array<i32: 0, 1>} : vector<16xf32>, vector<16xf32> -> vector<32xbf16>
        %swap3A_839 = arith.constant 0 : i32
        %swap3A_840 = tpu.memref_slice %arg14[%add3A_812, %swap3A_839] : memref<128x128xbf16, #tpu.memory_space<vmem>> -> memref<1x128xbf16, #tpu.memory_space<vmem>>
        %swap3A_841 = tpu.memref_squeeze %swap3A_840 : memref<1x128xbf16, #tpu.memory_space<vmem>> -> memref<128xbf16, #tpu.memory_space<vmem>>
        %swap3A_842 = arith.constant 32 : index
        %swap3A_843 = tpu.vector_load %swap3A_841[%swap3A_842] {strides = array<i32>} : memref<128xbf16, #tpu.memory_space<vmem>>, vector<32xbf16>,
        tpu.vector_store %swap3A_841[%swap3A_842], %pack3A_838 {strides = array<i32>} : memref<128xbf16, #tpu.memory_space<vmem>>, vector<32xbf16>,
        %get3A_844 = arith.constant 0 : i32
        %get3A_845 = tpu.memref_slice %arg14[%add3A_812, %get3A_844] : memref<128x128xbf16, #tpu.memory_space<vmem>> -> memref<1x128xbf16, #tpu.memory_space<vmem>>
        %get3A_846 = tpu.memref_squeeze %get3A_845 : memref<1x128xbf16, #tpu.memory_space<vmem>> -> memref<128xbf16, #tpu.memory_space<vmem>>
        %get3A_847 = arith.constant 64 : index
        %get3A_848 = tpu.vector_load %get3A_846[%get3A_847] {strides = array<i32>} : memref<128xbf16, #tpu.memory_space<vmem>>, vector<32xbf16>,
        %unpack3A_849 = tpu.unpack_subelements %get3A_848, 0 {pack_format = #tpu.pack_format<interleaved>} : vector<32xbf16> -> vector<16xf32>
        %unpack3A_850 = tpu.unpack_subelements %get3A_848, 1 {pack_format = #tpu.pack_format<interleaved>} : vector<32xbf16> -> vector<16xf32>
        %mul3A_851 = arith.mulf %unpack3A_849, %gather3A_815 : vector<16xf32>
        %mul3A_852 = arith.mulf %unpack3A_850, %gather3A_815 : vector<16xf32>
        %pack3A_853 = tpu.pack_subelements %mul3A_851, %mul3A_852 {pack_format = #tpu.pack_format<interleaved>, positions = array<i32: 0, 1>} : vector<16xf32>, vector<16xf32> -> vector<32xbf16>
        %swap3A_854 = arith.constant 0 : i32
        %swap3A_855 = tpu.memref_slice %arg14[%add3A_812, %swap3A_854] : memref<128x128xbf16, #tpu.memory_space<vmem>> -> memref<1x128xbf16, #tpu.memory_space<vmem>>
        %swap3A_856 = tpu.memref_squeeze %swap3A_855 : memref<1x128xbf16, #tpu.memory_space<vmem>> -> memref<128xbf16, #tpu.memory_space<vmem>>
        %swap3A_857 = arith.constant 64 : index
        %swap3A_858 = tpu.vector_load %swap3A_856[%swap3A_857] {strides = array<i32>} : memref<128xbf16, #tpu.memory_space<vmem>>, vector<32xbf16>,
        tpu.vector_store %swap3A_856[%swap3A_857], %pack3A_853 {strides = array<i32>} : memref<128xbf16, #tpu.memory_space<vmem>>, vector<32xbf16>,
        %get3A_859 = arith.constant 0 : i32
        %get3A_860 = tpu.memref_slice %arg14[%add3A_812, %get3A_859] : memref<128x128xbf16, #tpu.memory_space<vmem>> -> memref<1x128xbf16, #tpu.memory_space<vmem>>
        %get3A_861 = tpu.memref_squeeze %get3A_860 : memref<1x128xbf16, #tpu.memory_space<vmem>> -> memref<128xbf16, #tpu.memory_space<vmem>>
        %get3A_862 = arith.constant 96 : index
        %get3A_863 = tpu.vector_load %get3A_861[%get3A_862] {strides = array<i32>} : memref<128xbf16, #tpu.memory_space<vmem>>, vector<32xbf16>,
        %unpack3A_864 = tpu.unpack_subelements %get3A_863, 0 {pack_format = #tpu.pack_format<interleaved>} : vector<32xbf16> -> vector<16xf32>
        %unpack3A_865 = tpu.unpack_subelements %get3A_863, 1 {pack_format = #tpu.pack_format<interleaved>} : vector<32xbf16> -> vector<16xf32>
        %mul3A_866 = arith.mulf %unpack3A_864, %gather3A_815 : vector<16xf32>
        %mul3A_867 = arith.mulf %unpack3A_865, %gather3A_815 : vector<16xf32>
        %pack3A_868 = tpu.pack_subelements %mul3A_866, %mul3A_867 {pack_format = #tpu.pack_format<interleaved>, positions = array<i32: 0, 1>} : vector<16xf32>, vector<16xf32> -> vector<32xbf16>
        %swap3A_869 = arith.constant 0 : i32
        %swap3A_870 = tpu.memref_slice %arg14[%add3A_812, %swap3A_869] : memref<128x128xbf16, #tpu.memory_space<vmem>> -> memref<1x128xbf16, #tpu.memory_space<vmem>>
        %swap3A_871 = tpu.memref_squeeze %swap3A_870 : memref<1x128xbf16, #tpu.memory_space<vmem>> -> memref<128xbf16, #tpu.memory_space<vmem>>
        %swap3A_872 = arith.constant 96 : index
        %swap3A_873 = tpu.vector_load %swap3A_871[%swap3A_872] {strides = array<i32>} : memref<128xbf16, #tpu.memory_space<vmem>>, vector<32xbf16>,
        tpu.vector_store %swap3A_871[%swap3A_872], %pack3A_868 {strides = array<i32>} : memref<128xbf16, #tpu.memory_space<vmem>>, vector<32xbf16>,
        %mul3A_874 = arith.constant 4 : i32
        %mul3A_875 = arith.muli %scan3A_807, %mul3A_874 : i32
        %add3A_876 = arith.constant 1 : i32
        %add3A_877 = arith.addi %mul3A_875, %add3A_876 : i32
        %add3A_878 = vector.broadcast %add3A_877 : i32 to vector<16xi32>
        %add3A_879 = arith.addi %broadcast_in_dim3A_54, %add3A_878 : vector<16xi32>
        %gather3A_880 = tpu.vector_load_idx %arg11[%add3A_879] : memref<128xf32, #tpu.memory_space<vmem>>[vector<16xi32>], vector<16xf32>,
        %get3A_881 = arith.constant 0 : i32
        %get3A_882 = tpu.memref_slice %arg14[%add3A_877, %get3A_881] : memref<128x128xbf16, #tpu.memory_space<vmem>> -> memref<1x128xbf16, #tpu.memory_space<vmem>>
        %get3A_883 = tpu.memref_squeeze %get3A_882 : memref<1x128xbf16, #tpu.memory_space<vmem>> -> memref<128xbf16, #tpu.memory_space<vmem>>
        %get3A_884 = arith.constant 0 : index
        %get3A_885 = tpu.vector_load %get3A_883[%get3A_884] {strides = array<i32>} : memref<128xbf16, #tpu.memory_space<vmem>>, vector<32xbf16>,
        %unpack3A_886 = tpu.unpack_subelements %get3A_885, 0 {pack_format = #tpu.pack_format<interleaved>} : vector<32xbf16> -> vector<16xf32>
        %unpack3A_887 = tpu.unpack_subelements %get3A_885, 1 {pack_format = #tpu.pack_format<interleaved>} : vector<32xbf16> -> vector<16xf32>
        %mul3A_888 = arith.mulf %unpack3A_886, %gather3A_880 : vector<16xf32>
        %mul3A_889 = arith.mulf %unpack3A_887, %gather3A_880 : vector<16xf32>
        %pack3A_890 = tpu.pack_subelements %mul3A_888, %mul3A_889 {pack_format = #tpu.pack_format<interleaved>, positions = array<i32: 0, 1>} : vector<16xf32>, vector<16xf32> -> vector<32xbf16>
        %swap3A_891 = arith.constant 0 : i32
        %swap3A_892 = tpu.memref_slice %arg14[%add3A_877, %swap3A_891] : memref<128x128xbf16, #tpu.memory_space<vmem>> -> memref<1x128xbf16, #tpu.memory_space<vmem>>
        %swap3A_893 = tpu.memref_squeeze %swap3A_892 : memref<1x128xbf16, #tpu.memory_space<vmem>> -> memref<128xbf16, #tpu.memory_space<vmem>>
        %swap3A_894 = arith.constant 0 : index
        %swap3A_895 = tpu.vector_load %swap3A_893[%swap3A_894] {strides = array<i32>} : memref<128xbf16, #tpu.memory_space<vmem>>, vector<32xbf16>,
        tpu.vector_store %swap3A_893[%swap3A_894], %pack3A_890 {strides = array<i32>} : memref<128xbf16, #tpu.memory_space<vmem>>, vector<32xbf16>,
        %get3A_896 = arith.constant 0 : i32
        %get3A_897 = tpu.memref_slice %arg14[%add3A_877, %get3A_896] : memref<128x128xbf16, #tpu.memory_space<vmem>> -> memref<1x128xbf16, #tpu.memory_space<vmem>>
        %get3A_898 = tpu.memref_squeeze %get3A_897 : memref<1x128xbf16, #tpu.memory_space<vmem>> -> memref<128xbf16, #tpu.memory_space<vmem>>
        %get3A_899 = arith.constant 32 : index
        %get3A_900 = tpu.vector_load %get3A_898[%get3A_899] {strides = array<i32>} : memref<128xbf16, #tpu.memory_space<vmem>>, vector<32xbf16>,
        %unpack3A_901 = tpu.unpack_subelements %get3A_900, 0 {pack_format = #tpu.pack_format<interleaved>} : vector<32xbf16> -> vector<16xf32>
        %unpack3A_902 = tpu.unpack_subelements %get3A_900, 1 {pack_format = #tpu.pack_format<interleaved>} : vector<32xbf16> -> vector<16xf32>
        %mul3A_903 = arith.mulf %unpack3A_901, %gather3A_880 : vector<16xf32>
        %mul3A_904 = arith.mulf %unpack3A_902, %gather3A_880 : vector<16xf32>
        %pack3A_905 = tpu.pack_subelements %mul3A_903, %mul3A_904 {pack_format = #tpu.pack_format<interleaved>, positions = array<i32: 0, 1>} : vector<16xf32>, vector<16xf32> -> vector<32xbf16>
        %swap3A_906 = arith.constant 0 : i32
        %swap3A_907 = tpu.memref_slice %arg14[%add3A_877, %swap3A_906] : memref<128x128xbf16, #tpu.memory_space<vmem>> -> memref<1x128xbf16, #tpu.memory_space<vmem>>
        %swap3A_908 = tpu.memref_squeeze %swap3A_907 : memref<1x128xbf16, #tpu.memory_space<vmem>> -> memref<128xbf16, #tpu.memory_space<vmem>>
        %swap3A_909 = arith.constant 32 : index
        %swap3A_910 = tpu.vector_load %swap3A_908[%swap3A_909] {strides = array<i32>} : memref<128xbf16, #tpu.memory_space<vmem>>, vector<32xbf16>,
        tpu.vector_store %swap3A_908[%swap3A_909], %pack3A_905 {strides = array<i32>} : memref<128xbf16, #tpu.memory_space<vmem>>, vector<32xbf16>,
        %get3A_911 = arith.constant 0 : i32
        %get3A_912 = tpu.memref_slice %arg14[%add3A_877, %get3A_911] : memref<128x128xbf16, #tpu.memory_space<vmem>> -> memref<1x128xbf16, #tpu.memory_space<vmem>>
        %get3A_913 = tpu.memref_squeeze %get3A_912 : memref<1x128xbf16, #tpu.memory_space<vmem>> -> memref<128xbf16, #tpu.memory_space<vmem>>
        %get3A_914 = arith.constant 64 : index
        %get3A_915 = tpu.vector_load %get3A_913[%get3A_914] {strides = array<i32>} : memref<128xbf16, #tpu.memory_space<vmem>>, vector<32xbf16>,
        %unpack3A_916 = tpu.unpack_subelements %get3A_915, 0 {pack_format = #tpu.pack_format<interleaved>} : vector<32xbf16> -> vector<16xf32>
        %unpack3A_917 = tpu.unpack_subelements %get3A_915, 1 {pack_format = #tpu.pack_format<interleaved>} : vector<32xbf16> -> vector<16xf32>
        %mul3A_918 = arith.mulf %unpack3A_916, %gather3A_880 : vector<16xf32>
        %mul3A_919 = arith.mulf %unpack3A_917, %gather3A_880 : vector<16xf32>
        %pack3A_920 = tpu.pack_subelements %mul3A_918, %mul3A_919 {pack_format = #tpu.pack_format<interleaved>, positions = array<i32: 0, 1>} : vector<16xf32>, vector<16xf32> -> vector<32xbf16>
        %swap3A_921 = arith.constant 0 : i32
        %swap3A_922 = tpu.memref_slice %arg14[%add3A_877, %swap3A_921] : memref<128x128xbf16, #tpu.memory_space<vmem>> -> memref<1x128xbf16, #tpu.memory_space<vmem>>
        %swap3A_923 = tpu.memref_squeeze %swap3A_922 : memref<1x128xbf16, #tpu.memory_space<vmem>> -> memref<128xbf16, #tpu.memory_space<vmem>>
        %swap3A_924 = arith.constant 64 : index
        %swap3A_925 = tpu.vector_load %swap3A_923[%swap3A_924] {strides = array<i32>} : memref<128xbf16, #tpu.memory_space<vmem>>, vector<32xbf16>,
        tpu.vector_store %swap3A_923[%swap3A_924], %pack3A_920 {strides = array<i32>} : memref<128xbf16, #tpu.memory_space<vmem>>, vector<32xbf16>,
        %get3A_926 = arith.constant 0 : i32
        %get3A_927 = tpu.memref_slice %arg14[%add3A_877, %get3A_926] : memref<128x128xbf16, #tpu.memory_space<vmem>> -> memref<1x128xbf16, #tpu.memory_space<vmem>>
        %get3A_928 = tpu.memref_squeeze %get3A_927 : memref<1x128xbf16, #tpu.memory_space<vmem>> -> memref<128xbf16, #tpu.memory_space<vmem>>
        %get3A_929 = arith.constant 96 : index
        %get3A_930 = tpu.vector_load %get3A_928[%get3A_929] {strides = array<i32>} : memref<128xbf16, #tpu.memory_space<vmem>>, vector<32xbf16>,
        %unpack3A_931 = tpu.unpack_subelements %get3A_930, 0 {pack_format = #tpu.pack_format<interleaved>} : vector<32xbf16> -> vector<16xf32>
        %unpack3A_932 = tpu.unpack_subelements %get3A_930, 1 {pack_format = #tpu.pack_format<interleaved>} : vector<32xbf16> -> vector<16xf32>
        %mul3A_933 = arith.mulf %unpack3A_931, %gather3A_880 : vector<16xf32>
        %mul3A_934 = arith.mulf %unpack3A_932, %gather3A_880 : vector<16xf32>
        %pack3A_935 = tpu.pack_subelements %mul3A_933, %mul3A_934 {pack_format = #tpu.pack_format<interleaved>, positions = array<i32: 0, 1>} : vector<16xf32>, vector<16xf32> -> vector<32xbf16>
        %swap3A_936 = arith.constant 0 : i32
        %swap3A_937 = tpu.memref_slice %arg14[%add3A_877, %swap3A_936] : memref<128x128xbf16, #tpu.memory_space<vmem>> -> memref<1x128xbf16, #tpu.memory_space<vmem>>
        %swap3A_938 = tpu.memref_squeeze %swap3A_937 : memref<1x128xbf16, #tpu.memory_space<vmem>> -> memref<128xbf16, #tpu.memory_space<vmem>>
        %swap3A_939 = arith.constant 96 : index
        %swap3A_940 = tpu.vector_load %swap3A_938[%swap3A_939] {strides = array<i32>} : memref<128xbf16, #tpu.memory_space<vmem>>, vector<32xbf16>,
        tpu.vector_store %swap3A_938[%swap3A_939], %pack3A_935 {strides = array<i32>} : memref<128xbf16, #tpu.memory_space<vmem>>, vector<32xbf16>,
        %mul3A_941 = arith.constant 4 : i32
        %mul3A_942 = arith.muli %scan3A_807, %mul3A_941 : i32
        %add3A_943 = arith.constant 2 : i32
        %add3A_944 = arith.addi %mul3A_942, %add3A_943 : i32
        %add3A_945 = vector.broadcast %add3A_944 : i32 to vector<16xi32>
        %add3A_946 = arith.addi %broadcast_in_dim3A_54, %add3A_945 : vector<16xi32>
        %gather3A_947 = tpu.vector_load_idx %arg11[%add3A_946] : memref<128xf32, #tpu.memory_space<vmem>>[vector<16xi32>], vector<16xf32>,
        %get3A_948 = arith.constant 0 : i32
        %get3A_949 = tpu.memref_slice %arg14[%add3A_944, %get3A_948] : memref<128x128xbf16, #tpu.memory_space<vmem>> -> memref<1x128xbf16, #tpu.memory_space<vmem>>
        %get3A_950 = tpu.memref_squeeze %get3A_949 : memref<1x128xbf16, #tpu.memory_space<vmem>> -> memref<128xbf16, #tpu.memory_space<vmem>>
        %get3A_951 = arith.constant 0 : index
        %get3A_952 = tpu.vector_load %get3A_950[%get3A_951] {strides = array<i32>} : memref<128xbf16, #tpu.memory_space<vmem>>, vector<32xbf16>,
        %unpack3A_953 = tpu.unpack_subelements %get3A_952, 0 {pack_format = #tpu.pack_format<interleaved>} : vector<32xbf16> -> vector<16xf32>
        %unpack3A_954 = tpu.unpack_subelements %get3A_952, 1 {pack_format = #tpu.pack_format<interleaved>} : vector<32xbf16> -> vector<16xf32>
        %mul3A_955 = arith.mulf %unpack3A_953, %gather3A_947 : vector<16xf32>
        %mul3A_956 = arith.mulf %unpack3A_954, %gather3A_947 : vector<16xf32>
        %pack3A_957 = tpu.pack_subelements %mul3A_955, %mul3A_956 {pack_format = #tpu.pack_format<interleaved>, positions = array<i32: 0, 1>} : vector<16xf32>, vector<16xf32> -> vector<32xbf16>
        %swap3A_958 = arith.constant 0 : i32
        %swap3A_959 = tpu.memref_slice %arg14[%add3A_944, %swap3A_958] : memref<128x128xbf16, #tpu.memory_space<vmem>> -> memref<1x128xbf16, #tpu.memory_space<vmem>>
        %swap3A_960 = tpu.memref_squeeze %swap3A_959 : memref<1x128xbf16, #tpu.memory_space<vmem>> -> memref<128xbf16, #tpu.memory_space<vmem>>
        %swap3A_961 = arith.constant 0 : index
        %swap3A_962 = tpu.vector_load %swap3A_960[%swap3A_961] {strides = array<i32>} : memref<128xbf16, #tpu.memory_space<vmem>>, vector<32xbf16>,
        tpu.vector_store %swap3A_960[%swap3A_961], %pack3A_957 {strides = array<i32>} : memref<128xbf16, #tpu.memory_space<vmem>>, vector<32xbf16>,
        %get3A_963 = arith.constant 0 : i32
        %get3A_964 = tpu.memref_slice %arg14[%add3A_944, %get3A_963] : memref<128x128xbf16, #tpu.memory_space<vmem>> -> memref<1x128xbf16, #tpu.memory_space<vmem>>
        %get3A_965 = tpu.memref_squeeze %get3A_964 : memref<1x128xbf16, #tpu.memory_space<vmem>> -> memref<128xbf16, #tpu.memory_space<vmem>>
        %get3A_966 = arith.constant 32 : index
        %get3A_967 = tpu.vector_load %get3A_965[%get3A_966] {strides = array<i32>} : memref<128xbf16, #tpu.memory_space<vmem>>, vector<32xbf16>,
        %unpack3A_968 = tpu.unpack_subelements %get3A_967, 0 {pack_format = #tpu.pack_format<interleaved>} : vector<32xbf16> -> vector<16xf32>
        %unpack3A_969 = tpu.unpack_subelements %get3A_967, 1 {pack_format = #tpu.pack_format<interleaved>} : vector<32xbf16> -> vector<16xf32>
        %mul3A_970 = arith.mulf %unpack3A_968, %gather3A_947 : vector<16xf32>
        %mul3A_971 = arith.mulf %unpack3A_969, %gather3A_947 : vector<16xf32>
        %pack3A_972 = tpu.pack_subelements %mul3A_970, %mul3A_971 {pack_format = #tpu.pack_format<interleaved>, positions = array<i32: 0, 1>} : vector<16xf32>, vector<16xf32> -> vector<32xbf16>
        %swap3A_973 = arith.constant 0 : i32
        %swap3A_974 = tpu.memref_slice %arg14[%add3A_944, %swap3A_973] : memref<128x128xbf16, #tpu.memory_space<vmem>> -> memref<1x128xbf16, #tpu.memory_space<vmem>>
        %swap3A_975 = tpu.memref_squeeze %swap3A_974 : memref<1x128xbf16, #tpu.memory_space<vmem>> -> memref<128xbf16, #tpu.memory_space<vmem>>
        %swap3A_976 = arith.constant 32 : index
        %swap3A_977 = tpu.vector_load %swap3A_975[%swap3A_976] {strides = array<i32>} : memref<128xbf16, #tpu.memory_space<vmem>>, vector<32xbf16>,
        tpu.vector_store %swap3A_975[%swap3A_976], %pack3A_972 {strides = array<i32>} : memref<128xbf16, #tpu.memory_space<vmem>>, vector<32xbf16>,
        %get3A_978 = arith.constant 0 : i32
        %get3A_979 = tpu.memref_slice %arg14[%add3A_944, %get3A_978] : memref<128x128xbf16, #tpu.memory_space<vmem>> -> memref<1x128xbf16, #tpu.memory_space<vmem>>
        %get3A_980 = tpu.memref_squeeze %get3A_979 : memref<1x128xbf16, #tpu.memory_space<vmem>> -> memref<128xbf16, #tpu.memory_space<vmem>>
        %get3A_981 = arith.constant 64 : index
        %get3A_982 = tpu.vector_load %get3A_980[%get3A_981] {strides = array<i32>} : memref<128xbf16, #tpu.memory_space<vmem>>, vector<32xbf16>,
        %unpack3A_983 = tpu.unpack_subelements %get3A_982, 0 {pack_format = #tpu.pack_format<interleaved>} : vector<32xbf16> -> vector<16xf32>
        %unpack3A_984 = tpu.unpack_subelements %get3A_982, 1 {pack_format = #tpu.pack_format<interleaved>} : vector<32xbf16> -> vector<16xf32>
        %mul3A_985 = arith.mulf %unpack3A_983, %gather3A_947 : vector<16xf32>
        %mul3A_986 = arith.mulf %unpack3A_984, %gather3A_947 : vector<16xf32>
        %pack3A_987 = tpu.pack_subelements %mul3A_985, %mul3A_986 {pack_format = #tpu.pack_format<interleaved>, positions = array<i32: 0, 1>} : vector<16xf32>, vector<16xf32> -> vector<32xbf16>
        %swap3A_988 = arith.constant 0 : i32
        %swap3A_989 = tpu.memref_slice %arg14[%add3A_944, %swap3A_988] : memref<128x128xbf16, #tpu.memory_space<vmem>> -> memref<1x128xbf16, #tpu.memory_space<vmem>>
        %swap3A_990 = tpu.memref_squeeze %swap3A_989 : memref<1x128xbf16, #tpu.memory_space<vmem>> -> memref<128xbf16, #tpu.memory_space<vmem>>
        %swap3A_991 = arith.constant 64 : index
        %swap3A_992 = tpu.vector_load %swap3A_990[%swap3A_991] {strides = array<i32>} : memref<128xbf16, #tpu.memory_space<vmem>>, vector<32xbf16>,
        tpu.vector_store %swap3A_990[%swap3A_991], %pack3A_987 {strides = array<i32>} : memref<128xbf16, #tpu.memory_space<vmem>>, vector<32xbf16>,
        %get3A_993 = arith.constant 0 : i32
        %get3A_994 = tpu.memref_slice %arg14[%add3A_944, %get3A_993] : memref<128x128xbf16, #tpu.memory_space<vmem>> -> memref<1x128xbf16, #tpu.memory_space<vmem>>
        %get3A_995 = tpu.memref_squeeze %get3A_994 : memref<1x128xbf16, #tpu.memory_space<vmem>> -> memref<128xbf16, #tpu.memory_space<vmem>>
        %get3A_996 = arith.constant 96 : index
        %get3A_997 = tpu.vector_load %get3A_995[%get3A_996] {strides = array<i32>} : memref<128xbf16, #tpu.memory_space<vmem>>, vector<32xbf16>,
        %unpack3A_998 = tpu.unpack_subelements %get3A_997, 0 {pack_format = #tpu.pack_format<interleaved>} : vector<32xbf16> -> vector<16xf32>
        %unpack3A_999 = tpu.unpack_subelements %get3A_997, 1 {pack_format = #tpu.pack_format<interleaved>} : vector<32xbf16> -> vector<16xf32>
        %mul3A_1000 = arith.mulf %unpack3A_998, %gather3A_947 : vector<16xf32>
        %mul3A_1001 = arith.mulf %unpack3A_999, %gather3A_947 : vector<16xf32>
        %pack3A_1002 = tpu.pack_subelements %mul3A_1000, %mul3A_1001 {pack_format = #tpu.pack_format<interleaved>, positions = array<i32: 0, 1>} : vector<16xf32>, vector<16xf32> -> vector<32xbf16>
        %swap3A_1003 = arith.constant 0 : i32
        %swap3A_1004 = tpu.memref_slice %arg14[%add3A_944, %swap3A_1003] : memref<128x128xbf16, #tpu.memory_space<vmem>> -> memref<1x128xbf16, #tpu.memory_space<vmem>>
        %swap3A_1005 = tpu.memref_squeeze %swap3A_1004 : memref<1x128xbf16, #tpu.memory_space<vmem>> -> memref<128xbf16, #tpu.memory_space<vmem>>
        %swap3A_1006 = arith.constant 96 : index
        %swap3A_1007 = tpu.vector_load %swap3A_1005[%swap3A_1006] {strides = array<i32>} : memref<128xbf16, #tpu.memory_space<vmem>>, vector<32xbf16>,
        tpu.vector_store %swap3A_1005[%swap3A_1006], %pack3A_1002 {strides = array<i32>} : memref<128xbf16, #tpu.memory_space<vmem>>, vector<32xbf16>,
        %mul3A_1008 = arith.constant 4 : i32
        %mul3A_1009 = arith.muli %scan3A_807, %mul3A_1008 : i32
        %add3A_1010 = arith.constant 3 : i32
        %add3A_1011 = arith.addi %mul3A_1009, %add3A_1010 : i32
        %add3A_1012 = vector.broadcast %add3A_1011 : i32 to vector<16xi32>
        %add3A_1013 = arith.addi %broadcast_in_dim3A_54, %add3A_1012 : vector<16xi32>
        %gather3A_1014 = tpu.vector_load_idx %arg11[%add3A_1013] : memref<128xf32, #tpu.memory_space<vmem>>[vector<16xi32>], vector<16xf32>,
        %get3A_1015 = arith.constant 0 : i32
        %get3A_1016 = tpu.memref_slice %arg14[%add3A_1011, %get3A_1015] : memref<128x128xbf16, #tpu.memory_space<vmem>> -> memref<1x128xbf16, #tpu.memory_space<vmem>>
        %get3A_1017 = tpu.memref_squeeze %get3A_1016 : memref<1x128xbf16, #tpu.memory_space<vmem>> -> memref<128xbf16, #tpu.memory_space<vmem>>
        %get3A_1018 = arith.constant 0 : index
        %get3A_1019 = tpu.vector_load %get3A_1017[%get3A_1018] {strides = array<i32>} : memref<128xbf16, #tpu.memory_space<vmem>>, vector<32xbf16>,
        %unpack3A_1020 = tpu.unpack_subelements %get3A_1019, 0 {pack_format = #tpu.pack_format<interleaved>} : vector<32xbf16> -> vector<16xf32>
        %unpack3A_1021 = tpu.unpack_subelements %get3A_1019, 1 {pack_format = #tpu.pack_format<interleaved>} : vector<32xbf16> -> vector<16xf32>
        %mul3A_1022 = arith.mulf %unpack3A_1020, %gather3A_1014 : vector<16xf32>
        %mul3A_1023 = arith.mulf %unpack3A_1021, %gather3A_1014 : vector<16xf32>
        %pack3A_1024 = tpu.pack_subelements %mul3A_1022, %mul3A_1023 {pack_format = #tpu.pack_format<interleaved>, positions = array<i32: 0, 1>} : vector<16xf32>, vector<16xf32> -> vector<32xbf16>
        %swap3A_1025 = arith.constant 0 : i32
        %swap3A_1026 = tpu.memref_slice %arg14[%add3A_1011, %swap3A_1025] : memref<128x128xbf16, #tpu.memory_space<vmem>> -> memref<1x128xbf16, #tpu.memory_space<vmem>>
        %swap3A_1027 = tpu.memref_squeeze %swap3A_1026 : memref<1x128xbf16, #tpu.memory_space<vmem>> -> memref<128xbf16, #tpu.memory_space<vmem>>
        %swap3A_1028 = arith.constant 0 : index
        %swap3A_1029 = tpu.vector_load %swap3A_1027[%swap3A_1028] {strides = array<i32>} : memref<128xbf16, #tpu.memory_space<vmem>>, vector<32xbf16>,
        tpu.vector_store %swap3A_1027[%swap3A_1028], %pack3A_1024 {strides = array<i32>} : memref<128xbf16, #tpu.memory_space<vmem>>, vector<32xbf16>,
        %get3A_1030 = arith.constant 0 : i32
        %get3A_1031 = tpu.memref_slice %arg14[%add3A_1011, %get3A_1030] : memref<128x128xbf16, #tpu.memory_space<vmem>> -> memref<1x128xbf16, #tpu.memory_space<vmem>>
        %get3A_1032 = tpu.memref_squeeze %get3A_1031 : memref<1x128xbf16, #tpu.memory_space<vmem>> -> memref<128xbf16, #tpu.memory_space<vmem>>
        %get3A_1033 = arith.constant 32 : index
        %get3A_1034 = tpu.vector_load %get3A_1032[%get3A_1033] {strides = array<i32>} : memref<128xbf16, #tpu.memory_space<vmem>>, vector<32xbf16>,
        %unpack3A_1035 = tpu.unpack_subelements %get3A_1034, 0 {pack_format = #tpu.pack_format<interleaved>} : vector<32xbf16> -> vector<16xf32>
        %unpack3A_1036 = tpu.unpack_subelements %get3A_1034, 1 {pack_format = #tpu.pack_format<interleaved>} : vector<32xbf16> -> vector<16xf32>
        %mul3A_1037 = arith.mulf %unpack3A_1035, %gather3A_1014 : vector<16xf32>
        %mul3A_1038 = arith.mulf %unpack3A_1036, %gather3A_1014 : vector<16xf32>
        %pack3A_1039 = tpu.pack_subelements %mul3A_1037, %mul3A_1038 {pack_format = #tpu.pack_format<interleaved>, positions = array<i32: 0, 1>} : vector<16xf32>, vector<16xf32> -> vector<32xbf16>
        %swap3A_1040 = arith.constant 0 : i32
        %swap3A_1041 = tpu.memref_slice %arg14[%add3A_1011, %swap3A_1040] : memref<128x128xbf16, #tpu.memory_space<vmem>> -> memref<1x128xbf16, #tpu.memory_space<vmem>>
        %swap3A_1042 = tpu.memref_squeeze %swap3A_1041 : memref<1x128xbf16, #tpu.memory_space<vmem>> -> memref<128xbf16, #tpu.memory_space<vmem>>
        %swap3A_1043 = arith.constant 32 : index
        %swap3A_1044 = tpu.vector_load %swap3A_1042[%swap3A_1043] {strides = array<i32>} : memref<128xbf16, #tpu.memory_space<vmem>>, vector<32xbf16>,
        tpu.vector_store %swap3A_1042[%swap3A_1043], %pack3A_1039 {strides = array<i32>} : memref<128xbf16, #tpu.memory_space<vmem>>, vector<32xbf16>,
        %get3A_1045 = arith.constant 0 : i32
        %get3A_1046 = tpu.memref_slice %arg14[%add3A_1011, %get3A_1045] : memref<128x128xbf16, #tpu.memory_space<vmem>> -> memref<1x128xbf16, #tpu.memory_space<vmem>>
        %get3A_1047 = tpu.memref_squeeze %get3A_1046 : memref<1x128xbf16, #tpu.memory_space<vmem>> -> memref<128xbf16, #tpu.memory_space<vmem>>
        %get3A_1048 = arith.constant 64 : index
        %get3A_1049 = tpu.vector_load %get3A_1047[%get3A_1048] {strides = array<i32>} : memref<128xbf16, #tpu.memory_space<vmem>>, vector<32xbf16>,
        %unpack3A_1050 = tpu.unpack_subelements %get3A_1049, 0 {pack_format = #tpu.pack_format<interleaved>} : vector<32xbf16> -> vector<16xf32>
        %unpack3A_1051 = tpu.unpack_subelements %get3A_1049, 1 {pack_format = #tpu.pack_format<interleaved>} : vector<32xbf16> -> vector<16xf32>
        %mul3A_1052 = arith.mulf %unpack3A_1050, %gather3A_1014 : vector<16xf32>
        %mul3A_1053 = arith.mulf %unpack3A_1051, %gather3A_1014 : vector<16xf32>
        %pack3A_1054 = tpu.pack_subelements %mul3A_1052, %mul3A_1053 {pack_format = #tpu.pack_format<interleaved>, positions = array<i32: 0, 1>} : vector<16xf32>, vector<16xf32> -> vector<32xbf16>
        %swap3A_1055 = arith.constant 0 : i32
        %swap3A_1056 = tpu.memref_slice %arg14[%add3A_1011, %swap3A_1055] : memref<128x128xbf16, #tpu.memory_space<vmem>> -> memref<1x128xbf16, #tpu.memory_space<vmem>>
        %swap3A_1057 = tpu.memref_squeeze %swap3A_1056 : memref<1x128xbf16, #tpu.memory_space<vmem>> -> memref<128xbf16, #tpu.memory_space<vmem>>
        %swap3A_1058 = arith.constant 64 : index
        %swap3A_1059 = tpu.vector_load %swap3A_1057[%swap3A_1058] {strides = array<i32>} : memref<128xbf16, #tpu.memory_space<vmem>>, vector<32xbf16>,
        tpu.vector_store %swap3A_1057[%swap3A_1058], %pack3A_1054 {strides = array<i32>} : memref<128xbf16, #tpu.memory_space<vmem>>, vector<32xbf16>,
        %get3A_1060 = arith.constant 0 : i32
        %get3A_1061 = tpu.memref_slice %arg14[%add3A_1011, %get3A_1060] : memref<128x128xbf16, #tpu.memory_space<vmem>> -> memref<1x128xbf16, #tpu.memory_space<vmem>>
        %get3A_1062 = tpu.memref_squeeze %get3A_1061 : memref<1x128xbf16, #tpu.memory_space<vmem>> -> memref<128xbf16, #tpu.memory_space<vmem>>
        %get3A_1063 = arith.constant 96 : index
        %get3A_1064 = tpu.vector_load %get3A_1062[%get3A_1063] {strides = array<i32>} : memref<128xbf16, #tpu.memory_space<vmem>>, vector<32xbf16>,
        %unpack3A_1065 = tpu.unpack_subelements %get3A_1064, 0 {pack_format = #tpu.pack_format<interleaved>} : vector<32xbf16> -> vector<16xf32>
        %unpack3A_1066 = tpu.unpack_subelements %get3A_1064, 1 {pack_format = #tpu.pack_format<interleaved>} : vector<32xbf16> -> vector<16xf32>
        %mul3A_1067 = arith.mulf %unpack3A_1065, %gather3A_1014 : vector<16xf32>
        %mul3A_1068 = arith.mulf %unpack3A_1066, %gather3A_1014 : vector<16xf32>
        %pack3A_1069 = tpu.pack_subelements %mul3A_1067, %mul3A_1068 {pack_format = #tpu.pack_format<interleaved>, positions = array<i32: 0, 1>} : vector<16xf32>, vector<16xf32> -> vector<32xbf16>
        %swap3A_1070 = arith.constant 0 : i32
        %swap3A_1071 = tpu.memref_slice %arg14[%add3A_1011, %swap3A_1070] : memref<128x128xbf16, #tpu.memory_space<vmem>> -> memref<1x128xbf16, #tpu.memory_space<vmem>>
        %swap3A_1072 = tpu.memref_squeeze %swap3A_1071 : memref<1x128xbf16, #tpu.memory_space<vmem>> -> memref<128xbf16, #tpu.memory_space<vmem>>
        %swap3A_1073 = arith.constant 96 : index
        %swap3A_1074 = tpu.vector_load %swap3A_1072[%swap3A_1073] {strides = array<i32>} : memref<128xbf16, #tpu.memory_space<vmem>>, vector<32xbf16>,
        tpu.vector_store %swap3A_1072[%swap3A_1073], %pack3A_1069 {strides = array<i32>} : memref<128xbf16, #tpu.memory_space<vmem>>, vector<32xbf16>,
        %scan3A_1075 = arith.constant 0 : i32
        scf.yield %scan3A_1075 : i32
      }
      %scan3A_481 = arith.constant 32 : i32
      %dma_start3A_482 = arith.constant 0 : i32
      %dma_start3A_483 = tpu.memref_slice %arg10[%mul3A_184, %dma_start3A_482] : memref<79x128xi32, #tpu.memory_space<vmem>> -> memref<1x128xi32, #tpu.memory_space<vmem>>
      %dma_start3A_484 = tpu.memref_squeeze %dma_start3A_483 : memref<1x128xi32, #tpu.memory_space<vmem>> -> memref<128xi32, #tpu.memory_space<vmem>>
      %dma_start3A_485 = arith.constant 0 : i32
      %dma_start3A_486 = arith.constant 0 : i32
      %dma_start3A_487 = tpu.memref_slice %arg17[%dma_start3A_485, %dma_start3A_486] : memref<10240x128xbf16, #tpu.memory_space<vmem_shared>> -> memref<10240x128xbf16, #tpu.memory_space<vmem_shared>>
      tpu.enqueue_indirect_dma source(%arg14 : memref<128x128xbf16, #tpu.memory_space<vmem>>) target(%dma_start3A_487 : memref<10240x128xbf16, #tpu.memory_space<vmem_shared>>) offsets(%dma_start3A_484 : memref<128xi32, #tpu.memory_space<vmem>>) semaphore(%arg21 : memref<!tpu.dma_semaphore, #tpu.memory_space<semaphore_mem>>) {add = true}
      %dma_wait3A_488 = arith.constant 0 : i32
      %dma_wait3A_489 = tpu.memref_slice %arg10[%mul3A_184, %dma_wait3A_488] : memref<79x128xi32, #tpu.memory_space<vmem>> -> memref<1x128xi32, #tpu.memory_space<vmem>>
      %dma_wait3A_490 = tpu.memref_squeeze %dma_wait3A_489 : memref<1x128xi32, #tpu.memory_space<vmem>> -> memref<128xi32, #tpu.memory_space<vmem>>
      %dma_wait3A_491 = arith.constant 0 : i32
      %dma_wait3A_492 = tpu.memref_slice %arg18[%dma_wait3A_491] : memref<10240xf32, #tpu.memory_space<vmem_shared>> -> memref<10240xf32, #tpu.memory_space<vmem_shared>>
      tpu.wait_indirect_dma semaphore(%arg24 : memref<!tpu.dma_semaphore, #tpu.memory_space<semaphore_mem>>) src(%arg12 : memref<128xf32, #tpu.memory_space<vmem>>) dst(%dma_wait3A_492 : memref<10240xf32, #tpu.memory_space<vmem_shared>>)
      %add3A_493 = arith.constant 1 : i32
      %add3A_494 = arith.addi %mul3A_184, %add3A_493 : i32
      %get3A_495 = arith.constant 0 : i32
      %get3A_496 = tpu.memref_slice %arg9[%add3A_494, %get3A_495] : memref<79x128xi32, #tpu.memory_space<vmem>> -> memref<1x128xi32, #tpu.memory_space<vmem>>
      %get3A_497 = tpu.memref_squeeze %get3A_496 : memref<1x128xi32, #tpu.memory_space<vmem>> -> memref<128xi32, #tpu.memory_space<vmem>>
      %get3A_498 = arith.constant 0 : index
      %get3A_499 = tpu.vector_load %get3A_497[%get3A_498] {strides = array<i32>} : memref<128xi32, #tpu.memory_space<vmem>>, vector<16xi32>,
      %get3A_500 = arith.constant 0 : i32
      %get3A_501 = tpu.memref_slice %arg10[%add3A_494, %get3A_500] : memref<79x128xi32, #tpu.memory_space<vmem>> -> memref<1x128xi32, #tpu.memory_space<vmem>>
      %get3A_502 = tpu.memref_squeeze %get3A_501 : memref<1x128xi32, #tpu.memory_space<vmem>> -> memref<128xi32, #tpu.memory_space<vmem>>
      %get3A_503 = arith.constant 0 : index
      %get3A_504 = tpu.vector_load %get3A_502[%get3A_503] {strides = array<i32>} : memref<128xi32, #tpu.memory_space<vmem>>, vector<16xi32>,
      %mul3A_505 = arith.constant 2 : i32
      %mul3A_506 = vector.broadcast %mul3A_505 : i32 to vector<16xi32>
      %mul3A_507 = arith.muli %get3A_499, %mul3A_506 : vector<16xi32>
      %gather3A_508 = tpu.vector_load_idx %arg8[%mul3A_507] : memref<20480xf32, #tpu.memory_space<vmem>>[vector<16xi32>], vector<16xf32>,
      %mul3A_509 = arith.constant 2 : i32
      %mul3A_510 = vector.broadcast %mul3A_509 : i32 to vector<16xi32>
      %mul3A_511 = arith.muli %get3A_504, %mul3A_510 : vector<16xi32>
      %add3A_512 = arith.constant 1 : i32
      %add3A_513 = vector.broadcast %add3A_512 : i32 to vector<16xi32>
      %add3A_514 = arith.addi %mul3A_511, %add3A_513 : vector<16xi32>
      %gather3A_515 = tpu.vector_load_idx %arg8[%add3A_514] : memref<20480xf32, #tpu.memory_space<vmem>>[vector<16xi32>], vector<16xf32>,
      %add3A_516 = arith.addf %gather3A_508, %gather3A_515 : vector<16xf32>
      %ge3A_517 = arith.constant 0.000000e+00 : f32
      %ge3A_518 = vector.broadcast %ge3A_517 : f32 to vector<16xf32>
      %ge3A_519 = arith.cmpf oge, %add3A_516, %ge3A_518 : vector<16xf32>
      %mul3A_520 = arith.constant 2.000000e-01 : f32
      %mul3A_521 = vector.broadcast %mul3A_520 : f32 to vector<16xf32>
      %mul3A_522 = arith.mulf %mul3A_521, %add3A_516 : vector<16xf32>
      %select_n3A_523 = arith.select %ge3A_519, %add3A_516, %mul3A_522 : vector<16xi1>, vector<16xf32>
      %sub3A_524 = arith.subf %select_n3A_523, %get3A_52 : vector<16xf32>
      %exp3A_525 = math.exp %sub3A_524 : vector<16xf32>
      %swap3A_526 = arith.constant 0 : index
      %swap3A_527 = tpu.vector_load %arg12[%swap3A_526] {strides = array<i32>} : memref<128xf32, #tpu.memory_space<vmem>>, vector<16xf32>,
      tpu.vector_store %arg12[%swap3A_526], %exp3A_525 {strides = array<i32>} : memref<128xf32, #tpu.memory_space<vmem>>, vector<16xf32>,
      %get3A_528 = arith.constant 0 : i32
      %get3A_529 = tpu.memref_slice %arg9[%add3A_494, %get3A_528] : memref<79x128xi32, #tpu.memory_space<vmem>> -> memref<1x128xi32, #tpu.memory_space<vmem>>
      %get3A_530 = tpu.memref_squeeze %get3A_529 : memref<1x128xi32, #tpu.memory_space<vmem>> -> memref<128xi32, #tpu.memory_space<vmem>>
      %get3A_531 = arith.constant 16 : index
      %get3A_532 = tpu.vector_load %get3A_530[%get3A_531] {strides = array<i32>} : memref<128xi32, #tpu.memory_space<vmem>>, vector<16xi32>,
      %get3A_533 = arith.constant 0 : i32
      %get3A_534 = tpu.memref_slice %arg10[%add3A_494, %get3A_533] : memref<79x128xi32, #tpu.memory_space<vmem>> -> memref<1x128xi32, #tpu.memory_space<vmem>>
      %get3A_535 = tpu.memref_squeeze %get3A_534 : memref<1x128xi32, #tpu.memory_space<vmem>> -> memref<128xi32, #tpu.memory_space<vmem>>
      %get3A_536 = arith.constant 16 : index
      %get3A_537 = tpu.vector_load %get3A_535[%get3A_536] {strides = array<i32>} : memref<128xi32, #tpu.memory_space<vmem>>, vector<16xi32>,
      %mul3A_538 = arith.constant 2 : i32
      %mul3A_539 = vector.broadcast %mul3A_538 : i32 to vector<16xi32>
      %mul3A_540 = arith.muli %get3A_532, %mul3A_539 : vector<16xi32>
      %gather3A_541 = tpu.vector_load_idx %arg8[%mul3A_540] : memref<20480xf32, #tpu.memory_space<vmem>>[vector<16xi32>], vector<16xf32>,
      %mul3A_542 = arith.constant 2 : i32
      %mul3A_543 = vector.broadcast %mul3A_542 : i32 to vector<16xi32>
      %mul3A_544 = arith.muli %get3A_537, %mul3A_543 : vector<16xi32>
      %add3A_545 = arith.constant 1 : i32
      %add3A_546 = vector.broadcast %add3A_545 : i32 to vector<16xi32>
      %add3A_547 = arith.addi %mul3A_544, %add3A_546 : vector<16xi32>
      %gather3A_548 = tpu.vector_load_idx %arg8[%add3A_547] : memref<20480xf32, #tpu.memory_space<vmem>>[vector<16xi32>], vector<16xf32>,
      %add3A_549 = arith.addf %gather3A_541, %gather3A_548 : vector<16xf32>
      %ge3A_550 = arith.constant 0.000000e+00 : f32
      %ge3A_551 = vector.broadcast %ge3A_550 : f32 to vector<16xf32>
      %ge3A_552 = arith.cmpf oge, %add3A_549, %ge3A_551 : vector<16xf32>
      %mul3A_553 = arith.constant 2.000000e-01 : f32
      %mul3A_554 = vector.broadcast %mul3A_553 : f32 to vector<16xf32>
      %mul3A_555 = arith.mulf %mul3A_554, %add3A_549 : vector<16xf32>
      %select_n3A_556 = arith.select %ge3A_552, %add3A_549, %mul3A_555 : vector<16xi1>, vector<16xf32>
      %sub3A_557 = arith.subf %select_n3A_556, %get3A_52 : vector<16xf32>
      %exp3A_558 = math.exp %sub3A_557 : vector<16xf32>
      %swap3A_559 = arith.constant 16 : index
      %swap3A_560 = tpu.vector_load %arg12[%swap3A_559] {strides = array<i32>} : memref<128xf32, #tpu.memory_space<vmem>>, vector<16xf32>,
      tpu.vector_store %arg12[%swap3A_559], %exp3A_558 {strides = array<i32>} : memref<128xf32, #tpu.memory_space<vmem>>, vector<16xf32>,
      %get3A_561 = arith.constant 0 : i32
      %get3A_562 = tpu.memref_slice %arg9[%add3A_494, %get3A_561] : memref<79x128xi32, #tpu.memory_space<vmem>> -> memref<1x128xi32, #tpu.memory_space<vmem>>
      %get3A_563 = tpu.memref_squeeze %get3A_562 : memref<1x128xi32, #tpu.memory_space<vmem>> -> memref<128xi32, #tpu.memory_space<vmem>>
      %get3A_564 = arith.constant 32 : index
      %get3A_565 = tpu.vector_load %get3A_563[%get3A_564] {strides = array<i32>} : memref<128xi32, #tpu.memory_space<vmem>>, vector<16xi32>,
      %get3A_566 = arith.constant 0 : i32
      %get3A_567 = tpu.memref_slice %arg10[%add3A_494, %get3A_566] : memref<79x128xi32, #tpu.memory_space<vmem>> -> memref<1x128xi32, #tpu.memory_space<vmem>>
      %get3A_568 = tpu.memref_squeeze %get3A_567 : memref<1x128xi32, #tpu.memory_space<vmem>> -> memref<128xi32, #tpu.memory_space<vmem>>
      %get3A_569 = arith.constant 32 : index
      %get3A_570 = tpu.vector_load %get3A_568[%get3A_569] {strides = array<i32>} : memref<128xi32, #tpu.memory_space<vmem>>, vector<16xi32>,
      %mul3A_571 = arith.constant 2 : i32
      %mul3A_572 = vector.broadcast %mul3A_571 : i32 to vector<16xi32>
      %mul3A_573 = arith.muli %get3A_565, %mul3A_572 : vector<16xi32>
      %gather3A_574 = tpu.vector_load_idx %arg8[%mul3A_573] : memref<20480xf32, #tpu.memory_space<vmem>>[vector<16xi32>], vector<16xf32>,
      %mul3A_575 = arith.constant 2 : i32
      %mul3A_576 = vector.broadcast %mul3A_575 : i32 to vector<16xi32>
      %mul3A_577 = arith.muli %get3A_570, %mul3A_576 : vector<16xi32>
      %add3A_578 = arith.constant 1 : i32
      %add3A_579 = vector.broadcast %add3A_578 : i32 to vector<16xi32>
      %add3A_580 = arith.addi %mul3A_577, %add3A_579 : vector<16xi32>
      %gather3A_581 = tpu.vector_load_idx %arg8[%add3A_580] : memref<20480xf32, #tpu.memory_space<vmem>>[vector<16xi32>], vector<16xf32>,
      %add3A_582 = arith.addf %gather3A_574, %gather3A_581 : vector<16xf32>
      %ge3A_583 = arith.constant 0.000000e+00 : f32
      %ge3A_584 = vector.broadcast %ge3A_583 : f32 to vector<16xf32>
      %ge3A_585 = arith.cmpf oge, %add3A_582, %ge3A_584 : vector<16xf32>
      %mul3A_586 = arith.constant 2.000000e-01 : f32
      %mul3A_587 = vector.broadcast %mul3A_586 : f32 to vector<16xf32>
      %mul3A_588 = arith.mulf %mul3A_587, %add3A_582 : vector<16xf32>
      %select_n3A_589 = arith.select %ge3A_585, %add3A_582, %mul3A_588 : vector<16xi1>, vector<16xf32>
      %sub3A_590 = arith.subf %select_n3A_589, %get3A_52 : vector<16xf32>
      %exp3A_591 = math.exp %sub3A_590 : vector<16xf32>
      %swap3A_592 = arith.constant 32 : index
      %swap3A_593 = tpu.vector_load %arg12[%swap3A_592] {strides = array<i32>} : memref<128xf32, #tpu.memory_space<vmem>>, vector<16xf32>,
      tpu.vector_store %arg12[%swap3A_592], %exp3A_591 {strides = array<i32>} : memref<128xf32, #tpu.memory_space<vmem>>, vector<16xf32>,
      %get3A_594 = arith.constant 0 : i32
      %get3A_595 = tpu.memref_slice %arg9[%add3A_494, %get3A_594] : memref<79x128xi32, #tpu.memory_space<vmem>> -> memref<1x128xi32, #tpu.memory_space<vmem>>
      %get3A_596 = tpu.memref_squeeze %get3A_595 : memref<1x128xi32, #tpu.memory_space<vmem>> -> memref<128xi32, #tpu.memory_space<vmem>>
      %get3A_597 = arith.constant 48 : index
      %get3A_598 = tpu.vector_load %get3A_596[%get3A_597] {strides = array<i32>} : memref<128xi32, #tpu.memory_space<vmem>>, vector<16xi32>,
      %get3A_599 = arith.constant 0 : i32
      %get3A_600 = tpu.memref_slice %arg10[%add3A_494, %get3A_599] : memref<79x128xi32, #tpu.memory_space<vmem>> -> memref<1x128xi32, #tpu.memory_space<vmem>>
      %get3A_601 = tpu.memref_squeeze %get3A_600 : memref<1x128xi32, #tpu.memory_space<vmem>> -> memref<128xi32, #tpu.memory_space<vmem>>
      %get3A_602 = arith.constant 48 : index
      %get3A_603 = tpu.vector_load %get3A_601[%get3A_602] {strides = array<i32>} : memref<128xi32, #tpu.memory_space<vmem>>, vector<16xi32>,
      %mul3A_604 = arith.constant 2 : i32
      %mul3A_605 = vector.broadcast %mul3A_604 : i32 to vector<16xi32>
      %mul3A_606 = arith.muli %get3A_598, %mul3A_605 : vector<16xi32>
      %gather3A_607 = tpu.vector_load_idx %arg8[%mul3A_606] : memref<20480xf32, #tpu.memory_space<vmem>>[vector<16xi32>], vector<16xf32>,
      %mul3A_608 = arith.constant 2 : i32
      %mul3A_609 = vector.broadcast %mul3A_608 : i32 to vector<16xi32>
      %mul3A_610 = arith.muli %get3A_603, %mul3A_609 : vector<16xi32>
      %add3A_611 = arith.constant 1 : i32
      %add3A_612 = vector.broadcast %add3A_611 : i32 to vector<16xi32>
      %add3A_613 = arith.addi %mul3A_610, %add3A_612 : vector<16xi32>
      %gather3A_614 = tpu.vector_load_idx %arg8[%add3A_613] : memref<20480xf32, #tpu.memory_space<vmem>>[vector<16xi32>], vector<16xf32>,
      %add3A_615 = arith.addf %gather3A_607, %gather3A_614 : vector<16xf32>
      %ge3A_616 = arith.constant 0.000000e+00 : f32
      %ge3A_617 = vector.broadcast %ge3A_616 : f32 to vector<16xf32>
      %ge3A_618 = arith.cmpf oge, %add3A_615, %ge3A_617 : vector<16xf32>
      %mul3A_619 = arith.constant 2.000000e-01 : f32
      %mul3A_620 = vector.broadcast %mul3A_619 : f32 to vector<16xf32>
      %mul3A_621 = arith.mulf %mul3A_620, %add3A_615 : vector<16xf32>
      %select_n3A_622 = arith.select %ge3A_618, %add3A_615, %mul3A_621 : vector<16xi1>, vector<16xf32>
      %sub3A_623 = arith.subf %select_n3A_622, %get3A_52 : vector<16xf32>
      %exp3A_624 = math.exp %sub3A_623 : vector<16xf32>
      %swap3A_625 = arith.constant 48 : index
      %swap3A_626 = tpu.vector_load %arg12[%swap3A_625] {strides = array<i32>} : memref<128xf32, #tpu.memory_space<vmem>>, vector<16xf32>,
      tpu.vector_store %arg12[%swap3A_625], %exp3A_624 {strides = array<i32>} : memref<128xf32, #tpu.memory_space<vmem>>, vector<16xf32>,
      %get3A_627 = arith.constant 0 : i32
      %get3A_628 = tpu.memref_slice %arg9[%add3A_494, %get3A_627] : memref<79x128xi32, #tpu.memory_space<vmem>> -> memref<1x128xi32, #tpu.memory_space<vmem>>
      %get3A_629 = tpu.memref_squeeze %get3A_628 : memref<1x128xi32, #tpu.memory_space<vmem>> -> memref<128xi32, #tpu.memory_space<vmem>>
      %get3A_630 = arith.constant 64 : index
      %get3A_631 = tpu.vector_load %get3A_629[%get3A_630] {strides = array<i32>} : memref<128xi32, #tpu.memory_space<vmem>>, vector<16xi32>,
      %get3A_632 = arith.constant 0 : i32
      %get3A_633 = tpu.memref_slice %arg10[%add3A_494, %get3A_632] : memref<79x128xi32, #tpu.memory_space<vmem>> -> memref<1x128xi32, #tpu.memory_space<vmem>>
      %get3A_634 = tpu.memref_squeeze %get3A_633 : memref<1x128xi32, #tpu.memory_space<vmem>> -> memref<128xi32, #tpu.memory_space<vmem>>
      %get3A_635 = arith.constant 64 : index
      %get3A_636 = tpu.vector_load %get3A_634[%get3A_635] {strides = array<i32>} : memref<128xi32, #tpu.memory_space<vmem>>, vector<16xi32>,
      %mul3A_637 = arith.constant 2 : i32
      %mul3A_638 = vector.broadcast %mul3A_637 : i32 to vector<16xi32>
      %mul3A_639 = arith.muli %get3A_631, %mul3A_638 : vector<16xi32>
      %gather3A_640 = tpu.vector_load_idx %arg8[%mul3A_639] : memref<20480xf32, #tpu.memory_space<vmem>>[vector<16xi32>], vector<16xf32>,
      %mul3A_641 = arith.constant 2 : i32
      %mul3A_642 = vector.broadcast %mul3A_641 : i32 to vector<16xi32>
      %mul3A_643 = arith.muli %get3A_636, %mul3A_642 : vector<16xi32>
      %add3A_644 = arith.constant 1 : i32
      %add3A_645 = vector.broadcast %add3A_644 : i32 to vector<16xi32>
      %add3A_646 = arith.addi %mul3A_643, %add3A_645 : vector<16xi32>
      %gather3A_647 = tpu.vector_load_idx %arg8[%add3A_646] : memref<20480xf32, #tpu.memory_space<vmem>>[vector<16xi32>], vector<16xf32>,
      %add3A_648 = arith.addf %gather3A_640, %gather3A_647 : vector<16xf32>
      %ge3A_649 = arith.constant 0.000000e+00 : f32
      %ge3A_650 = vector.broadcast %ge3A_649 : f32 to vector<16xf32>
      %ge3A_651 = arith.cmpf oge, %add3A_648, %ge3A_650 : vector<16xf32>
      %mul3A_652 = arith.constant 2.000000e-01 : f32
      %mul3A_653 = vector.broadcast %mul3A_652 : f32 to vector<16xf32>
      %mul3A_654 = arith.mulf %mul3A_653, %add3A_648 : vector<16xf32>
      %select_n3A_655 = arith.select %ge3A_651, %add3A_648, %mul3A_654 : vector<16xi1>, vector<16xf32>
      %sub3A_656 = arith.subf %select_n3A_655, %get3A_52 : vector<16xf32>
      %exp3A_657 = math.exp %sub3A_656 : vector<16xf32>
      %swap3A_658 = arith.constant 64 : index
      %swap3A_659 = tpu.vector_load %arg12[%swap3A_658] {strides = array<i32>} : memref<128xf32, #tpu.memory_space<vmem>>, vector<16xf32>,
      tpu.vector_store %arg12[%swap3A_658], %exp3A_657 {strides = array<i32>} : memref<128xf32, #tpu.memory_space<vmem>>, vector<16xf32>,
      %get3A_660 = arith.constant 0 : i32
      %get3A_661 = tpu.memref_slice %arg9[%add3A_494, %get3A_660] : memref<79x128xi32, #tpu.memory_space<vmem>> -> memref<1x128xi32, #tpu.memory_space<vmem>>
      %get3A_662 = tpu.memref_squeeze %get3A_661 : memref<1x128xi32, #tpu.memory_space<vmem>> -> memref<128xi32, #tpu.memory_space<vmem>>
      %get3A_663 = arith.constant 80 : index
      %get3A_664 = tpu.vector_load %get3A_662[%get3A_663] {strides = array<i32>} : memref<128xi32, #tpu.memory_space<vmem>>, vector<16xi32>,
      %get3A_665 = arith.constant 0 : i32
      %get3A_666 = tpu.memref_slice %arg10[%add3A_494, %get3A_665] : memref<79x128xi32, #tpu.memory_space<vmem>> -> memref<1x128xi32, #tpu.memory_space<vmem>>
      %get3A_667 = tpu.memref_squeeze %get3A_666 : memref<1x128xi32, #tpu.memory_space<vmem>> -> memref<128xi32, #tpu.memory_space<vmem>>
      %get3A_668 = arith.constant 80 : index
      %get3A_669 = tpu.vector_load %get3A_667[%get3A_668] {strides = array<i32>} : memref<128xi32, #tpu.memory_space<vmem>>, vector<16xi32>,
      %mul3A_670 = arith.constant 2 : i32
      %mul3A_671 = vector.broadcast %mul3A_670 : i32 to vector<16xi32>
      %mul3A_672 = arith.muli %get3A_664, %mul3A_671 : vector<16xi32>
      %gather3A_673 = tpu.vector_load_idx %arg8[%mul3A_672] : memref<20480xf32, #tpu.memory_space<vmem>>[vector<16xi32>], vector<16xf32>,
      %mul3A_674 = arith.constant 2 : i32
      %mul3A_675 = vector.broadcast %mul3A_674 : i32 to vector<16xi32>
      %mul3A_676 = arith.muli %get3A_669, %mul3A_675 : vector<16xi32>
      %add3A_677 = arith.constant 1 : i32
      %add3A_678 = vector.broadcast %add3A_677 : i32 to vector<16xi32>
      %add3A_679 = arith.addi %mul3A_676, %add3A_678 : vector<16xi32>
      %gather3A_680 = tpu.vector_load_idx %arg8[%add3A_679] : memref<20480xf32, #tpu.memory_space<vmem>>[vector<16xi32>], vector<16xf32>,
      %add3A_681 = arith.addf %gather3A_673, %gather3A_680 : vector<16xf32>
      %ge3A_682 = arith.constant 0.000000e+00 : f32
      %ge3A_683 = vector.broadcast %ge3A_682 : f32 to vector<16xf32>
      %ge3A_684 = arith.cmpf oge, %add3A_681, %ge3A_683 : vector<16xf32>
      %mul3A_685 = arith.constant 2.000000e-01 : f32
      %mul3A_686 = vector.broadcast %mul3A_685 : f32 to vector<16xf32>
      %mul3A_687 = arith.mulf %mul3A_686, %add3A_681 : vector<16xf32>
      %select_n3A_688 = arith.select %ge3A_684, %add3A_681, %mul3A_687 : vector<16xi1>, vector<16xf32>
      %sub3A_689 = arith.subf %select_n3A_688, %get3A_52 : vector<16xf32>
      %exp3A_690 = math.exp %sub3A_689 : vector<16xf32>
      %swap3A_691 = arith.constant 80 : index
      %swap3A_692 = tpu.vector_load %arg12[%swap3A_691] {strides = array<i32>} : memref<128xf32, #tpu.memory_space<vmem>>, vector<16xf32>,
      tpu.vector_store %arg12[%swap3A_691], %exp3A_690 {strides = array<i32>} : memref<128xf32, #tpu.memory_space<vmem>>, vector<16xf32>,
      %get3A_693 = arith.constant 0 : i32
      %get3A_694 = tpu.memref_slice %arg9[%add3A_494, %get3A_693] : memref<79x128xi32, #tpu.memory_space<vmem>> -> memref<1x128xi32, #tpu.memory_space<vmem>>
      %get3A_695 = tpu.memref_squeeze %get3A_694 : memref<1x128xi32, #tpu.memory_space<vmem>> -> memref<128xi32, #tpu.memory_space<vmem>>
      %get3A_696 = arith.constant 96 : index
      %get3A_697 = tpu.vector_load %get3A_695[%get3A_696] {strides = array<i32>} : memref<128xi32, #tpu.memory_space<vmem>>, vector<16xi32>,
      %get3A_698 = arith.constant 0 : i32
      %get3A_699 = tpu.memref_slice %arg10[%add3A_494, %get3A_698] : memref<79x128xi32, #tpu.memory_space<vmem>> -> memref<1x128xi32, #tpu.memory_space<vmem>>
      %get3A_700 = tpu.memref_squeeze %get3A_699 : memref<1x128xi32, #tpu.memory_space<vmem>> -> memref<128xi32, #tpu.memory_space<vmem>>
      %get3A_701 = arith.constant 96 : index
      %get3A_702 = tpu.vector_load %get3A_700[%get3A_701] {strides = array<i32>} : memref<128xi32, #tpu.memory_space<vmem>>, vector<16xi32>,
      %mul3A_703 = arith.constant 2 : i32
      %mul3A_704 = vector.broadcast %mul3A_703 : i32 to vector<16xi32>
      %mul3A_705 = arith.muli %get3A_697, %mul3A_704 : vector<16xi32>
      %gather3A_706 = tpu.vector_load_idx %arg8[%mul3A_705] : memref<20480xf32, #tpu.memory_space<vmem>>[vector<16xi32>], vector<16xf32>,
      %mul3A_707 = arith.constant 2 : i32
      %mul3A_708 = vector.broadcast %mul3A_707 : i32 to vector<16xi32>
      %mul3A_709 = arith.muli %get3A_702, %mul3A_708 : vector<16xi32>
      %add3A_710 = arith.constant 1 : i32
      %add3A_711 = vector.broadcast %add3A_710 : i32 to vector<16xi32>
      %add3A_712 = arith.addi %mul3A_709, %add3A_711 : vector<16xi32>
      %gather3A_713 = tpu.vector_load_idx %arg8[%add3A_712] : memref<20480xf32, #tpu.memory_space<vmem>>[vector<16xi32>], vector<16xf32>,
      %add3A_714 = arith.addf %gather3A_706, %gather3A_713 : vector<16xf32>
      %ge3A_715 = arith.constant 0.000000e+00 : f32
      %ge3A_716 = vector.broadcast %ge3A_715 : f32 to vector<16xf32>
      %ge3A_717 = arith.cmpf oge, %add3A_714, %ge3A_716 : vector<16xf32>
      %mul3A_718 = arith.constant 2.000000e-01 : f32
      %mul3A_719 = vector.broadcast %mul3A_718 : f32 to vector<16xf32>
      %mul3A_720 = arith.mulf %mul3A_719, %add3A_714 : vector<16xf32>
      %select_n3A_721 = arith.select %ge3A_717, %add3A_714, %mul3A_720 : vector<16xi1>, vector<16xf32>
      %sub3A_722 = arith.subf %select_n3A_721, %get3A_52 : vector<16xf32>
      %exp3A_723 = math.exp %sub3A_722 : vector<16xf32>
      %swap3A_724 = arith.constant 96 : index
      %swap3A_725 = tpu.vector_load %arg12[%swap3A_724] {strides = array<i32>} : memref<128xf32, #tpu.memory_space<vmem>>, vector<16xf32>,
      tpu.vector_store %arg12[%swap3A_724], %exp3A_723 {strides = array<i32>} : memref<128xf32, #tpu.memory_space<vmem>>, vector<16xf32>,
      %get3A_726 = arith.constant 0 : i32
      %get3A_727 = tpu.memref_slice %arg9[%add3A_494, %get3A_726] : memref<79x128xi32, #tpu.memory_space<vmem>> -> memref<1x128xi32, #tpu.memory_space<vmem>>
      %get3A_728 = tpu.memref_squeeze %get3A_727 : memref<1x128xi32, #tpu.memory_space<vmem>> -> memref<128xi32, #tpu.memory_space<vmem>>
      %get3A_729 = arith.constant 112 : index
      %get3A_730 = tpu.vector_load %get3A_728[%get3A_729] {strides = array<i32>} : memref<128xi32, #tpu.memory_space<vmem>>, vector<16xi32>,
      %get3A_731 = arith.constant 0 : i32
      %get3A_732 = tpu.memref_slice %arg10[%add3A_494, %get3A_731] : memref<79x128xi32, #tpu.memory_space<vmem>> -> memref<1x128xi32, #tpu.memory_space<vmem>>
      %get3A_733 = tpu.memref_squeeze %get3A_732 : memref<1x128xi32, #tpu.memory_space<vmem>> -> memref<128xi32, #tpu.memory_space<vmem>>
      %get3A_734 = arith.constant 112 : index
      %get3A_735 = tpu.vector_load %get3A_733[%get3A_734] {strides = array<i32>} : memref<128xi32, #tpu.memory_space<vmem>>, vector<16xi32>,
      %mul3A_736 = arith.constant 2 : i32
      %mul3A_737 = vector.broadcast %mul3A_736 : i32 to vector<16xi32>
      %mul3A_738 = arith.muli %get3A_730, %mul3A_737 : vector<16xi32>
      %gather3A_739 = tpu.vector_load_idx %arg8[%mul3A_738] : memref<20480xf32, #tpu.memory_space<vmem>>[vector<16xi32>], vector<16xf32>,
      %mul3A_740 = arith.constant 2 : i32
      %mul3A_741 = vector.broadcast %mul3A_740 : i32 to vector<16xi32>
      %mul3A_742 = arith.muli %get3A_735, %mul3A_741 : vector<16xi32>
      %add3A_743 = arith.constant 1 : i32
      %add3A_744 = vector.broadcast %add3A_743 : i32 to vector<16xi32>
      %add3A_745 = arith.addi %mul3A_742, %add3A_744 : vector<16xi32>
      %gather3A_746 = tpu.vector_load_idx %arg8[%add3A_745] : memref<20480xf32, #tpu.memory_space<vmem>>[vector<16xi32>], vector<16xf32>,
      %add3A_747 = arith.addf %gather3A_739, %gather3A_746 : vector<16xf32>
      %ge3A_748 = arith.constant 0.000000e+00 : f32
      %ge3A_749 = vector.broadcast %ge3A_748 : f32 to vector<16xf32>
      %ge3A_750 = arith.cmpf oge, %add3A_747, %ge3A_749 : vector<16xf32>
      %mul3A_751 = arith.constant 2.000000e-01 : f32
      %mul3A_752 = vector.broadcast %mul3A_751 : f32 to vector<16xf32>
      %mul3A_753 = arith.mulf %mul3A_752, %add3A_747 : vector<16xf32>
      %select_n3A_754 = arith.select %ge3A_750, %add3A_747, %mul3A_753 : vector<16xi1>, vector<16xf32>
      %sub3A_755 = arith.subf %select_n3A_754, %get3A_52 : vector<16xf32>
      %exp3A_756 = math.exp %sub3A_755 : vector<16xf32>
      %swap3A_757 = arith.constant 112 : index
      %swap3A_758 = tpu.vector_load %arg12[%swap3A_757] {strides = array<i32>} : memref<128xf32, #tpu.memory_space<vmem>>, vector<16xf32>,
      tpu.vector_store %arg12[%swap3A_757], %exp3A_756 {strides = array<i32>} : memref<128xf32, #tpu.memory_space<vmem>>, vector<16xf32>,
      %add3A_759 = arith.constant 1 : i32
      %add3A_760 = arith.addi %mul3A_184, %add3A_759 : i32
      %dma_start3A_761 = arith.constant 0 : i32
      %dma_start3A_762 = tpu.memref_slice %arg10[%add3A_760, %dma_start3A_761] : memref<79x128xi32, #tpu.memory_space<vmem>> -> memref<1x128xi32, #tpu.memory_space<vmem>>
      %dma_start3A_763 = tpu.memref_squeeze %dma_start3A_762 : memref<1x128xi32, #tpu.memory_space<vmem>> -> memref<128xi32, #tpu.memory_space<vmem>>
      %dma_start3A_764 = arith.constant 0 : i32
      %dma_start3A_765 = tpu.memref_slice %arg18[%dma_start3A_764] : memref<10240xf32, #tpu.memory_space<vmem_shared>> -> memref<10240xf32, #tpu.memory_space<vmem_shared>>
      tpu.enqueue_indirect_dma source(%arg12 : memref<128xf32, #tpu.memory_space<vmem>>) target(%dma_start3A_765 : memref<10240xf32, #tpu.memory_space<vmem_shared>>) offsets(%dma_start3A_763 : memref<128xi32, #tpu.memory_space<vmem>>) semaphore(%arg24 : memref<!tpu.dma_semaphore, #tpu.memory_space<semaphore_mem>>) {add = true}
      %add3A_766 = arith.constant 1 : i32
      %add3A_767 = arith.addi %mul3A_184, %add3A_766 : i32
      %dma_wait3A_768 = arith.constant 0 : i32
      %dma_wait3A_769 = tpu.memref_slice %arg9[%add3A_767, %dma_wait3A_768] : memref<79x128xi32, #tpu.memory_space<vmem>> -> memref<1x128xi32, #tpu.memory_space<vmem>>
      %dma_wait3A_770 = tpu.memref_squeeze %dma_wait3A_769 : memref<1x128xi32, #tpu.memory_space<vmem>> -> memref<128xi32, #tpu.memory_space<vmem>>
      %dma_wait3A_771 = arith.constant 0 : i32
      %dma_wait3A_772 = arith.constant 0 : i32
      %dma_wait3A_773 = tpu.memref_slice %arg2[%dma_wait3A_771, %dma_wait3A_772] : memref<10240x128xbf16, #tpu.memory_space<hbm>> -> memref<10240x128xbf16, #tpu.memory_space<hbm>>
      tpu.wait_indirect_dma semaphore(%arg20 : memref<!tpu.dma_semaphore, #tpu.memory_space<semaphore_mem>>) src(%dma_wait3A_773 : memref<10240x128xbf16, #tpu.memory_space<hbm>>) dst(%arg15 : memref<128x128xbf16, #tpu.memory_space<vmem>>)
      %scan3A_774 = arith.constant 0 : i32
      %scan3A_775 = arith.constant 0 : i32
      %scan3A_776 = arith.constant 32 : i32
      %scan3A_777 = arith.addi %scan3A_775, %scan3A_776 : i32
      %scan3A_778 = arith.constant 1 : i32
      %scan3A_779 = scf.for %scan3A_807 = %scan3A_775 to %scan3A_777 step %scan3A_778 iter_args(%scan3A_808 = %scan3A_774) -> (i32)  : i32 {
        %mul3A_809 = arith.constant 4 : i32
        %mul3A_810 = arith.muli %scan3A_807, %mul3A_809 : i32
        %add3A_811 = arith.constant 0 : i32
        %add3A_812 = arith.addi %mul3A_810, %add3A_811 : i32
        %add3A_813 = vector.broadcast %add3A_812 : i32 to vector<16xi32>
        %add3A_814 = arith.addi %broadcast_in_dim3A_54, %add3A_813 : vector<16xi32>
        %gather3A_815 = tpu.vector_load_idx %arg12[%add3A_814] : memref<128xf32, #tpu.memory_space<vmem>>[vector<16xi32>], vector<16xf32>,
        %get3A_816 = arith.constant 0 : i32
        %get3A_817 = tpu.memref_slice %arg15[%add3A_812, %get3A_816] : memref<128x128xbf16, #tpu.memory_space<vmem>> -> memref<1x128xbf16, #tpu.memory_space<vmem>>
        %get3A_818 = tpu.memref_squeeze %get3A_817 : memref<1x128xbf16, #tpu.memory_space<vmem>> -> memref<128xbf16, #tpu.memory_space<vmem>>
        %get3A_819 = arith.constant 0 : index
        %get3A_820 = tpu.vector_load %get3A_818[%get3A_819] {strides = array<i32>} : memref<128xbf16, #tpu.memory_space<vmem>>, vector<32xbf16>,
        %unpack3A = tpu.unpack_subelements %get3A_820, 0 {pack_format = #tpu.pack_format<interleaved>} : vector<32xbf16> -> vector<16xf32>
        %unpack3A_821 = tpu.unpack_subelements %get3A_820, 1 {pack_format = #tpu.pack_format<interleaved>} : vector<32xbf16> -> vector<16xf32>
        %mul3A_822 = arith.mulf %unpack3A, %gather3A_815 : vector<16xf32>
        %mul3A_823 = arith.mulf %unpack3A_821, %gather3A_815 : vector<16xf32>
        %pack3A = tpu.pack_subelements %mul3A_822, %mul3A_823 {pack_format = #tpu.pack_format<interleaved>, positions = array<i32: 0, 1>} : vector<16xf32>, vector<16xf32> -> vector<32xbf16>
        %swap3A_824 = arith.constant 0 : i32
        %swap3A_825 = tpu.memref_slice %arg15[%add3A_812, %swap3A_824] : memref<128x128xbf16, #tpu.memory_space<vmem>> -> memref<1x128xbf16, #tpu.memory_space<vmem>>
        %swap3A_826 = tpu.memref_squeeze %swap3A_825 : memref<1x128xbf16, #tpu.memory_space<vmem>> -> memref<128xbf16, #tpu.memory_space<vmem>>
        %swap3A_827 = arith.constant 0 : index
        %swap3A_828 = tpu.vector_load %swap3A_826[%swap3A_827] {strides = array<i32>} : memref<128xbf16, #tpu.memory_space<vmem>>, vector<32xbf16>,
        tpu.vector_store %swap3A_826[%swap3A_827], %pack3A {strides = array<i32>} : memref<128xbf16, #tpu.memory_space<vmem>>, vector<32xbf16>,
        %get3A_829 = arith.constant 0 : i32
        %get3A_830 = tpu.memref_slice %arg15[%add3A_812, %get3A_829] : memref<128x128xbf16, #tpu.memory_space<vmem>> -> memref<1x128xbf16, #tpu.memory_space<vmem>>
        %get3A_831 = tpu.memref_squeeze %get3A_830 : memref<1x128xbf16, #tpu.memory_space<vmem>> -> memref<128xbf16, #tpu.memory_space<vmem>>
        %get3A_832 = arith.constant 32 : index
        %get3A_833 = tpu.vector_load %get3A_831[%get3A_832] {strides = array<i32>} : memref<128xbf16, #tpu.memory_space<vmem>>, vector<32xbf16>,
        %unpack3A_834 = tpu.unpack_subelements %get3A_833, 0 {pack_format = #tpu.pack_format<interleaved>} : vector<32xbf16> -> vector<16xf32>
        %unpack3A_835 = tpu.unpack_subelements %get3A_833, 1 {pack_format = #tpu.pack_format<interleaved>} : vector<32xbf16> -> vector<16xf32>
        %mul3A_836 = arith.mulf %unpack3A_834, %gather3A_815 : vector<16xf32>
        %mul3A_837 = arith.mulf %unpack3A_835, %gather3A_815 : vector<16xf32>
        %pack3A_838 = tpu.pack_subelements %mul3A_836, %mul3A_837 {pack_format = #tpu.pack_format<interleaved>, positions = array<i32: 0, 1>} : vector<16xf32>, vector<16xf32> -> vector<32xbf16>
        %swap3A_839 = arith.constant 0 : i32
        %swap3A_840 = tpu.memref_slice %arg15[%add3A_812, %swap3A_839] : memref<128x128xbf16, #tpu.memory_space<vmem>> -> memref<1x128xbf16, #tpu.memory_space<vmem>>
        %swap3A_841 = tpu.memref_squeeze %swap3A_840 : memref<1x128xbf16, #tpu.memory_space<vmem>> -> memref<128xbf16, #tpu.memory_space<vmem>>
        %swap3A_842 = arith.constant 32 : index
        %swap3A_843 = tpu.vector_load %swap3A_841[%swap3A_842] {strides = array<i32>} : memref<128xbf16, #tpu.memory_space<vmem>>, vector<32xbf16>,
        tpu.vector_store %swap3A_841[%swap3A_842], %pack3A_838 {strides = array<i32>} : memref<128xbf16, #tpu.memory_space<vmem>>, vector<32xbf16>,
        %get3A_844 = arith.constant 0 : i32
        %get3A_845 = tpu.memref_slice %arg15[%add3A_812, %get3A_844] : memref<128x128xbf16, #tpu.memory_space<vmem>> -> memref<1x128xbf16, #tpu.memory_space<vmem>>
        %get3A_846 = tpu.memref_squeeze %get3A_845 : memref<1x128xbf16, #tpu.memory_space<vmem>> -> memref<128xbf16, #tpu.memory_space<vmem>>
        %get3A_847 = arith.constant 64 : index
        %get3A_848 = tpu.vector_load %get3A_846[%get3A_847] {strides = array<i32>} : memref<128xbf16, #tpu.memory_space<vmem>>, vector<32xbf16>,
        %unpack3A_849 = tpu.unpack_subelements %get3A_848, 0 {pack_format = #tpu.pack_format<interleaved>} : vector<32xbf16> -> vector<16xf32>
        %unpack3A_850 = tpu.unpack_subelements %get3A_848, 1 {pack_format = #tpu.pack_format<interleaved>} : vector<32xbf16> -> vector<16xf32>
        %mul3A_851 = arith.mulf %unpack3A_849, %gather3A_815 : vector<16xf32>
        %mul3A_852 = arith.mulf %unpack3A_850, %gather3A_815 : vector<16xf32>
        %pack3A_853 = tpu.pack_subelements %mul3A_851, %mul3A_852 {pack_format = #tpu.pack_format<interleaved>, positions = array<i32: 0, 1>} : vector<16xf32>, vector<16xf32> -> vector<32xbf16>
        %swap3A_854 = arith.constant 0 : i32
        %swap3A_855 = tpu.memref_slice %arg15[%add3A_812, %swap3A_854] : memref<128x128xbf16, #tpu.memory_space<vmem>> -> memref<1x128xbf16, #tpu.memory_space<vmem>>
        %swap3A_856 = tpu.memref_squeeze %swap3A_855 : memref<1x128xbf16, #tpu.memory_space<vmem>> -> memref<128xbf16, #tpu.memory_space<vmem>>
        %swap3A_857 = arith.constant 64 : index
        %swap3A_858 = tpu.vector_load %swap3A_856[%swap3A_857] {strides = array<i32>} : memref<128xbf16, #tpu.memory_space<vmem>>, vector<32xbf16>,
        tpu.vector_store %swap3A_856[%swap3A_857], %pack3A_853 {strides = array<i32>} : memref<128xbf16, #tpu.memory_space<vmem>>, vector<32xbf16>,
        %get3A_859 = arith.constant 0 : i32
        %get3A_860 = tpu.memref_slice %arg15[%add3A_812, %get3A_859] : memref<128x128xbf16, #tpu.memory_space<vmem>> -> memref<1x128xbf16, #tpu.memory_space<vmem>>
        %get3A_861 = tpu.memref_squeeze %get3A_860 : memref<1x128xbf16, #tpu.memory_space<vmem>> -> memref<128xbf16, #tpu.memory_space<vmem>>
        %get3A_862 = arith.constant 96 : index
        %get3A_863 = tpu.vector_load %get3A_861[%get3A_862] {strides = array<i32>} : memref<128xbf16, #tpu.memory_space<vmem>>, vector<32xbf16>,
        %unpack3A_864 = tpu.unpack_subelements %get3A_863, 0 {pack_format = #tpu.pack_format<interleaved>} : vector<32xbf16> -> vector<16xf32>
        %unpack3A_865 = tpu.unpack_subelements %get3A_863, 1 {pack_format = #tpu.pack_format<interleaved>} : vector<32xbf16> -> vector<16xf32>
        %mul3A_866 = arith.mulf %unpack3A_864, %gather3A_815 : vector<16xf32>
        %mul3A_867 = arith.mulf %unpack3A_865, %gather3A_815 : vector<16xf32>
        %pack3A_868 = tpu.pack_subelements %mul3A_866, %mul3A_867 {pack_format = #tpu.pack_format<interleaved>, positions = array<i32: 0, 1>} : vector<16xf32>, vector<16xf32> -> vector<32xbf16>
        %swap3A_869 = arith.constant 0 : i32
        %swap3A_870 = tpu.memref_slice %arg15[%add3A_812, %swap3A_869] : memref<128x128xbf16, #tpu.memory_space<vmem>> -> memref<1x128xbf16, #tpu.memory_space<vmem>>
        %swap3A_871 = tpu.memref_squeeze %swap3A_870 : memref<1x128xbf16, #tpu.memory_space<vmem>> -> memref<128xbf16, #tpu.memory_space<vmem>>
        %swap3A_872 = arith.constant 96 : index
        %swap3A_873 = tpu.vector_load %swap3A_871[%swap3A_872] {strides = array<i32>} : memref<128xbf16, #tpu.memory_space<vmem>>, vector<32xbf16>,
        tpu.vector_store %swap3A_871[%swap3A_872], %pack3A_868 {strides = array<i32>} : memref<128xbf16, #tpu.memory_space<vmem>>, vector<32xbf16>,
        %mul3A_874 = arith.constant 4 : i32
        %mul3A_875 = arith.muli %scan3A_807, %mul3A_874 : i32
        %add3A_876 = arith.constant 1 : i32
        %add3A_877 = arith.addi %mul3A_875, %add3A_876 : i32
        %add3A_878 = vector.broadcast %add3A_877 : i32 to vector<16xi32>
        %add3A_879 = arith.addi %broadcast_in_dim3A_54, %add3A_878 : vector<16xi32>
        %gather3A_880 = tpu.vector_load_idx %arg12[%add3A_879] : memref<128xf32, #tpu.memory_space<vmem>>[vector<16xi32>], vector<16xf32>,
        %get3A_881 = arith.constant 0 : i32
        %get3A_882 = tpu.memref_slice %arg15[%add3A_877, %get3A_881] : memref<128x128xbf16, #tpu.memory_space<vmem>> -> memref<1x128xbf16, #tpu.memory_space<vmem>>
        %get3A_883 = tpu.memref_squeeze %get3A_882 : memref<1x128xbf16, #tpu.memory_space<vmem>> -> memref<128xbf16, #tpu.memory_space<vmem>>
        %get3A_884 = arith.constant 0 : index
        %get3A_885 = tpu.vector_load %get3A_883[%get3A_884] {strides = array<i32>} : memref<128xbf16, #tpu.memory_space<vmem>>, vector<32xbf16>,
        %unpack3A_886 = tpu.unpack_subelements %get3A_885, 0 {pack_format = #tpu.pack_format<interleaved>} : vector<32xbf16> -> vector<16xf32>
        %unpack3A_887 = tpu.unpack_subelements %get3A_885, 1 {pack_format = #tpu.pack_format<interleaved>} : vector<32xbf16> -> vector<16xf32>
        %mul3A_888 = arith.mulf %unpack3A_886, %gather3A_880 : vector<16xf32>
        %mul3A_889 = arith.mulf %unpack3A_887, %gather3A_880 : vector<16xf32>
        %pack3A_890 = tpu.pack_subelements %mul3A_888, %mul3A_889 {pack_format = #tpu.pack_format<interleaved>, positions = array<i32: 0, 1>} : vector<16xf32>, vector<16xf32> -> vector<32xbf16>
        %swap3A_891 = arith.constant 0 : i32
        %swap3A_892 = tpu.memref_slice %arg15[%add3A_877, %swap3A_891] : memref<128x128xbf16, #tpu.memory_space<vmem>> -> memref<1x128xbf16, #tpu.memory_space<vmem>>
        %swap3A_893 = tpu.memref_squeeze %swap3A_892 : memref<1x128xbf16, #tpu.memory_space<vmem>> -> memref<128xbf16, #tpu.memory_space<vmem>>
        %swap3A_894 = arith.constant 0 : index
        %swap3A_895 = tpu.vector_load %swap3A_893[%swap3A_894] {strides = array<i32>} : memref<128xbf16, #tpu.memory_space<vmem>>, vector<32xbf16>,
        tpu.vector_store %swap3A_893[%swap3A_894], %pack3A_890 {strides = array<i32>} : memref<128xbf16, #tpu.memory_space<vmem>>, vector<32xbf16>,
        %get3A_896 = arith.constant 0 : i32
        %get3A_897 = tpu.memref_slice %arg15[%add3A_877, %get3A_896] : memref<128x128xbf16, #tpu.memory_space<vmem>> -> memref<1x128xbf16, #tpu.memory_space<vmem>>
        %get3A_898 = tpu.memref_squeeze %get3A_897 : memref<1x128xbf16, #tpu.memory_space<vmem>> -> memref<128xbf16, #tpu.memory_space<vmem>>
        %get3A_899 = arith.constant 32 : index
        %get3A_900 = tpu.vector_load %get3A_898[%get3A_899] {strides = array<i32>} : memref<128xbf16, #tpu.memory_space<vmem>>, vector<32xbf16>,
        %unpack3A_901 = tpu.unpack_subelements %get3A_900, 0 {pack_format = #tpu.pack_format<interleaved>} : vector<32xbf16> -> vector<16xf32>
        %unpack3A_902 = tpu.unpack_subelements %get3A_900, 1 {pack_format = #tpu.pack_format<interleaved>} : vector<32xbf16> -> vector<16xf32>
        %mul3A_903 = arith.mulf %unpack3A_901, %gather3A_880 : vector<16xf32>
        %mul3A_904 = arith.mulf %unpack3A_902, %gather3A_880 : vector<16xf32>
        %pack3A_905 = tpu.pack_subelements %mul3A_903, %mul3A_904 {pack_format = #tpu.pack_format<interleaved>, positions = array<i32: 0, 1>} : vector<16xf32>, vector<16xf32> -> vector<32xbf16>
        %swap3A_906 = arith.constant 0 : i32
        %swap3A_907 = tpu.memref_slice %arg15[%add3A_877, %swap3A_906] : memref<128x128xbf16, #tpu.memory_space<vmem>> -> memref<1x128xbf16, #tpu.memory_space<vmem>>
        %swap3A_908 = tpu.memref_squeeze %swap3A_907 : memref<1x128xbf16, #tpu.memory_space<vmem>> -> memref<128xbf16, #tpu.memory_space<vmem>>
        %swap3A_909 = arith.constant 32 : index
        %swap3A_910 = tpu.vector_load %swap3A_908[%swap3A_909] {strides = array<i32>} : memref<128xbf16, #tpu.memory_space<vmem>>, vector<32xbf16>,
        tpu.vector_store %swap3A_908[%swap3A_909], %pack3A_905 {strides = array<i32>} : memref<128xbf16, #tpu.memory_space<vmem>>, vector<32xbf16>,
        %get3A_911 = arith.constant 0 : i32
        %get3A_912 = tpu.memref_slice %arg15[%add3A_877, %get3A_911] : memref<128x128xbf16, #tpu.memory_space<vmem>> -> memref<1x128xbf16, #tpu.memory_space<vmem>>
        %get3A_913 = tpu.memref_squeeze %get3A_912 : memref<1x128xbf16, #tpu.memory_space<vmem>> -> memref<128xbf16, #tpu.memory_space<vmem>>
        %get3A_914 = arith.constant 64 : index
        %get3A_915 = tpu.vector_load %get3A_913[%get3A_914] {strides = array<i32>} : memref<128xbf16, #tpu.memory_space<vmem>>, vector<32xbf16>,
        %unpack3A_916 = tpu.unpack_subelements %get3A_915, 0 {pack_format = #tpu.pack_format<interleaved>} : vector<32xbf16> -> vector<16xf32>
        %unpack3A_917 = tpu.unpack_subelements %get3A_915, 1 {pack_format = #tpu.pack_format<interleaved>} : vector<32xbf16> -> vector<16xf32>
        %mul3A_918 = arith.mulf %unpack3A_916, %gather3A_880 : vector<16xf32>
        %mul3A_919 = arith.mulf %unpack3A_917, %gather3A_880 : vector<16xf32>
        %pack3A_920 = tpu.pack_subelements %mul3A_918, %mul3A_919 {pack_format = #tpu.pack_format<interleaved>, positions = array<i32: 0, 1>} : vector<16xf32>, vector<16xf32> -> vector<32xbf16>
        %swap3A_921 = arith.constant 0 : i32
        %swap3A_922 = tpu.memref_slice %arg15[%add3A_877, %swap3A_921] : memref<128x128xbf16, #tpu.memory_space<vmem>> -> memref<1x128xbf16, #tpu.memory_space<vmem>>
        %swap3A_923 = tpu.memref_squeeze %swap3A_922 : memref<1x128xbf16, #tpu.memory_space<vmem>> -> memref<128xbf16, #tpu.memory_space<vmem>>
        %swap3A_924 = arith.constant 64 : index
        %swap3A_925 = tpu.vector_load %swap3A_923[%swap3A_924] {strides = array<i32>} : memref<128xbf16, #tpu.memory_space<vmem>>, vector<32xbf16>,
        tpu.vector_store %swap3A_923[%swap3A_924], %pack3A_920 {strides = array<i32>} : memref<128xbf16, #tpu.memory_space<vmem>>, vector<32xbf16>,
        %get3A_926 = arith.constant 0 : i32
        %get3A_927 = tpu.memref_slice %arg15[%add3A_877, %get3A_926] : memref<128x128xbf16, #tpu.memory_space<vmem>> -> memref<1x128xbf16, #tpu.memory_space<vmem>>
        %get3A_928 = tpu.memref_squeeze %get3A_927 : memref<1x128xbf16, #tpu.memory_space<vmem>> -> memref<128xbf16, #tpu.memory_space<vmem>>
        %get3A_929 = arith.constant 96 : index
        %get3A_930 = tpu.vector_load %get3A_928[%get3A_929] {strides = array<i32>} : memref<128xbf16, #tpu.memory_space<vmem>>, vector<32xbf16>,
        %unpack3A_931 = tpu.unpack_subelements %get3A_930, 0 {pack_format = #tpu.pack_format<interleaved>} : vector<32xbf16> -> vector<16xf32>
        %unpack3A_932 = tpu.unpack_subelements %get3A_930, 1 {pack_format = #tpu.pack_format<interleaved>} : vector<32xbf16> -> vector<16xf32>
        %mul3A_933 = arith.mulf %unpack3A_931, %gather3A_880 : vector<16xf32>
        %mul3A_934 = arith.mulf %unpack3A_932, %gather3A_880 : vector<16xf32>
        %pack3A_935 = tpu.pack_subelements %mul3A_933, %mul3A_934 {pack_format = #tpu.pack_format<interleaved>, positions = array<i32: 0, 1>} : vector<16xf32>, vector<16xf32> -> vector<32xbf16>
        %swap3A_936 = arith.constant 0 : i32
        %swap3A_937 = tpu.memref_slice %arg15[%add3A_877, %swap3A_936] : memref<128x128xbf16, #tpu.memory_space<vmem>> -> memref<1x128xbf16, #tpu.memory_space<vmem>>
        %swap3A_938 = tpu.memref_squeeze %swap3A_937 : memref<1x128xbf16, #tpu.memory_space<vmem>> -> memref<128xbf16, #tpu.memory_space<vmem>>
        %swap3A_939 = arith.constant 96 : index
        %swap3A_940 = tpu.vector_load %swap3A_938[%swap3A_939] {strides = array<i32>} : memref<128xbf16, #tpu.memory_space<vmem>>, vector<32xbf16>,
        tpu.vector_store %swap3A_938[%swap3A_939], %pack3A_935 {strides = array<i32>} : memref<128xbf16, #tpu.memory_space<vmem>>, vector<32xbf16>,
        %mul3A_941 = arith.constant 4 : i32
        %mul3A_942 = arith.muli %scan3A_807, %mul3A_941 : i32
        %add3A_943 = arith.constant 2 : i32
        %add3A_944 = arith.addi %mul3A_942, %add3A_943 : i32
        %add3A_945 = vector.broadcast %add3A_944 : i32 to vector<16xi32>
        %add3A_946 = arith.addi %broadcast_in_dim3A_54, %add3A_945 : vector<16xi32>
        %gather3A_947 = tpu.vector_load_idx %arg12[%add3A_946] : memref<128xf32, #tpu.memory_space<vmem>>[vector<16xi32>], vector<16xf32>,
        %get3A_948 = arith.constant 0 : i32
        %get3A_949 = tpu.memref_slice %arg15[%add3A_944, %get3A_948] : memref<128x128xbf16, #tpu.memory_space<vmem>> -> memref<1x128xbf16, #tpu.memory_space<vmem>>
        %get3A_950 = tpu.memref_squeeze %get3A_949 : memref<1x128xbf16, #tpu.memory_space<vmem>> -> memref<128xbf16, #tpu.memory_space<vmem>>
        %get3A_951 = arith.constant 0 : index
        %get3A_952 = tpu.vector_load %get3A_950[%get3A_951] {strides = array<i32>} : memref<128xbf16, #tpu.memory_space<vmem>>, vector<32xbf16>,
        %unpack3A_953 = tpu.unpack_subelements %get3A_952, 0 {pack_format = #tpu.pack_format<interleaved>} : vector<32xbf16> -> vector<16xf32>
        %unpack3A_954 = tpu.unpack_subelements %get3A_952, 1 {pack_format = #tpu.pack_format<interleaved>} : vector<32xbf16> -> vector<16xf32>
        %mul3A_955 = arith.mulf %unpack3A_953, %gather3A_947 : vector<16xf32>
        %mul3A_956 = arith.mulf %unpack3A_954, %gather3A_947 : vector<16xf32>
        %pack3A_957 = tpu.pack_subelements %mul3A_955, %mul3A_956 {pack_format = #tpu.pack_format<interleaved>, positions = array<i32: 0, 1>} : vector<16xf32>, vector<16xf32> -> vector<32xbf16>
        %swap3A_958 = arith.constant 0 : i32
        %swap3A_959 = tpu.memref_slice %arg15[%add3A_944, %swap3A_958] : memref<128x128xbf16, #tpu.memory_space<vmem>> -> memref<1x128xbf16, #tpu.memory_space<vmem>>
        %swap3A_960 = tpu.memref_squeeze %swap3A_959 : memref<1x128xbf16, #tpu.memory_space<vmem>> -> memref<128xbf16, #tpu.memory_space<vmem>>
        %swap3A_961 = arith.constant 0 : index
        %swap3A_962 = tpu.vector_load %swap3A_960[%swap3A_961] {strides = array<i32>} : memref<128xbf16, #tpu.memory_space<vmem>>, vector<32xbf16>,
        tpu.vector_store %swap3A_960[%swap3A_961], %pack3A_957 {strides = array<i32>} : memref<128xbf16, #tpu.memory_space<vmem>>, vector<32xbf16>,
        %get3A_963 = arith.constant 0 : i32
        %get3A_964 = tpu.memref_slice %arg15[%add3A_944, %get3A_963] : memref<128x128xbf16, #tpu.memory_space<vmem>> -> memref<1x128xbf16, #tpu.memory_space<vmem>>
        %get3A_965 = tpu.memref_squeeze %get3A_964 : memref<1x128xbf16, #tpu.memory_space<vmem>> -> memref<128xbf16, #tpu.memory_space<vmem>>
        %get3A_966 = arith.constant 32 : index
        %get3A_967 = tpu.vector_load %get3A_965[%get3A_966] {strides = array<i32>} : memref<128xbf16, #tpu.memory_space<vmem>>, vector<32xbf16>,
        %unpack3A_968 = tpu.unpack_subelements %get3A_967, 0 {pack_format = #tpu.pack_format<interleaved>} : vector<32xbf16> -> vector<16xf32>
        %unpack3A_969 = tpu.unpack_subelements %get3A_967, 1 {pack_format = #tpu.pack_format<interleaved>} : vector<32xbf16> -> vector<16xf32>
        %mul3A_970 = arith.mulf %unpack3A_968, %gather3A_947 : vector<16xf32>
        %mul3A_971 = arith.mulf %unpack3A_969, %gather3A_947 : vector<16xf32>
        %pack3A_972 = tpu.pack_subelements %mul3A_970, %mul3A_971 {pack_format = #tpu.pack_format<interleaved>, positions = array<i32: 0, 1>} : vector<16xf32>, vector<16xf32> -> vector<32xbf16>
        %swap3A_973 = arith.constant 0 : i32
        %swap3A_974 = tpu.memref_slice %arg15[%add3A_944, %swap3A_973] : memref<128x128xbf16, #tpu.memory_space<vmem>> -> memref<1x128xbf16, #tpu.memory_space<vmem>>
        %swap3A_975 = tpu.memref_squeeze %swap3A_974 : memref<1x128xbf16, #tpu.memory_space<vmem>> -> memref<128xbf16, #tpu.memory_space<vmem>>
        %swap3A_976 = arith.constant 32 : index
        %swap3A_977 = tpu.vector_load %swap3A_975[%swap3A_976] {strides = array<i32>} : memref<128xbf16, #tpu.memory_space<vmem>>, vector<32xbf16>,
        tpu.vector_store %swap3A_975[%swap3A_976], %pack3A_972 {strides = array<i32>} : memref<128xbf16, #tpu.memory_space<vmem>>, vector<32xbf16>,
        %get3A_978 = arith.constant 0 : i32
        %get3A_979 = tpu.memref_slice %arg15[%add3A_944, %get3A_978] : memref<128x128xbf16, #tpu.memory_space<vmem>> -> memref<1x128xbf16, #tpu.memory_space<vmem>>
        %get3A_980 = tpu.memref_squeeze %get3A_979 : memref<1x128xbf16, #tpu.memory_space<vmem>> -> memref<128xbf16, #tpu.memory_space<vmem>>
        %get3A_981 = arith.constant 64 : index
        %get3A_982 = tpu.vector_load %get3A_980[%get3A_981] {strides = array<i32>} : memref<128xbf16, #tpu.memory_space<vmem>>, vector<32xbf16>,
        %unpack3A_983 = tpu.unpack_subelements %get3A_982, 0 {pack_format = #tpu.pack_format<interleaved>} : vector<32xbf16> -> vector<16xf32>
        %unpack3A_984 = tpu.unpack_subelements %get3A_982, 1 {pack_format = #tpu.pack_format<interleaved>} : vector<32xbf16> -> vector<16xf32>
        %mul3A_985 = arith.mulf %unpack3A_983, %gather3A_947 : vector<16xf32>
        %mul3A_986 = arith.mulf %unpack3A_984, %gather3A_947 : vector<16xf32>
        %pack3A_987 = tpu.pack_subelements %mul3A_985, %mul3A_986 {pack_format = #tpu.pack_format<interleaved>, positions = array<i32: 0, 1>} : vector<16xf32>, vector<16xf32> -> vector<32xbf16>
        %swap3A_988 = arith.constant 0 : i32
        %swap3A_989 = tpu.memref_slice %arg15[%add3A_944, %swap3A_988] : memref<128x128xbf16, #tpu.memory_space<vmem>> -> memref<1x128xbf16, #tpu.memory_space<vmem>>
        %swap3A_990 = tpu.memref_squeeze %swap3A_989 : memref<1x128xbf16, #tpu.memory_space<vmem>> -> memref<128xbf16, #tpu.memory_space<vmem>>
        %swap3A_991 = arith.constant 64 : index
        %swap3A_992 = tpu.vector_load %swap3A_990[%swap3A_991] {strides = array<i32>} : memref<128xbf16, #tpu.memory_space<vmem>>, vector<32xbf16>,
        tpu.vector_store %swap3A_990[%swap3A_991], %pack3A_987 {strides = array<i32>} : memref<128xbf16, #tpu.memory_space<vmem>>, vector<32xbf16>,
        %get3A_993 = arith.constant 0 : i32
        %get3A_994 = tpu.memref_slice %arg15[%add3A_944, %get3A_993] : memref<128x128xbf16, #tpu.memory_space<vmem>> -> memref<1x128xbf16, #tpu.memory_space<vmem>>
        %get3A_995 = tpu.memref_squeeze %get3A_994 : memref<1x128xbf16, #tpu.memory_space<vmem>> -> memref<128xbf16, #tpu.memory_space<vmem>>
        %get3A_996 = arith.constant 96 : index
        %get3A_997 = tpu.vector_load %get3A_995[%get3A_996] {strides = array<i32>} : memref<128xbf16, #tpu.memory_space<vmem>>, vector<32xbf16>,
        %unpack3A_998 = tpu.unpack_subelements %get3A_997, 0 {pack_format = #tpu.pack_format<interleaved>} : vector<32xbf16> -> vector<16xf32>
        %unpack3A_999 = tpu.unpack_subelements %get3A_997, 1 {pack_format = #tpu.pack_format<interleaved>} : vector<32xbf16> -> vector<16xf32>
        %mul3A_1000 = arith.mulf %unpack3A_998, %gather3A_947 : vector<16xf32>
        %mul3A_1001 = arith.mulf %unpack3A_999, %gather3A_947 : vector<16xf32>
        %pack3A_1002 = tpu.pack_subelements %mul3A_1000, %mul3A_1001 {pack_format = #tpu.pack_format<interleaved>, positions = array<i32: 0, 1>} : vector<16xf32>, vector<16xf32> -> vector<32xbf16>
        %swap3A_1003 = arith.constant 0 : i32
        %swap3A_1004 = tpu.memref_slice %arg15[%add3A_944, %swap3A_1003] : memref<128x128xbf16, #tpu.memory_space<vmem>> -> memref<1x128xbf16, #tpu.memory_space<vmem>>
        %swap3A_1005 = tpu.memref_squeeze %swap3A_1004 : memref<1x128xbf16, #tpu.memory_space<vmem>> -> memref<128xbf16, #tpu.memory_space<vmem>>
        %swap3A_1006 = arith.constant 96 : index
        %swap3A_1007 = tpu.vector_load %swap3A_1005[%swap3A_1006] {strides = array<i32>} : memref<128xbf16, #tpu.memory_space<vmem>>, vector<32xbf16>,
        tpu.vector_store %swap3A_1005[%swap3A_1006], %pack3A_1002 {strides = array<i32>} : memref<128xbf16, #tpu.memory_space<vmem>>, vector<32xbf16>,
        %mul3A_1008 = arith.constant 4 : i32
        %mul3A_1009 = arith.muli %scan3A_807, %mul3A_1008 : i32
        %add3A_1010 = arith.constant 3 : i32
        %add3A_1011 = arith.addi %mul3A_1009, %add3A_1010 : i32
        %add3A_1012 = vector.broadcast %add3A_1011 : i32 to vector<16xi32>
        %add3A_1013 = arith.addi %broadcast_in_dim3A_54, %add3A_1012 : vector<16xi32>
        %gather3A_1014 = tpu.vector_load_idx %arg12[%add3A_1013] : memref<128xf32, #tpu.memory_space<vmem>>[vector<16xi32>], vector<16xf32>,
        %get3A_1015 = arith.constant 0 : i32
        %get3A_1016 = tpu.memref_slice %arg15[%add3A_1011, %get3A_1015] : memref<128x128xbf16, #tpu.memory_space<vmem>> -> memref<1x128xbf16, #tpu.memory_space<vmem>>
        %get3A_1017 = tpu.memref_squeeze %get3A_1016 : memref<1x128xbf16, #tpu.memory_space<vmem>> -> memref<128xbf16, #tpu.memory_space<vmem>>
        %get3A_1018 = arith.constant 0 : index
        %get3A_1019 = tpu.vector_load %get3A_1017[%get3A_1018] {strides = array<i32>} : memref<128xbf16, #tpu.memory_space<vmem>>, vector<32xbf16>,
        %unpack3A_1020 = tpu.unpack_subelements %get3A_1019, 0 {pack_format = #tpu.pack_format<interleaved>} : vector<32xbf16> -> vector<16xf32>
        %unpack3A_1021 = tpu.unpack_subelements %get3A_1019, 1 {pack_format = #tpu.pack_format<interleaved>} : vector<32xbf16> -> vector<16xf32>
        %mul3A_1022 = arith.mulf %unpack3A_1020, %gather3A_1014 : vector<16xf32>
        %mul3A_1023 = arith.mulf %unpack3A_1021, %gather3A_1014 : vector<16xf32>
        %pack3A_1024 = tpu.pack_subelements %mul3A_1022, %mul3A_1023 {pack_format = #tpu.pack_format<interleaved>, positions = array<i32: 0, 1>} : vector<16xf32>, vector<16xf32> -> vector<32xbf16>
        %swap3A_1025 = arith.constant 0 : i32
        %swap3A_1026 = tpu.memref_slice %arg15[%add3A_1011, %swap3A_1025] : memref<128x128xbf16, #tpu.memory_space<vmem>> -> memref<1x128xbf16, #tpu.memory_space<vmem>>
        %swap3A_1027 = tpu.memref_squeeze %swap3A_1026 : memref<1x128xbf16, #tpu.memory_space<vmem>> -> memref<128xbf16, #tpu.memory_space<vmem>>
        %swap3A_1028 = arith.constant 0 : index
        %swap3A_1029 = tpu.vector_load %swap3A_1027[%swap3A_1028] {strides = array<i32>} : memref<128xbf16, #tpu.memory_space<vmem>>, vector<32xbf16>,
        tpu.vector_store %swap3A_1027[%swap3A_1028], %pack3A_1024 {strides = array<i32>} : memref<128xbf16, #tpu.memory_space<vmem>>, vector<32xbf16>,
        %get3A_1030 = arith.constant 0 : i32
        %get3A_1031 = tpu.memref_slice %arg15[%add3A_1011, %get3A_1030] : memref<128x128xbf16, #tpu.memory_space<vmem>> -> memref<1x128xbf16, #tpu.memory_space<vmem>>
        %get3A_1032 = tpu.memref_squeeze %get3A_1031 : memref<1x128xbf16, #tpu.memory_space<vmem>> -> memref<128xbf16, #tpu.memory_space<vmem>>
        %get3A_1033 = arith.constant 32 : index
        %get3A_1034 = tpu.vector_load %get3A_1032[%get3A_1033] {strides = array<i32>} : memref<128xbf16, #tpu.memory_space<vmem>>, vector<32xbf16>,
        %unpack3A_1035 = tpu.unpack_subelements %get3A_1034, 0 {pack_format = #tpu.pack_format<interleaved>} : vector<32xbf16> -> vector<16xf32>
        %unpack3A_1036 = tpu.unpack_subelements %get3A_1034, 1 {pack_format = #tpu.pack_format<interleaved>} : vector<32xbf16> -> vector<16xf32>
        %mul3A_1037 = arith.mulf %unpack3A_1035, %gather3A_1014 : vector<16xf32>
        %mul3A_1038 = arith.mulf %unpack3A_1036, %gather3A_1014 : vector<16xf32>
        %pack3A_1039 = tpu.pack_subelements %mul3A_1037, %mul3A_1038 {pack_format = #tpu.pack_format<interleaved>, positions = array<i32: 0, 1>} : vector<16xf32>, vector<16xf32> -> vector<32xbf16>
        %swap3A_1040 = arith.constant 0 : i32
        %swap3A_1041 = tpu.memref_slice %arg15[%add3A_1011, %swap3A_1040] : memref<128x128xbf16, #tpu.memory_space<vmem>> -> memref<1x128xbf16, #tpu.memory_space<vmem>>
        %swap3A_1042 = tpu.memref_squeeze %swap3A_1041 : memref<1x128xbf16, #tpu.memory_space<vmem>> -> memref<128xbf16, #tpu.memory_space<vmem>>
        %swap3A_1043 = arith.constant 32 : index
        %swap3A_1044 = tpu.vector_load %swap3A_1042[%swap3A_1043] {strides = array<i32>} : memref<128xbf16, #tpu.memory_space<vmem>>, vector<32xbf16>,
        tpu.vector_store %swap3A_1042[%swap3A_1043], %pack3A_1039 {strides = array<i32>} : memref<128xbf16, #tpu.memory_space<vmem>>, vector<32xbf16>,
        %get3A_1045 = arith.constant 0 : i32
        %get3A_1046 = tpu.memref_slice %arg15[%add3A_1011, %get3A_1045] : memref<128x128xbf16, #tpu.memory_space<vmem>> -> memref<1x128xbf16, #tpu.memory_space<vmem>>
        %get3A_1047 = tpu.memref_squeeze %get3A_1046 : memref<1x128xbf16, #tpu.memory_space<vmem>> -> memref<128xbf16, #tpu.memory_space<vmem>>
        %get3A_1048 = arith.constant 64 : index
        %get3A_1049 = tpu.vector_load %get3A_1047[%get3A_1048] {strides = array<i32>} : memref<128xbf16, #tpu.memory_space<vmem>>, vector<32xbf16>,
        %unpack3A_1050 = tpu.unpack_subelements %get3A_1049, 0 {pack_format = #tpu.pack_format<interleaved>} : vector<32xbf16> -> vector<16xf32>
        %unpack3A_1051 = tpu.unpack_subelements %get3A_1049, 1 {pack_format = #tpu.pack_format<interleaved>} : vector<32xbf16> -> vector<16xf32>
        %mul3A_1052 = arith.mulf %unpack3A_1050, %gather3A_1014 : vector<16xf32>
        %mul3A_1053 = arith.mulf %unpack3A_1051, %gather3A_1014 : vector<16xf32>
        %pack3A_1054 = tpu.pack_subelements %mul3A_1052, %mul3A_1053 {pack_format = #tpu.pack_format<interleaved>, positions = array<i32: 0, 1>} : vector<16xf32>, vector<16xf32> -> vector<32xbf16>
        %swap3A_1055 = arith.constant 0 : i32
        %swap3A_1056 = tpu.memref_slice %arg15[%add3A_1011, %swap3A_1055] : memref<128x128xbf16, #tpu.memory_space<vmem>> -> memref<1x128xbf16, #tpu.memory_space<vmem>>
        %swap3A_1057 = tpu.memref_squeeze %swap3A_1056 : memref<1x128xbf16, #tpu.memory_space<vmem>> -> memref<128xbf16, #tpu.memory_space<vmem>>
        %swap3A_1058 = arith.constant 64 : index
        %swap3A_1059 = tpu.vector_load %swap3A_1057[%swap3A_1058] {strides = array<i32>} : memref<128xbf16, #tpu.memory_space<vmem>>, vector<32xbf16>,
        tpu.vector_store %swap3A_1057[%swap3A_1058], %pack3A_1054 {strides = array<i32>} : memref<128xbf16, #tpu.memory_space<vmem>>, vector<32xbf16>,
        %get3A_1060 = arith.constant 0 : i32
        %get3A_1061 = tpu.memref_slice %arg15[%add3A_1011, %get3A_1060] : memref<128x128xbf16, #tpu.memory_space<vmem>> -> memref<1x128xbf16, #tpu.memory_space<vmem>>
        %get3A_1062 = tpu.memref_squeeze %get3A_1061 : memref<1x128xbf16, #tpu.memory_space<vmem>> -> memref<128xbf16, #tpu.memory_space<vmem>>
        %get3A_1063 = arith.constant 96 : index
        %get3A_1064 = tpu.vector_load %get3A_1062[%get3A_1063] {strides = array<i32>} : memref<128xbf16, #tpu.memory_space<vmem>>, vector<32xbf16>,
        %unpack3A_1065 = tpu.unpack_subelements %get3A_1064, 0 {pack_format = #tpu.pack_format<interleaved>} : vector<32xbf16> -> vector<16xf32>
        %unpack3A_1066 = tpu.unpack_subelements %get3A_1064, 1 {pack_format = #tpu.pack_format<interleaved>} : vector<32xbf16> -> vector<16xf32>
        %mul3A_1067 = arith.mulf %unpack3A_1065, %gather3A_1014 : vector<16xf32>
        %mul3A_1068 = arith.mulf %unpack3A_1066, %gather3A_1014 : vector<16xf32>
        %pack3A_1069 = tpu.pack_subelements %mul3A_1067, %mul3A_1068 {pack_format = #tpu.pack_format<interleaved>, positions = array<i32: 0, 1>} : vector<16xf32>, vector<16xf32> -> vector<32xbf16>
        %swap3A_1070 = arith.constant 0 : i32
        %swap3A_1071 = tpu.memref_slice %arg15[%add3A_1011, %swap3A_1070] : memref<128x128xbf16, #tpu.memory_space<vmem>> -> memref<1x128xbf16, #tpu.memory_space<vmem>>
        %swap3A_1072 = tpu.memref_squeeze %swap3A_1071 : memref<1x128xbf16, #tpu.memory_space<vmem>> -> memref<128xbf16, #tpu.memory_space<vmem>>
        %swap3A_1073 = arith.constant 96 : index
        %swap3A_1074 = tpu.vector_load %swap3A_1072[%swap3A_1073] {strides = array<i32>} : memref<128xbf16, #tpu.memory_space<vmem>>, vector<32xbf16>,
        tpu.vector_store %swap3A_1072[%swap3A_1073], %pack3A_1069 {strides = array<i32>} : memref<128xbf16, #tpu.memory_space<vmem>>, vector<32xbf16>,
        %scan3A_1075 = arith.constant 0 : i32
        scf.yield %scan3A_1075 : i32
      }
      %scan3A_780 = arith.constant 32 : i32
      %dma_wait3A_781 = arith.constant 0 : i32
      %dma_wait3A_782 = tpu.memref_slice %arg10[%mul3A_184, %dma_wait3A_781] : memref<79x128xi32, #tpu.memory_space<vmem>> -> memref<1x128xi32, #tpu.memory_space<vmem>>
      %dma_wait3A_783 = tpu.memref_squeeze %dma_wait3A_782 : memref<1x128xi32, #tpu.memory_space<vmem>> -> memref<128xi32, #tpu.memory_space<vmem>>
      %dma_wait3A_784 = arith.constant 0 : i32
      %dma_wait3A_785 = arith.constant 0 : i32
      %dma_wait3A_786 = tpu.memref_slice %arg17[%dma_wait3A_784, %dma_wait3A_785] : memref<10240x128xbf16, #tpu.memory_space<vmem_shared>> -> memref<10240x128xbf16, #tpu.memory_space<vmem_shared>>
      tpu.wait_indirect_dma semaphore(%arg21 : memref<!tpu.dma_semaphore, #tpu.memory_space<semaphore_mem>>) src(%arg14 : memref<128x128xbf16, #tpu.memory_space<vmem>>) dst(%dma_wait3A_786 : memref<10240x128xbf16, #tpu.memory_space<vmem_shared>>)
      %add3A_787 = arith.constant 2 : i32
      %add3A_788 = arith.addi %mul3A_184, %add3A_787 : i32
      %sub3A_789 = arith.constant 1 : i32
      %sub3A_790 = arith.subi %add3A_4, %sub3A_789 : i32
      %min3A_791 = arith.minsi %add3A_788, %sub3A_790 : i32
      %dma_start3A_792 = arith.constant 0 : i32
      %dma_start3A_793 = tpu.memref_slice %arg9[%min3A_791, %dma_start3A_792] : memref<79x128xi32, #tpu.memory_space<vmem>> -> memref<1x128xi32, #tpu.memory_space<vmem>>
      %dma_start3A_794 = tpu.memref_squeeze %dma_start3A_793 : memref<1x128xi32, #tpu.memory_space<vmem>> -> memref<128xi32, #tpu.memory_space<vmem>>
      %dma_start3A_795 = arith.constant 0 : i32
      %dma_start3A_796 = arith.constant 0 : i32
      %dma_start3A_797 = tpu.memref_slice %arg2[%dma_start3A_795, %dma_start3A_796] : memref<10240x128xbf16, #tpu.memory_space<hbm>> -> memref<10240x128xbf16, #tpu.memory_space<hbm>>
      tpu.enqueue_indirect_dma source(%dma_start3A_797 : memref<10240x128xbf16, #tpu.memory_space<hbm>>) target(%arg14 : memref<128x128xbf16, #tpu.memory_space<vmem>>) offsets(%dma_start3A_794 : memref<128xi32, #tpu.memory_space<vmem>>) semaphore(%arg19 : memref<!tpu.dma_semaphore, #tpu.memory_space<semaphore_mem>>)
      %add3A_798 = arith.constant 1 : i32
      %add3A_799 = arith.addi %mul3A_184, %add3A_798 : i32
      %dma_start3A_800 = arith.constant 0 : i32
      %dma_start3A_801 = tpu.memref_slice %arg10[%add3A_799, %dma_start3A_800] : memref<79x128xi32, #tpu.memory_space<vmem>> -> memref<1x128xi32, #tpu.memory_space<vmem>>
      %dma_start3A_802 = tpu.memref_squeeze %dma_start3A_801 : memref<1x128xi32, #tpu.memory_space<vmem>> -> memref<128xi32, #tpu.memory_space<vmem>>
      %dma_start3A_803 = arith.constant 0 : i32
      %dma_start3A_804 = arith.constant 0 : i32
      %dma_start3A_805 = tpu.memref_slice %arg17[%dma_start3A_803, %dma_start3A_804] : memref<10240x128xbf16, #tpu.memory_space<vmem_shared>> -> memref<10240x128xbf16, #tpu.memory_space<vmem_shared>>
      tpu.enqueue_indirect_dma source(%arg15 : memref<128x128xbf16, #tpu.memory_space<vmem>>) target(%dma_start3A_805 : memref<10240x128xbf16, #tpu.memory_space<vmem_shared>>) offsets(%dma_start3A_802 : memref<128xi32, #tpu.memory_space<vmem>>) semaphore(%arg22 : memref<!tpu.dma_semaphore, #tpu.memory_space<semaphore_mem>>) {add = true}
      %while3A_806 = arith.constant 0 : i32
      scf.yield %while3A_806 : i32
    }
    %while3A_115 = arith.constant 1 : i32
    %while3A_116 = scf.for %while3A_181 = %while3A_112 to %while3A_108 step %while3A_115 iter_args(%while3A_182 = %while3A_114) -> (i32)  : i32 {
      %mul3A_183 = arith.constant 2 : i32
      %mul3A_184 = arith.muli %while3A_181, %mul3A_183 : i32
      %dma_wait3A_185 = arith.constant 0 : i32
      %dma_wait3A_186 = tpu.memref_slice %arg10[%mul3A_184, %dma_wait3A_185] : memref<79x128xi32, #tpu.memory_space<vmem>> -> memref<1x128xi32, #tpu.memory_space<vmem>>
      %dma_wait3A_187 = tpu.memref_squeeze %dma_wait3A_186 : memref<1x128xi32, #tpu.memory_space<vmem>> -> memref<128xi32, #tpu.memory_space<vmem>>
      %dma_wait3A_188 = arith.constant 0 : i32
      %dma_wait3A_189 = arith.constant 0 : i32
      %dma_wait3A_190 = tpu.memref_slice %arg17[%dma_wait3A_188, %dma_wait3A_189] : memref<10240x128xbf16, #tpu.memory_space<vmem_shared>> -> memref<10240x128xbf16, #tpu.memory_space<vmem_shared>>
      tpu.wait_indirect_dma semaphore(%arg22 : memref<!tpu.dma_semaphore, #tpu.memory_space<semaphore_mem>>) src(%arg15 : memref<128x128xbf16, #tpu.memory_space<vmem>>) dst(%dma_wait3A_190 : memref<10240x128xbf16, #tpu.memory_space<vmem_shared>>)
      %dma_wait3A_191 = arith.constant 0 : i32
      %dma_wait3A_192 = tpu.memref_slice %arg10[%mul3A_184, %dma_wait3A_191] : memref<79x128xi32, #tpu.memory_space<vmem>> -> memref<1x128xi32, #tpu.memory_space<vmem>>
      %dma_wait3A_193 = tpu.memref_squeeze %dma_wait3A_192 : memref<1x128xi32, #tpu.memory_space<vmem>> -> memref<128xi32, #tpu.memory_space<vmem>>
      %dma_wait3A_194 = arith.constant 0 : i32
      %dma_wait3A_195 = tpu.memref_slice %arg18[%dma_wait3A_194] : memref<10240xf32, #tpu.memory_space<vmem_shared>> -> memref<10240xf32, #tpu.memory_space<vmem_shared>>
      tpu.wait_indirect_dma semaphore(%arg23 : memref<!tpu.dma_semaphore, #tpu.memory_space<semaphore_mem>>) src(%arg11 : memref<128xf32, #tpu.memory_space<vmem>>) dst(%dma_wait3A_195 : memref<10240xf32, #tpu.memory_space<vmem_shared>>)
      %get3A_196 = arith.constant 0 : i32
      %get3A_197 = tpu.memref_slice %arg9[%mul3A_184, %get3A_196] : memref<79x128xi32, #tpu.memory_space<vmem>> -> memref<1x128xi32, #tpu.memory_space<vmem>>
      %get3A_198 = tpu.memref_squeeze %get3A_197 : memref<1x128xi32, #tpu.memory_space<vmem>> -> memref<128xi32, #tpu.memory_space<vmem>>
      %get3A_199 = arith.constant 0 : index
      %get3A_200 = tpu.vector_load %get3A_198[%get3A_199] {strides = array<i32>} : memref<128xi32, #tpu.memory_space<vmem>>, vector<16xi32>,
      %get3A_201 = arith.constant 0 : i32
      %get3A_202 = tpu.memref_slice %arg10[%mul3A_184, %get3A_201] : memref<79x128xi32, #tpu.memory_space<vmem>> -> memref<1x128xi32, #tpu.memory_space<vmem>>
      %get3A_203 = tpu.memref_squeeze %get3A_202 : memref<1x128xi32, #tpu.memory_space<vmem>> -> memref<128xi32, #tpu.memory_space<vmem>>
      %get3A_204 = arith.constant 0 : index
      %get3A_205 = tpu.vector_load %get3A_203[%get3A_204] {strides = array<i32>} : memref<128xi32, #tpu.memory_space<vmem>>, vector<16xi32>,
      %mul3A_206 = arith.constant 2 : i32
      %mul3A_207 = vector.broadcast %mul3A_206 : i32 to vector<16xi32>
      %mul3A_208 = arith.muli %get3A_200, %mul3A_207 : vector<16xi32>
      %gather3A = tpu.vector_load_idx %arg8[%mul3A_208] : memref<20480xf32, #tpu.memory_space<vmem>>[vector<16xi32>], vector<16xf32>,
      %mul3A_209 = arith.constant 2 : i32
      %mul3A_210 = vector.broadcast %mul3A_209 : i32 to vector<16xi32>
      %mul3A_211 = arith.muli %get3A_205, %mul3A_210 : vector<16xi32>
      %add3A_212 = arith.constant 1 : i32
      %add3A_213 = vector.broadcast %add3A_212 : i32 to vector<16xi32>
      %add3A_214 = arith.addi %mul3A_211, %add3A_213 : vector<16xi32>
      %gather3A_215 = tpu.vector_load_idx %arg8[%add3A_214] : memref<20480xf32, #tpu.memory_space<vmem>>[vector<16xi32>], vector<16xf32>,
      %add3A_216 = arith.addf %gather3A, %gather3A_215 : vector<16xf32>
      %ge3A = arith.constant 0.000000e+00 : f32
      %ge3A_217 = vector.broadcast %ge3A : f32 to vector<16xf32>
      %ge3A_218 = arith.cmpf oge, %add3A_216, %ge3A_217 : vector<16xf32>
      %mul3A_219 = arith.constant 2.000000e-01 : f32
      %mul3A_220 = vector.broadcast %mul3A_219 : f32 to vector<16xf32>
      %mul3A_221 = arith.mulf %mul3A_220, %add3A_216 : vector<16xf32>
      %select_n3A_222 = arith.select %ge3A_218, %add3A_216, %mul3A_221 : vector<16xi1>, vector<16xf32>
      %sub3A_223 = arith.subf %select_n3A_222, %get3A_52 : vector<16xf32>
      %exp3A = math.exp %sub3A_223 : vector<16xf32>
      %swap3A = arith.constant 0 : index
      %swap3A_224 = tpu.vector_load %arg11[%swap3A] {strides = array<i32>} : memref<128xf32, #tpu.memory_space<vmem>>, vector<16xf32>,
      tpu.vector_store %arg11[%swap3A], %exp3A {strides = array<i32>} : memref<128xf32, #tpu.memory_space<vmem>>, vector<16xf32>,
      %get3A_225 = arith.constant 0 : i32
      %get3A_226 = tpu.memref_slice %arg9[%mul3A_184, %get3A_225] : memref<79x128xi32, #tpu.memory_space<vmem>> -> memref<1x128xi32, #tpu.memory_space<vmem>>
      %get3A_227 = tpu.memref_squeeze %get3A_226 : memref<1x128xi32, #tpu.memory_space<vmem>> -> memref<128xi32, #tpu.memory_space<vmem>>
      %get3A_228 = arith.constant 16 : index
      %get3A_229 = tpu.vector_load %get3A_227[%get3A_228] {strides = array<i32>} : memref<128xi32, #tpu.memory_space<vmem>>, vector<16xi32>,
      %get3A_230 = arith.constant 0 : i32
      %get3A_231 = tpu.memref_slice %arg10[%mul3A_184, %get3A_230] : memref<79x128xi32, #tpu.memory_space<vmem>> -> memref<1x128xi32, #tpu.memory_space<vmem>>
      %get3A_232 = tpu.memref_squeeze %get3A_231 : memref<1x128xi32, #tpu.memory_space<vmem>> -> memref<128xi32, #tpu.memory_space<vmem>>
      %get3A_233 = arith.constant 16 : index
      %get3A_234 = tpu.vector_load %get3A_232[%get3A_233] {strides = array<i32>} : memref<128xi32, #tpu.memory_space<vmem>>, vector<16xi32>,
      %mul3A_235 = arith.constant 2 : i32
      %mul3A_236 = vector.broadcast %mul3A_235 : i32 to vector<16xi32>
      %mul3A_237 = arith.muli %get3A_229, %mul3A_236 : vector<16xi32>
      %gather3A_238 = tpu.vector_load_idx %arg8[%mul3A_237] : memref<20480xf32, #tpu.memory_space<vmem>>[vector<16xi32>], vector<16xf32>,
      %mul3A_239 = arith.constant 2 : i32
      %mul3A_240 = vector.broadcast %mul3A_239 : i32 to vector<16xi32>
      %mul3A_241 = arith.muli %get3A_234, %mul3A_240 : vector<16xi32>
      %add3A_242 = arith.constant 1 : i32
      %add3A_243 = vector.broadcast %add3A_242 : i32 to vector<16xi32>
      %add3A_244 = arith.addi %mul3A_241, %add3A_243 : vector<16xi32>
      %gather3A_245 = tpu.vector_load_idx %arg8[%add3A_244] : memref<20480xf32, #tpu.memory_space<vmem>>[vector<16xi32>], vector<16xf32>,
      %add3A_246 = arith.addf %gather3A_238, %gather3A_245 : vector<16xf32>
      %ge3A_247 = arith.constant 0.000000e+00 : f32
      %ge3A_248 = vector.broadcast %ge3A_247 : f32 to vector<16xf32>
      %ge3A_249 = arith.cmpf oge, %add3A_246, %ge3A_248 : vector<16xf32>
      %mul3A_250 = arith.constant 2.000000e-01 : f32
      %mul3A_251 = vector.broadcast %mul3A_250 : f32 to vector<16xf32>
      %mul3A_252 = arith.mulf %mul3A_251, %add3A_246 : vector<16xf32>
      %select_n3A_253 = arith.select %ge3A_249, %add3A_246, %mul3A_252 : vector<16xi1>, vector<16xf32>
      %sub3A_254 = arith.subf %select_n3A_253, %get3A_52 : vector<16xf32>
      %exp3A_255 = math.exp %sub3A_254 : vector<16xf32>
      %swap3A_256 = arith.constant 16 : index
      %swap3A_257 = tpu.vector_load %arg11[%swap3A_256] {strides = array<i32>} : memref<128xf32, #tpu.memory_space<vmem>>, vector<16xf32>,
      tpu.vector_store %arg11[%swap3A_256], %exp3A_255 {strides = array<i32>} : memref<128xf32, #tpu.memory_space<vmem>>, vector<16xf32>,
      %get3A_258 = arith.constant 0 : i32
      %get3A_259 = tpu.memref_slice %arg9[%mul3A_184, %get3A_258] : memref<79x128xi32, #tpu.memory_space<vmem>> -> memref<1x128xi32, #tpu.memory_space<vmem>>
      %get3A_260 = tpu.memref_squeeze %get3A_259 : memref<1x128xi32, #tpu.memory_space<vmem>> -> memref<128xi32, #tpu.memory_space<vmem>>
      %get3A_261 = arith.constant 32 : index
      %get3A_262 = tpu.vector_load %get3A_260[%get3A_261] {strides = array<i32>} : memref<128xi32, #tpu.memory_space<vmem>>, vector<16xi32>,
      %get3A_263 = arith.constant 0 : i32
      %get3A_264 = tpu.memref_slice %arg10[%mul3A_184, %get3A_263] : memref<79x128xi32, #tpu.memory_space<vmem>> -> memref<1x128xi32, #tpu.memory_space<vmem>>
      %get3A_265 = tpu.memref_squeeze %get3A_264 : memref<1x128xi32, #tpu.memory_space<vmem>> -> memref<128xi32, #tpu.memory_space<vmem>>
      %get3A_266 = arith.constant 32 : index
      %get3A_267 = tpu.vector_load %get3A_265[%get3A_266] {strides = array<i32>} : memref<128xi32, #tpu.memory_space<vmem>>, vector<16xi32>,
      %mul3A_268 = arith.constant 2 : i32
      %mul3A_269 = vector.broadcast %mul3A_268 : i32 to vector<16xi32>
      %mul3A_270 = arith.muli %get3A_262, %mul3A_269 : vector<16xi32>
      %gather3A_271 = tpu.vector_load_idx %arg8[%mul3A_270] : memref<20480xf32, #tpu.memory_space<vmem>>[vector<16xi32>], vector<16xf32>,
      %mul3A_272 = arith.constant 2 : i32
      %mul3A_273 = vector.broadcast %mul3A_272 : i32 to vector<16xi32>
      %mul3A_274 = arith.muli %get3A_267, %mul3A_273 : vector<16xi32>
      %add3A_275 = arith.constant 1 : i32
      %add3A_276 = vector.broadcast %add3A_275 : i32 to vector<16xi32>
      %add3A_277 = arith.addi %mul3A_274, %add3A_276 : vector<16xi32>
      %gather3A_278 = tpu.vector_load_idx %arg8[%add3A_277] : memref<20480xf32, #tpu.memory_space<vmem>>[vector<16xi32>], vector<16xf32>,
      %add3A_279 = arith.addf %gather3A_271, %gather3A_278 : vector<16xf32>
      %ge3A_280 = arith.constant 0.000000e+00 : f32
      %ge3A_281 = vector.broadcast %ge3A_280 : f32 to vector<16xf32>
      %ge3A_282 = arith.cmpf oge, %add3A_279, %ge3A_281 : vector<16xf32>
      %mul3A_283 = arith.constant 2.000000e-01 : f32
      %mul3A_284 = vector.broadcast %mul3A_283 : f32 to vector<16xf32>
      %mul3A_285 = arith.mulf %mul3A_284, %add3A_279 : vector<16xf32>
      %select_n3A_286 = arith.select %ge3A_282, %add3A_279, %mul3A_285 : vector<16xi1>, vector<16xf32>
      %sub3A_287 = arith.subf %select_n3A_286, %get3A_52 : vector<16xf32>
      %exp3A_288 = math.exp %sub3A_287 : vector<16xf32>
      %swap3A_289 = arith.constant 32 : index
      %swap3A_290 = tpu.vector_load %arg11[%swap3A_289] {strides = array<i32>} : memref<128xf32, #tpu.memory_space<vmem>>, vector<16xf32>,
      tpu.vector_store %arg11[%swap3A_289], %exp3A_288 {strides = array<i32>} : memref<128xf32, #tpu.memory_space<vmem>>, vector<16xf32>,
      %get3A_291 = arith.constant 0 : i32
      %get3A_292 = tpu.memref_slice %arg9[%mul3A_184, %get3A_291] : memref<79x128xi32, #tpu.memory_space<vmem>> -> memref<1x128xi32, #tpu.memory_space<vmem>>
      %get3A_293 = tpu.memref_squeeze %get3A_292 : memref<1x128xi32, #tpu.memory_space<vmem>> -> memref<128xi32, #tpu.memory_space<vmem>>
      %get3A_294 = arith.constant 48 : index
      %get3A_295 = tpu.vector_load %get3A_293[%get3A_294] {strides = array<i32>} : memref<128xi32, #tpu.memory_space<vmem>>, vector<16xi32>,
      %get3A_296 = arith.constant 0 : i32
      %get3A_297 = tpu.memref_slice %arg10[%mul3A_184, %get3A_296] : memref<79x128xi32, #tpu.memory_space<vmem>> -> memref<1x128xi32, #tpu.memory_space<vmem>>
      %get3A_298 = tpu.memref_squeeze %get3A_297 : memref<1x128xi32, #tpu.memory_space<vmem>> -> memref<128xi32, #tpu.memory_space<vmem>>
      %get3A_299 = arith.constant 48 : index
      %get3A_300 = tpu.vector_load %get3A_298[%get3A_299] {strides = array<i32>} : memref<128xi32, #tpu.memory_space<vmem>>, vector<16xi32>,
      %mul3A_301 = arith.constant 2 : i32
      %mul3A_302 = vector.broadcast %mul3A_301 : i32 to vector<16xi32>
      %mul3A_303 = arith.muli %get3A_295, %mul3A_302 : vector<16xi32>
      %gather3A_304 = tpu.vector_load_idx %arg8[%mul3A_303] : memref<20480xf32, #tpu.memory_space<vmem>>[vector<16xi32>], vector<16xf32>,
      %mul3A_305 = arith.constant 2 : i32
      %mul3A_306 = vector.broadcast %mul3A_305 : i32 to vector<16xi32>
      %mul3A_307 = arith.muli %get3A_300, %mul3A_306 : vector<16xi32>
      %add3A_308 = arith.constant 1 : i32
      %add3A_309 = vector.broadcast %add3A_308 : i32 to vector<16xi32>
      %add3A_310 = arith.addi %mul3A_307, %add3A_309 : vector<16xi32>
      %gather3A_311 = tpu.vector_load_idx %arg8[%add3A_310] : memref<20480xf32, #tpu.memory_space<vmem>>[vector<16xi32>], vector<16xf32>,
      %add3A_312 = arith.addf %gather3A_304, %gather3A_311 : vector<16xf32>
      %ge3A_313 = arith.constant 0.000000e+00 : f32
      %ge3A_314 = vector.broadcast %ge3A_313 : f32 to vector<16xf32>
      %ge3A_315 = arith.cmpf oge, %add3A_312, %ge3A_314 : vector<16xf32>
      %mul3A_316 = arith.constant 2.000000e-01 : f32
      %mul3A_317 = vector.broadcast %mul3A_316 : f32 to vector<16xf32>
      %mul3A_318 = arith.mulf %mul3A_317, %add3A_312 : vector<16xf32>
      %select_n3A_319 = arith.select %ge3A_315, %add3A_312, %mul3A_318 : vector<16xi1>, vector<16xf32>
      %sub3A_320 = arith.subf %select_n3A_319, %get3A_52 : vector<16xf32>
      %exp3A_321 = math.exp %sub3A_320 : vector<16xf32>
      %swap3A_322 = arith.constant 48 : index
      %swap3A_323 = tpu.vector_load %arg11[%swap3A_322] {strides = array<i32>} : memref<128xf32, #tpu.memory_space<vmem>>, vector<16xf32>,
      tpu.vector_store %arg11[%swap3A_322], %exp3A_321 {strides = array<i32>} : memref<128xf32, #tpu.memory_space<vmem>>, vector<16xf32>,
      %get3A_324 = arith.constant 0 : i32
      %get3A_325 = tpu.memref_slice %arg9[%mul3A_184, %get3A_324] : memref<79x128xi32, #tpu.memory_space<vmem>> -> memref<1x128xi32, #tpu.memory_space<vmem>>
      %get3A_326 = tpu.memref_squeeze %get3A_325 : memref<1x128xi32, #tpu.memory_space<vmem>> -> memref<128xi32, #tpu.memory_space<vmem>>
      %get3A_327 = arith.constant 64 : index
      %get3A_328 = tpu.vector_load %get3A_326[%get3A_327] {strides = array<i32>} : memref<128xi32, #tpu.memory_space<vmem>>, vector<16xi32>,
      %get3A_329 = arith.constant 0 : i32
      %get3A_330 = tpu.memref_slice %arg10[%mul3A_184, %get3A_329] : memref<79x128xi32, #tpu.memory_space<vmem>> -> memref<1x128xi32, #tpu.memory_space<vmem>>
      %get3A_331 = tpu.memref_squeeze %get3A_330 : memref<1x128xi32, #tpu.memory_space<vmem>> -> memref<128xi32, #tpu.memory_space<vmem>>
      %get3A_332 = arith.constant 64 : index
      %get3A_333 = tpu.vector_load %get3A_331[%get3A_332] {strides = array<i32>} : memref<128xi32, #tpu.memory_space<vmem>>, vector<16xi32>,
      %mul3A_334 = arith.constant 2 : i32
      %mul3A_335 = vector.broadcast %mul3A_334 : i32 to vector<16xi32>
      %mul3A_336 = arith.muli %get3A_328, %mul3A_335 : vector<16xi32>
      %gather3A_337 = tpu.vector_load_idx %arg8[%mul3A_336] : memref<20480xf32, #tpu.memory_space<vmem>>[vector<16xi32>], vector<16xf32>,
      %mul3A_338 = arith.constant 2 : i32
      %mul3A_339 = vector.broadcast %mul3A_338 : i32 to vector<16xi32>
      %mul3A_340 = arith.muli %get3A_333, %mul3A_339 : vector<16xi32>
      %add3A_341 = arith.constant 1 : i32
      %add3A_342 = vector.broadcast %add3A_341 : i32 to vector<16xi32>
      %add3A_343 = arith.addi %mul3A_340, %add3A_342 : vector<16xi32>
      %gather3A_344 = tpu.vector_load_idx %arg8[%add3A_343] : memref<20480xf32, #tpu.memory_space<vmem>>[vector<16xi32>], vector<16xf32>,
      %add3A_345 = arith.addf %gather3A_337, %gather3A_344 : vector<16xf32>
      %ge3A_346 = arith.constant 0.000000e+00 : f32
      %ge3A_347 = vector.broadcast %ge3A_346 : f32 to vector<16xf32>
      %ge3A_348 = arith.cmpf oge, %add3A_345, %ge3A_347 : vector<16xf32>
      %mul3A_349 = arith.constant 2.000000e-01 : f32
      %mul3A_350 = vector.broadcast %mul3A_349 : f32 to vector<16xf32>
      %mul3A_351 = arith.mulf %mul3A_350, %add3A_345 : vector<16xf32>
      %select_n3A_352 = arith.select %ge3A_348, %add3A_345, %mul3A_351 : vector<16xi1>, vector<16xf32>
      %sub3A_353 = arith.subf %select_n3A_352, %get3A_52 : vector<16xf32>
      %exp3A_354 = math.exp %sub3A_353 : vector<16xf32>
      %swap3A_355 = arith.constant 64 : index
      %swap3A_356 = tpu.vector_load %arg11[%swap3A_355] {strides = array<i32>} : memref<128xf32, #tpu.memory_space<vmem>>, vector<16xf32>,
      tpu.vector_store %arg11[%swap3A_355], %exp3A_354 {strides = array<i32>} : memref<128xf32, #tpu.memory_space<vmem>>, vector<16xf32>,
      %get3A_357 = arith.constant 0 : i32
      %get3A_358 = tpu.memref_slice %arg9[%mul3A_184, %get3A_357] : memref<79x128xi32, #tpu.memory_space<vmem>> -> memref<1x128xi32, #tpu.memory_space<vmem>>
      %get3A_359 = tpu.memref_squeeze %get3A_358 : memref<1x128xi32, #tpu.memory_space<vmem>> -> memref<128xi32, #tpu.memory_space<vmem>>
      %get3A_360 = arith.constant 80 : index
      %get3A_361 = tpu.vector_load %get3A_359[%get3A_360] {strides = array<i32>} : memref<128xi32, #tpu.memory_space<vmem>>, vector<16xi32>,
      %get3A_362 = arith.constant 0 : i32
      %get3A_363 = tpu.memref_slice %arg10[%mul3A_184, %get3A_362] : memref<79x128xi32, #tpu.memory_space<vmem>> -> memref<1x128xi32, #tpu.memory_space<vmem>>
      %get3A_364 = tpu.memref_squeeze %get3A_363 : memref<1x128xi32, #tpu.memory_space<vmem>> -> memref<128xi32, #tpu.memory_space<vmem>>
      %get3A_365 = arith.constant 80 : index
      %get3A_366 = tpu.vector_load %get3A_364[%get3A_365] {strides = array<i32>} : memref<128xi32, #tpu.memory_space<vmem>>, vector<16xi32>,
      %mul3A_367 = arith.constant 2 : i32
      %mul3A_368 = vector.broadcast %mul3A_367 : i32 to vector<16xi32>
      %mul3A_369 = arith.muli %get3A_361, %mul3A_368 : vector<16xi32>
      %gather3A_370 = tpu.vector_load_idx %arg8[%mul3A_369] : memref<20480xf32, #tpu.memory_space<vmem>>[vector<16xi32>], vector<16xf32>,
      %mul3A_371 = arith.constant 2 : i32
      %mul3A_372 = vector.broadcast %mul3A_371 : i32 to vector<16xi32>
      %mul3A_373 = arith.muli %get3A_366, %mul3A_372 : vector<16xi32>
      %add3A_374 = arith.constant 1 : i32
      %add3A_375 = vector.broadcast %add3A_374 : i32 to vector<16xi32>
      %add3A_376 = arith.addi %mul3A_373, %add3A_375 : vector<16xi32>
      %gather3A_377 = tpu.vector_load_idx %arg8[%add3A_376] : memref<20480xf32, #tpu.memory_space<vmem>>[vector<16xi32>], vector<16xf32>,
      %add3A_378 = arith.addf %gather3A_370, %gather3A_377 : vector<16xf32>
      %ge3A_379 = arith.constant 0.000000e+00 : f32
      %ge3A_380 = vector.broadcast %ge3A_379 : f32 to vector<16xf32>
      %ge3A_381 = arith.cmpf oge, %add3A_378, %ge3A_380 : vector<16xf32>
      %mul3A_382 = arith.constant 2.000000e-01 : f32
      %mul3A_383 = vector.broadcast %mul3A_382 : f32 to vector<16xf32>
      %mul3A_384 = arith.mulf %mul3A_383, %add3A_378 : vector<16xf32>
      %select_n3A_385 = arith.select %ge3A_381, %add3A_378, %mul3A_384 : vector<16xi1>, vector<16xf32>
      %sub3A_386 = arith.subf %select_n3A_385, %get3A_52 : vector<16xf32>
      %exp3A_387 = math.exp %sub3A_386 : vector<16xf32>
      %swap3A_388 = arith.constant 80 : index
      %swap3A_389 = tpu.vector_load %arg11[%swap3A_388] {strides = array<i32>} : memref<128xf32, #tpu.memory_space<vmem>>, vector<16xf32>,
      tpu.vector_store %arg11[%swap3A_388], %exp3A_387 {strides = array<i32>} : memref<128xf32, #tpu.memory_space<vmem>>, vector<16xf32>,
      %get3A_390 = arith.constant 0 : i32
      %get3A_391 = tpu.memref_slice %arg9[%mul3A_184, %get3A_390] : memref<79x128xi32, #tpu.memory_space<vmem>> -> memref<1x128xi32, #tpu.memory_space<vmem>>
      %get3A_392 = tpu.memref_squeeze %get3A_391 : memref<1x128xi32, #tpu.memory_space<vmem>> -> memref<128xi32, #tpu.memory_space<vmem>>
      %get3A_393 = arith.constant 96 : index
      %get3A_394 = tpu.vector_load %get3A_392[%get3A_393] {strides = array<i32>} : memref<128xi32, #tpu.memory_space<vmem>>, vector<16xi32>,
      %get3A_395 = arith.constant 0 : i32
      %get3A_396 = tpu.memref_slice %arg10[%mul3A_184, %get3A_395] : memref<79x128xi32, #tpu.memory_space<vmem>> -> memref<1x128xi32, #tpu.memory_space<vmem>>
      %get3A_397 = tpu.memref_squeeze %get3A_396 : memref<1x128xi32, #tpu.memory_space<vmem>> -> memref<128xi32, #tpu.memory_space<vmem>>
      %get3A_398 = arith.constant 96 : index
      %get3A_399 = tpu.vector_load %get3A_397[%get3A_398] {strides = array<i32>} : memref<128xi32, #tpu.memory_space<vmem>>, vector<16xi32>,
      %mul3A_400 = arith.constant 2 : i32
      %mul3A_401 = vector.broadcast %mul3A_400 : i32 to vector<16xi32>
      %mul3A_402 = arith.muli %get3A_394, %mul3A_401 : vector<16xi32>
      %gather3A_403 = tpu.vector_load_idx %arg8[%mul3A_402] : memref<20480xf32, #tpu.memory_space<vmem>>[vector<16xi32>], vector<16xf32>,
      %mul3A_404 = arith.constant 2 : i32
      %mul3A_405 = vector.broadcast %mul3A_404 : i32 to vector<16xi32>
      %mul3A_406 = arith.muli %get3A_399, %mul3A_405 : vector<16xi32>
      %add3A_407 = arith.constant 1 : i32
      %add3A_408 = vector.broadcast %add3A_407 : i32 to vector<16xi32>
      %add3A_409 = arith.addi %mul3A_406, %add3A_408 : vector<16xi32>
      %gather3A_410 = tpu.vector_load_idx %arg8[%add3A_409] : memref<20480xf32, #tpu.memory_space<vmem>>[vector<16xi32>], vector<16xf32>,
      %add3A_411 = arith.addf %gather3A_403, %gather3A_410 : vector<16xf32>
      %ge3A_412 = arith.constant 0.000000e+00 : f32
      %ge3A_413 = vector.broadcast %ge3A_412 : f32 to vector<16xf32>
      %ge3A_414 = arith.cmpf oge, %add3A_411, %ge3A_413 : vector<16xf32>
      %mul3A_415 = arith.constant 2.000000e-01 : f32
      %mul3A_416 = vector.broadcast %mul3A_415 : f32 to vector<16xf32>
      %mul3A_417 = arith.mulf %mul3A_416, %add3A_411 : vector<16xf32>
      %select_n3A_418 = arith.select %ge3A_414, %add3A_411, %mul3A_417 : vector<16xi1>, vector<16xf32>
      %sub3A_419 = arith.subf %select_n3A_418, %get3A_52 : vector<16xf32>
      %exp3A_420 = math.exp %sub3A_419 : vector<16xf32>
      %swap3A_421 = arith.constant 96 : index
      %swap3A_422 = tpu.vector_load %arg11[%swap3A_421] {strides = array<i32>} : memref<128xf32, #tpu.memory_space<vmem>>, vector<16xf32>,
      tpu.vector_store %arg11[%swap3A_421], %exp3A_420 {strides = array<i32>} : memref<128xf32, #tpu.memory_space<vmem>>, vector<16xf32>,
      %get3A_423 = arith.constant 0 : i32
      %get3A_424 = tpu.memref_slice %arg9[%mul3A_184, %get3A_423] : memref<79x128xi32, #tpu.memory_space<vmem>> -> memref<1x128xi32, #tpu.memory_space<vmem>>
      %get3A_425 = tpu.memref_squeeze %get3A_424 : memref<1x128xi32, #tpu.memory_space<vmem>> -> memref<128xi32, #tpu.memory_space<vmem>>
      %get3A_426 = arith.constant 112 : index
      %get3A_427 = tpu.vector_load %get3A_425[%get3A_426] {strides = array<i32>} : memref<128xi32, #tpu.memory_space<vmem>>, vector<16xi32>,
      %get3A_428 = arith.constant 0 : i32
      %get3A_429 = tpu.memref_slice %arg10[%mul3A_184, %get3A_428] : memref<79x128xi32, #tpu.memory_space<vmem>> -> memref<1x128xi32, #tpu.memory_space<vmem>>
      %get3A_430 = tpu.memref_squeeze %get3A_429 : memref<1x128xi32, #tpu.memory_space<vmem>> -> memref<128xi32, #tpu.memory_space<vmem>>
      %get3A_431 = arith.constant 112 : index
      %get3A_432 = tpu.vector_load %get3A_430[%get3A_431] {strides = array<i32>} : memref<128xi32, #tpu.memory_space<vmem>>, vector<16xi32>,
      %mul3A_433 = arith.constant 2 : i32
      %mul3A_434 = vector.broadcast %mul3A_433 : i32 to vector<16xi32>
      %mul3A_435 = arith.muli %get3A_427, %mul3A_434 : vector<16xi32>
      %gather3A_436 = tpu.vector_load_idx %arg8[%mul3A_435] : memref<20480xf32, #tpu.memory_space<vmem>>[vector<16xi32>], vector<16xf32>,
      %mul3A_437 = arith.constant 2 : i32
      %mul3A_438 = vector.broadcast %mul3A_437 : i32 to vector<16xi32>
      %mul3A_439 = arith.muli %get3A_432, %mul3A_438 : vector<16xi32>
      %add3A_440 = arith.constant 1 : i32
      %add3A_441 = vector.broadcast %add3A_440 : i32 to vector<16xi32>
      %add3A_442 = arith.addi %mul3A_439, %add3A_441 : vector<16xi32>
      %gather3A_443 = tpu.vector_load_idx %arg8[%add3A_442] : memref<20480xf32, #tpu.memory_space<vmem>>[vector<16xi32>], vector<16xf32>,
      %add3A_444 = arith.addf %gather3A_436, %gather3A_443 : vector<16xf32>
      %ge3A_445 = arith.constant 0.000000e+00 : f32
      %ge3A_446 = vector.broadcast %ge3A_445 : f32 to vector<16xf32>
      %ge3A_447 = arith.cmpf oge, %add3A_444, %ge3A_446 : vector<16xf32>
      %mul3A_448 = arith.constant 2.000000e-01 : f32
      %mul3A_449 = vector.broadcast %mul3A_448 : f32 to vector<16xf32>
      %mul3A_450 = arith.mulf %mul3A_449, %add3A_444 : vector<16xf32>
      %select_n3A_451 = arith.select %ge3A_447, %add3A_444, %mul3A_450 : vector<16xi1>, vector<16xf32>
      %sub3A_452 = arith.subf %select_n3A_451, %get3A_52 : vector<16xf32>
      %exp3A_453 = math.exp %sub3A_452 : vector<16xf32>
      %swap3A_454 = arith.constant 112 : index
      %swap3A_455 = tpu.vector_load %arg11[%swap3A_454] {strides = array<i32>} : memref<128xf32, #tpu.memory_space<vmem>>, vector<16xf32>,
      tpu.vector_store %arg11[%swap3A_454], %exp3A_453 {strides = array<i32>} : memref<128xf32, #tpu.memory_space<vmem>>, vector<16xf32>,
      %dma_start3A_456 = arith.constant 0 : i32
      %dma_start3A_457 = tpu.memref_slice %arg10[%mul3A_184, %dma_start3A_456] : memref<79x128xi32, #tpu.memory_space<vmem>> -> memref<1x128xi32, #tpu.memory_space<vmem>>
      %dma_start3A_458 = tpu.memref_squeeze %dma_start3A_457 : memref<1x128xi32, #tpu.memory_space<vmem>> -> memref<128xi32, #tpu.memory_space<vmem>>
      %dma_start3A_459 = arith.constant 0 : i32
      %dma_start3A_460 = tpu.memref_slice %arg18[%dma_start3A_459] : memref<10240xf32, #tpu.memory_space<vmem_shared>> -> memref<10240xf32, #tpu.memory_space<vmem_shared>>
      tpu.enqueue_indirect_dma source(%arg11 : memref<128xf32, #tpu.memory_space<vmem>>) target(%dma_start3A_460 : memref<10240xf32, #tpu.memory_space<vmem_shared>>) offsets(%dma_start3A_458 : memref<128xi32, #tpu.memory_space<vmem>>) semaphore(%arg23 : memref<!tpu.dma_semaphore, #tpu.memory_space<semaphore_mem>>) {add = true}
      %add3A_461 = arith.constant 1 : i32
      %add3A_462 = arith.addi %mul3A_184, %add3A_461 : i32
      %dma_start3A_463 = arith.constant 0 : i32
      %dma_start3A_464 = tpu.memref_slice %arg9[%add3A_462, %dma_start3A_463] : memref<79x128xi32, #tpu.memory_space<vmem>> -> memref<1x128xi32, #tpu.memory_space<vmem>>
      %dma_start3A_465 = tpu.memref_squeeze %dma_start3A_464 : memref<1x128xi32, #tpu.memory_space<vmem>> -> memref<128xi32, #tpu.memory_space<vmem>>
      %dma_start3A_466 = arith.constant 0 : i32
      %dma_start3A_467 = arith.constant 0 : i32
      %dma_start3A_468 = tpu.memref_slice %arg2[%dma_start3A_466, %dma_start3A_467] : memref<10240x128xbf16, #tpu.memory_space<hbm>> -> memref<10240x128xbf16, #tpu.memory_space<hbm>>
      tpu.enqueue_indirect_dma source(%dma_start3A_468 : memref<10240x128xbf16, #tpu.memory_space<hbm>>) target(%arg15 : memref<128x128xbf16, #tpu.memory_space<vmem>>) offsets(%dma_start3A_465 : memref<128xi32, #tpu.memory_space<vmem>>) semaphore(%arg20 : memref<!tpu.dma_semaphore, #tpu.memory_space<semaphore_mem>>)
      %dma_wait3A_469 = arith.constant 0 : i32
      %dma_wait3A_470 = tpu.memref_slice %arg9[%mul3A_184, %dma_wait3A_469] : memref<79x128xi32, #tpu.memory_space<vmem>> -> memref<1x128xi32, #tpu.memory_space<vmem>>
      %dma_wait3A_471 = tpu.memref_squeeze %dma_wait3A_470 : memref<1x128xi32, #tpu.memory_space<vmem>> -> memref<128xi32, #tpu.memory_space<vmem>>
      %dma_wait3A_472 = arith.constant 0 : i32
      %dma_wait3A_473 = arith.constant 0 : i32
      %dma_wait3A_474 = tpu.memref_slice %arg2[%dma_wait3A_472, %dma_wait3A_473] : memref<10240x128xbf16, #tpu.memory_space<hbm>> -> memref<10240x128xbf16, #tpu.memory_space<hbm>>
      tpu.wait_indirect_dma semaphore(%arg19 : memref<!tpu.dma_semaphore, #tpu.memory_space<semaphore_mem>>) src(%dma_wait3A_474 : memref<10240x128xbf16, #tpu.memory_space<hbm>>) dst(%arg14 : memref<128x128xbf16, #tpu.memory_space<vmem>>)
      %scan3A_475 = arith.constant 0 : i32
      %scan3A_476 = arith.constant 0 : i32
      %scan3A_477 = arith.constant 32 : i32
      %scan3A_478 = arith.addi %scan3A_476, %scan3A_477 : i32
      %scan3A_479 = arith.constant 1 : i32
      %scan3A_480 = scf.for %scan3A_807 = %scan3A_476 to %scan3A_478 step %scan3A_479 iter_args(%scan3A_808 = %scan3A_475) -> (i32)  : i32 {
        %mul3A_809 = arith.constant 4 : i32
        %mul3A_810 = arith.muli %scan3A_807, %mul3A_809 : i32
        %add3A_811 = arith.constant 0 : i32
        %add3A_812 = arith.addi %mul3A_810, %add3A_811 : i32
        %add3A_813 = vector.broadcast %add3A_812 : i32 to vector<16xi32>
        %add3A_814 = arith.addi %broadcast_in_dim3A_54, %add3A_813 : vector<16xi32>
        %gather3A_815 = tpu.vector_load_idx %arg11[%add3A_814] : memref<128xf32, #tpu.memory_space<vmem>>[vector<16xi32>], vector<16xf32>,
        %get3A_816 = arith.constant 0 : i32
        %get3A_817 = tpu.memref_slice %arg14[%add3A_812, %get3A_816] : memref<128x128xbf16, #tpu.memory_space<vmem>> -> memref<1x128xbf16, #tpu.memory_space<vmem>>
        %get3A_818 = tpu.memref_squeeze %get3A_817 : memref<1x128xbf16, #tpu.memory_space<vmem>> -> memref<128xbf16, #tpu.memory_space<vmem>>
        %get3A_819 = arith.constant 0 : index
        %get3A_820 = tpu.vector_load %get3A_818[%get3A_819] {strides = array<i32>} : memref<128xbf16, #tpu.memory_space<vmem>>, vector<32xbf16>,
        %unpack3A = tpu.unpack_subelements %get3A_820, 0 {pack_format = #tpu.pack_format<interleaved>} : vector<32xbf16> -> vector<16xf32>
        %unpack3A_821 = tpu.unpack_subelements %get3A_820, 1 {pack_format = #tpu.pack_format<interleaved>} : vector<32xbf16> -> vector<16xf32>
        %mul3A_822 = arith.mulf %unpack3A, %gather3A_815 : vector<16xf32>
        %mul3A_823 = arith.mulf %unpack3A_821, %gather3A_815 : vector<16xf32>
        %pack3A = tpu.pack_subelements %mul3A_822, %mul3A_823 {pack_format = #tpu.pack_format<interleaved>, positions = array<i32: 0, 1>} : vector<16xf32>, vector<16xf32> -> vector<32xbf16>
        %swap3A_824 = arith.constant 0 : i32
        %swap3A_825 = tpu.memref_slice %arg14[%add3A_812, %swap3A_824] : memref<128x128xbf16, #tpu.memory_space<vmem>> -> memref<1x128xbf16, #tpu.memory_space<vmem>>
        %swap3A_826 = tpu.memref_squeeze %swap3A_825 : memref<1x128xbf16, #tpu.memory_space<vmem>> -> memref<128xbf16, #tpu.memory_space<vmem>>
        %swap3A_827 = arith.constant 0 : index
        %swap3A_828 = tpu.vector_load %swap3A_826[%swap3A_827] {strides = array<i32>} : memref<128xbf16, #tpu.memory_space<vmem>>, vector<32xbf16>,
        tpu.vector_store %swap3A_826[%swap3A_827], %pack3A {strides = array<i32>} : memref<128xbf16, #tpu.memory_space<vmem>>, vector<32xbf16>,
        %get3A_829 = arith.constant 0 : i32
        %get3A_830 = tpu.memref_slice %arg14[%add3A_812, %get3A_829] : memref<128x128xbf16, #tpu.memory_space<vmem>> -> memref<1x128xbf16, #tpu.memory_space<vmem>>
        %get3A_831 = tpu.memref_squeeze %get3A_830 : memref<1x128xbf16, #tpu.memory_space<vmem>> -> memref<128xbf16, #tpu.memory_space<vmem>>
        %get3A_832 = arith.constant 32 : index
        %get3A_833 = tpu.vector_load %get3A_831[%get3A_832] {strides = array<i32>} : memref<128xbf16, #tpu.memory_space<vmem>>, vector<32xbf16>,
        %unpack3A_834 = tpu.unpack_subelements %get3A_833, 0 {pack_format = #tpu.pack_format<interleaved>} : vector<32xbf16> -> vector<16xf32>
        %unpack3A_835 = tpu.unpack_subelements %get3A_833, 1 {pack_format = #tpu.pack_format<interleaved>} : vector<32xbf16> -> vector<16xf32>
        %mul3A_836 = arith.mulf %unpack3A_834, %gather3A_815 : vector<16xf32>
        %mul3A_837 = arith.mulf %unpack3A_835, %gather3A_815 : vector<16xf32>
        %pack3A_838 = tpu.pack_subelements %mul3A_836, %mul3A_837 {pack_format = #tpu.pack_format<interleaved>, positions = array<i32: 0, 1>} : vector<16xf32>, vector<16xf32> -> vector<32xbf16>
        %swap3A_839 = arith.constant 0 : i32
        %swap3A_840 = tpu.memref_slice %arg14[%add3A_812, %swap3A_839] : memref<128x128xbf16, #tpu.memory_space<vmem>> -> memref<1x128xbf16, #tpu.memory_space<vmem>>
        %swap3A_841 = tpu.memref_squeeze %swap3A_840 : memref<1x128xbf16, #tpu.memory_space<vmem>> -> memref<128xbf16, #tpu.memory_space<vmem>>
        %swap3A_842 = arith.constant 32 : index
        %swap3A_843 = tpu.vector_load %swap3A_841[%swap3A_842] {strides = array<i32>} : memref<128xbf16, #tpu.memory_space<vmem>>, vector<32xbf16>,
        tpu.vector_store %swap3A_841[%swap3A_842], %pack3A_838 {strides = array<i32>} : memref<128xbf16, #tpu.memory_space<vmem>>, vector<32xbf16>,
        %get3A_844 = arith.constant 0 : i32
        %get3A_845 = tpu.memref_slice %arg14[%add3A_812, %get3A_844] : memref<128x128xbf16, #tpu.memory_space<vmem>> -> memref<1x128xbf16, #tpu.memory_space<vmem>>
        %get3A_846 = tpu.memref_squeeze %get3A_845 : memref<1x128xbf16, #tpu.memory_space<vmem>> -> memref<128xbf16, #tpu.memory_space<vmem>>
        %get3A_847 = arith.constant 64 : index
        %get3A_848 = tpu.vector_load %get3A_846[%get3A_847] {strides = array<i32>} : memref<128xbf16, #tpu.memory_space<vmem>>, vector<32xbf16>,
        %unpack3A_849 = tpu.unpack_subelements %get3A_848, 0 {pack_format = #tpu.pack_format<interleaved>} : vector<32xbf16> -> vector<16xf32>
        %unpack3A_850 = tpu.unpack_subelements %get3A_848, 1 {pack_format = #tpu.pack_format<interleaved>} : vector<32xbf16> -> vector<16xf32>
        %mul3A_851 = arith.mulf %unpack3A_849, %gather3A_815 : vector<16xf32>
        %mul3A_852 = arith.mulf %unpack3A_850, %gather3A_815 : vector<16xf32>
        %pack3A_853 = tpu.pack_subelements %mul3A_851, %mul3A_852 {pack_format = #tpu.pack_format<interleaved>, positions = array<i32: 0, 1>} : vector<16xf32>, vector<16xf32> -> vector<32xbf16>
        %swap3A_854 = arith.constant 0 : i32
        %swap3A_855 = tpu.memref_slice %arg14[%add3A_812, %swap3A_854] : memref<128x128xbf16, #tpu.memory_space<vmem>> -> memref<1x128xbf16, #tpu.memory_space<vmem>>
        %swap3A_856 = tpu.memref_squeeze %swap3A_855 : memref<1x128xbf16, #tpu.memory_space<vmem>> -> memref<128xbf16, #tpu.memory_space<vmem>>
        %swap3A_857 = arith.constant 64 : index
        %swap3A_858 = tpu.vector_load %swap3A_856[%swap3A_857] {strides = array<i32>} : memref<128xbf16, #tpu.memory_space<vmem>>, vector<32xbf16>,
        tpu.vector_store %swap3A_856[%swap3A_857], %pack3A_853 {strides = array<i32>} : memref<128xbf16, #tpu.memory_space<vmem>>, vector<32xbf16>,
        %get3A_859 = arith.constant 0 : i32
        %get3A_860 = tpu.memref_slice %arg14[%add3A_812, %get3A_859] : memref<128x128xbf16, #tpu.memory_space<vmem>> -> memref<1x128xbf16, #tpu.memory_space<vmem>>
        %get3A_861 = tpu.memref_squeeze %get3A_860 : memref<1x128xbf16, #tpu.memory_space<vmem>> -> memref<128xbf16, #tpu.memory_space<vmem>>
        %get3A_862 = arith.constant 96 : index
        %get3A_863 = tpu.vector_load %get3A_861[%get3A_862] {strides = array<i32>} : memref<128xbf16, #tpu.memory_space<vmem>>, vector<32xbf16>,
        %unpack3A_864 = tpu.unpack_subelements %get3A_863, 0 {pack_format = #tpu.pack_format<interleaved>} : vector<32xbf16> -> vector<16xf32>
        %unpack3A_865 = tpu.unpack_subelements %get3A_863, 1 {pack_format = #tpu.pack_format<interleaved>} : vector<32xbf16> -> vector<16xf32>
        %mul3A_866 = arith.mulf %unpack3A_864, %gather3A_815 : vector<16xf32>
        %mul3A_867 = arith.mulf %unpack3A_865, %gather3A_815 : vector<16xf32>
        %pack3A_868 = tpu.pack_subelements %mul3A_866, %mul3A_867 {pack_format = #tpu.pack_format<interleaved>, positions = array<i32: 0, 1>} : vector<16xf32>, vector<16xf32> -> vector<32xbf16>
        %swap3A_869 = arith.constant 0 : i32
        %swap3A_870 = tpu.memref_slice %arg14[%add3A_812, %swap3A_869] : memref<128x128xbf16, #tpu.memory_space<vmem>> -> memref<1x128xbf16, #tpu.memory_space<vmem>>
        %swap3A_871 = tpu.memref_squeeze %swap3A_870 : memref<1x128xbf16, #tpu.memory_space<vmem>> -> memref<128xbf16, #tpu.memory_space<vmem>>
        %swap3A_872 = arith.constant 96 : index
        %swap3A_873 = tpu.vector_load %swap3A_871[%swap3A_872] {strides = array<i32>} : memref<128xbf16, #tpu.memory_space<vmem>>, vector<32xbf16>,
        tpu.vector_store %swap3A_871[%swap3A_872], %pack3A_868 {strides = array<i32>} : memref<128xbf16, #tpu.memory_space<vmem>>, vector<32xbf16>,
        %mul3A_874 = arith.constant 4 : i32
        %mul3A_875 = arith.muli %scan3A_807, %mul3A_874 : i32
        %add3A_876 = arith.constant 1 : i32
        %add3A_877 = arith.addi %mul3A_875, %add3A_876 : i32
        %add3A_878 = vector.broadcast %add3A_877 : i32 to vector<16xi32>
        %add3A_879 = arith.addi %broadcast_in_dim3A_54, %add3A_878 : vector<16xi32>
        %gather3A_880 = tpu.vector_load_idx %arg11[%add3A_879] : memref<128xf32, #tpu.memory_space<vmem>>[vector<16xi32>], vector<16xf32>,
        %get3A_881 = arith.constant 0 : i32
        %get3A_882 = tpu.memref_slice %arg14[%add3A_877, %get3A_881] : memref<128x128xbf16, #tpu.memory_space<vmem>> -> memref<1x128xbf16, #tpu.memory_space<vmem>>
        %get3A_883 = tpu.memref_squeeze %get3A_882 : memref<1x128xbf16, #tpu.memory_space<vmem>> -> memref<128xbf16, #tpu.memory_space<vmem>>
        %get3A_884 = arith.constant 0 : index
        %get3A_885 = tpu.vector_load %get3A_883[%get3A_884] {strides = array<i32>} : memref<128xbf16, #tpu.memory_space<vmem>>, vector<32xbf16>,
        %unpack3A_886 = tpu.unpack_subelements %get3A_885, 0 {pack_format = #tpu.pack_format<interleaved>} : vector<32xbf16> -> vector<16xf32>
        %unpack3A_887 = tpu.unpack_subelements %get3A_885, 1 {pack_format = #tpu.pack_format<interleaved>} : vector<32xbf16> -> vector<16xf32>
        %mul3A_888 = arith.mulf %unpack3A_886, %gather3A_880 : vector<16xf32>
        %mul3A_889 = arith.mulf %unpack3A_887, %gather3A_880 : vector<16xf32>
        %pack3A_890 = tpu.pack_subelements %mul3A_888, %mul3A_889 {pack_format = #tpu.pack_format<interleaved>, positions = array<i32: 0, 1>} : vector<16xf32>, vector<16xf32> -> vector<32xbf16>
        %swap3A_891 = arith.constant 0 : i32
        %swap3A_892 = tpu.memref_slice %arg14[%add3A_877, %swap3A_891] : memref<128x128xbf16, #tpu.memory_space<vmem>> -> memref<1x128xbf16, #tpu.memory_space<vmem>>
        %swap3A_893 = tpu.memref_squeeze %swap3A_892 : memref<1x128xbf16, #tpu.memory_space<vmem>> -> memref<128xbf16, #tpu.memory_space<vmem>>
        %swap3A_894 = arith.constant 0 : index
        %swap3A_895 = tpu.vector_load %swap3A_893[%swap3A_894] {strides = array<i32>} : memref<128xbf16, #tpu.memory_space<vmem>>, vector<32xbf16>,
        tpu.vector_store %swap3A_893[%swap3A_894], %pack3A_890 {strides = array<i32>} : memref<128xbf16, #tpu.memory_space<vmem>>, vector<32xbf16>,
        %get3A_896 = arith.constant 0 : i32
        %get3A_897 = tpu.memref_slice %arg14[%add3A_877, %get3A_896] : memref<128x128xbf16, #tpu.memory_space<vmem>> -> memref<1x128xbf16, #tpu.memory_space<vmem>>
        %get3A_898 = tpu.memref_squeeze %get3A_897 : memref<1x128xbf16, #tpu.memory_space<vmem>> -> memref<128xbf16, #tpu.memory_space<vmem>>
        %get3A_899 = arith.constant 32 : index
        %get3A_900 = tpu.vector_load %get3A_898[%get3A_899] {strides = array<i32>} : memref<128xbf16, #tpu.memory_space<vmem>>, vector<32xbf16>,
        %unpack3A_901 = tpu.unpack_subelements %get3A_900, 0 {pack_format = #tpu.pack_format<interleaved>} : vector<32xbf16> -> vector<16xf32>
        %unpack3A_902 = tpu.unpack_subelements %get3A_900, 1 {pack_format = #tpu.pack_format<interleaved>} : vector<32xbf16> -> vector<16xf32>
        %mul3A_903 = arith.mulf %unpack3A_901, %gather3A_880 : vector<16xf32>
        %mul3A_904 = arith.mulf %unpack3A_902, %gather3A_880 : vector<16xf32>
        %pack3A_905 = tpu.pack_subelements %mul3A_903, %mul3A_904 {pack_format = #tpu.pack_format<interleaved>, positions = array<i32: 0, 1>} : vector<16xf32>, vector<16xf32> -> vector<32xbf16>
        %swap3A_906 = arith.constant 0 : i32
        %swap3A_907 = tpu.memref_slice %arg14[%add3A_877, %swap3A_906] : memref<128x128xbf16, #tpu.memory_space<vmem>> -> memref<1x128xbf16, #tpu.memory_space<vmem>>
        %swap3A_908 = tpu.memref_squeeze %swap3A_907 : memref<1x128xbf16, #tpu.memory_space<vmem>> -> memref<128xbf16, #tpu.memory_space<vmem>>
        %swap3A_909 = arith.constant 32 : index
        %swap3A_910 = tpu.vector_load %swap3A_908[%swap3A_909] {strides = array<i32>} : memref<128xbf16, #tpu.memory_space<vmem>>, vector<32xbf16>,
        tpu.vector_store %swap3A_908[%swap3A_909], %pack3A_905 {strides = array<i32>} : memref<128xbf16, #tpu.memory_space<vmem>>, vector<32xbf16>,
        %get3A_911 = arith.constant 0 : i32
        %get3A_912 = tpu.memref_slice %arg14[%add3A_877, %get3A_911] : memref<128x128xbf16, #tpu.memory_space<vmem>> -> memref<1x128xbf16, #tpu.memory_space<vmem>>
        %get3A_913 = tpu.memref_squeeze %get3A_912 : memref<1x128xbf16, #tpu.memory_space<vmem>> -> memref<128xbf16, #tpu.memory_space<vmem>>
        %get3A_914 = arith.constant 64 : index
        %get3A_915 = tpu.vector_load %get3A_913[%get3A_914] {strides = array<i32>} : memref<128xbf16, #tpu.memory_space<vmem>>, vector<32xbf16>,
        %unpack3A_916 = tpu.unpack_subelements %get3A_915, 0 {pack_format = #tpu.pack_format<interleaved>} : vector<32xbf16> -> vector<16xf32>
        %unpack3A_917 = tpu.unpack_subelements %get3A_915, 1 {pack_format = #tpu.pack_format<interleaved>} : vector<32xbf16> -> vector<16xf32>
        %mul3A_918 = arith.mulf %unpack3A_916, %gather3A_880 : vector<16xf32>
        %mul3A_919 = arith.mulf %unpack3A_917, %gather3A_880 : vector<16xf32>
        %pack3A_920 = tpu.pack_subelements %mul3A_918, %mul3A_919 {pack_format = #tpu.pack_format<interleaved>, positions = array<i32: 0, 1>} : vector<16xf32>, vector<16xf32> -> vector<32xbf16>
        %swap3A_921 = arith.constant 0 : i32
        %swap3A_922 = tpu.memref_slice %arg14[%add3A_877, %swap3A_921] : memref<128x128xbf16, #tpu.memory_space<vmem>> -> memref<1x128xbf16, #tpu.memory_space<vmem>>
        %swap3A_923 = tpu.memref_squeeze %swap3A_922 : memref<1x128xbf16, #tpu.memory_space<vmem>> -> memref<128xbf16, #tpu.memory_space<vmem>>
        %swap3A_924 = arith.constant 64 : index
        %swap3A_925 = tpu.vector_load %swap3A_923[%swap3A_924] {strides = array<i32>} : memref<128xbf16, #tpu.memory_space<vmem>>, vector<32xbf16>,
        tpu.vector_store %swap3A_923[%swap3A_924], %pack3A_920 {strides = array<i32>} : memref<128xbf16, #tpu.memory_space<vmem>>, vector<32xbf16>,
        %get3A_926 = arith.constant 0 : i32
        %get3A_927 = tpu.memref_slice %arg14[%add3A_877, %get3A_926] : memref<128x128xbf16, #tpu.memory_space<vmem>> -> memref<1x128xbf16, #tpu.memory_space<vmem>>
        %get3A_928 = tpu.memref_squeeze %get3A_927 : memref<1x128xbf16, #tpu.memory_space<vmem>> -> memref<128xbf16, #tpu.memory_space<vmem>>
        %get3A_929 = arith.constant 96 : index
        %get3A_930 = tpu.vector_load %get3A_928[%get3A_929] {strides = array<i32>} : memref<128xbf16, #tpu.memory_space<vmem>>, vector<32xbf16>,
        %unpack3A_931 = tpu.unpack_subelements %get3A_930, 0 {pack_format = #tpu.pack_format<interleaved>} : vector<32xbf16> -> vector<16xf32>
        %unpack3A_932 = tpu.unpack_subelements %get3A_930, 1 {pack_format = #tpu.pack_format<interleaved>} : vector<32xbf16> -> vector<16xf32>
        %mul3A_933 = arith.mulf %unpack3A_931, %gather3A_880 : vector<16xf32>
        %mul3A_934 = arith.mulf %unpack3A_932, %gather3A_880 : vector<16xf32>
        %pack3A_935 = tpu.pack_subelements %mul3A_933, %mul3A_934 {pack_format = #tpu.pack_format<interleaved>, positions = array<i32: 0, 1>} : vector<16xf32>, vector<16xf32> -> vector<32xbf16>
        %swap3A_936 = arith.constant 0 : i32
        %swap3A_937 = tpu.memref_slice %arg14[%add3A_877, %swap3A_936] : memref<128x128xbf16, #tpu.memory_space<vmem>> -> memref<1x128xbf16, #tpu.memory_space<vmem>>
        %swap3A_938 = tpu.memref_squeeze %swap3A_937 : memref<1x128xbf16, #tpu.memory_space<vmem>> -> memref<128xbf16, #tpu.memory_space<vmem>>
        %swap3A_939 = arith.constant 96 : index
        %swap3A_940 = tpu.vector_load %swap3A_938[%swap3A_939] {strides = array<i32>} : memref<128xbf16, #tpu.memory_space<vmem>>, vector<32xbf16>,
        tpu.vector_store %swap3A_938[%swap3A_939], %pack3A_935 {strides = array<i32>} : memref<128xbf16, #tpu.memory_space<vmem>>, vector<32xbf16>,
        %mul3A_941 = arith.constant 4 : i32
        %mul3A_942 = arith.muli %scan3A_807, %mul3A_941 : i32
        %add3A_943 = arith.constant 2 : i32
        %add3A_944 = arith.addi %mul3A_942, %add3A_943 : i32
        %add3A_945 = vector.broadcast %add3A_944 : i32 to vector<16xi32>
        %add3A_946 = arith.addi %broadcast_in_dim3A_54, %add3A_945 : vector<16xi32>
        %gather3A_947 = tpu.vector_load_idx %arg11[%add3A_946] : memref<128xf32, #tpu.memory_space<vmem>>[vector<16xi32>], vector<16xf32>,
        %get3A_948 = arith.constant 0 : i32
        %get3A_949 = tpu.memref_slice %arg14[%add3A_944, %get3A_948] : memref<128x128xbf16, #tpu.memory_space<vmem>> -> memref<1x128xbf16, #tpu.memory_space<vmem>>
        %get3A_950 = tpu.memref_squeeze %get3A_949 : memref<1x128xbf16, #tpu.memory_space<vmem>> -> memref<128xbf16, #tpu.memory_space<vmem>>
        %get3A_951 = arith.constant 0 : index
        %get3A_952 = tpu.vector_load %get3A_950[%get3A_951] {strides = array<i32>} : memref<128xbf16, #tpu.memory_space<vmem>>, vector<32xbf16>,
        %unpack3A_953 = tpu.unpack_subelements %get3A_952, 0 {pack_format = #tpu.pack_format<interleaved>} : vector<32xbf16> -> vector<16xf32>
        %unpack3A_954 = tpu.unpack_subelements %get3A_952, 1 {pack_format = #tpu.pack_format<interleaved>} : vector<32xbf16> -> vector<16xf32>
        %mul3A_955 = arith.mulf %unpack3A_953, %gather3A_947 : vector<16xf32>
        %mul3A_956 = arith.mulf %unpack3A_954, %gather3A_947 : vector<16xf32>
        %pack3A_957 = tpu.pack_subelements %mul3A_955, %mul3A_956 {pack_format = #tpu.pack_format<interleaved>, positions = array<i32: 0, 1>} : vector<16xf32>, vector<16xf32> -> vector<32xbf16>
        %swap3A_958 = arith.constant 0 : i32
        %swap3A_959 = tpu.memref_slice %arg14[%add3A_944, %swap3A_958] : memref<128x128xbf16, #tpu.memory_space<vmem>> -> memref<1x128xbf16, #tpu.memory_space<vmem>>
        %swap3A_960 = tpu.memref_squeeze %swap3A_959 : memref<1x128xbf16, #tpu.memory_space<vmem>> -> memref<128xbf16, #tpu.memory_space<vmem>>
        %swap3A_961 = arith.constant 0 : index
        %swap3A_962 = tpu.vector_load %swap3A_960[%swap3A_961] {strides = array<i32>} : memref<128xbf16, #tpu.memory_space<vmem>>, vector<32xbf16>,
        tpu.vector_store %swap3A_960[%swap3A_961], %pack3A_957 {strides = array<i32>} : memref<128xbf16, #tpu.memory_space<vmem>>, vector<32xbf16>,
        %get3A_963 = arith.constant 0 : i32
        %get3A_964 = tpu.memref_slice %arg14[%add3A_944, %get3A_963] : memref<128x128xbf16, #tpu.memory_space<vmem>> -> memref<1x128xbf16, #tpu.memory_space<vmem>>
        %get3A_965 = tpu.memref_squeeze %get3A_964 : memref<1x128xbf16, #tpu.memory_space<vmem>> -> memref<128xbf16, #tpu.memory_space<vmem>>
        %get3A_966 = arith.constant 32 : index
        %get3A_967 = tpu.vector_load %get3A_965[%get3A_966] {strides = array<i32>} : memref<128xbf16, #tpu.memory_space<vmem>>, vector<32xbf16>,
        %unpack3A_968 = tpu.unpack_subelements %get3A_967, 0 {pack_format = #tpu.pack_format<interleaved>} : vector<32xbf16> -> vector<16xf32>
        %unpack3A_969 = tpu.unpack_subelements %get3A_967, 1 {pack_format = #tpu.pack_format<interleaved>} : vector<32xbf16> -> vector<16xf32>
        %mul3A_970 = arith.mulf %unpack3A_968, %gather3A_947 : vector<16xf32>
        %mul3A_971 = arith.mulf %unpack3A_969, %gather3A_947 : vector<16xf32>
        %pack3A_972 = tpu.pack_subelements %mul3A_970, %mul3A_971 {pack_format = #tpu.pack_format<interleaved>, positions = array<i32: 0, 1>} : vector<16xf32>, vector<16xf32> -> vector<32xbf16>
        %swap3A_973 = arith.constant 0 : i32
        %swap3A_974 = tpu.memref_slice %arg14[%add3A_944, %swap3A_973] : memref<128x128xbf16, #tpu.memory_space<vmem>> -> memref<1x128xbf16, #tpu.memory_space<vmem>>
        %swap3A_975 = tpu.memref_squeeze %swap3A_974 : memref<1x128xbf16, #tpu.memory_space<vmem>> -> memref<128xbf16, #tpu.memory_space<vmem>>
        %swap3A_976 = arith.constant 32 : index
        %swap3A_977 = tpu.vector_load %swap3A_975[%swap3A_976] {strides = array<i32>} : memref<128xbf16, #tpu.memory_space<vmem>>, vector<32xbf16>,
        tpu.vector_store %swap3A_975[%swap3A_976], %pack3A_972 {strides = array<i32>} : memref<128xbf16, #tpu.memory_space<vmem>>, vector<32xbf16>,
        %get3A_978 = arith.constant 0 : i32
        %get3A_979 = tpu.memref_slice %arg14[%add3A_944, %get3A_978] : memref<128x128xbf16, #tpu.memory_space<vmem>> -> memref<1x128xbf16, #tpu.memory_space<vmem>>
        %get3A_980 = tpu.memref_squeeze %get3A_979 : memref<1x128xbf16, #tpu.memory_space<vmem>> -> memref<128xbf16, #tpu.memory_space<vmem>>
        %get3A_981 = arith.constant 64 : index
        %get3A_982 = tpu.vector_load %get3A_980[%get3A_981] {strides = array<i32>} : memref<128xbf16, #tpu.memory_space<vmem>>, vector<32xbf16>,
        %unpack3A_983 = tpu.unpack_subelements %get3A_982, 0 {pack_format = #tpu.pack_format<interleaved>} : vector<32xbf16> -> vector<16xf32>
        %unpack3A_984 = tpu.unpack_subelements %get3A_982, 1 {pack_format = #tpu.pack_format<interleaved>} : vector<32xbf16> -> vector<16xf32>
        %mul3A_985 = arith.mulf %unpack3A_983, %gather3A_947 : vector<16xf32>
        %mul3A_986 = arith.mulf %unpack3A_984, %gather3A_947 : vector<16xf32>
        %pack3A_987 = tpu.pack_subelements %mul3A_985, %mul3A_986 {pack_format = #tpu.pack_format<interleaved>, positions = array<i32: 0, 1>} : vector<16xf32>, vector<16xf32> -> vector<32xbf16>
        %swap3A_988 = arith.constant 0 : i32
        %swap3A_989 = tpu.memref_slice %arg14[%add3A_944, %swap3A_988] : memref<128x128xbf16, #tpu.memory_space<vmem>> -> memref<1x128xbf16, #tpu.memory_space<vmem>>
        %swap3A_990 = tpu.memref_squeeze %swap3A_989 : memref<1x128xbf16, #tpu.memory_space<vmem>> -> memref<128xbf16, #tpu.memory_space<vmem>>
        %swap3A_991 = arith.constant 64 : index
        %swap3A_992 = tpu.vector_load %swap3A_990[%swap3A_991] {strides = array<i32>} : memref<128xbf16, #tpu.memory_space<vmem>>, vector<32xbf16>,
        tpu.vector_store %swap3A_990[%swap3A_991], %pack3A_987 {strides = array<i32>} : memref<128xbf16, #tpu.memory_space<vmem>>, vector<32xbf16>,
        %get3A_993 = arith.constant 0 : i32
        %get3A_994 = tpu.memref_slice %arg14[%add3A_944, %get3A_993] : memref<128x128xbf16, #tpu.memory_space<vmem>> -> memref<1x128xbf16, #tpu.memory_space<vmem>>
        %get3A_995 = tpu.memref_squeeze %get3A_994 : memref<1x128xbf16, #tpu.memory_space<vmem>> -> memref<128xbf16, #tpu.memory_space<vmem>>
        %get3A_996 = arith.constant 96 : index
        %get3A_997 = tpu.vector_load %get3A_995[%get3A_996] {strides = array<i32>} : memref<128xbf16, #tpu.memory_space<vmem>>, vector<32xbf16>,
        %unpack3A_998 = tpu.unpack_subelements %get3A_997, 0 {pack_format = #tpu.pack_format<interleaved>} : vector<32xbf16> -> vector<16xf32>
        %unpack3A_999 = tpu.unpack_subelements %get3A_997, 1 {pack_format = #tpu.pack_format<interleaved>} : vector<32xbf16> -> vector<16xf32>
        %mul3A_1000 = arith.mulf %unpack3A_998, %gather3A_947 : vector<16xf32>
        %mul3A_1001 = arith.mulf %unpack3A_999, %gather3A_947 : vector<16xf32>
        %pack3A_1002 = tpu.pack_subelements %mul3A_1000, %mul3A_1001 {pack_format = #tpu.pack_format<interleaved>, positions = array<i32: 0, 1>} : vector<16xf32>, vector<16xf32> -> vector<32xbf16>
        %swap3A_1003 = arith.constant 0 : i32
        %swap3A_1004 = tpu.memref_slice %arg14[%add3A_944, %swap3A_1003] : memref<128x128xbf16, #tpu.memory_space<vmem>> -> memref<1x128xbf16, #tpu.memory_space<vmem>>
        %swap3A_1005 = tpu.memref_squeeze %swap3A_1004 : memref<1x128xbf16, #tpu.memory_space<vmem>> -> memref<128xbf16, #tpu.memory_space<vmem>>
        %swap3A_1006 = arith.constant 96 : index
        %swap3A_1007 = tpu.vector_load %swap3A_1005[%swap3A_1006] {strides = array<i32>} : memref<128xbf16, #tpu.memory_space<vmem>>, vector<32xbf16>,
        tpu.vector_store %swap3A_1005[%swap3A_1006], %pack3A_1002 {strides = array<i32>} : memref<128xbf16, #tpu.memory_space<vmem>>, vector<32xbf16>,
        %mul3A_1008 = arith.constant 4 : i32
        %mul3A_1009 = arith.muli %scan3A_807, %mul3A_1008 : i32
        %add3A_1010 = arith.constant 3 : i32
        %add3A_1011 = arith.addi %mul3A_1009, %add3A_1010 : i32
        %add3A_1012 = vector.broadcast %add3A_1011 : i32 to vector<16xi32>
        %add3A_1013 = arith.addi %broadcast_in_dim3A_54, %add3A_1012 : vector<16xi32>
        %gather3A_1014 = tpu.vector_load_idx %arg11[%add3A_1013] : memref<128xf32, #tpu.memory_space<vmem>>[vector<16xi32>], vector<16xf32>,
        %get3A_1015 = arith.constant 0 : i32
        %get3A_1016 = tpu.memref_slice %arg14[%add3A_1011, %get3A_1015] : memref<128x128xbf16, #tpu.memory_space<vmem>> -> memref<1x128xbf16, #tpu.memory_space<vmem>>
        %get3A_1017 = tpu.memref_squeeze %get3A_1016 : memref<1x128xbf16, #tpu.memory_space<vmem>> -> memref<128xbf16, #tpu.memory_space<vmem>>
        %get3A_1018 = arith.constant 0 : index
        %get3A_1019 = tpu.vector_load %get3A_1017[%get3A_1018] {strides = array<i32>} : memref<128xbf16, #tpu.memory_space<vmem>>, vector<32xbf16>,
        %unpack3A_1020 = tpu.unpack_subelements %get3A_1019, 0 {pack_format = #tpu.pack_format<interleaved>} : vector<32xbf16> -> vector<16xf32>
        %unpack3A_1021 = tpu.unpack_subelements %get3A_1019, 1 {pack_format = #tpu.pack_format<interleaved>} : vector<32xbf16> -> vector<16xf32>
        %mul3A_1022 = arith.mulf %unpack3A_1020, %gather3A_1014 : vector<16xf32>
        %mul3A_1023 = arith.mulf %unpack3A_1021, %gather3A_1014 : vector<16xf32>
        %pack3A_1024 = tpu.pack_subelements %mul3A_1022, %mul3A_1023 {pack_format = #tpu.pack_format<interleaved>, positions = array<i32: 0, 1>} : vector<16xf32>, vector<16xf32> -> vector<32xbf16>
        %swap3A_1025 = arith.constant 0 : i32
        %swap3A_1026 = tpu.memref_slice %arg14[%add3A_1011, %swap3A_1025] : memref<128x128xbf16, #tpu.memory_space<vmem>> -> memref<1x128xbf16, #tpu.memory_space<vmem>>
        %swap3A_1027 = tpu.memref_squeeze %swap3A_1026 : memref<1x128xbf16, #tpu.memory_space<vmem>> -> memref<128xbf16, #tpu.memory_space<vmem>>
        %swap3A_1028 = arith.constant 0 : index
        %swap3A_1029 = tpu.vector_load %swap3A_1027[%swap3A_1028] {strides = array<i32>} : memref<128xbf16, #tpu.memory_space<vmem>>, vector<32xbf16>,
        tpu.vector_store %swap3A_1027[%swap3A_1028], %pack3A_1024 {strides = array<i32>} : memref<128xbf16, #tpu.memory_space<vmem>>, vector<32xbf16>,
        %get3A_1030 = arith.constant 0 : i32
        %get3A_1031 = tpu.memref_slice %arg14[%add3A_1011, %get3A_1030] : memref<128x128xbf16, #tpu.memory_space<vmem>> -> memref<1x128xbf16, #tpu.memory_space<vmem>>
        %get3A_1032 = tpu.memref_squeeze %get3A_1031 : memref<1x128xbf16, #tpu.memory_space<vmem>> -> memref<128xbf16, #tpu.memory_space<vmem>>
        %get3A_1033 = arith.constant 32 : index
        %get3A_1034 = tpu.vector_load %get3A_1032[%get3A_1033] {strides = array<i32>} : memref<128xbf16, #tpu.memory_space<vmem>>, vector<32xbf16>,
        %unpack3A_1035 = tpu.unpack_subelements %get3A_1034, 0 {pack_format = #tpu.pack_format<interleaved>} : vector<32xbf16> -> vector<16xf32>
        %unpack3A_1036 = tpu.unpack_subelements %get3A_1034, 1 {pack_format = #tpu.pack_format<interleaved>} : vector<32xbf16> -> vector<16xf32>
        %mul3A_1037 = arith.mulf %unpack3A_1035, %gather3A_1014 : vector<16xf32>
        %mul3A_1038 = arith.mulf %unpack3A_1036, %gather3A_1014 : vector<16xf32>
        %pack3A_1039 = tpu.pack_subelements %mul3A_1037, %mul3A_1038 {pack_format = #tpu.pack_format<interleaved>, positions = array<i32: 0, 1>} : vector<16xf32>, vector<16xf32> -> vector<32xbf16>
        %swap3A_1040 = arith.constant 0 : i32
        %swap3A_1041 = tpu.memref_slice %arg14[%add3A_1011, %swap3A_1040] : memref<128x128xbf16, #tpu.memory_space<vmem>> -> memref<1x128xbf16, #tpu.memory_space<vmem>>
        %swap3A_1042 = tpu.memref_squeeze %swap3A_1041 : memref<1x128xbf16, #tpu.memory_space<vmem>> -> memref<128xbf16, #tpu.memory_space<vmem>>
        %swap3A_1043 = arith.constant 32 : index
        %swap3A_1044 = tpu.vector_load %swap3A_1042[%swap3A_1043] {strides = array<i32>} : memref<128xbf16, #tpu.memory_space<vmem>>, vector<32xbf16>,
        tpu.vector_store %swap3A_1042[%swap3A_1043], %pack3A_1039 {strides = array<i32>} : memref<128xbf16, #tpu.memory_space<vmem>>, vector<32xbf16>,
        %get3A_1045 = arith.constant 0 : i32
        %get3A_1046 = tpu.memref_slice %arg14[%add3A_1011, %get3A_1045] : memref<128x128xbf16, #tpu.memory_space<vmem>> -> memref<1x128xbf16, #tpu.memory_space<vmem>>
        %get3A_1047 = tpu.memref_squeeze %get3A_1046 : memref<1x128xbf16, #tpu.memory_space<vmem>> -> memref<128xbf16, #tpu.memory_space<vmem>>
        %get3A_1048 = arith.constant 64 : index
        %get3A_1049 = tpu.vector_load %get3A_1047[%get3A_1048] {strides = array<i32>} : memref<128xbf16, #tpu.memory_space<vmem>>, vector<32xbf16>,
        %unpack3A_1050 = tpu.unpack_subelements %get3A_1049, 0 {pack_format = #tpu.pack_format<interleaved>} : vector<32xbf16> -> vector<16xf32>
        %unpack3A_1051 = tpu.unpack_subelements %get3A_1049, 1 {pack_format = #tpu.pack_format<interleaved>} : vector<32xbf16> -> vector<16xf32>
        %mul3A_1052 = arith.mulf %unpack3A_1050, %gather3A_1014 : vector<16xf32>
        %mul3A_1053 = arith.mulf %unpack3A_1051, %gather3A_1014 : vector<16xf32>
        %pack3A_1054 = tpu.pack_subelements %mul3A_1052, %mul3A_1053 {pack_format = #tpu.pack_format<interleaved>, positions = array<i32: 0, 1>} : vector<16xf32>, vector<16xf32> -> vector<32xbf16>
        %swap3A_1055 = arith.constant 0 : i32
        %swap3A_1056 = tpu.memref_slice %arg14[%add3A_1011, %swap3A_1055] : memref<128x128xbf16, #tpu.memory_space<vmem>> -> memref<1x128xbf16, #tpu.memory_space<vmem>>
        %swap3A_1057 = tpu.memref_squeeze %swap3A_1056 : memref<1x128xbf16, #tpu.memory_space<vmem>> -> memref<128xbf16, #tpu.memory_space<vmem>>
        %swap3A_1058 = arith.constant 64 : index
        %swap3A_1059 = tpu.vector_load %swap3A_1057[%swap3A_1058] {strides = array<i32>} : memref<128xbf16, #tpu.memory_space<vmem>>, vector<32xbf16>,
        tpu.vector_store %swap3A_1057[%swap3A_1058], %pack3A_1054 {strides = array<i32>} : memref<128xbf16, #tpu.memory_space<vmem>>, vector<32xbf16>,
        %get3A_1060 = arith.constant 0 : i32
        %get3A_1061 = tpu.memref_slice %arg14[%add3A_1011, %get3A_1060] : memref<128x128xbf16, #tpu.memory_space<vmem>> -> memref<1x128xbf16, #tpu.memory_space<vmem>>
        %get3A_1062 = tpu.memref_squeeze %get3A_1061 : memref<1x128xbf16, #tpu.memory_space<vmem>> -> memref<128xbf16, #tpu.memory_space<vmem>>
        %get3A_1063 = arith.constant 96 : index
        %get3A_1064 = tpu.vector_load %get3A_1062[%get3A_1063] {strides = array<i32>} : memref<128xbf16, #tpu.memory_space<vmem>>, vector<32xbf16>,
        %unpack3A_1065 = tpu.unpack_subelements %get3A_1064, 0 {pack_format = #tpu.pack_format<interleaved>} : vector<32xbf16> -> vector<16xf32>
        %unpack3A_1066 = tpu.unpack_subelements %get3A_1064, 1 {pack_format = #tpu.pack_format<interleaved>} : vector<32xbf16> -> vector<16xf32>
        %mul3A_1067 = arith.mulf %unpack3A_1065, %gather3A_1014 : vector<16xf32>
        %mul3A_1068 = arith.mulf %unpack3A_1066, %gather3A_1014 : vector<16xf32>
        %pack3A_1069 = tpu.pack_subelements %mul3A_1067, %mul3A_1068 {pack_format = #tpu.pack_format<interleaved>, positions = array<i32: 0, 1>} : vector<16xf32>, vector<16xf32> -> vector<32xbf16>
        %swap3A_1070 = arith.constant 0 : i32
        %swap3A_1071 = tpu.memref_slice %arg14[%add3A_1011, %swap3A_1070] : memref<128x128xbf16, #tpu.memory_space<vmem>> -> memref<1x128xbf16, #tpu.memory_space<vmem>>
        %swap3A_1072 = tpu.memref_squeeze %swap3A_1071 : memref<1x128xbf16, #tpu.memory_space<vmem>> -> memref<128xbf16, #tpu.memory_space<vmem>>
        %swap3A_1073 = arith.constant 96 : index
        %swap3A_1074 = tpu.vector_load %swap3A_1072[%swap3A_1073] {strides = array<i32>} : memref<128xbf16, #tpu.memory_space<vmem>>, vector<32xbf16>,
        tpu.vector_store %swap3A_1072[%swap3A_1073], %pack3A_1069 {strides = array<i32>} : memref<128xbf16, #tpu.memory_space<vmem>>, vector<32xbf16>,
        %scan3A_1075 = arith.constant 0 : i32
        scf.yield %scan3A_1075 : i32
      }
      %scan3A_481 = arith.constant 32 : i32
      %dma_start3A_482 = arith.constant 0 : i32
      %dma_start3A_483 = tpu.memref_slice %arg10[%mul3A_184, %dma_start3A_482] : memref<79x128xi32, #tpu.memory_space<vmem>> -> memref<1x128xi32, #tpu.memory_space<vmem>>
      %dma_start3A_484 = tpu.memref_squeeze %dma_start3A_483 : memref<1x128xi32, #tpu.memory_space<vmem>> -> memref<128xi32, #tpu.memory_space<vmem>>
      %dma_start3A_485 = arith.constant 0 : i32
      %dma_start3A_486 = arith.constant 0 : i32
      %dma_start3A_487 = tpu.memref_slice %arg17[%dma_start3A_485, %dma_start3A_486] : memref<10240x128xbf16, #tpu.memory_space<vmem_shared>> -> memref<10240x128xbf16, #tpu.memory_space<vmem_shared>>
      tpu.enqueue_indirect_dma source(%arg14 : memref<128x128xbf16, #tpu.memory_space<vmem>>) target(%dma_start3A_487 : memref<10240x128xbf16, #tpu.memory_space<vmem_shared>>) offsets(%dma_start3A_484 : memref<128xi32, #tpu.memory_space<vmem>>) semaphore(%arg21 : memref<!tpu.dma_semaphore, #tpu.memory_space<semaphore_mem>>) {add = true}
      %dma_wait3A_488 = arith.constant 0 : i32
      %dma_wait3A_489 = tpu.memref_slice %arg10[%mul3A_184, %dma_wait3A_488] : memref<79x128xi32, #tpu.memory_space<vmem>> -> memref<1x128xi32, #tpu.memory_space<vmem>>
      %dma_wait3A_490 = tpu.memref_squeeze %dma_wait3A_489 : memref<1x128xi32, #tpu.memory_space<vmem>> -> memref<128xi32, #tpu.memory_space<vmem>>
      %dma_wait3A_491 = arith.constant 0 : i32
      %dma_wait3A_492 = tpu.memref_slice %arg18[%dma_wait3A_491] : memref<10240xf32, #tpu.memory_space<vmem_shared>> -> memref<10240xf32, #tpu.memory_space<vmem_shared>>
      tpu.wait_indirect_dma semaphore(%arg24 : memref<!tpu.dma_semaphore, #tpu.memory_space<semaphore_mem>>) src(%arg12 : memref<128xf32, #tpu.memory_space<vmem>>) dst(%dma_wait3A_492 : memref<10240xf32, #tpu.memory_space<vmem_shared>>)
      %add3A_493 = arith.constant 1 : i32
      %add3A_494 = arith.addi %mul3A_184, %add3A_493 : i32
      %get3A_495 = arith.constant 0 : i32
      %get3A_496 = tpu.memref_slice %arg9[%add3A_494, %get3A_495] : memref<79x128xi32, #tpu.memory_space<vmem>> -> memref<1x128xi32, #tpu.memory_space<vmem>>
      %get3A_497 = tpu.memref_squeeze %get3A_496 : memref<1x128xi32, #tpu.memory_space<vmem>> -> memref<128xi32, #tpu.memory_space<vmem>>
      %get3A_498 = arith.constant 0 : index
      %get3A_499 = tpu.vector_load %get3A_497[%get3A_498] {strides = array<i32>} : memref<128xi32, #tpu.memory_space<vmem>>, vector<16xi32>,
      %get3A_500 = arith.constant 0 : i32
      %get3A_501 = tpu.memref_slice %arg10[%add3A_494, %get3A_500] : memref<79x128xi32, #tpu.memory_space<vmem>> -> memref<1x128xi32, #tpu.memory_space<vmem>>
      %get3A_502 = tpu.memref_squeeze %get3A_501 : memref<1x128xi32, #tpu.memory_space<vmem>> -> memref<128xi32, #tpu.memory_space<vmem>>
      %get3A_503 = arith.constant 0 : index
      %get3A_504 = tpu.vector_load %get3A_502[%get3A_503] {strides = array<i32>} : memref<128xi32, #tpu.memory_space<vmem>>, vector<16xi32>,
      %mul3A_505 = arith.constant 2 : i32
      %mul3A_506 = vector.broadcast %mul3A_505 : i32 to vector<16xi32>
      %mul3A_507 = arith.muli %get3A_499, %mul3A_506 : vector<16xi32>
      %gather3A_508 = tpu.vector_load_idx %arg8[%mul3A_507] : memref<20480xf32, #tpu.memory_space<vmem>>[vector<16xi32>], vector<16xf32>,
      %mul3A_509 = arith.constant 2 : i32
      %mul3A_510 = vector.broadcast %mul3A_509 : i32 to vector<16xi32>
      %mul3A_511 = arith.muli %get3A_504, %mul3A_510 : vector<16xi32>
      %add3A_512 = arith.constant 1 : i32
      %add3A_513 = vector.broadcast %add3A_512 : i32 to vector<16xi32>
      %add3A_514 = arith.addi %mul3A_511, %add3A_513 : vector<16xi32>
      %gather3A_515 = tpu.vector_load_idx %arg8[%add3A_514] : memref<20480xf32, #tpu.memory_space<vmem>>[vector<16xi32>], vector<16xf32>,
      %add3A_516 = arith.addf %gather3A_508, %gather3A_515 : vector<16xf32>
      %ge3A_517 = arith.constant 0.000000e+00 : f32
      %ge3A_518 = vector.broadcast %ge3A_517 : f32 to vector<16xf32>
      %ge3A_519 = arith.cmpf oge, %add3A_516, %ge3A_518 : vector<16xf32>
      %mul3A_520 = arith.constant 2.000000e-01 : f32
      %mul3A_521 = vector.broadcast %mul3A_520 : f32 to vector<16xf32>
      %mul3A_522 = arith.mulf %mul3A_521, %add3A_516 : vector<16xf32>
      %select_n3A_523 = arith.select %ge3A_519, %add3A_516, %mul3A_522 : vector<16xi1>, vector<16xf32>
      %sub3A_524 = arith.subf %select_n3A_523, %get3A_52 : vector<16xf32>
      %exp3A_525 = math.exp %sub3A_524 : vector<16xf32>
      %swap3A_526 = arith.constant 0 : index
      %swap3A_527 = tpu.vector_load %arg12[%swap3A_526] {strides = array<i32>} : memref<128xf32, #tpu.memory_space<vmem>>, vector<16xf32>,
      tpu.vector_store %arg12[%swap3A_526], %exp3A_525 {strides = array<i32>} : memref<128xf32, #tpu.memory_space<vmem>>, vector<16xf32>,
      %get3A_528 = arith.constant 0 : i32
      %get3A_529 = tpu.memref_slice %arg9[%add3A_494, %get3A_528] : memref<79x128xi32, #tpu.memory_space<vmem>> -> memref<1x128xi32, #tpu.memory_space<vmem>>
      %get3A_530 = tpu.memref_squeeze %get3A_529 : memref<1x128xi32, #tpu.memory_space<vmem>> -> memref<128xi32, #tpu.memory_space<vmem>>
      %get3A_531 = arith.constant 16 : index
      %get3A_532 = tpu.vector_load %get3A_530[%get3A_531] {strides = array<i32>} : memref<128xi32, #tpu.memory_space<vmem>>, vector<16xi32>,
      %get3A_533 = arith.constant 0 : i32
      %get3A_534 = tpu.memref_slice %arg10[%add3A_494, %get3A_533] : memref<79x128xi32, #tpu.memory_space<vmem>> -> memref<1x128xi32, #tpu.memory_space<vmem>>
      %get3A_535 = tpu.memref_squeeze %get3A_534 : memref<1x128xi32, #tpu.memory_space<vmem>> -> memref<128xi32, #tpu.memory_space<vmem>>
      %get3A_536 = arith.constant 16 : index
      %get3A_537 = tpu.vector_load %get3A_535[%get3A_536] {strides = array<i32>} : memref<128xi32, #tpu.memory_space<vmem>>, vector<16xi32>,
      %mul3A_538 = arith.constant 2 : i32
      %mul3A_539 = vector.broadcast %mul3A_538 : i32 to vector<16xi32>
      %mul3A_540 = arith.muli %get3A_532, %mul3A_539 : vector<16xi32>
      %gather3A_541 = tpu.vector_load_idx %arg8[%mul3A_540] : memref<20480xf32, #tpu.memory_space<vmem>>[vector<16xi32>], vector<16xf32>,
      %mul3A_542 = arith.constant 2 : i32
      %mul3A_543 = vector.broadcast %mul3A_542 : i32 to vector<16xi32>
      %mul3A_544 = arith.muli %get3A_537, %mul3A_543 : vector<16xi32>
      %add3A_545 = arith.constant 1 : i32
      %add3A_546 = vector.broadcast %add3A_545 : i32 to vector<16xi32>
      %add3A_547 = arith.addi %mul3A_544, %add3A_546 : vector<16xi32>
      %gather3A_548 = tpu.vector_load_idx %arg8[%add3A_547] : memref<20480xf32, #tpu.memory_space<vmem>>[vector<16xi32>], vector<16xf32>,
      %add3A_549 = arith.addf %gather3A_541, %gather3A_548 : vector<16xf32>
      %ge3A_550 = arith.constant 0.000000e+00 : f32
      %ge3A_551 = vector.broadcast %ge3A_550 : f32 to vector<16xf32>
      %ge3A_552 = arith.cmpf oge, %add3A_549, %ge3A_551 : vector<16xf32>
      %mul3A_553 = arith.constant 2.000000e-01 : f32
      %mul3A_554 = vector.broadcast %mul3A_553 : f32 to vector<16xf32>
      %mul3A_555 = arith.mulf %mul3A_554, %add3A_549 : vector<16xf32>
      %select_n3A_556 = arith.select %ge3A_552, %add3A_549, %mul3A_555 : vector<16xi1>, vector<16xf32>
      %sub3A_557 = arith.subf %select_n3A_556, %get3A_52 : vector<16xf32>
      %exp3A_558 = math.exp %sub3A_557 : vector<16xf32>
      %swap3A_559 = arith.constant 16 : index
      %swap3A_560 = tpu.vector_load %arg12[%swap3A_559] {strides = array<i32>} : memref<128xf32, #tpu.memory_space<vmem>>, vector<16xf32>,
      tpu.vector_store %arg12[%swap3A_559], %exp3A_558 {strides = array<i32>} : memref<128xf32, #tpu.memory_space<vmem>>, vector<16xf32>,
      %get3A_561 = arith.constant 0 : i32
      %get3A_562 = tpu.memref_slice %arg9[%add3A_494, %get3A_561] : memref<79x128xi32, #tpu.memory_space<vmem>> -> memref<1x128xi32, #tpu.memory_space<vmem>>
      %get3A_563 = tpu.memref_squeeze %get3A_562 : memref<1x128xi32, #tpu.memory_space<vmem>> -> memref<128xi32, #tpu.memory_space<vmem>>
      %get3A_564 = arith.constant 32 : index
      %get3A_565 = tpu.vector_load %get3A_563[%get3A_564] {strides = array<i32>} : memref<128xi32, #tpu.memory_space<vmem>>, vector<16xi32>,
      %get3A_566 = arith.constant 0 : i32
      %get3A_567 = tpu.memref_slice %arg10[%add3A_494, %get3A_566] : memref<79x128xi32, #tpu.memory_space<vmem>> -> memref<1x128xi32, #tpu.memory_space<vmem>>
      %get3A_568 = tpu.memref_squeeze %get3A_567 : memref<1x128xi32, #tpu.memory_space<vmem>> -> memref<128xi32, #tpu.memory_space<vmem>>
      %get3A_569 = arith.constant 32 : index
      %get3A_570 = tpu.vector_load %get3A_568[%get3A_569] {strides = array<i32>} : memref<128xi32, #tpu.memory_space<vmem>>, vector<16xi32>,
      %mul3A_571 = arith.constant 2 : i32
      %mul3A_572 = vector.broadcast %mul3A_571 : i32 to vector<16xi32>
      %mul3A_573 = arith.muli %get3A_565, %mul3A_572 : vector<16xi32>
      %gather3A_574 = tpu.vector_load_idx %arg8[%mul3A_573] : memref<20480xf32, #tpu.memory_space<vmem>>[vector<16xi32>], vector<16xf32>,
      %mul3A_575 = arith.constant 2 : i32
      %mul3A_576 = vector.broadcast %mul3A_575 : i32 to vector<16xi32>
      %mul3A_577 = arith.muli %get3A_570, %mul3A_576 : vector<16xi32>
      %add3A_578 = arith.constant 1 : i32
      %add3A_579 = vector.broadcast %add3A_578 : i32 to vector<16xi32>
      %add3A_580 = arith.addi %mul3A_577, %add3A_579 : vector<16xi32>
      %gather3A_581 = tpu.vector_load_idx %arg8[%add3A_580] : memref<20480xf32, #tpu.memory_space<vmem>>[vector<16xi32>], vector<16xf32>,
      %add3A_582 = arith.addf %gather3A_574, %gather3A_581 : vector<16xf32>
      %ge3A_583 = arith.constant 0.000000e+00 : f32
      %ge3A_584 = vector.broadcast %ge3A_583 : f32 to vector<16xf32>
      %ge3A_585 = arith.cmpf oge, %add3A_582, %ge3A_584 : vector<16xf32>
      %mul3A_586 = arith.constant 2.000000e-01 : f32
      %mul3A_587 = vector.broadcast %mul3A_586 : f32 to vector<16xf32>
      %mul3A_588 = arith.mulf %mul3A_587, %add3A_582 : vector<16xf32>
      %select_n3A_589 = arith.select %ge3A_585, %add3A_582, %mul3A_588 : vector<16xi1>, vector<16xf32>
      %sub3A_590 = arith.subf %select_n3A_589, %get3A_52 : vector<16xf32>
      %exp3A_591 = math.exp %sub3A_590 : vector<16xf32>
      %swap3A_592 = arith.constant 32 : index
      %swap3A_593 = tpu.vector_load %arg12[%swap3A_592] {strides = array<i32>} : memref<128xf32, #tpu.memory_space<vmem>>, vector<16xf32>,
      tpu.vector_store %arg12[%swap3A_592], %exp3A_591 {strides = array<i32>} : memref<128xf32, #tpu.memory_space<vmem>>, vector<16xf32>,
      %get3A_594 = arith.constant 0 : i32
      %get3A_595 = tpu.memref_slice %arg9[%add3A_494, %get3A_594] : memref<79x128xi32, #tpu.memory_space<vmem>> -> memref<1x128xi32, #tpu.memory_space<vmem>>
      %get3A_596 = tpu.memref_squeeze %get3A_595 : memref<1x128xi32, #tpu.memory_space<vmem>> -> memref<128xi32, #tpu.memory_space<vmem>>
      %get3A_597 = arith.constant 48 : index
      %get3A_598 = tpu.vector_load %get3A_596[%get3A_597] {strides = array<i32>} : memref<128xi32, #tpu.memory_space<vmem>>, vector<16xi32>,
      %get3A_599 = arith.constant 0 : i32
      %get3A_600 = tpu.memref_slice %arg10[%add3A_494, %get3A_599] : memref<79x128xi32, #tpu.memory_space<vmem>> -> memref<1x128xi32, #tpu.memory_space<vmem>>
      %get3A_601 = tpu.memref_squeeze %get3A_600 : memref<1x128xi32, #tpu.memory_space<vmem>> -> memref<128xi32, #tpu.memory_space<vmem>>
      %get3A_602 = arith.constant 48 : index
      %get3A_603 = tpu.vector_load %get3A_601[%get3A_602] {strides = array<i32>} : memref<128xi32, #tpu.memory_space<vmem>>, vector<16xi32>,
      %mul3A_604 = arith.constant 2 : i32
      %mul3A_605 = vector.broadcast %mul3A_604 : i32 to vector<16xi32>
      %mul3A_606 = arith.muli %get3A_598, %mul3A_605 : vector<16xi32>
      %gather3A_607 = tpu.vector_load_idx %arg8[%mul3A_606] : memref<20480xf32, #tpu.memory_space<vmem>>[vector<16xi32>], vector<16xf32>,
      %mul3A_608 = arith.constant 2 : i32
      %mul3A_609 = vector.broadcast %mul3A_608 : i32 to vector<16xi32>
      %mul3A_610 = arith.muli %get3A_603, %mul3A_609 : vector<16xi32>
      %add3A_611 = arith.constant 1 : i32
      %add3A_612 = vector.broadcast %add3A_611 : i32 to vector<16xi32>
      %add3A_613 = arith.addi %mul3A_610, %add3A_612 : vector<16xi32>
      %gather3A_614 = tpu.vector_load_idx %arg8[%add3A_613] : memref<20480xf32, #tpu.memory_space<vmem>>[vector<16xi32>], vector<16xf32>,
      %add3A_615 = arith.addf %gather3A_607, %gather3A_614 : vector<16xf32>
      %ge3A_616 = arith.constant 0.000000e+00 : f32
      %ge3A_617 = vector.broadcast %ge3A_616 : f32 to vector<16xf32>
      %ge3A_618 = arith.cmpf oge, %add3A_615, %ge3A_617 : vector<16xf32>
      %mul3A_619 = arith.constant 2.000000e-01 : f32
      %mul3A_620 = vector.broadcast %mul3A_619 : f32 to vector<16xf32>
      %mul3A_621 = arith.mulf %mul3A_620, %add3A_615 : vector<16xf32>
      %select_n3A_622 = arith.select %ge3A_618, %add3A_615, %mul3A_621 : vector<16xi1>, vector<16xf32>
      %sub3A_623 = arith.subf %select_n3A_622, %get3A_52 : vector<16xf32>
      %exp3A_624 = math.exp %sub3A_623 : vector<16xf32>
      %swap3A_625 = arith.constant 48 : index
      %swap3A_626 = tpu.vector_load %arg12[%swap3A_625] {strides = array<i32>} : memref<128xf32, #tpu.memory_space<vmem>>, vector<16xf32>,
      tpu.vector_store %arg12[%swap3A_625], %exp3A_624 {strides = array<i32>} : memref<128xf32, #tpu.memory_space<vmem>>, vector<16xf32>,
      %get3A_627 = arith.constant 0 : i32
      %get3A_628 = tpu.memref_slice %arg9[%add3A_494, %get3A_627] : memref<79x128xi32, #tpu.memory_space<vmem>> -> memref<1x128xi32, #tpu.memory_space<vmem>>
      %get3A_629 = tpu.memref_squeeze %get3A_628 : memref<1x128xi32, #tpu.memory_space<vmem>> -> memref<128xi32, #tpu.memory_space<vmem>>
      %get3A_630 = arith.constant 64 : index
      %get3A_631 = tpu.vector_load %get3A_629[%get3A_630] {strides = array<i32>} : memref<128xi32, #tpu.memory_space<vmem>>, vector<16xi32>,
      %get3A_632 = arith.constant 0 : i32
      %get3A_633 = tpu.memref_slice %arg10[%add3A_494, %get3A_632] : memref<79x128xi32, #tpu.memory_space<vmem>> -> memref<1x128xi32, #tpu.memory_space<vmem>>
      %get3A_634 = tpu.memref_squeeze %get3A_633 : memref<1x128xi32, #tpu.memory_space<vmem>> -> memref<128xi32, #tpu.memory_space<vmem>>
      %get3A_635 = arith.constant 64 : index
      %get3A_636 = tpu.vector_load %get3A_634[%get3A_635] {strides = array<i32>} : memref<128xi32, #tpu.memory_space<vmem>>, vector<16xi32>,
      %mul3A_637 = arith.constant 2 : i32
      %mul3A_638 = vector.broadcast %mul3A_637 : i32 to vector<16xi32>
      %mul3A_639 = arith.muli %get3A_631, %mul3A_638 : vector<16xi32>
      %gather3A_640 = tpu.vector_load_idx %arg8[%mul3A_639] : memref<20480xf32, #tpu.memory_space<vmem>>[vector<16xi32>], vector<16xf32>,
      %mul3A_641 = arith.constant 2 : i32
      %mul3A_642 = vector.broadcast %mul3A_641 : i32 to vector<16xi32>
      %mul3A_643 = arith.muli %get3A_636, %mul3A_642 : vector<16xi32>
      %add3A_644 = arith.constant 1 : i32
      %add3A_645 = vector.broadcast %add3A_644 : i32 to vector<16xi32>
      %add3A_646 = arith.addi %mul3A_643, %add3A_645 : vector<16xi32>
      %gather3A_647 = tpu.vector_load_idx %arg8[%add3A_646] : memref<20480xf32, #tpu.memory_space<vmem>>[vector<16xi32>], vector<16xf32>,
      %add3A_648 = arith.addf %gather3A_640, %gather3A_647 : vector<16xf32>
      %ge3A_649 = arith.constant 0.000000e+00 : f32
      %ge3A_650 = vector.broadcast %ge3A_649 : f32 to vector<16xf32>
      %ge3A_651 = arith.cmpf oge, %add3A_648, %ge3A_650 : vector<16xf32>
      %mul3A_652 = arith.constant 2.000000e-01 : f32
      %mul3A_653 = vector.broadcast %mul3A_652 : f32 to vector<16xf32>
      %mul3A_654 = arith.mulf %mul3A_653, %add3A_648 : vector<16xf32>
      %select_n3A_655 = arith.select %ge3A_651, %add3A_648, %mul3A_654 : vector<16xi1>, vector<16xf32>
      %sub3A_656 = arith.subf %select_n3A_655, %get3A_52 : vector<16xf32>
      %exp3A_657 = math.exp %sub3A_656 : vector<16xf32>
      %swap3A_658 = arith.constant 64 : index
      %swap3A_659 = tpu.vector_load %arg12[%swap3A_658] {strides = array<i32>} : memref<128xf32, #tpu.memory_space<vmem>>, vector<16xf32>,
      tpu.vector_store %arg12[%swap3A_658], %exp3A_657 {strides = array<i32>} : memref<128xf32, #tpu.memory_space<vmem>>, vector<16xf32>,
      %get3A_660 = arith.constant 0 : i32
      %get3A_661 = tpu.memref_slice %arg9[%add3A_494, %get3A_660] : memref<79x128xi32, #tpu.memory_space<vmem>> -> memref<1x128xi32, #tpu.memory_space<vmem>>
      %get3A_662 = tpu.memref_squeeze %get3A_661 : memref<1x128xi32, #tpu.memory_space<vmem>> -> memref<128xi32, #tpu.memory_space<vmem>>
      %get3A_663 = arith.constant 80 : index
      %get3A_664 = tpu.vector_load %get3A_662[%get3A_663] {strides = array<i32>} : memref<128xi32, #tpu.memory_space<vmem>>, vector<16xi32>,
      %get3A_665 = arith.constant 0 : i32
      %get3A_666 = tpu.memref_slice %arg10[%add3A_494, %get3A_665] : memref<79x128xi32, #tpu.memory_space<vmem>> -> memref<1x128xi32, #tpu.memory_space<vmem>>
      %get3A_667 = tpu.memref_squeeze %get3A_666 : memref<1x128xi32, #tpu.memory_space<vmem>> -> memref<128xi32, #tpu.memory_space<vmem>>
      %get3A_668 = arith.constant 80 : index
      %get3A_669 = tpu.vector_load %get3A_667[%get3A_668] {strides = array<i32>} : memref<128xi32, #tpu.memory_space<vmem>>, vector<16xi32>,
      %mul3A_670 = arith.constant 2 : i32
      %mul3A_671 = vector.broadcast %mul3A_670 : i32 to vector<16xi32>
      %mul3A_672 = arith.muli %get3A_664, %mul3A_671 : vector<16xi32>
      %gather3A_673 = tpu.vector_load_idx %arg8[%mul3A_672] : memref<20480xf32, #tpu.memory_space<vmem>>[vector<16xi32>], vector<16xf32>,
      %mul3A_674 = arith.constant 2 : i32
      %mul3A_675 = vector.broadcast %mul3A_674 : i32 to vector<16xi32>
      %mul3A_676 = arith.muli %get3A_669, %mul3A_675 : vector<16xi32>
      %add3A_677 = arith.constant 1 : i32
      %add3A_678 = vector.broadcast %add3A_677 : i32 to vector<16xi32>
      %add3A_679 = arith.addi %mul3A_676, %add3A_678 : vector<16xi32>
      %gather3A_680 = tpu.vector_load_idx %arg8[%add3A_679] : memref<20480xf32, #tpu.memory_space<vmem>>[vector<16xi32>], vector<16xf32>,
      %add3A_681 = arith.addf %gather3A_673, %gather3A_680 : vector<16xf32>
      %ge3A_682 = arith.constant 0.000000e+00 : f32
      %ge3A_683 = vector.broadcast %ge3A_682 : f32 to vector<16xf32>
      %ge3A_684 = arith.cmpf oge, %add3A_681, %ge3A_683 : vector<16xf32>
      %mul3A_685 = arith.constant 2.000000e-01 : f32
      %mul3A_686 = vector.broadcast %mul3A_685 : f32 to vector<16xf32>
      %mul3A_687 = arith.mulf %mul3A_686, %add3A_681 : vector<16xf32>
      %select_n3A_688 = arith.select %ge3A_684, %add3A_681, %mul3A_687 : vector<16xi1>, vector<16xf32>
      %sub3A_689 = arith.subf %select_n3A_688, %get3A_52 : vector<16xf32>
      %exp3A_690 = math.exp %sub3A_689 : vector<16xf32>
      %swap3A_691 = arith.constant 80 : index
      %swap3A_692 = tpu.vector_load %arg12[%swap3A_691] {strides = array<i32>} : memref<128xf32, #tpu.memory_space<vmem>>, vector<16xf32>,
      tpu.vector_store %arg12[%swap3A_691], %exp3A_690 {strides = array<i32>} : memref<128xf32, #tpu.memory_space<vmem>>, vector<16xf32>,
      %get3A_693 = arith.constant 0 : i32
      %get3A_694 = tpu.memref_slice %arg9[%add3A_494, %get3A_693] : memref<79x128xi32, #tpu.memory_space<vmem>> -> memref<1x128xi32, #tpu.memory_space<vmem>>
      %get3A_695 = tpu.memref_squeeze %get3A_694 : memref<1x128xi32, #tpu.memory_space<vmem>> -> memref<128xi32, #tpu.memory_space<vmem>>
      %get3A_696 = arith.constant 96 : index
      %get3A_697 = tpu.vector_load %get3A_695[%get3A_696] {strides = array<i32>} : memref<128xi32, #tpu.memory_space<vmem>>, vector<16xi32>,
      %get3A_698 = arith.constant 0 : i32
      %get3A_699 = tpu.memref_slice %arg10[%add3A_494, %get3A_698] : memref<79x128xi32, #tpu.memory_space<vmem>> -> memref<1x128xi32, #tpu.memory_space<vmem>>
      %get3A_700 = tpu.memref_squeeze %get3A_699 : memref<1x128xi32, #tpu.memory_space<vmem>> -> memref<128xi32, #tpu.memory_space<vmem>>
      %get3A_701 = arith.constant 96 : index
      %get3A_702 = tpu.vector_load %get3A_700[%get3A_701] {strides = array<i32>} : memref<128xi32, #tpu.memory_space<vmem>>, vector<16xi32>,
      %mul3A_703 = arith.constant 2 : i32
      %mul3A_704 = vector.broadcast %mul3A_703 : i32 to vector<16xi32>
      %mul3A_705 = arith.muli %get3A_697, %mul3A_704 : vector<16xi32>
      %gather3A_706 = tpu.vector_load_idx %arg8[%mul3A_705] : memref<20480xf32, #tpu.memory_space<vmem>>[vector<16xi32>], vector<16xf32>,
      %mul3A_707 = arith.constant 2 : i32
      %mul3A_708 = vector.broadcast %mul3A_707 : i32 to vector<16xi32>
      %mul3A_709 = arith.muli %get3A_702, %mul3A_708 : vector<16xi32>
      %add3A_710 = arith.constant 1 : i32
      %add3A_711 = vector.broadcast %add3A_710 : i32 to vector<16xi32>
      %add3A_712 = arith.addi %mul3A_709, %add3A_711 : vector<16xi32>
      %gather3A_713 = tpu.vector_load_idx %arg8[%add3A_712] : memref<20480xf32, #tpu.memory_space<vmem>>[vector<16xi32>], vector<16xf32>,
      %add3A_714 = arith.addf %gather3A_706, %gather3A_713 : vector<16xf32>
      %ge3A_715 = arith.constant 0.000000e+00 : f32
      %ge3A_716 = vector.broadcast %ge3A_715 : f32 to vector<16xf32>
      %ge3A_717 = arith.cmpf oge, %add3A_714, %ge3A_716 : vector<16xf32>
      %mul3A_718 = arith.constant 2.000000e-01 : f32
      %mul3A_719 = vector.broadcast %mul3A_718 : f32 to vector<16xf32>
      %mul3A_720 = arith.mulf %mul3A_719, %add3A_714 : vector<16xf32>
      %select_n3A_721 = arith.select %ge3A_717, %add3A_714, %mul3A_720 : vector<16xi1>, vector<16xf32>
      %sub3A_722 = arith.subf %select_n3A_721, %get3A_52 : vector<16xf32>
      %exp3A_723 = math.exp %sub3A_722 : vector<16xf32>
      %swap3A_724 = arith.constant 96 : index
      %swap3A_725 = tpu.vector_load %arg12[%swap3A_724] {strides = array<i32>} : memref<128xf32, #tpu.memory_space<vmem>>, vector<16xf32>,
      tpu.vector_store %arg12[%swap3A_724], %exp3A_723 {strides = array<i32>} : memref<128xf32, #tpu.memory_space<vmem>>, vector<16xf32>,
      %get3A_726 = arith.constant 0 : i32
      %get3A_727 = tpu.memref_slice %arg9[%add3A_494, %get3A_726] : memref<79x128xi32, #tpu.memory_space<vmem>> -> memref<1x128xi32, #tpu.memory_space<vmem>>
      %get3A_728 = tpu.memref_squeeze %get3A_727 : memref<1x128xi32, #tpu.memory_space<vmem>> -> memref<128xi32, #tpu.memory_space<vmem>>
      %get3A_729 = arith.constant 112 : index
      %get3A_730 = tpu.vector_load %get3A_728[%get3A_729] {strides = array<i32>} : memref<128xi32, #tpu.memory_space<vmem>>, vector<16xi32>,
      %get3A_731 = arith.constant 0 : i32
      %get3A_732 = tpu.memref_slice %arg10[%add3A_494, %get3A_731] : memref<79x128xi32, #tpu.memory_space<vmem>> -> memref<1x128xi32, #tpu.memory_space<vmem>>
      %get3A_733 = tpu.memref_squeeze %get3A_732 : memref<1x128xi32, #tpu.memory_space<vmem>> -> memref<128xi32, #tpu.memory_space<vmem>>
      %get3A_734 = arith.constant 112 : index
      %get3A_735 = tpu.vector_load %get3A_733[%get3A_734] {strides = array<i32>} : memref<128xi32, #tpu.memory_space<vmem>>, vector<16xi32>,
      %mul3A_736 = arith.constant 2 : i32
      %mul3A_737 = vector.broadcast %mul3A_736 : i32 to vector<16xi32>
      %mul3A_738 = arith.muli %get3A_730, %mul3A_737 : vector<16xi32>
      %gather3A_739 = tpu.vector_load_idx %arg8[%mul3A_738] : memref<20480xf32, #tpu.memory_space<vmem>>[vector<16xi32>], vector<16xf32>,
      %mul3A_740 = arith.constant 2 : i32
      %mul3A_741 = vector.broadcast %mul3A_740 : i32 to vector<16xi32>
      %mul3A_742 = arith.muli %get3A_735, %mul3A_741 : vector<16xi32>
      %add3A_743 = arith.constant 1 : i32
      %add3A_744 = vector.broadcast %add3A_743 : i32 to vector<16xi32>
      %add3A_745 = arith.addi %mul3A_742, %add3A_744 : vector<16xi32>
      %gather3A_746 = tpu.vector_load_idx %arg8[%add3A_745] : memref<20480xf32, #tpu.memory_space<vmem>>[vector<16xi32>], vector<16xf32>,
      %add3A_747 = arith.addf %gather3A_739, %gather3A_746 : vector<16xf32>
      %ge3A_748 = arith.constant 0.000000e+00 : f32
      %ge3A_749 = vector.broadcast %ge3A_748 : f32 to vector<16xf32>
      %ge3A_750 = arith.cmpf oge, %add3A_747, %ge3A_749 : vector<16xf32>
      %mul3A_751 = arith.constant 2.000000e-01 : f32
      %mul3A_752 = vector.broadcast %mul3A_751 : f32 to vector<16xf32>
      %mul3A_753 = arith.mulf %mul3A_752, %add3A_747 : vector<16xf32>
      %select_n3A_754 = arith.select %ge3A_750, %add3A_747, %mul3A_753 : vector<16xi1>, vector<16xf32>
      %sub3A_755 = arith.subf %select_n3A_754, %get3A_52 : vector<16xf32>
      %exp3A_756 = math.exp %sub3A_755 : vector<16xf32>
      %swap3A_757 = arith.constant 112 : index
      %swap3A_758 = tpu.vector_load %arg12[%swap3A_757] {strides = array<i32>} : memref<128xf32, #tpu.memory_space<vmem>>, vector<16xf32>,
      tpu.vector_store %arg12[%swap3A_757], %exp3A_756 {strides = array<i32>} : memref<128xf32, #tpu.memory_space<vmem>>, vector<16xf32>,
      %add3A_759 = arith.constant 1 : i32
      %add3A_760 = arith.addi %mul3A_184, %add3A_759 : i32
      %dma_start3A_761 = arith.constant 0 : i32
      %dma_start3A_762 = tpu.memref_slice %arg10[%add3A_760, %dma_start3A_761] : memref<79x128xi32, #tpu.memory_space<vmem>> -> memref<1x128xi32, #tpu.memory_space<vmem>>
      %dma_start3A_763 = tpu.memref_squeeze %dma_start3A_762 : memref<1x128xi32, #tpu.memory_space<vmem>> -> memref<128xi32, #tpu.memory_space<vmem>>
      %dma_start3A_764 = arith.constant 0 : i32
      %dma_start3A_765 = tpu.memref_slice %arg18[%dma_start3A_764] : memref<10240xf32, #tpu.memory_space<vmem_shared>> -> memref<10240xf32, #tpu.memory_space<vmem_shared>>
      tpu.enqueue_indirect_dma source(%arg12 : memref<128xf32, #tpu.memory_space<vmem>>) target(%dma_start3A_765 : memref<10240xf32, #tpu.memory_space<vmem_shared>>) offsets(%dma_start3A_763 : memref<128xi32, #tpu.memory_space<vmem>>) semaphore(%arg24 : memref<!tpu.dma_semaphore, #tpu.memory_space<semaphore_mem>>) {add = true}
      %add3A_766 = arith.constant 1 : i32
      %add3A_767 = arith.addi %mul3A_184, %add3A_766 : i32
      %dma_wait3A_768 = arith.constant 0 : i32
      %dma_wait3A_769 = tpu.memref_slice %arg9[%add3A_767, %dma_wait3A_768] : memref<79x128xi32, #tpu.memory_space<vmem>> -> memref<1x128xi32, #tpu.memory_space<vmem>>
      %dma_wait3A_770 = tpu.memref_squeeze %dma_wait3A_769 : memref<1x128xi32, #tpu.memory_space<vmem>> -> memref<128xi32, #tpu.memory_space<vmem>>
      %dma_wait3A_771 = arith.constant 0 : i32
      %dma_wait3A_772 = arith.constant 0 : i32
      %dma_wait3A_773 = tpu.memref_slice %arg2[%dma_wait3A_771, %dma_wait3A_772] : memref<10240x128xbf16, #tpu.memory_space<hbm>> -> memref<10240x128xbf16, #tpu.memory_space<hbm>>
      tpu.wait_indirect_dma semaphore(%arg20 : memref<!tpu.dma_semaphore, #tpu.memory_space<semaphore_mem>>) src(%dma_wait3A_773 : memref<10240x128xbf16, #tpu.memory_space<hbm>>) dst(%arg15 : memref<128x128xbf16, #tpu.memory_space<vmem>>)
      %scan3A_774 = arith.constant 0 : i32
      %scan3A_775 = arith.constant 0 : i32
      %scan3A_776 = arith.constant 32 : i32
      %scan3A_777 = arith.addi %scan3A_775, %scan3A_776 : i32
      %scan3A_778 = arith.constant 1 : i32
      %scan3A_779 = scf.for %scan3A_807 = %scan3A_775 to %scan3A_777 step %scan3A_778 iter_args(%scan3A_808 = %scan3A_774) -> (i32)  : i32 {
        %mul3A_809 = arith.constant 4 : i32
        %mul3A_810 = arith.muli %scan3A_807, %mul3A_809 : i32
        %add3A_811 = arith.constant 0 : i32
        %add3A_812 = arith.addi %mul3A_810, %add3A_811 : i32
        %add3A_813 = vector.broadcast %add3A_812 : i32 to vector<16xi32>
        %add3A_814 = arith.addi %broadcast_in_dim3A_54, %add3A_813 : vector<16xi32>
        %gather3A_815 = tpu.vector_load_idx %arg12[%add3A_814] : memref<128xf32, #tpu.memory_space<vmem>>[vector<16xi32>], vector<16xf32>,
        %get3A_816 = arith.constant 0 : i32
        %get3A_817 = tpu.memref_slice %arg15[%add3A_812, %get3A_816] : memref<128x128xbf16, #tpu.memory_space<vmem>> -> memref<1x128xbf16, #tpu.memory_space<vmem>>
        %get3A_818 = tpu.memref_squeeze %get3A_817 : memref<1x128xbf16, #tpu.memory_space<vmem>> -> memref<128xbf16, #tpu.memory_space<vmem>>
        %get3A_819 = arith.constant 0 : index
        %get3A_820 = tpu.vector_load %get3A_818[%get3A_819] {strides = array<i32>} : memref<128xbf16, #tpu.memory_space<vmem>>, vector<32xbf16>,
        %unpack3A = tpu.unpack_subelements %get3A_820, 0 {pack_format = #tpu.pack_format<interleaved>} : vector<32xbf16> -> vector<16xf32>
        %unpack3A_821 = tpu.unpack_subelements %get3A_820, 1 {pack_format = #tpu.pack_format<interleaved>} : vector<32xbf16> -> vector<16xf32>
        %mul3A_822 = arith.mulf %unpack3A, %gather3A_815 : vector<16xf32>
        %mul3A_823 = arith.mulf %unpack3A_821, %gather3A_815 : vector<16xf32>
        %pack3A = tpu.pack_subelements %mul3A_822, %mul3A_823 {pack_format = #tpu.pack_format<interleaved>, positions = array<i32: 0, 1>} : vector<16xf32>, vector<16xf32> -> vector<32xbf16>
        %swap3A_824 = arith.constant 0 : i32
        %swap3A_825 = tpu.memref_slice %arg15[%add3A_812, %swap3A_824] : memref<128x128xbf16, #tpu.memory_space<vmem>> -> memref<1x128xbf16, #tpu.memory_space<vmem>>
        %swap3A_826 = tpu.memref_squeeze %swap3A_825 : memref<1x128xbf16, #tpu.memory_space<vmem>> -> memref<128xbf16, #tpu.memory_space<vmem>>
        %swap3A_827 = arith.constant 0 : index
        %swap3A_828 = tpu.vector_load %swap3A_826[%swap3A_827] {strides = array<i32>} : memref<128xbf16, #tpu.memory_space<vmem>>, vector<32xbf16>,
        tpu.vector_store %swap3A_826[%swap3A_827], %pack3A {strides = array<i32>} : memref<128xbf16, #tpu.memory_space<vmem>>, vector<32xbf16>,
        %get3A_829 = arith.constant 0 : i32
        %get3A_830 = tpu.memref_slice %arg15[%add3A_812, %get3A_829] : memref<128x128xbf16, #tpu.memory_space<vmem>> -> memref<1x128xbf16, #tpu.memory_space<vmem>>
        %get3A_831 = tpu.memref_squeeze %get3A_830 : memref<1x128xbf16, #tpu.memory_space<vmem>> -> memref<128xbf16, #tpu.memory_space<vmem>>
        %get3A_832 = arith.constant 32 : index
        %get3A_833 = tpu.vector_load %get3A_831[%get3A_832] {strides = array<i32>} : memref<128xbf16, #tpu.memory_space<vmem>>, vector<32xbf16>,
        %unpack3A_834 = tpu.unpack_subelements %get3A_833, 0 {pack_format = #tpu.pack_format<interleaved>} : vector<32xbf16> -> vector<16xf32>
        %unpack3A_835 = tpu.unpack_subelements %get3A_833, 1 {pack_format = #tpu.pack_format<interleaved>} : vector<32xbf16> -> vector<16xf32>
        %mul3A_836 = arith.mulf %unpack3A_834, %gather3A_815 : vector<16xf32>
        %mul3A_837 = arith.mulf %unpack3A_835, %gather3A_815 : vector<16xf32>
        %pack3A_838 = tpu.pack_subelements %mul3A_836, %mul3A_837 {pack_format = #tpu.pack_format<interleaved>, positions = array<i32: 0, 1>} : vector<16xf32>, vector<16xf32> -> vector<32xbf16>
        %swap3A_839 = arith.constant 0 : i32
        %swap3A_840 = tpu.memref_slice %arg15[%add3A_812, %swap3A_839] : memref<128x128xbf16, #tpu.memory_space<vmem>> -> memref<1x128xbf16, #tpu.memory_space<vmem>>
        %swap3A_841 = tpu.memref_squeeze %swap3A_840 : memref<1x128xbf16, #tpu.memory_space<vmem>> -> memref<128xbf16, #tpu.memory_space<vmem>>
        %swap3A_842 = arith.constant 32 : index
        %swap3A_843 = tpu.vector_load %swap3A_841[%swap3A_842] {strides = array<i32>} : memref<128xbf16, #tpu.memory_space<vmem>>, vector<32xbf16>,
        tpu.vector_store %swap3A_841[%swap3A_842], %pack3A_838 {strides = array<i32>} : memref<128xbf16, #tpu.memory_space<vmem>>, vector<32xbf16>,
        %get3A_844 = arith.constant 0 : i32
        %get3A_845 = tpu.memref_slice %arg15[%add3A_812, %get3A_844] : memref<128x128xbf16, #tpu.memory_space<vmem>> -> memref<1x128xbf16, #tpu.memory_space<vmem>>
        %get3A_846 = tpu.memref_squeeze %get3A_845 : memref<1x128xbf16, #tpu.memory_space<vmem>> -> memref<128xbf16, #tpu.memory_space<vmem>>
        %get3A_847 = arith.constant 64 : index
        %get3A_848 = tpu.vector_load %get3A_846[%get3A_847] {strides = array<i32>} : memref<128xbf16, #tpu.memory_space<vmem>>, vector<32xbf16>,
        %unpack3A_849 = tpu.unpack_subelements %get3A_848, 0 {pack_format = #tpu.pack_format<interleaved>} : vector<32xbf16> -> vector<16xf32>
        %unpack3A_850 = tpu.unpack_subelements %get3A_848, 1 {pack_format = #tpu.pack_format<interleaved>} : vector<32xbf16> -> vector<16xf32>
        %mul3A_851 = arith.mulf %unpack3A_849, %gather3A_815 : vector<16xf32>
        %mul3A_852 = arith.mulf %unpack3A_850, %gather3A_815 : vector<16xf32>
        %pack3A_853 = tpu.pack_subelements %mul3A_851, %mul3A_852 {pack_format = #tpu.pack_format<interleaved>, positions = array<i32: 0, 1>} : vector<16xf32>, vector<16xf32> -> vector<32xbf16>
        %swap3A_854 = arith.constant 0 : i32
        %swap3A_855 = tpu.memref_slice %arg15[%add3A_812, %swap3A_854] : memref<128x128xbf16, #tpu.memory_space<vmem>> -> memref<1x128xbf16, #tpu.memory_space<vmem>>
        %swap3A_856 = tpu.memref_squeeze %swap3A_855 : memref<1x128xbf16, #tpu.memory_space<vmem>> -> memref<128xbf16, #tpu.memory_space<vmem>>
        %swap3A_857 = arith.constant 64 : index
        %swap3A_858 = tpu.vector_load %swap3A_856[%swap3A_857] {strides = array<i32>} : memref<128xbf16, #tpu.memory_space<vmem>>, vector<32xbf16>,
        tpu.vector_store %swap3A_856[%swap3A_857], %pack3A_853 {strides = array<i32>} : memref<128xbf16, #tpu.memory_space<vmem>>, vector<32xbf16>,
        %get3A_859 = arith.constant 0 : i32
        %get3A_860 = tpu.memref_slice %arg15[%add3A_812, %get3A_859] : memref<128x128xbf16, #tpu.memory_space<vmem>> -> memref<1x128xbf16, #tpu.memory_space<vmem>>
        %get3A_861 = tpu.memref_squeeze %get3A_860 : memref<1x128xbf16, #tpu.memory_space<vmem>> -> memref<128xbf16, #tpu.memory_space<vmem>>
        %get3A_862 = arith.constant 96 : index
        %get3A_863 = tpu.vector_load %get3A_861[%get3A_862] {strides = array<i32>} : memref<128xbf16, #tpu.memory_space<vmem>>, vector<32xbf16>,
        %unpack3A_864 = tpu.unpack_subelements %get3A_863, 0 {pack_format = #tpu.pack_format<interleaved>} : vector<32xbf16> -> vector<16xf32>
        %unpack3A_865 = tpu.unpack_subelements %get3A_863, 1 {pack_format = #tpu.pack_format<interleaved>} : vector<32xbf16> -> vector<16xf32>
        %mul3A_866 = arith.mulf %unpack3A_864, %gather3A_815 : vector<16xf32>
        %mul3A_867 = arith.mulf %unpack3A_865, %gather3A_815 : vector<16xf32>
        %pack3A_868 = tpu.pack_subelements %mul3A_866, %mul3A_867 {pack_format = #tpu.pack_format<interleaved>, positions = array<i32: 0, 1>} : vector<16xf32>, vector<16xf32> -> vector<32xbf16>
        %swap3A_869 = arith.constant 0 : i32
        %swap3A_870 = tpu.memref_slice %arg15[%add3A_812, %swap3A_869] : memref<128x128xbf16, #tpu.memory_space<vmem>> -> memref<1x128xbf16, #tpu.memory_space<vmem>>
        %swap3A_871 = tpu.memref_squeeze %swap3A_870 : memref<1x128xbf16, #tpu.memory_space<vmem>> -> memref<128xbf16, #tpu.memory_space<vmem>>
        %swap3A_872 = arith.constant 96 : index
        %swap3A_873 = tpu.vector_load %swap3A_871[%swap3A_872] {strides = array<i32>} : memref<128xbf16, #tpu.memory_space<vmem>>, vector<32xbf16>,
        tpu.vector_store %swap3A_871[%swap3A_872], %pack3A_868 {strides = array<i32>} : memref<128xbf16, #tpu.memory_space<vmem>>, vector<32xbf16>,
        %mul3A_874 = arith.constant 4 : i32
        %mul3A_875 = arith.muli %scan3A_807, %mul3A_874 : i32
        %add3A_876 = arith.constant 1 : i32
        %add3A_877 = arith.addi %mul3A_875, %add3A_876 : i32
        %add3A_878 = vector.broadcast %add3A_877 : i32 to vector<16xi32>
        %add3A_879 = arith.addi %broadcast_in_dim3A_54, %add3A_878 : vector<16xi32>
        %gather3A_880 = tpu.vector_load_idx %arg12[%add3A_879] : memref<128xf32, #tpu.memory_space<vmem>>[vector<16xi32>], vector<16xf32>,
        %get3A_881 = arith.constant 0 : i32
        %get3A_882 = tpu.memref_slice %arg15[%add3A_877, %get3A_881] : memref<128x128xbf16, #tpu.memory_space<vmem>> -> memref<1x128xbf16, #tpu.memory_space<vmem>>
        %get3A_883 = tpu.memref_squeeze %get3A_882 : memref<1x128xbf16, #tpu.memory_space<vmem>> -> memref<128xbf16, #tpu.memory_space<vmem>>
        %get3A_884 = arith.constant 0 : index
        %get3A_885 = tpu.vector_load %get3A_883[%get3A_884] {strides = array<i32>} : memref<128xbf16, #tpu.memory_space<vmem>>, vector<32xbf16>,
        %unpack3A_886 = tpu.unpack_subelements %get3A_885, 0 {pack_format = #tpu.pack_format<interleaved>} : vector<32xbf16> -> vector<16xf32>
        %unpack3A_887 = tpu.unpack_subelements %get3A_885, 1 {pack_format = #tpu.pack_format<interleaved>} : vector<32xbf16> -> vector<16xf32>
        %mul3A_888 = arith.mulf %unpack3A_886, %gather3A_880 : vector<16xf32>
        %mul3A_889 = arith.mulf %unpack3A_887, %gather3A_880 : vector<16xf32>
        %pack3A_890 = tpu.pack_subelements %mul3A_888, %mul3A_889 {pack_format = #tpu.pack_format<interleaved>, positions = array<i32: 0, 1>} : vector<16xf32>, vector<16xf32> -> vector<32xbf16>
        %swap3A_891 = arith.constant 0 : i32
        %swap3A_892 = tpu.memref_slice %arg15[%add3A_877, %swap3A_891] : memref<128x128xbf16, #tpu.memory_space<vmem>> -> memref<1x128xbf16, #tpu.memory_space<vmem>>
        %swap3A_893 = tpu.memref_squeeze %swap3A_892 : memref<1x128xbf16, #tpu.memory_space<vmem>> -> memref<128xbf16, #tpu.memory_space<vmem>>
        %swap3A_894 = arith.constant 0 : index
        %swap3A_895 = tpu.vector_load %swap3A_893[%swap3A_894] {strides = array<i32>} : memref<128xbf16, #tpu.memory_space<vmem>>, vector<32xbf16>,
        tpu.vector_store %swap3A_893[%swap3A_894], %pack3A_890 {strides = array<i32>} : memref<128xbf16, #tpu.memory_space<vmem>>, vector<32xbf16>,
        %get3A_896 = arith.constant 0 : i32
        %get3A_897 = tpu.memref_slice %arg15[%add3A_877, %get3A_896] : memref<128x128xbf16, #tpu.memory_space<vmem>> -> memref<1x128xbf16, #tpu.memory_space<vmem>>
        %get3A_898 = tpu.memref_squeeze %get3A_897 : memref<1x128xbf16, #tpu.memory_space<vmem>> -> memref<128xbf16, #tpu.memory_space<vmem>>
        %get3A_899 = arith.constant 32 : index
        %get3A_900 = tpu.vector_load %get3A_898[%get3A_899] {strides = array<i32>} : memref<128xbf16, #tpu.memory_space<vmem>>, vector<32xbf16>,
        %unpack3A_901 = tpu.unpack_subelements %get3A_900, 0 {pack_format = #tpu.pack_format<interleaved>} : vector<32xbf16> -> vector<16xf32>
        %unpack3A_902 = tpu.unpack_subelements %get3A_900, 1 {pack_format = #tpu.pack_format<interleaved>} : vector<32xbf16> -> vector<16xf32>
        %mul3A_903 = arith.mulf %unpack3A_901, %gather3A_880 : vector<16xf32>
        %mul3A_904 = arith.mulf %unpack3A_902, %gather3A_880 : vector<16xf32>
        %pack3A_905 = tpu.pack_subelements %mul3A_903, %mul3A_904 {pack_format = #tpu.pack_format<interleaved>, positions = array<i32: 0, 1>} : vector<16xf32>, vector<16xf32> -> vector<32xbf16>
        %swap3A_906 = arith.constant 0 : i32
        %swap3A_907 = tpu.memref_slice %arg15[%add3A_877, %swap3A_906] : memref<128x128xbf16, #tpu.memory_space<vmem>> -> memref<1x128xbf16, #tpu.memory_space<vmem>>
        %swap3A_908 = tpu.memref_squeeze %swap3A_907 : memref<1x128xbf16, #tpu.memory_space<vmem>> -> memref<128xbf16, #tpu.memory_space<vmem>>
        %swap3A_909 = arith.constant 32 : index
        %swap3A_910 = tpu.vector_load %swap3A_908[%swap3A_909] {strides = array<i32>} : memref<128xbf16, #tpu.memory_space<vmem>>, vector<32xbf16>,
        tpu.vector_store %swap3A_908[%swap3A_909], %pack3A_905 {strides = array<i32>} : memref<128xbf16, #tpu.memory_space<vmem>>, vector<32xbf16>,
        %get3A_911 = arith.constant 0 : i32
        %get3A_912 = tpu.memref_slice %arg15[%add3A_877, %get3A_911] : memref<128x128xbf16, #tpu.memory_space<vmem>> -> memref<1x128xbf16, #tpu.memory_space<vmem>>
        %get3A_913 = tpu.memref_squeeze %get3A_912 : memref<1x128xbf16, #tpu.memory_space<vmem>> -> memref<128xbf16, #tpu.memory_space<vmem>>
        %get3A_914 = arith.constant 64 : index
        %get3A_915 = tpu.vector_load %get3A_913[%get3A_914] {strides = array<i32>} : memref<128xbf16, #tpu.memory_space<vmem>>, vector<32xbf16>,
        %unpack3A_916 = tpu.unpack_subelements %get3A_915, 0 {pack_format = #tpu.pack_format<interleaved>} : vector<32xbf16> -> vector<16xf32>
        %unpack3A_917 = tpu.unpack_subelements %get3A_915, 1 {pack_format = #tpu.pack_format<interleaved>} : vector<32xbf16> -> vector<16xf32>
        %mul3A_918 = arith.mulf %unpack3A_916, %gather3A_880 : vector<16xf32>
        %mul3A_919 = arith.mulf %unpack3A_917, %gather3A_880 : vector<16xf32>
        %pack3A_920 = tpu.pack_subelements %mul3A_918, %mul3A_919 {pack_format = #tpu.pack_format<interleaved>, positions = array<i32: 0, 1>} : vector<16xf32>, vector<16xf32> -> vector<32xbf16>
        %swap3A_921 = arith.constant 0 : i32
        %swap3A_922 = tpu.memref_slice %arg15[%add3A_877, %swap3A_921] : memref<128x128xbf16, #tpu.memory_space<vmem>> -> memref<1x128xbf16, #tpu.memory_space<vmem>>
        %swap3A_923 = tpu.memref_squeeze %swap3A_922 : memref<1x128xbf16, #tpu.memory_space<vmem>> -> memref<128xbf16, #tpu.memory_space<vmem>>
        %swap3A_924 = arith.constant 64 : index
        %swap3A_925 = tpu.vector_load %swap3A_923[%swap3A_924] {strides = array<i32>} : memref<128xbf16, #tpu.memory_space<vmem>>, vector<32xbf16>,
        tpu.vector_store %swap3A_923[%swap3A_924], %pack3A_920 {strides = array<i32>} : memref<128xbf16, #tpu.memory_space<vmem>>, vector<32xbf16>,
        %get3A_926 = arith.constant 0 : i32
        %get3A_927 = tpu.memref_slice %arg15[%add3A_877, %get3A_926] : memref<128x128xbf16, #tpu.memory_space<vmem>> -> memref<1x128xbf16, #tpu.memory_space<vmem>>
        %get3A_928 = tpu.memref_squeeze %get3A_927 : memref<1x128xbf16, #tpu.memory_space<vmem>> -> memref<128xbf16, #tpu.memory_space<vmem>>
        %get3A_929 = arith.constant 96 : index
        %get3A_930 = tpu.vector_load %get3A_928[%get3A_929] {strides = array<i32>} : memref<128xbf16, #tpu.memory_space<vmem>>, vector<32xbf16>,
        %unpack3A_931 = tpu.unpack_subelements %get3A_930, 0 {pack_format = #tpu.pack_format<interleaved>} : vector<32xbf16> -> vector<16xf32>
        %unpack3A_932 = tpu.unpack_subelements %get3A_930, 1 {pack_format = #tpu.pack_format<interleaved>} : vector<32xbf16> -> vector<16xf32>
        %mul3A_933 = arith.mulf %unpack3A_931, %gather3A_880 : vector<16xf32>
        %mul3A_934 = arith.mulf %unpack3A_932, %gather3A_880 : vector<16xf32>
        %pack3A_935 = tpu.pack_subelements %mul3A_933, %mul3A_934 {pack_format = #tpu.pack_format<interleaved>, positions = array<i32: 0, 1>} : vector<16xf32>, vector<16xf32> -> vector<32xbf16>
        %swap3A_936 = arith.constant 0 : i32
        %swap3A_937 = tpu.memref_slice %arg15[%add3A_877, %swap3A_936] : memref<128x128xbf16, #tpu.memory_space<vmem>> -> memref<1x128xbf16, #tpu.memory_space<vmem>>
        %swap3A_938 = tpu.memref_squeeze %swap3A_937 : memref<1x128xbf16, #tpu.memory_space<vmem>> -> memref<128xbf16, #tpu.memory_space<vmem>>
        %swap3A_939 = arith.constant 96 : index
        %swap3A_940 = tpu.vector_load %swap3A_938[%swap3A_939] {strides = array<i32>} : memref<128xbf16, #tpu.memory_space<vmem>>, vector<32xbf16>,
        tpu.vector_store %swap3A_938[%swap3A_939], %pack3A_935 {strides = array<i32>} : memref<128xbf16, #tpu.memory_space<vmem>>, vector<32xbf16>,
        %mul3A_941 = arith.constant 4 : i32
        %mul3A_942 = arith.muli %scan3A_807, %mul3A_941 : i32
        %add3A_943 = arith.constant 2 : i32
        %add3A_944 = arith.addi %mul3A_942, %add3A_943 : i32
        %add3A_945 = vector.broadcast %add3A_944 : i32 to vector<16xi32>
        %add3A_946 = arith.addi %broadcast_in_dim3A_54, %add3A_945 : vector<16xi32>
        %gather3A_947 = tpu.vector_load_idx %arg12[%add3A_946] : memref<128xf32, #tpu.memory_space<vmem>>[vector<16xi32>], vector<16xf32>,
        %get3A_948 = arith.constant 0 : i32
        %get3A_949 = tpu.memref_slice %arg15[%add3A_944, %get3A_948] : memref<128x128xbf16, #tpu.memory_space<vmem>> -> memref<1x128xbf16, #tpu.memory_space<vmem>>
        %get3A_950 = tpu.memref_squeeze %get3A_949 : memref<1x128xbf16, #tpu.memory_space<vmem>> -> memref<128xbf16, #tpu.memory_space<vmem>>
        %get3A_951 = arith.constant 0 : index
        %get3A_952 = tpu.vector_load %get3A_950[%get3A_951] {strides = array<i32>} : memref<128xbf16, #tpu.memory_space<vmem>>, vector<32xbf16>,
        %unpack3A_953 = tpu.unpack_subelements %get3A_952, 0 {pack_format = #tpu.pack_format<interleaved>} : vector<32xbf16> -> vector<16xf32>
        %unpack3A_954 = tpu.unpack_subelements %get3A_952, 1 {pack_format = #tpu.pack_format<interleaved>} : vector<32xbf16> -> vector<16xf32>
        %mul3A_955 = arith.mulf %unpack3A_953, %gather3A_947 : vector<16xf32>
        %mul3A_956 = arith.mulf %unpack3A_954, %gather3A_947 : vector<16xf32>
        %pack3A_957 = tpu.pack_subelements %mul3A_955, %mul3A_956 {pack_format = #tpu.pack_format<interleaved>, positions = array<i32: 0, 1>} : vector<16xf32>, vector<16xf32> -> vector<32xbf16>
        %swap3A_958 = arith.constant 0 : i32
        %swap3A_959 = tpu.memref_slice %arg15[%add3A_944, %swap3A_958] : memref<128x128xbf16, #tpu.memory_space<vmem>> -> memref<1x128xbf16, #tpu.memory_space<vmem>>
        %swap3A_960 = tpu.memref_squeeze %swap3A_959 : memref<1x128xbf16, #tpu.memory_space<vmem>> -> memref<128xbf16, #tpu.memory_space<vmem>>
        %swap3A_961 = arith.constant 0 : index
        %swap3A_962 = tpu.vector_load %swap3A_960[%swap3A_961] {strides = array<i32>} : memref<128xbf16, #tpu.memory_space<vmem>>, vector<32xbf16>,
        tpu.vector_store %swap3A_960[%swap3A_961], %pack3A_957 {strides = array<i32>} : memref<128xbf16, #tpu.memory_space<vmem>>, vector<32xbf16>,
        %get3A_963 = arith.constant 0 : i32
        %get3A_964 = tpu.memref_slice %arg15[%add3A_944, %get3A_963] : memref<128x128xbf16, #tpu.memory_space<vmem>> -> memref<1x128xbf16, #tpu.memory_space<vmem>>
        %get3A_965 = tpu.memref_squeeze %get3A_964 : memref<1x128xbf16, #tpu.memory_space<vmem>> -> memref<128xbf16, #tpu.memory_space<vmem>>
        %get3A_966 = arith.constant 32 : index
        %get3A_967 = tpu.vector_load %get3A_965[%get3A_966] {strides = array<i32>} : memref<128xbf16, #tpu.memory_space<vmem>>, vector<32xbf16>,
        %unpack3A_968 = tpu.unpack_subelements %get3A_967, 0 {pack_format = #tpu.pack_format<interleaved>} : vector<32xbf16> -> vector<16xf32>
        %unpack3A_969 = tpu.unpack_subelements %get3A_967, 1 {pack_format = #tpu.pack_format<interleaved>} : vector<32xbf16> -> vector<16xf32>
        %mul3A_970 = arith.mulf %unpack3A_968, %gather3A_947 : vector<16xf32>
        %mul3A_971 = arith.mulf %unpack3A_969, %gather3A_947 : vector<16xf32>
        %pack3A_972 = tpu.pack_subelements %mul3A_970, %mul3A_971 {pack_format = #tpu.pack_format<interleaved>, positions = array<i32: 0, 1>} : vector<16xf32>, vector<16xf32> -> vector<32xbf16>
        %swap3A_973 = arith.constant 0 : i32
        %swap3A_974 = tpu.memref_slice %arg15[%add3A_944, %swap3A_973] : memref<128x128xbf16, #tpu.memory_space<vmem>> -> memref<1x128xbf16, #tpu.memory_space<vmem>>
        %swap3A_975 = tpu.memref_squeeze %swap3A_974 : memref<1x128xbf16, #tpu.memory_space<vmem>> -> memref<128xbf16, #tpu.memory_space<vmem>>
        %swap3A_976 = arith.constant 32 : index
        %swap3A_977 = tpu.vector_load %swap3A_975[%swap3A_976] {strides = array<i32>} : memref<128xbf16, #tpu.memory_space<vmem>>, vector<32xbf16>,
        tpu.vector_store %swap3A_975[%swap3A_976], %pack3A_972 {strides = array<i32>} : memref<128xbf16, #tpu.memory_space<vmem>>, vector<32xbf16>,
        %get3A_978 = arith.constant 0 : i32
        %get3A_979 = tpu.memref_slice %arg15[%add3A_944, %get3A_978] : memref<128x128xbf16, #tpu.memory_space<vmem>> -> memref<1x128xbf16, #tpu.memory_space<vmem>>
        %get3A_980 = tpu.memref_squeeze %get3A_979 : memref<1x128xbf16, #tpu.memory_space<vmem>> -> memref<128xbf16, #tpu.memory_space<vmem>>
        %get3A_981 = arith.constant 64 : index
        %get3A_982 = tpu.vector_load %get3A_980[%get3A_981] {strides = array<i32>} : memref<128xbf16, #tpu.memory_space<vmem>>, vector<32xbf16>,
        %unpack3A_983 = tpu.unpack_subelements %get3A_982, 0 {pack_format = #tpu.pack_format<interleaved>} : vector<32xbf16> -> vector<16xf32>
        %unpack3A_984 = tpu.unpack_subelements %get3A_982, 1 {pack_format = #tpu.pack_format<interleaved>} : vector<32xbf16> -> vector<16xf32>
        %mul3A_985 = arith.mulf %unpack3A_983, %gather3A_947 : vector<16xf32>
        %mul3A_986 = arith.mulf %unpack3A_984, %gather3A_947 : vector<16xf32>
        %pack3A_987 = tpu.pack_subelements %mul3A_985, %mul3A_986 {pack_format = #tpu.pack_format<interleaved>, positions = array<i32: 0, 1>} : vector<16xf32>, vector<16xf32> -> vector<32xbf16>
        %swap3A_988 = arith.constant 0 : i32
        %swap3A_989 = tpu.memref_slice %arg15[%add3A_944, %swap3A_988] : memref<128x128xbf16, #tpu.memory_space<vmem>> -> memref<1x128xbf16, #tpu.memory_space<vmem>>
        %swap3A_990 = tpu.memref_squeeze %swap3A_989 : memref<1x128xbf16, #tpu.memory_space<vmem>> -> memref<128xbf16, #tpu.memory_space<vmem>>
        %swap3A_991 = arith.constant 64 : index
        %swap3A_992 = tpu.vector_load %swap3A_990[%swap3A_991] {strides = array<i32>} : memref<128xbf16, #tpu.memory_space<vmem>>, vector<32xbf16>,
        tpu.vector_store %swap3A_990[%swap3A_991], %pack3A_987 {strides = array<i32>} : memref<128xbf16, #tpu.memory_space<vmem>>, vector<32xbf16>,
        %get3A_993 = arith.constant 0 : i32
        %get3A_994 = tpu.memref_slice %arg15[%add3A_944, %get3A_993] : memref<128x128xbf16, #tpu.memory_space<vmem>> -> memref<1x128xbf16, #tpu.memory_space<vmem>>
        %get3A_995 = tpu.memref_squeeze %get3A_994 : memref<1x128xbf16, #tpu.memory_space<vmem>> -> memref<128xbf16, #tpu.memory_space<vmem>>
        %get3A_996 = arith.constant 96 : index
        %get3A_997 = tpu.vector_load %get3A_995[%get3A_996] {strides = array<i32>} : memref<128xbf16, #tpu.memory_space<vmem>>, vector<32xbf16>,
        %unpack3A_998 = tpu.unpack_subelements %get3A_997, 0 {pack_format = #tpu.pack_format<interleaved>} : vector<32xbf16> -> vector<16xf32>
        %unpack3A_999 = tpu.unpack_subelements %get3A_997, 1 {pack_format = #tpu.pack_format<interleaved>} : vector<32xbf16> -> vector<16xf32>
        %mul3A_1000 = arith.mulf %unpack3A_998, %gather3A_947 : vector<16xf32>
        %mul3A_1001 = arith.mulf %unpack3A_999, %gather3A_947 : vector<16xf32>
        %pack3A_1002 = tpu.pack_subelements %mul3A_1000, %mul3A_1001 {pack_format = #tpu.pack_format<interleaved>, positions = array<i32: 0, 1>} : vector<16xf32>, vector<16xf32> -> vector<32xbf16>
        %swap3A_1003 = arith.constant 0 : i32
        %swap3A_1004 = tpu.memref_slice %arg15[%add3A_944, %swap3A_1003] : memref<128x128xbf16, #tpu.memory_space<vmem>> -> memref<1x128xbf16, #tpu.memory_space<vmem>>
        %swap3A_1005 = tpu.memref_squeeze %swap3A_1004 : memref<1x128xbf16, #tpu.memory_space<vmem>> -> memref<128xbf16, #tpu.memory_space<vmem>>
        %swap3A_1006 = arith.constant 96 : index
        %swap3A_1007 = tpu.vector_load %swap3A_1005[%swap3A_1006] {strides = array<i32>} : memref<128xbf16, #tpu.memory_space<vmem>>, vector<32xbf16>,
        tpu.vector_store %swap3A_1005[%swap3A_1006], %pack3A_1002 {strides = array<i32>} : memref<128xbf16, #tpu.memory_space<vmem>>, vector<32xbf16>,
        %mul3A_1008 = arith.constant 4 : i32
        %mul3A_1009 = arith.muli %scan3A_807, %mul3A_1008 : i32
        %add3A_1010 = arith.constant 3 : i32
        %add3A_1011 = arith.addi %mul3A_1009, %add3A_1010 : i32
        %add3A_1012 = vector.broadcast %add3A_1011 : i32 to vector<16xi32>
        %add3A_1013 = arith.addi %broadcast_in_dim3A_54, %add3A_1012 : vector<16xi32>
        %gather3A_1014 = tpu.vector_load_idx %arg12[%add3A_1013] : memref<128xf32, #tpu.memory_space<vmem>>[vector<16xi32>], vector<16xf32>,
        %get3A_1015 = arith.constant 0 : i32
        %get3A_1016 = tpu.memref_slice %arg15[%add3A_1011, %get3A_1015] : memref<128x128xbf16, #tpu.memory_space<vmem>> -> memref<1x128xbf16, #tpu.memory_space<vmem>>
        %get3A_1017 = tpu.memref_squeeze %get3A_1016 : memref<1x128xbf16, #tpu.memory_space<vmem>> -> memref<128xbf16, #tpu.memory_space<vmem>>
        %get3A_1018 = arith.constant 0 : index
        %get3A_1019 = tpu.vector_load %get3A_1017[%get3A_1018] {strides = array<i32>} : memref<128xbf16, #tpu.memory_space<vmem>>, vector<32xbf16>,
        %unpack3A_1020 = tpu.unpack_subelements %get3A_1019, 0 {pack_format = #tpu.pack_format<interleaved>} : vector<32xbf16> -> vector<16xf32>
        %unpack3A_1021 = tpu.unpack_subelements %get3A_1019, 1 {pack_format = #tpu.pack_format<interleaved>} : vector<32xbf16> -> vector<16xf32>
        %mul3A_1022 = arith.mulf %unpack3A_1020, %gather3A_1014 : vector<16xf32>
        %mul3A_1023 = arith.mulf %unpack3A_1021, %gather3A_1014 : vector<16xf32>
        %pack3A_1024 = tpu.pack_subelements %mul3A_1022, %mul3A_1023 {pack_format = #tpu.pack_format<interleaved>, positions = array<i32: 0, 1>} : vector<16xf32>, vector<16xf32> -> vector<32xbf16>
        %swap3A_1025 = arith.constant 0 : i32
        %swap3A_1026 = tpu.memref_slice %arg15[%add3A_1011, %swap3A_1025] : memref<128x128xbf16, #tpu.memory_space<vmem>> -> memref<1x128xbf16, #tpu.memory_space<vmem>>
        %swap3A_1027 = tpu.memref_squeeze %swap3A_1026 : memref<1x128xbf16, #tpu.memory_space<vmem>> -> memref<128xbf16, #tpu.memory_space<vmem>>
        %swap3A_1028 = arith.constant 0 : index
        %swap3A_1029 = tpu.vector_load %swap3A_1027[%swap3A_1028] {strides = array<i32>} : memref<128xbf16, #tpu.memory_space<vmem>>, vector<32xbf16>,
        tpu.vector_store %swap3A_1027[%swap3A_1028], %pack3A_1024 {strides = array<i32>} : memref<128xbf16, #tpu.memory_space<vmem>>, vector<32xbf16>,
        %get3A_1030 = arith.constant 0 : i32
        %get3A_1031 = tpu.memref_slice %arg15[%add3A_1011, %get3A_1030] : memref<128x128xbf16, #tpu.memory_space<vmem>> -> memref<1x128xbf16, #tpu.memory_space<vmem>>
        %get3A_1032 = tpu.memref_squeeze %get3A_1031 : memref<1x128xbf16, #tpu.memory_space<vmem>> -> memref<128xbf16, #tpu.memory_space<vmem>>
        %get3A_1033 = arith.constant 32 : index
        %get3A_1034 = tpu.vector_load %get3A_1032[%get3A_1033] {strides = array<i32>} : memref<128xbf16, #tpu.memory_space<vmem>>, vector<32xbf16>,
        %unpack3A_1035 = tpu.unpack_subelements %get3A_1034, 0 {pack_format = #tpu.pack_format<interleaved>} : vector<32xbf16> -> vector<16xf32>
        %unpack3A_1036 = tpu.unpack_subelements %get3A_1034, 1 {pack_format = #tpu.pack_format<interleaved>} : vector<32xbf16> -> vector<16xf32>
        %mul3A_1037 = arith.mulf %unpack3A_1035, %gather3A_1014 : vector<16xf32>
        %mul3A_1038 = arith.mulf %unpack3A_1036, %gather3A_1014 : vector<16xf32>
        %pack3A_1039 = tpu.pack_subelements %mul3A_1037, %mul3A_1038 {pack_format = #tpu.pack_format<interleaved>, positions = array<i32: 0, 1>} : vector<16xf32>, vector<16xf32> -> vector<32xbf16>
        %swap3A_1040 = arith.constant 0 : i32
        %swap3A_1041 = tpu.memref_slice %arg15[%add3A_1011, %swap3A_1040] : memref<128x128xbf16, #tpu.memory_space<vmem>> -> memref<1x128xbf16, #tpu.memory_space<vmem>>
        %swap3A_1042 = tpu.memref_squeeze %swap3A_1041 : memref<1x128xbf16, #tpu.memory_space<vmem>> -> memref<128xbf16, #tpu.memory_space<vmem>>
        %swap3A_1043 = arith.constant 32 : index
        %swap3A_1044 = tpu.vector_load %swap3A_1042[%swap3A_1043] {strides = array<i32>} : memref<128xbf16, #tpu.memory_space<vmem>>, vector<32xbf16>,
        tpu.vector_store %swap3A_1042[%swap3A_1043], %pack3A_1039 {strides = array<i32>} : memref<128xbf16, #tpu.memory_space<vmem>>, vector<32xbf16>,
        %get3A_1045 = arith.constant 0 : i32
        %get3A_1046 = tpu.memref_slice %arg15[%add3A_1011, %get3A_1045] : memref<128x128xbf16, #tpu.memory_space<vmem>> -> memref<1x128xbf16, #tpu.memory_space<vmem>>
        %get3A_1047 = tpu.memref_squeeze %get3A_1046 : memref<1x128xbf16, #tpu.memory_space<vmem>> -> memref<128xbf16, #tpu.memory_space<vmem>>
        %get3A_1048 = arith.constant 64 : index
        %get3A_1049 = tpu.vector_load %get3A_1047[%get3A_1048] {strides = array<i32>} : memref<128xbf16, #tpu.memory_space<vmem>>, vector<32xbf16>,
        %unpack3A_1050 = tpu.unpack_subelements %get3A_1049, 0 {pack_format = #tpu.pack_format<interleaved>} : vector<32xbf16> -> vector<16xf32>
        %unpack3A_1051 = tpu.unpack_subelements %get3A_1049, 1 {pack_format = #tpu.pack_format<interleaved>} : vector<32xbf16> -> vector<16xf32>
        %mul3A_1052 = arith.mulf %unpack3A_1050, %gather3A_1014 : vector<16xf32>
        %mul3A_1053 = arith.mulf %unpack3A_1051, %gather3A_1014 : vector<16xf32>
        %pack3A_1054 = tpu.pack_subelements %mul3A_1052, %mul3A_1053 {pack_format = #tpu.pack_format<interleaved>, positions = array<i32: 0, 1>} : vector<16xf32>, vector<16xf32> -> vector<32xbf16>
        %swap3A_1055 = arith.constant 0 : i32
        %swap3A_1056 = tpu.memref_slice %arg15[%add3A_1011, %swap3A_1055] : memref<128x128xbf16, #tpu.memory_space<vmem>> -> memref<1x128xbf16, #tpu.memory_space<vmem>>
        %swap3A_1057 = tpu.memref_squeeze %swap3A_1056 : memref<1x128xbf16, #tpu.memory_space<vmem>> -> memref<128xbf16, #tpu.memory_space<vmem>>
        %swap3A_1058 = arith.constant 64 : index
        %swap3A_1059 = tpu.vector_load %swap3A_1057[%swap3A_1058] {strides = array<i32>} : memref<128xbf16, #tpu.memory_space<vmem>>, vector<32xbf16>,
        tpu.vector_store %swap3A_1057[%swap3A_1058], %pack3A_1054 {strides = array<i32>} : memref<128xbf16, #tpu.memory_space<vmem>>, vector<32xbf16>,
        %get3A_1060 = arith.constant 0 : i32
        %get3A_1061 = tpu.memref_slice %arg15[%add3A_1011, %get3A_1060] : memref<128x128xbf16, #tpu.memory_space<vmem>> -> memref<1x128xbf16, #tpu.memory_space<vmem>>
        %get3A_1062 = tpu.memref_squeeze %get3A_1061 : memref<1x128xbf16, #tpu.memory_space<vmem>> -> memref<128xbf16, #tpu.memory_space<vmem>>
        %get3A_1063 = arith.constant 96 : index
        %get3A_1064 = tpu.vector_load %get3A_1062[%get3A_1063] {strides = array<i32>} : memref<128xbf16, #tpu.memory_space<vmem>>, vector<32xbf16>,
        %unpack3A_1065 = tpu.unpack_subelements %get3A_1064, 0 {pack_format = #tpu.pack_format<interleaved>} : vector<32xbf16> -> vector<16xf32>
        %unpack3A_1066 = tpu.unpack_subelements %get3A_1064, 1 {pack_format = #tpu.pack_format<interleaved>} : vector<32xbf16> -> vector<16xf32>
        %mul3A_1067 = arith.mulf %unpack3A_1065, %gather3A_1014 : vector<16xf32>
        %mul3A_1068 = arith.mulf %unpack3A_1066, %gather3A_1014 : vector<16xf32>
        %pack3A_1069 = tpu.pack_subelements %mul3A_1067, %mul3A_1068 {pack_format = #tpu.pack_format<interleaved>, positions = array<i32: 0, 1>} : vector<16xf32>, vector<16xf32> -> vector<32xbf16>
        %swap3A_1070 = arith.constant 0 : i32
        %swap3A_1071 = tpu.memref_slice %arg15[%add3A_1011, %swap3A_1070] : memref<128x128xbf16, #tpu.memory_space<vmem>> -> memref<1x128xbf16, #tpu.memory_space<vmem>>
        %swap3A_1072 = tpu.memref_squeeze %swap3A_1071 : memref<1x128xbf16, #tpu.memory_space<vmem>> -> memref<128xbf16, #tpu.memory_space<vmem>>
        %swap3A_1073 = arith.constant 96 : index
        %swap3A_1074 = tpu.vector_load %swap3A_1072[%swap3A_1073] {strides = array<i32>} : memref<128xbf16, #tpu.memory_space<vmem>>, vector<32xbf16>,
        tpu.vector_store %swap3A_1072[%swap3A_1073], %pack3A_1069 {strides = array<i32>} : memref<128xbf16, #tpu.memory_space<vmem>>, vector<32xbf16>,
        %scan3A_1075 = arith.constant 0 : i32
        scf.yield %scan3A_1075 : i32
      }
      %scan3A_780 = arith.constant 32 : i32
      %dma_wait3A_781 = arith.constant 0 : i32
      %dma_wait3A_782 = tpu.memref_slice %arg10[%mul3A_184, %dma_wait3A_781] : memref<79x128xi32, #tpu.memory_space<vmem>> -> memref<1x128xi32, #tpu.memory_space<vmem>>
      %dma_wait3A_783 = tpu.memref_squeeze %dma_wait3A_782 : memref<1x128xi32, #tpu.memory_space<vmem>> -> memref<128xi32, #tpu.memory_space<vmem>>
      %dma_wait3A_784 = arith.constant 0 : i32
      %dma_wait3A_785 = arith.constant 0 : i32
      %dma_wait3A_786 = tpu.memref_slice %arg17[%dma_wait3A_784, %dma_wait3A_785] : memref<10240x128xbf16, #tpu.memory_space<vmem_shared>> -> memref<10240x128xbf16, #tpu.memory_space<vmem_shared>>
      tpu.wait_indirect_dma semaphore(%arg21 : memref<!tpu.dma_semaphore, #tpu.memory_space<semaphore_mem>>) src(%arg14 : memref<128x128xbf16, #tpu.memory_space<vmem>>) dst(%dma_wait3A_786 : memref<10240x128xbf16, #tpu.memory_space<vmem_shared>>)
      %add3A_787 = arith.constant 2 : i32
      %add3A_788 = arith.addi %mul3A_184, %add3A_787 : i32
      %sub3A_789 = arith.constant 1 : i32
      %sub3A_790 = arith.subi %add3A_4, %sub3A_789 : i32
      %min3A_791 = arith.minsi %add3A_788, %sub3A_790 : i32
      %dma_start3A_792 = arith.constant 0 : i32
      %dma_start3A_793 = tpu.memref_slice %arg9[%min3A_791, %dma_start3A_792] : memref<79x128xi32, #tpu.memory_space<vmem>> -> memref<1x128xi32, #tpu.memory_space<vmem>>
      %dma_start3A_794 = tpu.memref_squeeze %dma_start3A_793 : memref<1x128xi32, #tpu.memory_space<vmem>> -> memref<128xi32, #tpu.memory_space<vmem>>
      %dma_start3A_795 = arith.constant 0 : i32
      %dma_start3A_796 = arith.constant 0 : i32
      %dma_start3A_797 = tpu.memref_slice %arg2[%dma_start3A_795, %dma_start3A_796] : memref<10240x128xbf16, #tpu.memory_space<hbm>> -> memref<10240x128xbf16, #tpu.memory_space<hbm>>
      tpu.enqueue_indirect_dma source(%dma_start3A_797 : memref<10240x128xbf16, #tpu.memory_space<hbm>>) target(%arg14 : memref<128x128xbf16, #tpu.memory_space<vmem>>) offsets(%dma_start3A_794 : memref<128xi32, #tpu.memory_space<vmem>>) semaphore(%arg19 : memref<!tpu.dma_semaphore, #tpu.memory_space<semaphore_mem>>)
      %add3A_798 = arith.constant 1 : i32
      %add3A_799 = arith.addi %mul3A_184, %add3A_798 : i32
      %dma_start3A_800 = arith.constant 0 : i32
      %dma_start3A_801 = tpu.memref_slice %arg10[%add3A_799, %dma_start3A_800] : memref<79x128xi32, #tpu.memory_space<vmem>> -> memref<1x128xi32, #tpu.memory_space<vmem>>
      %dma_start3A_802 = tpu.memref_squeeze %dma_start3A_801 : memref<1x128xi32, #tpu.memory_space<vmem>> -> memref<128xi32, #tpu.memory_space<vmem>>
      %dma_start3A_803 = arith.constant 0 : i32
      %dma_start3A_804 = arith.constant 0 : i32
      %dma_start3A_805 = tpu.memref_slice %arg17[%dma_start3A_803, %dma_start3A_804] : memref<10240x128xbf16, #tpu.memory_space<vmem_shared>> -> memref<10240x128xbf16, #tpu.memory_space<vmem_shared>>
      tpu.enqueue_indirect_dma source(%arg15 : memref<128x128xbf16, #tpu.memory_space<vmem>>) target(%dma_start3A_805 : memref<10240x128xbf16, #tpu.memory_space<vmem_shared>>) offsets(%dma_start3A_802 : memref<128xi32, #tpu.memory_space<vmem>>) semaphore(%arg22 : memref<!tpu.dma_semaphore, #tpu.memory_space<semaphore_mem>>) {add = true}
      %while3A_806 = arith.constant 0 : i32
      scf.yield %while3A_806 : i32
    }
    %dma_wait3A_117 = arith.constant 0 : i32
    %dma_wait3A_118 = arith.constant 0 : i32
    %dma_wait3A_119 = tpu.memref_slice %arg10[%dma_wait3A_117, %dma_wait3A_118] : memref<79x128xi32, #tpu.memory_space<vmem>> -> memref<1x128xi32, #tpu.memory_space<vmem>>
    %dma_wait3A_120 = tpu.memref_squeeze %dma_wait3A_119 : memref<1x128xi32, #tpu.memory_space<vmem>> -> memref<128xi32, #tpu.memory_space<vmem>>
    %dma_wait3A_121 = arith.constant 0 : i32
    %dma_wait3A_122 = arith.constant 0 : i32
    %dma_wait3A_123 = tpu.memref_slice %arg17[%dma_wait3A_121, %dma_wait3A_122] : memref<10240x128xbf16, #tpu.memory_space<vmem_shared>> -> memref<10240x128xbf16, #tpu.memory_space<vmem_shared>>
    tpu.wait_indirect_dma semaphore(%arg22 : memref<!tpu.dma_semaphore, #tpu.memory_space<semaphore_mem>>) src(%arg15 : memref<128x128xbf16, #tpu.memory_space<vmem>>) dst(%dma_wait3A_123 : memref<10240x128xbf16, #tpu.memory_space<vmem_shared>>)
    %dma_wait3A_124 = arith.constant 0 : i32
    %dma_wait3A_125 = arith.constant 0 : i32
    %dma_wait3A_126 = tpu.memref_slice %arg10[%dma_wait3A_124, %dma_wait3A_125] : memref<79x128xi32, #tpu.memory_space<vmem>> -> memref<1x128xi32, #tpu.memory_space<vmem>>
    %dma_wait3A_127 = tpu.memref_squeeze %dma_wait3A_126 : memref<1x128xi32, #tpu.memory_space<vmem>> -> memref<128xi32, #tpu.memory_space<vmem>>
    %dma_wait3A_128 = arith.constant 0 : i32
    %dma_wait3A_129 = tpu.memref_slice %arg18[%dma_wait3A_128] : memref<10240xf32, #tpu.memory_space<vmem_shared>> -> memref<10240xf32, #tpu.memory_space<vmem_shared>>
    tpu.wait_indirect_dma semaphore(%arg23 : memref<!tpu.dma_semaphore, #tpu.memory_space<semaphore_mem>>) src(%arg11 : memref<128xf32, #tpu.memory_space<vmem>>) dst(%dma_wait3A_129 : memref<10240xf32, #tpu.memory_space<vmem_shared>>)
    %dma_wait3A_130 = arith.constant 0 : i32
    %dma_wait3A_131 = arith.constant 0 : i32
    %dma_wait3A_132 = tpu.memref_slice %arg10[%dma_wait3A_130, %dma_wait3A_131] : memref<79x128xi32, #tpu.memory_space<vmem>> -> memref<1x128xi32, #tpu.memory_space<vmem>>
    %dma_wait3A_133 = tpu.memref_squeeze %dma_wait3A_132 : memref<1x128xi32, #tpu.memory_space<vmem>> -> memref<128xi32, #tpu.memory_space<vmem>>
    %dma_wait3A_134 = arith.constant 0 : i32
    %dma_wait3A_135 = tpu.memref_slice %arg18[%dma_wait3A_134] : memref<10240xf32, #tpu.memory_space<vmem_shared>> -> memref<10240xf32, #tpu.memory_space<vmem_shared>>
    tpu.wait_indirect_dma semaphore(%arg24 : memref<!tpu.dma_semaphore, #tpu.memory_space<semaphore_mem>>) src(%arg12 : memref<128xf32, #tpu.memory_space<vmem>>) dst(%dma_wait3A_135 : memref<10240xf32, #tpu.memory_space<vmem_shared>>)
    %dma_wait3A_136 = arith.constant 0 : i32
    %dma_wait3A_137 = arith.constant 0 : i32
    %dma_wait3A_138 = tpu.memref_slice %arg9[%dma_wait3A_136, %dma_wait3A_137] : memref<79x128xi32, #tpu.memory_space<vmem>> -> memref<1x128xi32, #tpu.memory_space<vmem>>
    %dma_wait3A_139 = tpu.memref_squeeze %dma_wait3A_138 : memref<1x128xi32, #tpu.memory_space<vmem>> -> memref<128xi32, #tpu.memory_space<vmem>>
    %dma_wait3A_140 = arith.constant 0 : i32
    %dma_wait3A_141 = arith.constant 0 : i32
    %dma_wait3A_142 = tpu.memref_slice %arg2[%dma_wait3A_140, %dma_wait3A_141] : memref<10240x128xbf16, #tpu.memory_space<hbm>> -> memref<10240x128xbf16, #tpu.memory_space<hbm>>
    tpu.wait_indirect_dma semaphore(%arg19 : memref<!tpu.dma_semaphore, #tpu.memory_space<semaphore_mem>>) src(%dma_wait3A_142 : memref<10240x128xbf16, #tpu.memory_space<hbm>>) dst(%arg14 : memref<128x128xbf16, #tpu.memory_space<vmem>>)
    %jit3A_143 = arith.constant 2 : i32
    %eq3A_144 = arith.constant 0 : i32
    %eq3A_145 = arith.cmpi eq, %jit3A_143, %eq3A_144 : i32
    %jit3A_146 = arith.constant 1 : i32
    %select_n3A_147 = arith.select %eq3A_145, %jit3A_146, %jit3A_143 : i32
    %rem3A_148 = arith.remsi %add3A_4, %select_n3A_147 : i32
    %ne3A_149 = arith.constant 0 : i32
    %ne3A_150 = arith.cmpi ne, %rem3A_148, %ne3A_149 : i32
    %lt3A_151 = arith.constant 0 : i32
    %lt3A_152 = arith.cmpi slt, %rem3A_148, %lt3A_151 : i32
    %lt3A_153 = arith.constant 0 : i32
    %lt3A_154 = arith.cmpi slt, %select_n3A_147, %lt3A_153 : i32
    %ne3A_155 = arith.xori %lt3A_152, %lt3A_154 : i1
    %and3A_156 = arith.andi %ne3A_155, %ne3A_150 : i1
    %add3A_157 = arith.addi %rem3A_148, %select_n3A_147 : i32
    %select_n3A_158 = arith.select %and3A_156, %add3A_157, %rem3A_148 : i32
    %eq3A_159 = arith.constant 1 : i32
    %eq3A_160 = arith.cmpi eq, %select_n3A_158, %eq3A_159 : i32
    %convert_element_type3A_161 = arith.extui %eq3A_160 : i1 to i32
    %cond3A_162 = arith.constant 0 : i32
    %cond3A_163 = arith.cmpi ne, %convert_element_type3A_161, %cond3A_162 : i32
    scf.if %cond3A_163 {
      %sub3A_181 = arith.constant 1 : i32
      %sub3A_182 = arith.subi %add3A_4, %sub3A_181 : i32
      %get3A_183 = arith.constant 0 : i32
      %get3A_184 = tpu.memref_slice %arg9[%sub3A_182, %get3A_183] : memref<79x128xi32, #tpu.memory_space<vmem>> -> memref<1x128xi32, #tpu.memory_space<vmem>>
      %get3A_185 = tpu.memref_squeeze %get3A_184 : memref<1x128xi32, #tpu.memory_space<vmem>> -> memref<128xi32, #tpu.memory_space<vmem>>
      %get3A_186 = arith.constant 0 : index
      %get3A_187 = tpu.vector_load %get3A_185[%get3A_186] {strides = array<i32>} : memref<128xi32, #tpu.memory_space<vmem>>, vector<16xi32>,
      %get3A_188 = arith.constant 0 : i32
      %get3A_189 = tpu.memref_slice %arg10[%sub3A_182, %get3A_188] : memref<79x128xi32, #tpu.memory_space<vmem>> -> memref<1x128xi32, #tpu.memory_space<vmem>>
      %get3A_190 = tpu.memref_squeeze %get3A_189 : memref<1x128xi32, #tpu.memory_space<vmem>> -> memref<128xi32, #tpu.memory_space<vmem>>
      %get3A_191 = arith.constant 0 : index
      %get3A_192 = tpu.vector_load %get3A_190[%get3A_191] {strides = array<i32>} : memref<128xi32, #tpu.memory_space<vmem>>, vector<16xi32>,
      %mul3A_193 = arith.constant 2 : i32
      %mul3A_194 = vector.broadcast %mul3A_193 : i32 to vector<16xi32>
      %mul3A_195 = arith.muli %get3A_187, %mul3A_194 : vector<16xi32>
      %gather3A = tpu.vector_load_idx %arg8[%mul3A_195] : memref<20480xf32, #tpu.memory_space<vmem>>[vector<16xi32>], vector<16xf32>,
      %mul3A_196 = arith.constant 2 : i32
      %mul3A_197 = vector.broadcast %mul3A_196 : i32 to vector<16xi32>
      %mul3A_198 = arith.muli %get3A_192, %mul3A_197 : vector<16xi32>
      %add3A_199 = arith.constant 1 : i32
      %add3A_200 = vector.broadcast %add3A_199 : i32 to vector<16xi32>
      %add3A_201 = arith.addi %mul3A_198, %add3A_200 : vector<16xi32>
      %gather3A_202 = tpu.vector_load_idx %arg8[%add3A_201] : memref<20480xf32, #tpu.memory_space<vmem>>[vector<16xi32>], vector<16xf32>,
      %add3A_203 = arith.addf %gather3A, %gather3A_202 : vector<16xf32>
      %ge3A = arith.constant 0.000000e+00 : f32
      %ge3A_204 = vector.broadcast %ge3A : f32 to vector<16xf32>
      %ge3A_205 = arith.cmpf oge, %add3A_203, %ge3A_204 : vector<16xf32>
      %mul3A_206 = arith.constant 2.000000e-01 : f32
      %mul3A_207 = vector.broadcast %mul3A_206 : f32 to vector<16xf32>
      %mul3A_208 = arith.mulf %mul3A_207, %add3A_203 : vector<16xf32>
      %select_n3A_209 = arith.select %ge3A_205, %add3A_203, %mul3A_208 : vector<16xi1>, vector<16xf32>
      %sub3A_210 = arith.subf %select_n3A_209, %get3A_52 : vector<16xf32>
      %exp3A = math.exp %sub3A_210 : vector<16xf32>
      %swap3A = arith.constant 0 : index
      %swap3A_211 = tpu.vector_load %arg11[%swap3A] {strides = array<i32>} : memref<128xf32, #tpu.memory_space<vmem>>, vector<16xf32>,
      tpu.vector_store %arg11[%swap3A], %exp3A {strides = array<i32>} : memref<128xf32, #tpu.memory_space<vmem>>, vector<16xf32>,
      %get3A_212 = arith.constant 0 : i32
      %get3A_213 = tpu.memref_slice %arg9[%sub3A_182, %get3A_212] : memref<79x128xi32, #tpu.memory_space<vmem>> -> memref<1x128xi32, #tpu.memory_space<vmem>>
      %get3A_214 = tpu.memref_squeeze %get3A_213 : memref<1x128xi32, #tpu.memory_space<vmem>> -> memref<128xi32, #tpu.memory_space<vmem>>
      %get3A_215 = arith.constant 16 : index
      %get3A_216 = tpu.vector_load %get3A_214[%get3A_215] {strides = array<i32>} : memref<128xi32, #tpu.memory_space<vmem>>, vector<16xi32>,
      %get3A_217 = arith.constant 0 : i32
      %get3A_218 = tpu.memref_slice %arg10[%sub3A_182, %get3A_217] : memref<79x128xi32, #tpu.memory_space<vmem>> -> memref<1x128xi32, #tpu.memory_space<vmem>>
      %get3A_219 = tpu.memref_squeeze %get3A_218 : memref<1x128xi32, #tpu.memory_space<vmem>> -> memref<128xi32, #tpu.memory_space<vmem>>
      %get3A_220 = arith.constant 16 : index
      %get3A_221 = tpu.vector_load %get3A_219[%get3A_220] {strides = array<i32>} : memref<128xi32, #tpu.memory_space<vmem>>, vector<16xi32>,
      %mul3A_222 = arith.constant 2 : i32
      %mul3A_223 = vector.broadcast %mul3A_222 : i32 to vector<16xi32>
      %mul3A_224 = arith.muli %get3A_216, %mul3A_223 : vector<16xi32>
      %gather3A_225 = tpu.vector_load_idx %arg8[%mul3A_224] : memref<20480xf32, #tpu.memory_space<vmem>>[vector<16xi32>], vector<16xf32>,
      %mul3A_226 = arith.constant 2 : i32
      %mul3A_227 = vector.broadcast %mul3A_226 : i32 to vector<16xi32>
      %mul3A_228 = arith.muli %get3A_221, %mul3A_227 : vector<16xi32>
      %add3A_229 = arith.constant 1 : i32
      %add3A_230 = vector.broadcast %add3A_229 : i32 to vector<16xi32>
      %add3A_231 = arith.addi %mul3A_228, %add3A_230 : vector<16xi32>
      %gather3A_232 = tpu.vector_load_idx %arg8[%add3A_231] : memref<20480xf32, #tpu.memory_space<vmem>>[vector<16xi32>], vector<16xf32>,
      %add3A_233 = arith.addf %gather3A_225, %gather3A_232 : vector<16xf32>
      %ge3A_234 = arith.constant 0.000000e+00 : f32
      %ge3A_235 = vector.broadcast %ge3A_234 : f32 to vector<16xf32>
      %ge3A_236 = arith.cmpf oge, %add3A_233, %ge3A_235 : vector<16xf32>
      %mul3A_237 = arith.constant 2.000000e-01 : f32
      %mul3A_238 = vector.broadcast %mul3A_237 : f32 to vector<16xf32>
      %mul3A_239 = arith.mulf %mul3A_238, %add3A_233 : vector<16xf32>
      %select_n3A_240 = arith.select %ge3A_236, %add3A_233, %mul3A_239 : vector<16xi1>, vector<16xf32>
      %sub3A_241 = arith.subf %select_n3A_240, %get3A_52 : vector<16xf32>
      %exp3A_242 = math.exp %sub3A_241 : vector<16xf32>
      %swap3A_243 = arith.constant 16 : index
      %swap3A_244 = tpu.vector_load %arg11[%swap3A_243] {strides = array<i32>} : memref<128xf32, #tpu.memory_space<vmem>>, vector<16xf32>,
      tpu.vector_store %arg11[%swap3A_243], %exp3A_242 {strides = array<i32>} : memref<128xf32, #tpu.memory_space<vmem>>, vector<16xf32>,
      %get3A_245 = arith.constant 0 : i32
      %get3A_246 = tpu.memref_slice %arg9[%sub3A_182, %get3A_245] : memref<79x128xi32, #tpu.memory_space<vmem>> -> memref<1x128xi32, #tpu.memory_space<vmem>>
      %get3A_247 = tpu.memref_squeeze %get3A_246 : memref<1x128xi32, #tpu.memory_space<vmem>> -> memref<128xi32, #tpu.memory_space<vmem>>
      %get3A_248 = arith.constant 32 : index
      %get3A_249 = tpu.vector_load %get3A_247[%get3A_248] {strides = array<i32>} : memref<128xi32, #tpu.memory_space<vmem>>, vector<16xi32>,
      %get3A_250 = arith.constant 0 : i32
      %get3A_251 = tpu.memref_slice %arg10[%sub3A_182, %get3A_250] : memref<79x128xi32, #tpu.memory_space<vmem>> -> memref<1x128xi32, #tpu.memory_space<vmem>>
      %get3A_252 = tpu.memref_squeeze %get3A_251 : memref<1x128xi32, #tpu.memory_space<vmem>> -> memref<128xi32, #tpu.memory_space<vmem>>
      %get3A_253 = arith.constant 32 : index
      %get3A_254 = tpu.vector_load %get3A_252[%get3A_253] {strides = array<i32>} : memref<128xi32, #tpu.memory_space<vmem>>, vector<16xi32>,
      %mul3A_255 = arith.constant 2 : i32
      %mul3A_256 = vector.broadcast %mul3A_255 : i32 to vector<16xi32>
      %mul3A_257 = arith.muli %get3A_249, %mul3A_256 : vector<16xi32>
      %gather3A_258 = tpu.vector_load_idx %arg8[%mul3A_257] : memref<20480xf32, #tpu.memory_space<vmem>>[vector<16xi32>], vector<16xf32>,
      %mul3A_259 = arith.constant 2 : i32
      %mul3A_260 = vector.broadcast %mul3A_259 : i32 to vector<16xi32>
      %mul3A_261 = arith.muli %get3A_254, %mul3A_260 : vector<16xi32>
      %add3A_262 = arith.constant 1 : i32
      %add3A_263 = vector.broadcast %add3A_262 : i32 to vector<16xi32>
      %add3A_264 = arith.addi %mul3A_261, %add3A_263 : vector<16xi32>
      %gather3A_265 = tpu.vector_load_idx %arg8[%add3A_264] : memref<20480xf32, #tpu.memory_space<vmem>>[vector<16xi32>], vector<16xf32>,
      %add3A_266 = arith.addf %gather3A_258, %gather3A_265 : vector<16xf32>
      %ge3A_267 = arith.constant 0.000000e+00 : f32
      %ge3A_268 = vector.broadcast %ge3A_267 : f32 to vector<16xf32>
      %ge3A_269 = arith.cmpf oge, %add3A_266, %ge3A_268 : vector<16xf32>
      %mul3A_270 = arith.constant 2.000000e-01 : f32
      %mul3A_271 = vector.broadcast %mul3A_270 : f32 to vector<16xf32>
      %mul3A_272 = arith.mulf %mul3A_271, %add3A_266 : vector<16xf32>
      %select_n3A_273 = arith.select %ge3A_269, %add3A_266, %mul3A_272 : vector<16xi1>, vector<16xf32>
      %sub3A_274 = arith.subf %select_n3A_273, %get3A_52 : vector<16xf32>
      %exp3A_275 = math.exp %sub3A_274 : vector<16xf32>
      %swap3A_276 = arith.constant 32 : index
      %swap3A_277 = tpu.vector_load %arg11[%swap3A_276] {strides = array<i32>} : memref<128xf32, #tpu.memory_space<vmem>>, vector<16xf32>,
      tpu.vector_store %arg11[%swap3A_276], %exp3A_275 {strides = array<i32>} : memref<128xf32, #tpu.memory_space<vmem>>, vector<16xf32>,
      %get3A_278 = arith.constant 0 : i32
      %get3A_279 = tpu.memref_slice %arg9[%sub3A_182, %get3A_278] : memref<79x128xi32, #tpu.memory_space<vmem>> -> memref<1x128xi32, #tpu.memory_space<vmem>>
      %get3A_280 = tpu.memref_squeeze %get3A_279 : memref<1x128xi32, #tpu.memory_space<vmem>> -> memref<128xi32, #tpu.memory_space<vmem>>
      %get3A_281 = arith.constant 48 : index
      %get3A_282 = tpu.vector_load %get3A_280[%get3A_281] {strides = array<i32>} : memref<128xi32, #tpu.memory_space<vmem>>, vector<16xi32>,
      %get3A_283 = arith.constant 0 : i32
      %get3A_284 = tpu.memref_slice %arg10[%sub3A_182, %get3A_283] : memref<79x128xi32, #tpu.memory_space<vmem>> -> memref<1x128xi32, #tpu.memory_space<vmem>>
      %get3A_285 = tpu.memref_squeeze %get3A_284 : memref<1x128xi32, #tpu.memory_space<vmem>> -> memref<128xi32, #tpu.memory_space<vmem>>
      %get3A_286 = arith.constant 48 : index
      %get3A_287 = tpu.vector_load %get3A_285[%get3A_286] {strides = array<i32>} : memref<128xi32, #tpu.memory_space<vmem>>, vector<16xi32>,
      %mul3A_288 = arith.constant 2 : i32
      %mul3A_289 = vector.broadcast %mul3A_288 : i32 to vector<16xi32>
      %mul3A_290 = arith.muli %get3A_282, %mul3A_289 : vector<16xi32>
      %gather3A_291 = tpu.vector_load_idx %arg8[%mul3A_290] : memref<20480xf32, #tpu.memory_space<vmem>>[vector<16xi32>], vector<16xf32>,
      %mul3A_292 = arith.constant 2 : i32
      %mul3A_293 = vector.broadcast %mul3A_292 : i32 to vector<16xi32>
      %mul3A_294 = arith.muli %get3A_287, %mul3A_293 : vector<16xi32>
      %add3A_295 = arith.constant 1 : i32
      %add3A_296 = vector.broadcast %add3A_295 : i32 to vector<16xi32>
      %add3A_297 = arith.addi %mul3A_294, %add3A_296 : vector<16xi32>
      %gather3A_298 = tpu.vector_load_idx %arg8[%add3A_297] : memref<20480xf32, #tpu.memory_space<vmem>>[vector<16xi32>], vector<16xf32>,
      %add3A_299 = arith.addf %gather3A_291, %gather3A_298 : vector<16xf32>
      %ge3A_300 = arith.constant 0.000000e+00 : f32
      %ge3A_301 = vector.broadcast %ge3A_300 : f32 to vector<16xf32>
      %ge3A_302 = arith.cmpf oge, %add3A_299, %ge3A_301 : vector<16xf32>
      %mul3A_303 = arith.constant 2.000000e-01 : f32
      %mul3A_304 = vector.broadcast %mul3A_303 : f32 to vector<16xf32>
      %mul3A_305 = arith.mulf %mul3A_304, %add3A_299 : vector<16xf32>
      %select_n3A_306 = arith.select %ge3A_302, %add3A_299, %mul3A_305 : vector<16xi1>, vector<16xf32>
      %sub3A_307 = arith.subf %select_n3A_306, %get3A_52 : vector<16xf32>
      %exp3A_308 = math.exp %sub3A_307 : vector<16xf32>
      %swap3A_309 = arith.constant 48 : index
      %swap3A_310 = tpu.vector_load %arg11[%swap3A_309] {strides = array<i32>} : memref<128xf32, #tpu.memory_space<vmem>>, vector<16xf32>,
      tpu.vector_store %arg11[%swap3A_309], %exp3A_308 {strides = array<i32>} : memref<128xf32, #tpu.memory_space<vmem>>, vector<16xf32>,
      %get3A_311 = arith.constant 0 : i32
      %get3A_312 = tpu.memref_slice %arg9[%sub3A_182, %get3A_311] : memref<79x128xi32, #tpu.memory_space<vmem>> -> memref<1x128xi32, #tpu.memory_space<vmem>>
      %get3A_313 = tpu.memref_squeeze %get3A_312 : memref<1x128xi32, #tpu.memory_space<vmem>> -> memref<128xi32, #tpu.memory_space<vmem>>
      %get3A_314 = arith.constant 64 : index
      %get3A_315 = tpu.vector_load %get3A_313[%get3A_314] {strides = array<i32>} : memref<128xi32, #tpu.memory_space<vmem>>, vector<16xi32>,
      %get3A_316 = arith.constant 0 : i32
      %get3A_317 = tpu.memref_slice %arg10[%sub3A_182, %get3A_316] : memref<79x128xi32, #tpu.memory_space<vmem>> -> memref<1x128xi32, #tpu.memory_space<vmem>>
      %get3A_318 = tpu.memref_squeeze %get3A_317 : memref<1x128xi32, #tpu.memory_space<vmem>> -> memref<128xi32, #tpu.memory_space<vmem>>
      %get3A_319 = arith.constant 64 : index
      %get3A_320 = tpu.vector_load %get3A_318[%get3A_319] {strides = array<i32>} : memref<128xi32, #tpu.memory_space<vmem>>, vector<16xi32>,
      %mul3A_321 = arith.constant 2 : i32
      %mul3A_322 = vector.broadcast %mul3A_321 : i32 to vector<16xi32>
      %mul3A_323 = arith.muli %get3A_315, %mul3A_322 : vector<16xi32>
      %gather3A_324 = tpu.vector_load_idx %arg8[%mul3A_323] : memref<20480xf32, #tpu.memory_space<vmem>>[vector<16xi32>], vector<16xf32>,
      %mul3A_325 = arith.constant 2 : i32
      %mul3A_326 = vector.broadcast %mul3A_325 : i32 to vector<16xi32>
      %mul3A_327 = arith.muli %get3A_320, %mul3A_326 : vector<16xi32>
      %add3A_328 = arith.constant 1 : i32
      %add3A_329 = vector.broadcast %add3A_328 : i32 to vector<16xi32>
      %add3A_330 = arith.addi %mul3A_327, %add3A_329 : vector<16xi32>
      %gather3A_331 = tpu.vector_load_idx %arg8[%add3A_330] : memref<20480xf32, #tpu.memory_space<vmem>>[vector<16xi32>], vector<16xf32>,
      %add3A_332 = arith.addf %gather3A_324, %gather3A_331 : vector<16xf32>
      %ge3A_333 = arith.constant 0.000000e+00 : f32
      %ge3A_334 = vector.broadcast %ge3A_333 : f32 to vector<16xf32>
      %ge3A_335 = arith.cmpf oge, %add3A_332, %ge3A_334 : vector<16xf32>
      %mul3A_336 = arith.constant 2.000000e-01 : f32
      %mul3A_337 = vector.broadcast %mul3A_336 : f32 to vector<16xf32>
      %mul3A_338 = arith.mulf %mul3A_337, %add3A_332 : vector<16xf32>
      %select_n3A_339 = arith.select %ge3A_335, %add3A_332, %mul3A_338 : vector<16xi1>, vector<16xf32>
      %sub3A_340 = arith.subf %select_n3A_339, %get3A_52 : vector<16xf32>
      %exp3A_341 = math.exp %sub3A_340 : vector<16xf32>
      %swap3A_342 = arith.constant 64 : index
      %swap3A_343 = tpu.vector_load %arg11[%swap3A_342] {strides = array<i32>} : memref<128xf32, #tpu.memory_space<vmem>>, vector<16xf32>,
      tpu.vector_store %arg11[%swap3A_342], %exp3A_341 {strides = array<i32>} : memref<128xf32, #tpu.memory_space<vmem>>, vector<16xf32>,
      %get3A_344 = arith.constant 0 : i32
      %get3A_345 = tpu.memref_slice %arg9[%sub3A_182, %get3A_344] : memref<79x128xi32, #tpu.memory_space<vmem>> -> memref<1x128xi32, #tpu.memory_space<vmem>>
      %get3A_346 = tpu.memref_squeeze %get3A_345 : memref<1x128xi32, #tpu.memory_space<vmem>> -> memref<128xi32, #tpu.memory_space<vmem>>
      %get3A_347 = arith.constant 80 : index
      %get3A_348 = tpu.vector_load %get3A_346[%get3A_347] {strides = array<i32>} : memref<128xi32, #tpu.memory_space<vmem>>, vector<16xi32>,
      %get3A_349 = arith.constant 0 : i32
      %get3A_350 = tpu.memref_slice %arg10[%sub3A_182, %get3A_349] : memref<79x128xi32, #tpu.memory_space<vmem>> -> memref<1x128xi32, #tpu.memory_space<vmem>>
      %get3A_351 = tpu.memref_squeeze %get3A_350 : memref<1x128xi32, #tpu.memory_space<vmem>> -> memref<128xi32, #tpu.memory_space<vmem>>
      %get3A_352 = arith.constant 80 : index
      %get3A_353 = tpu.vector_load %get3A_351[%get3A_352] {strides = array<i32>} : memref<128xi32, #tpu.memory_space<vmem>>, vector<16xi32>,
      %mul3A_354 = arith.constant 2 : i32
      %mul3A_355 = vector.broadcast %mul3A_354 : i32 to vector<16xi32>
      %mul3A_356 = arith.muli %get3A_348, %mul3A_355 : vector<16xi32>
      %gather3A_357 = tpu.vector_load_idx %arg8[%mul3A_356] : memref<20480xf32, #tpu.memory_space<vmem>>[vector<16xi32>], vector<16xf32>,
      %mul3A_358 = arith.constant 2 : i32
      %mul3A_359 = vector.broadcast %mul3A_358 : i32 to vector<16xi32>
      %mul3A_360 = arith.muli %get3A_353, %mul3A_359 : vector<16xi32>
      %add3A_361 = arith.constant 1 : i32
      %add3A_362 = vector.broadcast %add3A_361 : i32 to vector<16xi32>
      %add3A_363 = arith.addi %mul3A_360, %add3A_362 : vector<16xi32>
      %gather3A_364 = tpu.vector_load_idx %arg8[%add3A_363] : memref<20480xf32, #tpu.memory_space<vmem>>[vector<16xi32>], vector<16xf32>,
      %add3A_365 = arith.addf %gather3A_357, %gather3A_364 : vector<16xf32>
      %ge3A_366 = arith.constant 0.000000e+00 : f32
      %ge3A_367 = vector.broadcast %ge3A_366 : f32 to vector<16xf32>
      %ge3A_368 = arith.cmpf oge, %add3A_365, %ge3A_367 : vector<16xf32>
      %mul3A_369 = arith.constant 2.000000e-01 : f32
      %mul3A_370 = vector.broadcast %mul3A_369 : f32 to vector<16xf32>
      %mul3A_371 = arith.mulf %mul3A_370, %add3A_365 : vector<16xf32>
      %select_n3A_372 = arith.select %ge3A_368, %add3A_365, %mul3A_371 : vector<16xi1>, vector<16xf32>
      %sub3A_373 = arith.subf %select_n3A_372, %get3A_52 : vector<16xf32>
      %exp3A_374 = math.exp %sub3A_373 : vector<16xf32>
      %swap3A_375 = arith.constant 80 : index
      %swap3A_376 = tpu.vector_load %arg11[%swap3A_375] {strides = array<i32>} : memref<128xf32, #tpu.memory_space<vmem>>, vector<16xf32>,
      tpu.vector_store %arg11[%swap3A_375], %exp3A_374 {strides = array<i32>} : memref<128xf32, #tpu.memory_space<vmem>>, vector<16xf32>,
      %get3A_377 = arith.constant 0 : i32
      %get3A_378 = tpu.memref_slice %arg9[%sub3A_182, %get3A_377] : memref<79x128xi32, #tpu.memory_space<vmem>> -> memref<1x128xi32, #tpu.memory_space<vmem>>
      %get3A_379 = tpu.memref_squeeze %get3A_378 : memref<1x128xi32, #tpu.memory_space<vmem>> -> memref<128xi32, #tpu.memory_space<vmem>>
      %get3A_380 = arith.constant 96 : index
      %get3A_381 = tpu.vector_load %get3A_379[%get3A_380] {strides = array<i32>} : memref<128xi32, #tpu.memory_space<vmem>>, vector<16xi32>,
      %get3A_382 = arith.constant 0 : i32
      %get3A_383 = tpu.memref_slice %arg10[%sub3A_182, %get3A_382] : memref<79x128xi32, #tpu.memory_space<vmem>> -> memref<1x128xi32, #tpu.memory_space<vmem>>
      %get3A_384 = tpu.memref_squeeze %get3A_383 : memref<1x128xi32, #tpu.memory_space<vmem>> -> memref<128xi32, #tpu.memory_space<vmem>>
      %get3A_385 = arith.constant 96 : index
      %get3A_386 = tpu.vector_load %get3A_384[%get3A_385] {strides = array<i32>} : memref<128xi32, #tpu.memory_space<vmem>>, vector<16xi32>,
      %mul3A_387 = arith.constant 2 : i32
      %mul3A_388 = vector.broadcast %mul3A_387 : i32 to vector<16xi32>
      %mul3A_389 = arith.muli %get3A_381, %mul3A_388 : vector<16xi32>
      %gather3A_390 = tpu.vector_load_idx %arg8[%mul3A_389] : memref<20480xf32, #tpu.memory_space<vmem>>[vector<16xi32>], vector<16xf32>,
      %mul3A_391 = arith.constant 2 : i32
      %mul3A_392 = vector.broadcast %mul3A_391 : i32 to vector<16xi32>
      %mul3A_393 = arith.muli %get3A_386, %mul3A_392 : vector<16xi32>
      %add3A_394 = arith.constant 1 : i32
      %add3A_395 = vector.broadcast %add3A_394 : i32 to vector<16xi32>
      %add3A_396 = arith.addi %mul3A_393, %add3A_395 : vector<16xi32>
      %gather3A_397 = tpu.vector_load_idx %arg8[%add3A_396] : memref<20480xf32, #tpu.memory_space<vmem>>[vector<16xi32>], vector<16xf32>,
      %add3A_398 = arith.addf %gather3A_390, %gather3A_397 : vector<16xf32>
      %ge3A_399 = arith.constant 0.000000e+00 : f32
      %ge3A_400 = vector.broadcast %ge3A_399 : f32 to vector<16xf32>
      %ge3A_401 = arith.cmpf oge, %add3A_398, %ge3A_400 : vector<16xf32>
      %mul3A_402 = arith.constant 2.000000e-01 : f32
      %mul3A_403 = vector.broadcast %mul3A_402 : f32 to vector<16xf32>
      %mul3A_404 = arith.mulf %mul3A_403, %add3A_398 : vector<16xf32>
      %select_n3A_405 = arith.select %ge3A_401, %add3A_398, %mul3A_404 : vector<16xi1>, vector<16xf32>
      %sub3A_406 = arith.subf %select_n3A_405, %get3A_52 : vector<16xf32>
      %exp3A_407 = math.exp %sub3A_406 : vector<16xf32>
      %swap3A_408 = arith.constant 96 : index
      %swap3A_409 = tpu.vector_load %arg11[%swap3A_408] {strides = array<i32>} : memref<128xf32, #tpu.memory_space<vmem>>, vector<16xf32>,
      tpu.vector_store %arg11[%swap3A_408], %exp3A_407 {strides = array<i32>} : memref<128xf32, #tpu.memory_space<vmem>>, vector<16xf32>,
      %get3A_410 = arith.constant 0 : i32
      %get3A_411 = tpu.memref_slice %arg9[%sub3A_182, %get3A_410] : memref<79x128xi32, #tpu.memory_space<vmem>> -> memref<1x128xi32, #tpu.memory_space<vmem>>
      %get3A_412 = tpu.memref_squeeze %get3A_411 : memref<1x128xi32, #tpu.memory_space<vmem>> -> memref<128xi32, #tpu.memory_space<vmem>>
      %get3A_413 = arith.constant 112 : index
      %get3A_414 = tpu.vector_load %get3A_412[%get3A_413] {strides = array<i32>} : memref<128xi32, #tpu.memory_space<vmem>>, vector<16xi32>,
      %get3A_415 = arith.constant 0 : i32
      %get3A_416 = tpu.memref_slice %arg10[%sub3A_182, %get3A_415] : memref<79x128xi32, #tpu.memory_space<vmem>> -> memref<1x128xi32, #tpu.memory_space<vmem>>
      %get3A_417 = tpu.memref_squeeze %get3A_416 : memref<1x128xi32, #tpu.memory_space<vmem>> -> memref<128xi32, #tpu.memory_space<vmem>>
      %get3A_418 = arith.constant 112 : index
      %get3A_419 = tpu.vector_load %get3A_417[%get3A_418] {strides = array<i32>} : memref<128xi32, #tpu.memory_space<vmem>>, vector<16xi32>,
      %mul3A_420 = arith.constant 2 : i32
      %mul3A_421 = vector.broadcast %mul3A_420 : i32 to vector<16xi32>
      %mul3A_422 = arith.muli %get3A_414, %mul3A_421 : vector<16xi32>
      %gather3A_423 = tpu.vector_load_idx %arg8[%mul3A_422] : memref<20480xf32, #tpu.memory_space<vmem>>[vector<16xi32>], vector<16xf32>,
      %mul3A_424 = arith.constant 2 : i32
      %mul3A_425 = vector.broadcast %mul3A_424 : i32 to vector<16xi32>
      %mul3A_426 = arith.muli %get3A_419, %mul3A_425 : vector<16xi32>
      %add3A_427 = arith.constant 1 : i32
      %add3A_428 = vector.broadcast %add3A_427 : i32 to vector<16xi32>
      %add3A_429 = arith.addi %mul3A_426, %add3A_428 : vector<16xi32>
      %gather3A_430 = tpu.vector_load_idx %arg8[%add3A_429] : memref<20480xf32, #tpu.memory_space<vmem>>[vector<16xi32>], vector<16xf32>,
      %add3A_431 = arith.addf %gather3A_423, %gather3A_430 : vector<16xf32>
      %ge3A_432 = arith.constant 0.000000e+00 : f32
      %ge3A_433 = vector.broadcast %ge3A_432 : f32 to vector<16xf32>
      %ge3A_434 = arith.cmpf oge, %add3A_431, %ge3A_433 : vector<16xf32>
      %mul3A_435 = arith.constant 2.000000e-01 : f32
      %mul3A_436 = vector.broadcast %mul3A_435 : f32 to vector<16xf32>
      %mul3A_437 = arith.mulf %mul3A_436, %add3A_431 : vector<16xf32>
      %select_n3A_438 = arith.select %ge3A_434, %add3A_431, %mul3A_437 : vector<16xi1>, vector<16xf32>
      %sub3A_439 = arith.subf %select_n3A_438, %get3A_52 : vector<16xf32>
      %exp3A_440 = math.exp %sub3A_439 : vector<16xf32>
      %swap3A_441 = arith.constant 112 : index
      %swap3A_442 = tpu.vector_load %arg11[%swap3A_441] {strides = array<i32>} : memref<128xf32, #tpu.memory_space<vmem>>, vector<16xf32>,
      tpu.vector_store %arg11[%swap3A_441], %exp3A_440 {strides = array<i32>} : memref<128xf32, #tpu.memory_space<vmem>>, vector<16xf32>,
      "tpu.region"() ({
        %run_scoped3A_450 = tpu.sem_alloc : memref<!tpu.dma_semaphore, #tpu.memory_space<semaphore_mem>>
        %dma_start3A_451 = arith.constant 0 : i32
        %dma_start3A_452 = tpu.memref_slice %arg10[%sub3A_182, %dma_start3A_451] : memref<79x128xi32, #tpu.memory_space<vmem>> -> memref<1x128xi32, #tpu.memory_space<vmem>>
        %dma_start3A_453 = tpu.memref_squeeze %dma_start3A_452 : memref<1x128xi32, #tpu.memory_space<vmem>> -> memref<128xi32, #tpu.memory_space<vmem>>
        %dma_start3A_454 = arith.constant 0 : i32
        %dma_start3A_455 = tpu.memref_slice %arg18[%dma_start3A_454] : memref<10240xf32, #tpu.memory_space<vmem_shared>> -> memref<10240xf32, #tpu.memory_space<vmem_shared>>
        tpu.enqueue_indirect_dma source(%arg11 : memref<128xf32, #tpu.memory_space<vmem>>) target(%dma_start3A_455 : memref<10240xf32, #tpu.memory_space<vmem_shared>>) offsets(%dma_start3A_453 : memref<128xi32, #tpu.memory_space<vmem>>) semaphore(%run_scoped3A_450 : memref<!tpu.dma_semaphore, #tpu.memory_space<semaphore_mem>>) {add = true}
        %dma_wait3A_456 = arith.constant 0 : i32
        %dma_wait3A_457 = tpu.memref_slice %arg10[%sub3A_182, %dma_wait3A_456] : memref<79x128xi32, #tpu.memory_space<vmem>> -> memref<1x128xi32, #tpu.memory_space<vmem>>
        %dma_wait3A_458 = tpu.memref_squeeze %dma_wait3A_457 : memref<1x128xi32, #tpu.memory_space<vmem>> -> memref<128xi32, #tpu.memory_space<vmem>>
        %dma_wait3A_459 = arith.constant 0 : i32
        %dma_wait3A_460 = tpu.memref_slice %arg18[%dma_wait3A_459] : memref<10240xf32, #tpu.memory_space<vmem_shared>> -> memref<10240xf32, #tpu.memory_space<vmem_shared>>
        tpu.wait_indirect_dma semaphore(%run_scoped3A_450 : memref<!tpu.dma_semaphore, #tpu.memory_space<semaphore_mem>>) src(%arg11 : memref<128xf32, #tpu.memory_space<vmem>>) dst(%dma_wait3A_460 : memref<10240xf32, #tpu.memory_space<vmem_shared>>)
        tpu.yield
      }) : () -> ()
      %scan3A_443 = arith.constant 0 : i32
      %scan3A_444 = arith.constant 0 : i32
      %scan3A_445 = arith.constant 32 : i32
      %scan3A_446 = arith.addi %scan3A_444, %scan3A_445 : i32
      %scan3A_447 = arith.constant 1 : i32
      %scan3A_448 = scf.for %scan3A_450 = %scan3A_444 to %scan3A_446 step %scan3A_447 iter_args(%scan3A_451 = %scan3A_443) -> (i32)  : i32 {
        %mul3A_452 = arith.constant 4 : i32
        %mul3A_453 = arith.muli %scan3A_450, %mul3A_452 : i32
        %add3A_454 = arith.constant 0 : i32
        %add3A_455 = arith.addi %mul3A_453, %add3A_454 : i32
        %add3A_456 = vector.broadcast %add3A_455 : i32 to vector<16xi32>
        %add3A_457 = arith.addi %broadcast_in_dim3A_54, %add3A_456 : vector<16xi32>
        %gather3A_458 = tpu.vector_load_idx %arg11[%add3A_457] : memref<128xf32, #tpu.memory_space<vmem>>[vector<16xi32>], vector<16xf32>,
        %get3A_459 = arith.constant 0 : i32
        %get3A_460 = tpu.memref_slice %arg14[%add3A_455, %get3A_459] : memref<128x128xbf16, #tpu.memory_space<vmem>> -> memref<1x128xbf16, #tpu.memory_space<vmem>>
        %get3A_461 = tpu.memref_squeeze %get3A_460 : memref<1x128xbf16, #tpu.memory_space<vmem>> -> memref<128xbf16, #tpu.memory_space<vmem>>
        %get3A_462 = arith.constant 0 : index
        %get3A_463 = tpu.vector_load %get3A_461[%get3A_462] {strides = array<i32>} : memref<128xbf16, #tpu.memory_space<vmem>>, vector<32xbf16>,
        %unpack3A = tpu.unpack_subelements %get3A_463, 0 {pack_format = #tpu.pack_format<interleaved>} : vector<32xbf16> -> vector<16xf32>
        %unpack3A_464 = tpu.unpack_subelements %get3A_463, 1 {pack_format = #tpu.pack_format<interleaved>} : vector<32xbf16> -> vector<16xf32>
        %mul3A_465 = arith.mulf %unpack3A, %gather3A_458 : vector<16xf32>
        %mul3A_466 = arith.mulf %unpack3A_464, %gather3A_458 : vector<16xf32>
        %pack3A = tpu.pack_subelements %mul3A_465, %mul3A_466 {pack_format = #tpu.pack_format<interleaved>, positions = array<i32: 0, 1>} : vector<16xf32>, vector<16xf32> -> vector<32xbf16>
        %swap3A_467 = arith.constant 0 : i32
        %swap3A_468 = tpu.memref_slice %arg14[%add3A_455, %swap3A_467] : memref<128x128xbf16, #tpu.memory_space<vmem>> -> memref<1x128xbf16, #tpu.memory_space<vmem>>
        %swap3A_469 = tpu.memref_squeeze %swap3A_468 : memref<1x128xbf16, #tpu.memory_space<vmem>> -> memref<128xbf16, #tpu.memory_space<vmem>>
        %swap3A_470 = arith.constant 0 : index
        %swap3A_471 = tpu.vector_load %swap3A_469[%swap3A_470] {strides = array<i32>} : memref<128xbf16, #tpu.memory_space<vmem>>, vector<32xbf16>,
        tpu.vector_store %swap3A_469[%swap3A_470], %pack3A {strides = array<i32>} : memref<128xbf16, #tpu.memory_space<vmem>>, vector<32xbf16>,
        %get3A_472 = arith.constant 0 : i32
        %get3A_473 = tpu.memref_slice %arg14[%add3A_455, %get3A_472] : memref<128x128xbf16, #tpu.memory_space<vmem>> -> memref<1x128xbf16, #tpu.memory_space<vmem>>
        %get3A_474 = tpu.memref_squeeze %get3A_473 : memref<1x128xbf16, #tpu.memory_space<vmem>> -> memref<128xbf16, #tpu.memory_space<vmem>>
        %get3A_475 = arith.constant 32 : index
        %get3A_476 = tpu.vector_load %get3A_474[%get3A_475] {strides = array<i32>} : memref<128xbf16, #tpu.memory_space<vmem>>, vector<32xbf16>,
        %unpack3A_477 = tpu.unpack_subelements %get3A_476, 0 {pack_format = #tpu.pack_format<interleaved>} : vector<32xbf16> -> vector<16xf32>
        %unpack3A_478 = tpu.unpack_subelements %get3A_476, 1 {pack_format = #tpu.pack_format<interleaved>} : vector<32xbf16> -> vector<16xf32>
        %mul3A_479 = arith.mulf %unpack3A_477, %gather3A_458 : vector<16xf32>
        %mul3A_480 = arith.mulf %unpack3A_478, %gather3A_458 : vector<16xf32>
        %pack3A_481 = tpu.pack_subelements %mul3A_479, %mul3A_480 {pack_format = #tpu.pack_format<interleaved>, positions = array<i32: 0, 1>} : vector<16xf32>, vector<16xf32> -> vector<32xbf16>
        %swap3A_482 = arith.constant 0 : i32
        %swap3A_483 = tpu.memref_slice %arg14[%add3A_455, %swap3A_482] : memref<128x128xbf16, #tpu.memory_space<vmem>> -> memref<1x128xbf16, #tpu.memory_space<vmem>>
        %swap3A_484 = tpu.memref_squeeze %swap3A_483 : memref<1x128xbf16, #tpu.memory_space<vmem>> -> memref<128xbf16, #tpu.memory_space<vmem>>
        %swap3A_485 = arith.constant 32 : index
        %swap3A_486 = tpu.vector_load %swap3A_484[%swap3A_485] {strides = array<i32>} : memref<128xbf16, #tpu.memory_space<vmem>>, vector<32xbf16>,
        tpu.vector_store %swap3A_484[%swap3A_485], %pack3A_481 {strides = array<i32>} : memref<128xbf16, #tpu.memory_space<vmem>>, vector<32xbf16>,
        %get3A_487 = arith.constant 0 : i32
        %get3A_488 = tpu.memref_slice %arg14[%add3A_455, %get3A_487] : memref<128x128xbf16, #tpu.memory_space<vmem>> -> memref<1x128xbf16, #tpu.memory_space<vmem>>
        %get3A_489 = tpu.memref_squeeze %get3A_488 : memref<1x128xbf16, #tpu.memory_space<vmem>> -> memref<128xbf16, #tpu.memory_space<vmem>>
        %get3A_490 = arith.constant 64 : index
        %get3A_491 = tpu.vector_load %get3A_489[%get3A_490] {strides = array<i32>} : memref<128xbf16, #tpu.memory_space<vmem>>, vector<32xbf16>,
        %unpack3A_492 = tpu.unpack_subelements %get3A_491, 0 {pack_format = #tpu.pack_format<interleaved>} : vector<32xbf16> -> vector<16xf32>
        %unpack3A_493 = tpu.unpack_subelements %get3A_491, 1 {pack_format = #tpu.pack_format<interleaved>} : vector<32xbf16> -> vector<16xf32>
        %mul3A_494 = arith.mulf %unpack3A_492, %gather3A_458 : vector<16xf32>
        %mul3A_495 = arith.mulf %unpack3A_493, %gather3A_458 : vector<16xf32>
        %pack3A_496 = tpu.pack_subelements %mul3A_494, %mul3A_495 {pack_format = #tpu.pack_format<interleaved>, positions = array<i32: 0, 1>} : vector<16xf32>, vector<16xf32> -> vector<32xbf16>
        %swap3A_497 = arith.constant 0 : i32
        %swap3A_498 = tpu.memref_slice %arg14[%add3A_455, %swap3A_497] : memref<128x128xbf16, #tpu.memory_space<vmem>> -> memref<1x128xbf16, #tpu.memory_space<vmem>>
        %swap3A_499 = tpu.memref_squeeze %swap3A_498 : memref<1x128xbf16, #tpu.memory_space<vmem>> -> memref<128xbf16, #tpu.memory_space<vmem>>
        %swap3A_500 = arith.constant 64 : index
        %swap3A_501 = tpu.vector_load %swap3A_499[%swap3A_500] {strides = array<i32>} : memref<128xbf16, #tpu.memory_space<vmem>>, vector<32xbf16>,
        tpu.vector_store %swap3A_499[%swap3A_500], %pack3A_496 {strides = array<i32>} : memref<128xbf16, #tpu.memory_space<vmem>>, vector<32xbf16>,
        %get3A_502 = arith.constant 0 : i32
        %get3A_503 = tpu.memref_slice %arg14[%add3A_455, %get3A_502] : memref<128x128xbf16, #tpu.memory_space<vmem>> -> memref<1x128xbf16, #tpu.memory_space<vmem>>
        %get3A_504 = tpu.memref_squeeze %get3A_503 : memref<1x128xbf16, #tpu.memory_space<vmem>> -> memref<128xbf16, #tpu.memory_space<vmem>>
        %get3A_505 = arith.constant 96 : index
        %get3A_506 = tpu.vector_load %get3A_504[%get3A_505] {strides = array<i32>} : memref<128xbf16, #tpu.memory_space<vmem>>, vector<32xbf16>,
        %unpack3A_507 = tpu.unpack_subelements %get3A_506, 0 {pack_format = #tpu.pack_format<interleaved>} : vector<32xbf16> -> vector<16xf32>
        %unpack3A_508 = tpu.unpack_subelements %get3A_506, 1 {pack_format = #tpu.pack_format<interleaved>} : vector<32xbf16> -> vector<16xf32>
        %mul3A_509 = arith.mulf %unpack3A_507, %gather3A_458 : vector<16xf32>
        %mul3A_510 = arith.mulf %unpack3A_508, %gather3A_458 : vector<16xf32>
        %pack3A_511 = tpu.pack_subelements %mul3A_509, %mul3A_510 {pack_format = #tpu.pack_format<interleaved>, positions = array<i32: 0, 1>} : vector<16xf32>, vector<16xf32> -> vector<32xbf16>
        %swap3A_512 = arith.constant 0 : i32
        %swap3A_513 = tpu.memref_slice %arg14[%add3A_455, %swap3A_512] : memref<128x128xbf16, #tpu.memory_space<vmem>> -> memref<1x128xbf16, #tpu.memory_space<vmem>>
        %swap3A_514 = tpu.memref_squeeze %swap3A_513 : memref<1x128xbf16, #tpu.memory_space<vmem>> -> memref<128xbf16, #tpu.memory_space<vmem>>
        %swap3A_515 = arith.constant 96 : index
        %swap3A_516 = tpu.vector_load %swap3A_514[%swap3A_515] {strides = array<i32>} : memref<128xbf16, #tpu.memory_space<vmem>>, vector<32xbf16>,
        tpu.vector_store %swap3A_514[%swap3A_515], %pack3A_511 {strides = array<i32>} : memref<128xbf16, #tpu.memory_space<vmem>>, vector<32xbf16>,
        %mul3A_517 = arith.constant 4 : i32
        %mul3A_518 = arith.muli %scan3A_450, %mul3A_517 : i32
        %add3A_519 = arith.constant 1 : i32
        %add3A_520 = arith.addi %mul3A_518, %add3A_519 : i32
        %add3A_521 = vector.broadcast %add3A_520 : i32 to vector<16xi32>
        %add3A_522 = arith.addi %broadcast_in_dim3A_54, %add3A_521 : vector<16xi32>
        %gather3A_523 = tpu.vector_load_idx %arg11[%add3A_522] : memref<128xf32, #tpu.memory_space<vmem>>[vector<16xi32>], vector<16xf32>,
        %get3A_524 = arith.constant 0 : i32
        %get3A_525 = tpu.memref_slice %arg14[%add3A_520, %get3A_524] : memref<128x128xbf16, #tpu.memory_space<vmem>> -> memref<1x128xbf16, #tpu.memory_space<vmem>>
        %get3A_526 = tpu.memref_squeeze %get3A_525 : memref<1x128xbf16, #tpu.memory_space<vmem>> -> memref<128xbf16, #tpu.memory_space<vmem>>
        %get3A_527 = arith.constant 0 : index
        %get3A_528 = tpu.vector_load %get3A_526[%get3A_527] {strides = array<i32>} : memref<128xbf16, #tpu.memory_space<vmem>>, vector<32xbf16>,
        %unpack3A_529 = tpu.unpack_subelements %get3A_528, 0 {pack_format = #tpu.pack_format<interleaved>} : vector<32xbf16> -> vector<16xf32>
        %unpack3A_530 = tpu.unpack_subelements %get3A_528, 1 {pack_format = #tpu.pack_format<interleaved>} : vector<32xbf16> -> vector<16xf32>
        %mul3A_531 = arith.mulf %unpack3A_529, %gather3A_523 : vector<16xf32>
        %mul3A_532 = arith.mulf %unpack3A_530, %gather3A_523 : vector<16xf32>
        %pack3A_533 = tpu.pack_subelements %mul3A_531, %mul3A_532 {pack_format = #tpu.pack_format<interleaved>, positions = array<i32: 0, 1>} : vector<16xf32>, vector<16xf32> -> vector<32xbf16>
        %swap3A_534 = arith.constant 0 : i32
        %swap3A_535 = tpu.memref_slice %arg14[%add3A_520, %swap3A_534] : memref<128x128xbf16, #tpu.memory_space<vmem>> -> memref<1x128xbf16, #tpu.memory_space<vmem>>
        %swap3A_536 = tpu.memref_squeeze %swap3A_535 : memref<1x128xbf16, #tpu.memory_space<vmem>> -> memref<128xbf16, #tpu.memory_space<vmem>>
        %swap3A_537 = arith.constant 0 : index
        %swap3A_538 = tpu.vector_load %swap3A_536[%swap3A_537] {strides = array<i32>} : memref<128xbf16, #tpu.memory_space<vmem>>, vector<32xbf16>,
        tpu.vector_store %swap3A_536[%swap3A_537], %pack3A_533 {strides = array<i32>} : memref<128xbf16, #tpu.memory_space<vmem>>, vector<32xbf16>,
        %get3A_539 = arith.constant 0 : i32
        %get3A_540 = tpu.memref_slice %arg14[%add3A_520, %get3A_539] : memref<128x128xbf16, #tpu.memory_space<vmem>> -> memref<1x128xbf16, #tpu.memory_space<vmem>>
        %get3A_541 = tpu.memref_squeeze %get3A_540 : memref<1x128xbf16, #tpu.memory_space<vmem>> -> memref<128xbf16, #tpu.memory_space<vmem>>
        %get3A_542 = arith.constant 32 : index
        %get3A_543 = tpu.vector_load %get3A_541[%get3A_542] {strides = array<i32>} : memref<128xbf16, #tpu.memory_space<vmem>>, vector<32xbf16>,
        %unpack3A_544 = tpu.unpack_subelements %get3A_543, 0 {pack_format = #tpu.pack_format<interleaved>} : vector<32xbf16> -> vector<16xf32>
        %unpack3A_545 = tpu.unpack_subelements %get3A_543, 1 {pack_format = #tpu.pack_format<interleaved>} : vector<32xbf16> -> vector<16xf32>
        %mul3A_546 = arith.mulf %unpack3A_544, %gather3A_523 : vector<16xf32>
        %mul3A_547 = arith.mulf %unpack3A_545, %gather3A_523 : vector<16xf32>
        %pack3A_548 = tpu.pack_subelements %mul3A_546, %mul3A_547 {pack_format = #tpu.pack_format<interleaved>, positions = array<i32: 0, 1>} : vector<16xf32>, vector<16xf32> -> vector<32xbf16>
        %swap3A_549 = arith.constant 0 : i32
        %swap3A_550 = tpu.memref_slice %arg14[%add3A_520, %swap3A_549] : memref<128x128xbf16, #tpu.memory_space<vmem>> -> memref<1x128xbf16, #tpu.memory_space<vmem>>
        %swap3A_551 = tpu.memref_squeeze %swap3A_550 : memref<1x128xbf16, #tpu.memory_space<vmem>> -> memref<128xbf16, #tpu.memory_space<vmem>>
        %swap3A_552 = arith.constant 32 : index
        %swap3A_553 = tpu.vector_load %swap3A_551[%swap3A_552] {strides = array<i32>} : memref<128xbf16, #tpu.memory_space<vmem>>, vector<32xbf16>,
        tpu.vector_store %swap3A_551[%swap3A_552], %pack3A_548 {strides = array<i32>} : memref<128xbf16, #tpu.memory_space<vmem>>, vector<32xbf16>,
        %get3A_554 = arith.constant 0 : i32
        %get3A_555 = tpu.memref_slice %arg14[%add3A_520, %get3A_554] : memref<128x128xbf16, #tpu.memory_space<vmem>> -> memref<1x128xbf16, #tpu.memory_space<vmem>>
        %get3A_556 = tpu.memref_squeeze %get3A_555 : memref<1x128xbf16, #tpu.memory_space<vmem>> -> memref<128xbf16, #tpu.memory_space<vmem>>
        %get3A_557 = arith.constant 64 : index
        %get3A_558 = tpu.vector_load %get3A_556[%get3A_557] {strides = array<i32>} : memref<128xbf16, #tpu.memory_space<vmem>>, vector<32xbf16>,
        %unpack3A_559 = tpu.unpack_subelements %get3A_558, 0 {pack_format = #tpu.pack_format<interleaved>} : vector<32xbf16> -> vector<16xf32>
        %unpack3A_560 = tpu.unpack_subelements %get3A_558, 1 {pack_format = #tpu.pack_format<interleaved>} : vector<32xbf16> -> vector<16xf32>
        %mul3A_561 = arith.mulf %unpack3A_559, %gather3A_523 : vector<16xf32>
        %mul3A_562 = arith.mulf %unpack3A_560, %gather3A_523 : vector<16xf32>
        %pack3A_563 = tpu.pack_subelements %mul3A_561, %mul3A_562 {pack_format = #tpu.pack_format<interleaved>, positions = array<i32: 0, 1>} : vector<16xf32>, vector<16xf32> -> vector<32xbf16>
        %swap3A_564 = arith.constant 0 : i32
        %swap3A_565 = tpu.memref_slice %arg14[%add3A_520, %swap3A_564] : memref<128x128xbf16, #tpu.memory_space<vmem>> -> memref<1x128xbf16, #tpu.memory_space<vmem>>
        %swap3A_566 = tpu.memref_squeeze %swap3A_565 : memref<1x128xbf16, #tpu.memory_space<vmem>> -> memref<128xbf16, #tpu.memory_space<vmem>>
        %swap3A_567 = arith.constant 64 : index
        %swap3A_568 = tpu.vector_load %swap3A_566[%swap3A_567] {strides = array<i32>} : memref<128xbf16, #tpu.memory_space<vmem>>, vector<32xbf16>,
        tpu.vector_store %swap3A_566[%swap3A_567], %pack3A_563 {strides = array<i32>} : memref<128xbf16, #tpu.memory_space<vmem>>, vector<32xbf16>,
        %get3A_569 = arith.constant 0 : i32
        %get3A_570 = tpu.memref_slice %arg14[%add3A_520, %get3A_569] : memref<128x128xbf16, #tpu.memory_space<vmem>> -> memref<1x128xbf16, #tpu.memory_space<vmem>>
        %get3A_571 = tpu.memref_squeeze %get3A_570 : memref<1x128xbf16, #tpu.memory_space<vmem>> -> memref<128xbf16, #tpu.memory_space<vmem>>
        %get3A_572 = arith.constant 96 : index
        %get3A_573 = tpu.vector_load %get3A_571[%get3A_572] {strides = array<i32>} : memref<128xbf16, #tpu.memory_space<vmem>>, vector<32xbf16>,
        %unpack3A_574 = tpu.unpack_subelements %get3A_573, 0 {pack_format = #tpu.pack_format<interleaved>} : vector<32xbf16> -> vector<16xf32>
        %unpack3A_575 = tpu.unpack_subelements %get3A_573, 1 {pack_format = #tpu.pack_format<interleaved>} : vector<32xbf16> -> vector<16xf32>
        %mul3A_576 = arith.mulf %unpack3A_574, %gather3A_523 : vector<16xf32>
        %mul3A_577 = arith.mulf %unpack3A_575, %gather3A_523 : vector<16xf32>
        %pack3A_578 = tpu.pack_subelements %mul3A_576, %mul3A_577 {pack_format = #tpu.pack_format<interleaved>, positions = array<i32: 0, 1>} : vector<16xf32>, vector<16xf32> -> vector<32xbf16>
        %swap3A_579 = arith.constant 0 : i32
        %swap3A_580 = tpu.memref_slice %arg14[%add3A_520, %swap3A_579] : memref<128x128xbf16, #tpu.memory_space<vmem>> -> memref<1x128xbf16, #tpu.memory_space<vmem>>
        %swap3A_581 = tpu.memref_squeeze %swap3A_580 : memref<1x128xbf16, #tpu.memory_space<vmem>> -> memref<128xbf16, #tpu.memory_space<vmem>>
        %swap3A_582 = arith.constant 96 : index
        %swap3A_583 = tpu.vector_load %swap3A_581[%swap3A_582] {strides = array<i32>} : memref<128xbf16, #tpu.memory_space<vmem>>, vector<32xbf16>,
        tpu.vector_store %swap3A_581[%swap3A_582], %pack3A_578 {strides = array<i32>} : memref<128xbf16, #tpu.memory_space<vmem>>, vector<32xbf16>,
        %mul3A_584 = arith.constant 4 : i32
        %mul3A_585 = arith.muli %scan3A_450, %mul3A_584 : i32
        %add3A_586 = arith.constant 2 : i32
        %add3A_587 = arith.addi %mul3A_585, %add3A_586 : i32
        %add3A_588 = vector.broadcast %add3A_587 : i32 to vector<16xi32>
        %add3A_589 = arith.addi %broadcast_in_dim3A_54, %add3A_588 : vector<16xi32>
        %gather3A_590 = tpu.vector_load_idx %arg11[%add3A_589] : memref<128xf32, #tpu.memory_space<vmem>>[vector<16xi32>], vector<16xf32>,
        %get3A_591 = arith.constant 0 : i32
        %get3A_592 = tpu.memref_slice %arg14[%add3A_587, %get3A_591] : memref<128x128xbf16, #tpu.memory_space<vmem>> -> memref<1x128xbf16, #tpu.memory_space<vmem>>
        %get3A_593 = tpu.memref_squeeze %get3A_592 : memref<1x128xbf16, #tpu.memory_space<vmem>> -> memref<128xbf16, #tpu.memory_space<vmem>>
        %get3A_594 = arith.constant 0 : index
        %get3A_595 = tpu.vector_load %get3A_593[%get3A_594] {strides = array<i32>} : memref<128xbf16, #tpu.memory_space<vmem>>, vector<32xbf16>,
        %unpack3A_596 = tpu.unpack_subelements %get3A_595, 0 {pack_format = #tpu.pack_format<interleaved>} : vector<32xbf16> -> vector<16xf32>
        %unpack3A_597 = tpu.unpack_subelements %get3A_595, 1 {pack_format = #tpu.pack_format<interleaved>} : vector<32xbf16> -> vector<16xf32>
        %mul3A_598 = arith.mulf %unpack3A_596, %gather3A_590 : vector<16xf32>
        %mul3A_599 = arith.mulf %unpack3A_597, %gather3A_590 : vector<16xf32>
        %pack3A_600 = tpu.pack_subelements %mul3A_598, %mul3A_599 {pack_format = #tpu.pack_format<interleaved>, positions = array<i32: 0, 1>} : vector<16xf32>, vector<16xf32> -> vector<32xbf16>
        %swap3A_601 = arith.constant 0 : i32
        %swap3A_602 = tpu.memref_slice %arg14[%add3A_587, %swap3A_601] : memref<128x128xbf16, #tpu.memory_space<vmem>> -> memref<1x128xbf16, #tpu.memory_space<vmem>>
        %swap3A_603 = tpu.memref_squeeze %swap3A_602 : memref<1x128xbf16, #tpu.memory_space<vmem>> -> memref<128xbf16, #tpu.memory_space<vmem>>
        %swap3A_604 = arith.constant 0 : index
        %swap3A_605 = tpu.vector_load %swap3A_603[%swap3A_604] {strides = array<i32>} : memref<128xbf16, #tpu.memory_space<vmem>>, vector<32xbf16>,
        tpu.vector_store %swap3A_603[%swap3A_604], %pack3A_600 {strides = array<i32>} : memref<128xbf16, #tpu.memory_space<vmem>>, vector<32xbf16>,
        %get3A_606 = arith.constant 0 : i32
        %get3A_607 = tpu.memref_slice %arg14[%add3A_587, %get3A_606] : memref<128x128xbf16, #tpu.memory_space<vmem>> -> memref<1x128xbf16, #tpu.memory_space<vmem>>
        %get3A_608 = tpu.memref_squeeze %get3A_607 : memref<1x128xbf16, #tpu.memory_space<vmem>> -> memref<128xbf16, #tpu.memory_space<vmem>>
        %get3A_609 = arith.constant 32 : index
        %get3A_610 = tpu.vector_load %get3A_608[%get3A_609] {strides = array<i32>} : memref<128xbf16, #tpu.memory_space<vmem>>, vector<32xbf16>,
        %unpack3A_611 = tpu.unpack_subelements %get3A_610, 0 {pack_format = #tpu.pack_format<interleaved>} : vector<32xbf16> -> vector<16xf32>
        %unpack3A_612 = tpu.unpack_subelements %get3A_610, 1 {pack_format = #tpu.pack_format<interleaved>} : vector<32xbf16> -> vector<16xf32>
        %mul3A_613 = arith.mulf %unpack3A_611, %gather3A_590 : vector<16xf32>
        %mul3A_614 = arith.mulf %unpack3A_612, %gather3A_590 : vector<16xf32>
        %pack3A_615 = tpu.pack_subelements %mul3A_613, %mul3A_614 {pack_format = #tpu.pack_format<interleaved>, positions = array<i32: 0, 1>} : vector<16xf32>, vector<16xf32> -> vector<32xbf16>
        %swap3A_616 = arith.constant 0 : i32
        %swap3A_617 = tpu.memref_slice %arg14[%add3A_587, %swap3A_616] : memref<128x128xbf16, #tpu.memory_space<vmem>> -> memref<1x128xbf16, #tpu.memory_space<vmem>>
        %swap3A_618 = tpu.memref_squeeze %swap3A_617 : memref<1x128xbf16, #tpu.memory_space<vmem>> -> memref<128xbf16, #tpu.memory_space<vmem>>
        %swap3A_619 = arith.constant 32 : index
        %swap3A_620 = tpu.vector_load %swap3A_618[%swap3A_619] {strides = array<i32>} : memref<128xbf16, #tpu.memory_space<vmem>>, vector<32xbf16>,
        tpu.vector_store %swap3A_618[%swap3A_619], %pack3A_615 {strides = array<i32>} : memref<128xbf16, #tpu.memory_space<vmem>>, vector<32xbf16>,
        %get3A_621 = arith.constant 0 : i32
        %get3A_622 = tpu.memref_slice %arg14[%add3A_587, %get3A_621] : memref<128x128xbf16, #tpu.memory_space<vmem>> -> memref<1x128xbf16, #tpu.memory_space<vmem>>
        %get3A_623 = tpu.memref_squeeze %get3A_622 : memref<1x128xbf16, #tpu.memory_space<vmem>> -> memref<128xbf16, #tpu.memory_space<vmem>>
        %get3A_624 = arith.constant 64 : index
        %get3A_625 = tpu.vector_load %get3A_623[%get3A_624] {strides = array<i32>} : memref<128xbf16, #tpu.memory_space<vmem>>, vector<32xbf16>,
        %unpack3A_626 = tpu.unpack_subelements %get3A_625, 0 {pack_format = #tpu.pack_format<interleaved>} : vector<32xbf16> -> vector<16xf32>
        %unpack3A_627 = tpu.unpack_subelements %get3A_625, 1 {pack_format = #tpu.pack_format<interleaved>} : vector<32xbf16> -> vector<16xf32>
        %mul3A_628 = arith.mulf %unpack3A_626, %gather3A_590 : vector<16xf32>
        %mul3A_629 = arith.mulf %unpack3A_627, %gather3A_590 : vector<16xf32>
        %pack3A_630 = tpu.pack_subelements %mul3A_628, %mul3A_629 {pack_format = #tpu.pack_format<interleaved>, positions = array<i32: 0, 1>} : vector<16xf32>, vector<16xf32> -> vector<32xbf16>
        %swap3A_631 = arith.constant 0 : i32
        %swap3A_632 = tpu.memref_slice %arg14[%add3A_587, %swap3A_631] : memref<128x128xbf16, #tpu.memory_space<vmem>> -> memref<1x128xbf16, #tpu.memory_space<vmem>>
        %swap3A_633 = tpu.memref_squeeze %swap3A_632 : memref<1x128xbf16, #tpu.memory_space<vmem>> -> memref<128xbf16, #tpu.memory_space<vmem>>
        %swap3A_634 = arith.constant 64 : index
        %swap3A_635 = tpu.vector_load %swap3A_633[%swap3A_634] {strides = array<i32>} : memref<128xbf16, #tpu.memory_space<vmem>>, vector<32xbf16>,
        tpu.vector_store %swap3A_633[%swap3A_634], %pack3A_630 {strides = array<i32>} : memref<128xbf16, #tpu.memory_space<vmem>>, vector<32xbf16>,
        %get3A_636 = arith.constant 0 : i32
        %get3A_637 = tpu.memref_slice %arg14[%add3A_587, %get3A_636] : memref<128x128xbf16, #tpu.memory_space<vmem>> -> memref<1x128xbf16, #tpu.memory_space<vmem>>
        %get3A_638 = tpu.memref_squeeze %get3A_637 : memref<1x128xbf16, #tpu.memory_space<vmem>> -> memref<128xbf16, #tpu.memory_space<vmem>>
        %get3A_639 = arith.constant 96 : index
        %get3A_640 = tpu.vector_load %get3A_638[%get3A_639] {strides = array<i32>} : memref<128xbf16, #tpu.memory_space<vmem>>, vector<32xbf16>,
        %unpack3A_641 = tpu.unpack_subelements %get3A_640, 0 {pack_format = #tpu.pack_format<interleaved>} : vector<32xbf16> -> vector<16xf32>
        %unpack3A_642 = tpu.unpack_subelements %get3A_640, 1 {pack_format = #tpu.pack_format<interleaved>} : vector<32xbf16> -> vector<16xf32>
        %mul3A_643 = arith.mulf %unpack3A_641, %gather3A_590 : vector<16xf32>
        %mul3A_644 = arith.mulf %unpack3A_642, %gather3A_590 : vector<16xf32>
        %pack3A_645 = tpu.pack_subelements %mul3A_643, %mul3A_644 {pack_format = #tpu.pack_format<interleaved>, positions = array<i32: 0, 1>} : vector<16xf32>, vector<16xf32> -> vector<32xbf16>
        %swap3A_646 = arith.constant 0 : i32
        %swap3A_647 = tpu.memref_slice %arg14[%add3A_587, %swap3A_646] : memref<128x128xbf16, #tpu.memory_space<vmem>> -> memref<1x128xbf16, #tpu.memory_space<vmem>>
        %swap3A_648 = tpu.memref_squeeze %swap3A_647 : memref<1x128xbf16, #tpu.memory_space<vmem>> -> memref<128xbf16, #tpu.memory_space<vmem>>
        %swap3A_649 = arith.constant 96 : index
        %swap3A_650 = tpu.vector_load %swap3A_648[%swap3A_649] {strides = array<i32>} : memref<128xbf16, #tpu.memory_space<vmem>>, vector<32xbf16>,
        tpu.vector_store %swap3A_648[%swap3A_649], %pack3A_645 {strides = array<i32>} : memref<128xbf16, #tpu.memory_space<vmem>>, vector<32xbf16>,
        %mul3A_651 = arith.constant 4 : i32
        %mul3A_652 = arith.muli %scan3A_450, %mul3A_651 : i32
        %add3A_653 = arith.constant 3 : i32
        %add3A_654 = arith.addi %mul3A_652, %add3A_653 : i32
        %add3A_655 = vector.broadcast %add3A_654 : i32 to vector<16xi32>
        %add3A_656 = arith.addi %broadcast_in_dim3A_54, %add3A_655 : vector<16xi32>
        %gather3A_657 = tpu.vector_load_idx %arg11[%add3A_656] : memref<128xf32, #tpu.memory_space<vmem>>[vector<16xi32>], vector<16xf32>,
        %get3A_658 = arith.constant 0 : i32
        %get3A_659 = tpu.memref_slice %arg14[%add3A_654, %get3A_658] : memref<128x128xbf16, #tpu.memory_space<vmem>> -> memref<1x128xbf16, #tpu.memory_space<vmem>>
        %get3A_660 = tpu.memref_squeeze %get3A_659 : memref<1x128xbf16, #tpu.memory_space<vmem>> -> memref<128xbf16, #tpu.memory_space<vmem>>
        %get3A_661 = arith.constant 0 : index
        %get3A_662 = tpu.vector_load %get3A_660[%get3A_661] {strides = array<i32>} : memref<128xbf16, #tpu.memory_space<vmem>>, vector<32xbf16>,
        %unpack3A_663 = tpu.unpack_subelements %get3A_662, 0 {pack_format = #tpu.pack_format<interleaved>} : vector<32xbf16> -> vector<16xf32>
        %unpack3A_664 = tpu.unpack_subelements %get3A_662, 1 {pack_format = #tpu.pack_format<interleaved>} : vector<32xbf16> -> vector<16xf32>
        %mul3A_665 = arith.mulf %unpack3A_663, %gather3A_657 : vector<16xf32>
        %mul3A_666 = arith.mulf %unpack3A_664, %gather3A_657 : vector<16xf32>
        %pack3A_667 = tpu.pack_subelements %mul3A_665, %mul3A_666 {pack_format = #tpu.pack_format<interleaved>, positions = array<i32: 0, 1>} : vector<16xf32>, vector<16xf32> -> vector<32xbf16>
        %swap3A_668 = arith.constant 0 : i32
        %swap3A_669 = tpu.memref_slice %arg14[%add3A_654, %swap3A_668] : memref<128x128xbf16, #tpu.memory_space<vmem>> -> memref<1x128xbf16, #tpu.memory_space<vmem>>
        %swap3A_670 = tpu.memref_squeeze %swap3A_669 : memref<1x128xbf16, #tpu.memory_space<vmem>> -> memref<128xbf16, #tpu.memory_space<vmem>>
        %swap3A_671 = arith.constant 0 : index
        %swap3A_672 = tpu.vector_load %swap3A_670[%swap3A_671] {strides = array<i32>} : memref<128xbf16, #tpu.memory_space<vmem>>, vector<32xbf16>,
        tpu.vector_store %swap3A_670[%swap3A_671], %pack3A_667 {strides = array<i32>} : memref<128xbf16, #tpu.memory_space<vmem>>, vector<32xbf16>,
        %get3A_673 = arith.constant 0 : i32
        %get3A_674 = tpu.memref_slice %arg14[%add3A_654, %get3A_673] : memref<128x128xbf16, #tpu.memory_space<vmem>> -> memref<1x128xbf16, #tpu.memory_space<vmem>>
        %get3A_675 = tpu.memref_squeeze %get3A_674 : memref<1x128xbf16, #tpu.memory_space<vmem>> -> memref<128xbf16, #tpu.memory_space<vmem>>
        %get3A_676 = arith.constant 32 : index
        %get3A_677 = tpu.vector_load %get3A_675[%get3A_676] {strides = array<i32>} : memref<128xbf16, #tpu.memory_space<vmem>>, vector<32xbf16>,
        %unpack3A_678 = tpu.unpack_subelements %get3A_677, 0 {pack_format = #tpu.pack_format<interleaved>} : vector<32xbf16> -> vector<16xf32>
        %unpack3A_679 = tpu.unpack_subelements %get3A_677, 1 {pack_format = #tpu.pack_format<interleaved>} : vector<32xbf16> -> vector<16xf32>
        %mul3A_680 = arith.mulf %unpack3A_678, %gather3A_657 : vector<16xf32>
        %mul3A_681 = arith.mulf %unpack3A_679, %gather3A_657 : vector<16xf32>
        %pack3A_682 = tpu.pack_subelements %mul3A_680, %mul3A_681 {pack_format = #tpu.pack_format<interleaved>, positions = array<i32: 0, 1>} : vector<16xf32>, vector<16xf32> -> vector<32xbf16>
        %swap3A_683 = arith.constant 0 : i32
        %swap3A_684 = tpu.memref_slice %arg14[%add3A_654, %swap3A_683] : memref<128x128xbf16, #tpu.memory_space<vmem>> -> memref<1x128xbf16, #tpu.memory_space<vmem>>
        %swap3A_685 = tpu.memref_squeeze %swap3A_684 : memref<1x128xbf16, #tpu.memory_space<vmem>> -> memref<128xbf16, #tpu.memory_space<vmem>>
        %swap3A_686 = arith.constant 32 : index
        %swap3A_687 = tpu.vector_load %swap3A_685[%swap3A_686] {strides = array<i32>} : memref<128xbf16, #tpu.memory_space<vmem>>, vector<32xbf16>,
        tpu.vector_store %swap3A_685[%swap3A_686], %pack3A_682 {strides = array<i32>} : memref<128xbf16, #tpu.memory_space<vmem>>, vector<32xbf16>,
        %get3A_688 = arith.constant 0 : i32
        %get3A_689 = tpu.memref_slice %arg14[%add3A_654, %get3A_688] : memref<128x128xbf16, #tpu.memory_space<vmem>> -> memref<1x128xbf16, #tpu.memory_space<vmem>>
        %get3A_690 = tpu.memref_squeeze %get3A_689 : memref<1x128xbf16, #tpu.memory_space<vmem>> -> memref<128xbf16, #tpu.memory_space<vmem>>
        %get3A_691 = arith.constant 64 : index
        %get3A_692 = tpu.vector_load %get3A_690[%get3A_691] {strides = array<i32>} : memref<128xbf16, #tpu.memory_space<vmem>>, vector<32xbf16>,
        %unpack3A_693 = tpu.unpack_subelements %get3A_692, 0 {pack_format = #tpu.pack_format<interleaved>} : vector<32xbf16> -> vector<16xf32>
        %unpack3A_694 = tpu.unpack_subelements %get3A_692, 1 {pack_format = #tpu.pack_format<interleaved>} : vector<32xbf16> -> vector<16xf32>
        %mul3A_695 = arith.mulf %unpack3A_693, %gather3A_657 : vector<16xf32>
        %mul3A_696 = arith.mulf %unpack3A_694, %gather3A_657 : vector<16xf32>
        %pack3A_697 = tpu.pack_subelements %mul3A_695, %mul3A_696 {pack_format = #tpu.pack_format<interleaved>, positions = array<i32: 0, 1>} : vector<16xf32>, vector<16xf32> -> vector<32xbf16>
        %swap3A_698 = arith.constant 0 : i32
        %swap3A_699 = tpu.memref_slice %arg14[%add3A_654, %swap3A_698] : memref<128x128xbf16, #tpu.memory_space<vmem>> -> memref<1x128xbf16, #tpu.memory_space<vmem>>
        %swap3A_700 = tpu.memref_squeeze %swap3A_699 : memref<1x128xbf16, #tpu.memory_space<vmem>> -> memref<128xbf16, #tpu.memory_space<vmem>>
        %swap3A_701 = arith.constant 64 : index
        %swap3A_702 = tpu.vector_load %swap3A_700[%swap3A_701] {strides = array<i32>} : memref<128xbf16, #tpu.memory_space<vmem>>, vector<32xbf16>,
        tpu.vector_store %swap3A_700[%swap3A_701], %pack3A_697 {strides = array<i32>} : memref<128xbf16, #tpu.memory_space<vmem>>, vector<32xbf16>,
        %get3A_703 = arith.constant 0 : i32
        %get3A_704 = tpu.memref_slice %arg14[%add3A_654, %get3A_703] : memref<128x128xbf16, #tpu.memory_space<vmem>> -> memref<1x128xbf16, #tpu.memory_space<vmem>>
        %get3A_705 = tpu.memref_squeeze %get3A_704 : memref<1x128xbf16, #tpu.memory_space<vmem>> -> memref<128xbf16, #tpu.memory_space<vmem>>
        %get3A_706 = arith.constant 96 : index
        %get3A_707 = tpu.vector_load %get3A_705[%get3A_706] {strides = array<i32>} : memref<128xbf16, #tpu.memory_space<vmem>>, vector<32xbf16>,
        %unpack3A_708 = tpu.unpack_subelements %get3A_707, 0 {pack_format = #tpu.pack_format<interleaved>} : vector<32xbf16> -> vector<16xf32>
        %unpack3A_709 = tpu.unpack_subelements %get3A_707, 1 {pack_format = #tpu.pack_format<interleaved>} : vector<32xbf16> -> vector<16xf32>
        %mul3A_710 = arith.mulf %unpack3A_708, %gather3A_657 : vector<16xf32>
        %mul3A_711 = arith.mulf %unpack3A_709, %gather3A_657 : vector<16xf32>
        %pack3A_712 = tpu.pack_subelements %mul3A_710, %mul3A_711 {pack_format = #tpu.pack_format<interleaved>, positions = array<i32: 0, 1>} : vector<16xf32>, vector<16xf32> -> vector<32xbf16>
        %swap3A_713 = arith.constant 0 : i32
        %swap3A_714 = tpu.memref_slice %arg14[%add3A_654, %swap3A_713] : memref<128x128xbf16, #tpu.memory_space<vmem>> -> memref<1x128xbf16, #tpu.memory_space<vmem>>
        %swap3A_715 = tpu.memref_squeeze %swap3A_714 : memref<1x128xbf16, #tpu.memory_space<vmem>> -> memref<128xbf16, #tpu.memory_space<vmem>>
        %swap3A_716 = arith.constant 96 : index
        %swap3A_717 = tpu.vector_load %swap3A_715[%swap3A_716] {strides = array<i32>} : memref<128xbf16, #tpu.memory_space<vmem>>, vector<32xbf16>,
        tpu.vector_store %swap3A_715[%swap3A_716], %pack3A_712 {strides = array<i32>} : memref<128xbf16, #tpu.memory_space<vmem>>, vector<32xbf16>,
        %scan3A_718 = arith.constant 0 : i32
        scf.yield %scan3A_718 : i32
      }
      %scan3A_449 = arith.constant 32 : i32
      "tpu.region"() ({
        %run_scoped3A_450 = tpu.sem_alloc : memref<!tpu.dma_semaphore, #tpu.memory_space<semaphore_mem>>
        %dma_start3A_451 = arith.constant 0 : i32
        %dma_start3A_452 = tpu.memref_slice %arg10[%sub3A_182, %dma_start3A_451] : memref<79x128xi32, #tpu.memory_space<vmem>> -> memref<1x128xi32, #tpu.memory_space<vmem>>
        %dma_start3A_453 = tpu.memref_squeeze %dma_start3A_452 : memref<1x128xi32, #tpu.memory_space<vmem>> -> memref<128xi32, #tpu.memory_space<vmem>>
        %dma_start3A_454 = arith.constant 0 : i32
        %dma_start3A_455 = arith.constant 0 : i32
        %dma_start3A_456 = tpu.memref_slice %arg17[%dma_start3A_454, %dma_start3A_455] : memref<10240x128xbf16, #tpu.memory_space<vmem_shared>> -> memref<10240x128xbf16, #tpu.memory_space<vmem_shared>>
        tpu.enqueue_indirect_dma source(%arg14 : memref<128x128xbf16, #tpu.memory_space<vmem>>) target(%dma_start3A_456 : memref<10240x128xbf16, #tpu.memory_space<vmem_shared>>) offsets(%dma_start3A_453 : memref<128xi32, #tpu.memory_space<vmem>>) semaphore(%run_scoped3A_450 : memref<!tpu.dma_semaphore, #tpu.memory_space<semaphore_mem>>) {add = true}
        %dma_wait3A_457 = arith.constant 0 : i32
        %dma_wait3A_458 = tpu.memref_slice %arg10[%sub3A_182, %dma_wait3A_457] : memref<79x128xi32, #tpu.memory_space<vmem>> -> memref<1x128xi32, #tpu.memory_space<vmem>>
        %dma_wait3A_459 = tpu.memref_squeeze %dma_wait3A_458 : memref<1x128xi32, #tpu.memory_space<vmem>> -> memref<128xi32, #tpu.memory_space<vmem>>
        %dma_wait3A_460 = arith.constant 0 : i32
        %dma_wait3A_461 = arith.constant 0 : i32
        %dma_wait3A_462 = tpu.memref_slice %arg17[%dma_wait3A_460, %dma_wait3A_461] : memref<10240x128xbf16, #tpu.memory_space<vmem_shared>> -> memref<10240x128xbf16, #tpu.memory_space<vmem_shared>>
        tpu.wait_indirect_dma semaphore(%run_scoped3A_450 : memref<!tpu.dma_semaphore, #tpu.memory_space<semaphore_mem>>) src(%arg14 : memref<128x128xbf16, #tpu.memory_space<vmem>>) dst(%dma_wait3A_462 : memref<10240x128xbf16, #tpu.memory_space<vmem_shared>>)
        tpu.yield
      }) : () -> ()
    } else {
    }
    %barrier3A_164 = arith.constant 0 : index
    tpu.barrier barrier_id(%barrier3A_164)
    %dma_start3A_165 = arith.constant 0 : i32
    %dma_start3A_166 = tpu.memref_slice %arg6[%arg0, %mul3A_35, %dma_start3A_165] : memref<2x10240x128xbf16, #tpu.memory_space<hbm>> -> memref<1x640x128xbf16, #tpu.memory_space<hbm>>
    %dma_start3A_167 = tpu.memref_squeeze %dma_start3A_166 : memref<1x640x128xbf16, #tpu.memory_space<hbm>> -> memref<640x128xbf16, #tpu.memory_space<hbm>>
    %dma_start3A_168 = arith.constant 0 : i32
    %dma_start3A_169 = tpu.memref_slice %arg17[%mul3A_35, %dma_start3A_168] : memref<10240x128xbf16, #tpu.memory_space<vmem_shared>> -> memref<640x128xbf16, #tpu.memory_space<vmem_shared>>
    tpu.enqueue_dma source(%dma_start3A_169 : memref<640x128xbf16, #tpu.memory_space<vmem_shared>>) target(%dma_start3A_167 : memref<640x128xbf16, #tpu.memory_space<hbm>>) target_semaphore(%arg19 : memref<!tpu.dma_semaphore, #tpu.memory_space<semaphore_mem>>)
    %dma_start3A_170 = tpu.memref_slice %arg7[%arg0, %mul3A_35] : memref<2x10240xf32, #tpu.memory_space<hbm>> -> memref<1x640xf32, #tpu.memory_space<hbm>>
    %dma_start3A_171 = tpu.memref_squeeze %dma_start3A_170 : memref<1x640xf32, #tpu.memory_space<hbm>> -> memref<640xf32, #tpu.memory_space<hbm>>
    %dma_start3A_172 = tpu.memref_slice %arg18[%mul3A_35] : memref<10240xf32, #tpu.memory_space<vmem_shared>> -> memref<640xf32, #tpu.memory_space<vmem_shared>>
    tpu.enqueue_dma source(%dma_start3A_172 : memref<640xf32, #tpu.memory_space<vmem_shared>>) target(%dma_start3A_171 : memref<640xf32, #tpu.memory_space<hbm>>) target_semaphore(%arg20 : memref<!tpu.dma_semaphore, #tpu.memory_space<semaphore_mem>>)
    %dma_wait3A_173 = arith.constant 0 : i32
    %dma_wait3A_174 = tpu.memref_slice %arg6[%arg0, %mul3A_35, %dma_wait3A_173] : memref<2x10240x128xbf16, #tpu.memory_space<hbm>> -> memref<1x640x128xbf16, #tpu.memory_space<hbm>>
    %dma_wait3A_175 = tpu.memref_squeeze %dma_wait3A_174 : memref<1x640x128xbf16, #tpu.memory_space<hbm>> -> memref<640x128xbf16, #tpu.memory_space<hbm>>
    %dma_wait3A_176 = arith.constant 0 : i32
    %dma_wait3A_177 = tpu.memref_slice %arg17[%mul3A_35, %dma_wait3A_176] : memref<10240x128xbf16, #tpu.memory_space<vmem_shared>> -> memref<640x128xbf16, #tpu.memory_space<vmem_shared>>
    tpu.wait_dma2 semaphore(%arg19 : memref<!tpu.dma_semaphore, #tpu.memory_space<semaphore_mem>>) src(%dma_wait3A_177 : memref<640x128xbf16, #tpu.memory_space<vmem_shared>>) dst(%dma_wait3A_175 : memref<640x128xbf16, #tpu.memory_space<hbm>>)
    %dma_wait3A_178 = tpu.memref_slice %arg7[%arg0, %mul3A_35] : memref<2x10240xf32, #tpu.memory_space<hbm>> -> memref<1x640xf32, #tpu.memory_space<hbm>>
    %dma_wait3A_179 = tpu.memref_squeeze %dma_wait3A_178 : memref<1x640xf32, #tpu.memory_space<hbm>> -> memref<640xf32, #tpu.memory_space<hbm>>
    %dma_wait3A_180 = tpu.memref_slice %arg18[%mul3A_35] : memref<10240xf32, #tpu.memory_space<vmem_shared>> -> memref<640xf32, #tpu.memory_space<vmem_shared>>
    tpu.wait_dma2 semaphore(%arg20 : memref<!tpu.dma_semaphore, #tpu.memory_space<semaphore_mem>>) src(%dma_wait3A_180 : memref<640xf32, #tpu.memory_space<vmem_shared>>) dst(%dma_wait3A_179 : memref<640xf32, #tpu.memory_space<hbm>>)
    return
  }
}

module attributes {stable_mosaic.version = 14 : i64} {
  func.func @_k1_body(%arg0: memref<10000x128xf32, #tpu.memory_space<vmem>>, %arg1: memref<128x128xf32, #tpu.memory_space<vmem>>, %arg2: memref<2x128xf32, #tpu.memory_space<vmem>>, %arg3: memref<10240x128xbf16, #tpu.memory_space<vmem>>, %arg4: memref<10240x2xf32, #tpu.memory_space<vmem>>, %arg5: memref<1x16xf32, #tpu.memory_space<vmem>>) attributes {dimension_semantics = [], scalar_prefetch = 0 : i64, scratch_operands = 0 : i64, tpu.core_type = #tpu.core_type<tc>} {
    %get3A = arith.constant 0 : index
    %get3A_0 = arith.constant 0 : index
    %get3A_1 = vector.load %arg0[%get3A, %get3A_0] : memref<10000x128xf32, #tpu.memory_space<vmem>>, vector<10000x128xf32>
    %get3A_2 = arith.constant 0 : index
    %get3A_3 = arith.constant 0 : index
    %get3A_4 = vector.load %arg1[%get3A_2, %get3A_3] : memref<128x128xf32, #tpu.memory_space<vmem>>, vector<128x128xf32>
    %dot_general3A = arith.constant dense<0.000000e+00> : vector<10000x128xf32>
    %dot_general3A_5 = tpu.matmul %get3A_1, %get3A_4, %dot_general3A {dimension_numbers = #tpu.dot_dimension_numbers<[1], [1], [0], [0], [0, 0, 1, 0], [], []>, transpose_lhs_hint = false} : vector<10000x128xf32>, vector<128x128xf32>, vector<10000x128xf32> -> vector<10000x128xf32>
    %convert_element_type3A = arith.truncf %dot_general3A_5 : vector<10000x128xf32> to vector<10000x128xbf16>
    %swap3A = arith.constant 0 : index
    %swap3A_6 = arith.constant 0 : index
    %swap3A_7 = vector.load %arg3[%swap3A, %swap3A_6] : memref<10240x128xbf16, #tpu.memory_space<vmem>>, vector<10000x128xbf16>
    tpu.vector_store %arg3[%swap3A, %swap3A_6], %convert_element_type3A {strides = array<i32>} : memref<10240x128xbf16, #tpu.memory_space<vmem>>, vector<10000x128xbf16>,
    %broadcast_in_dim3A = arith.constant 0.000000e+00 : bf16
    %broadcast_in_dim3A_8 = vector.broadcast %broadcast_in_dim3A : bf16 to vector<240x128xbf16>
    %swap3A_9 = arith.constant 10000 : index
    %swap3A_10 = arith.constant 0 : index
    %swap3A_11 = vector.load %arg3[%swap3A_9, %swap3A_10] : memref<10240x128xbf16, #tpu.memory_space<vmem>>, vector<240x128xbf16>
    tpu.vector_store %arg3[%swap3A_9, %swap3A_10], %broadcast_in_dim3A_8 {strides = array<i32>} : memref<10240x128xbf16, #tpu.memory_space<vmem>>, vector<240x128xbf16>,
    %get3A_12 = arith.constant 0 : index
    %get3A_13 = arith.constant 0 : index
    %get3A_14 = vector.load %arg2[%get3A_12, %get3A_13] : memref<2x128xf32, #tpu.memory_space<vmem>>, vector<2x128xf32>
    %dot_general3A_15 = arith.constant dense<0.000000e+00> : vector<10000x2xf32>
    %dot_general3A_16 = tpu.matmul %dot_general3A_5, %get3A_14, %dot_general3A_15 {dimension_numbers = #tpu.dot_dimension_numbers<[1], [1], [0], [0], [0, 0, 1, 0], [], []>, transpose_lhs_hint = false} : vector<10000x128xf32>, vector<2x128xf32>, vector<10000x2xf32> -> vector<10000x2xf32>
    %swap3A_17 = arith.constant 0 : index
    %swap3A_18 = arith.constant 0 : index
    %swap3A_19 = vector.load %arg4[%swap3A_17, %swap3A_18] : memref<10240x2xf32, #tpu.memory_space<vmem>>, vector<10000x2xf32>
    tpu.vector_store %arg4[%swap3A_17, %swap3A_18], %dot_general3A_16 {strides = array<i32>} : memref<10240x2xf32, #tpu.memory_space<vmem>>, vector<10000x2xf32>,
    %broadcast_in_dim3A_20 = arith.constant -1.000000e+30 : f32
    %broadcast_in_dim3A_21 = vector.broadcast %broadcast_in_dim3A_20 : f32 to vector<240x2xf32>
    %swap3A_22 = arith.constant 10000 : index
    %swap3A_23 = arith.constant 0 : index
    %swap3A_24 = vector.load %arg4[%swap3A_22, %swap3A_23] : memref<10240x2xf32, #tpu.memory_space<vmem>>, vector<240x2xf32>
    tpu.vector_store %arg4[%swap3A_22, %swap3A_23], %broadcast_in_dim3A_21 {strides = array<i32>} : memref<10240x2xf32, #tpu.memory_space<vmem>>, vector<240x2xf32>,
    %slice3A = vector.extract_strided_slice %dot_general3A_16 {offsets = [0, 0], sizes = [10000, 1], strides = [1, 1]} : vector<10000x2xf32> to vector<10000x1xf32>
    %squeeze3A = vector.shape_cast %slice3A : vector<10000x1xf32> to vector<10000xf32>
    %reduce_max3A = vector.shape_cast %squeeze3A : vector<10000xf32> to vector<1x10000xf32>
    %reduce_max3A_25 = arith.constant dense<0xFF800000> : vector<1xf32>
    %reduce_max3A_26 = vector.multi_reduction <maximumf>, %reduce_max3A, %reduce_max3A_25 [1] : vector<1x10000xf32> to vector<1xf32>
    %reduce_max3A_27 = vector.shape_cast %reduce_max3A_26 : vector<1xf32> to vector<1x1xf32>
    %reduce_max3A_28 = vector.extract %reduce_max3A_27[0, 0] : f32 from vector<1x1xf32>
    %slice3A_29 = vector.extract_strided_slice %dot_general3A_16 {offsets = [0, 1], sizes = [10000, 1], strides = [1, 1]} : vector<10000x2xf32> to vector<10000x1xf32>
    %squeeze3A_30 = vector.shape_cast %slice3A_29 : vector<10000x1xf32> to vector<10000xf32>
    %reduce_max3A_31 = vector.shape_cast %squeeze3A_30 : vector<10000xf32> to vector<1x10000xf32>
    %reduce_max3A_32 = arith.constant dense<0xFF800000> : vector<1xf32>
    %reduce_max3A_33 = vector.multi_reduction <maximumf>, %reduce_max3A_31, %reduce_max3A_32 [1] : vector<1x10000xf32> to vector<1xf32>
    %reduce_max3A_34 = vector.shape_cast %reduce_max3A_33 : vector<1xf32> to vector<1x1xf32>
    %reduce_max3A_35 = vector.extract %reduce_max3A_34[0, 0] : f32 from vector<1x1xf32>
    %add3A = arith.addf %reduce_max3A_28, %reduce_max3A_35 : f32
    %broadcast_in_dim3A_36 = vector.broadcast %add3A : f32 to vector<1x16xf32>
    %swap3A_37 = arith.constant 0 : index
    %swap3A_38 = arith.constant 0 : index
    %swap3A_39 = vector.load %arg5[%swap3A_37, %swap3A_38] : memref<1x16xf32, #tpu.memory_space<vmem>>, vector<1x16xf32>
    tpu.vector_store %arg5[%swap3A_37, %swap3A_38], %broadcast_in_dim3A_36 {strides = array<i32>} : memref<1x16xf32, #tpu.memory_space<vmem>>, vector<1x16xf32>,
    return
  }
}

module attributes {stable_mosaic.version = 14 : i64} {
  func.func @_k3_body(%arg0: i32, %arg1: memref<2x1024x128xbf16, #tpu.memory_space<vmem>>, %arg2: memref<2x1024xf32, #tpu.memory_space<vmem>>, %arg3: memref<1024x128xf32, #tpu.memory_space<vmem>>, %arg4: memref<1x128xf32, #tpu.memory_space<vmem>>, %arg5: memref<1x128xf32, #tpu.memory_space<vmem>>, %arg6: memref<1024x128xf32, #tpu.memory_space<vmem>>) attributes {dimension_semantics = [#tpu.dimension_semantics<arbitrary>], iteration_bounds = array<i64: 10>, scalar_prefetch = 0 : i64, scratch_operands = 0 : i64, tpu.core_type = #tpu.core_type<tc>, window_params = [{transform_indices = @transform_0, window_bounds = array<i64: 2, 1024, 128>}, {transform_indices = @transform_1, window_bounds = array<i64: 2, 1024>}, {transform_indices = @transform_2, window_bounds = array<i64: 1024, 128>}, {pipeline_mode = #tpu.pipeline_mode<synchronous>, transform_indices = @transform_3, window_bounds = array<i64: 1, 128>}, {pipeline_mode = #tpu.pipeline_mode<synchronous>, transform_indices = @transform_4, window_bounds = array<i64: 1, 128>}, {transform_indices = @transform_5, window_bounds = array<i64: 1024, 128>}]} {
    %get3A = arith.constant 0 : index
    %get3A_0 = arith.constant 0 : index
    %get3A_1 = arith.constant 0 : index
    %get3A_2 = vector.load %arg1[%get3A, %get3A_0, %get3A_1] : memref<2x1024x128xbf16, #tpu.memory_space<vmem>>, vector<1x1024x128xbf16>
    %get3A_3 = vector.shape_cast %get3A_2 : vector<1x1024x128xbf16> to vector<1024x128xbf16>
    %convert_element_type3A = arith.extf %get3A_3 : vector<1024x128xbf16> to vector<1024x128xf32>
    %get3A_4 = arith.constant 1 : index
    %get3A_5 = arith.constant 0 : index
    %get3A_6 = arith.constant 0 : index
    %get3A_7 = vector.load %arg1[%get3A_4, %get3A_5, %get3A_6] : memref<2x1024x128xbf16, #tpu.memory_space<vmem>>, vector<1x1024x128xbf16>
    %get3A_8 = vector.shape_cast %get3A_7 : vector<1x1024x128xbf16> to vector<1024x128xbf16>
    %convert_element_type3A_9 = arith.extf %get3A_8 : vector<1024x128xbf16> to vector<1024x128xf32>
    %add3A = arith.addf %convert_element_type3A, %convert_element_type3A_9 : vector<1024x128xf32>
    %get3A_10 = arith.constant 0 : index
    %get3A_11 = arith.constant 0 : index
    %get3A_12 = vector.load %arg2[%get3A_10, %get3A_11] : memref<2x1024xf32, #tpu.memory_space<vmem>>, vector<1x1024xf32>
    %get3A_13 = vector.shape_cast %get3A_12 : vector<1x1024xf32> to vector<1024xf32>
    %get3A_14 = arith.constant 1 : index
    %get3A_15 = arith.constant 0 : index
    %get3A_16 = vector.load %arg2[%get3A_14, %get3A_15] : memref<2x1024xf32, #tpu.memory_space<vmem>>, vector<1x1024xf32>
    %get3A_17 = vector.shape_cast %get3A_16 : vector<1x1024xf32> to vector<1024xf32>
    %add3A_18 = arith.addf %get3A_13, %get3A_17 : vector<1024xf32>
    %add3A_19 = arith.constant 9.99999997E-7 : f32
    %add3A_20 = vector.broadcast %add3A_19 : f32 to vector<1024xf32>
    %add3A_21 = arith.addf %add3A_18, %add3A_20 : vector<1024xf32>
    %broadcast_in_dim3A = vector.shape_cast %add3A_21 : vector<1024xf32> to vector<1024x1xf32>
    %div3A = vector.broadcast %broadcast_in_dim3A : vector<1024x1xf32> to vector<1024x128xf32>
    %div3A_22 = arith.divf %add3A, %div3A : vector<1024x128xf32>
    %get3A_23 = arith.constant 0 : index
    %get3A_24 = arith.constant 0 : index
    %get3A_25 = vector.load %arg3[%get3A_23, %get3A_24] : memref<1024x128xf32, #tpu.memory_space<vmem>>, vector<1024x128xf32>
    %add3A_26 = arith.addf %div3A_22, %get3A_25 : vector<1024x128xf32>
    %reduce_sum3A = arith.constant dense<0.000000e+00> : vector<1024xf32>
    %reduce_sum3A_27 = vector.multi_reduction <add>, %add3A_26, %reduce_sum3A [1] : vector<1024x128xf32> to vector<1024xf32>
    %broadcast_in_dim3A_28 = vector.shape_cast %reduce_sum3A_27 : vector<1024xf32> to vector<1024x1xf32>
    %div3A_29 = arith.constant 1.280000e+02 : f32
    %div3A_30 = vector.broadcast %div3A_29 : f32 to vector<1024x1xf32>
    %div3A_31 = arith.divf %broadcast_in_dim3A_28, %div3A_30 : vector<1024x1xf32>
    %sub3A = vector.broadcast %div3A_31 : vector<1024x1xf32> to vector<1024x128xf32>
    %sub3A_32 = arith.subf %add3A_26, %sub3A : vector<1024x128xf32>
    %mul3A = arith.mulf %sub3A_32, %sub3A_32 : vector<1024x128xf32>
    %reduce_sum3A_33 = arith.constant dense<0.000000e+00> : vector<1024xf32>
    %reduce_sum3A_34 = vector.multi_reduction <add>, %mul3A, %reduce_sum3A_33 [1] : vector<1024x128xf32> to vector<1024xf32>
    %broadcast_in_dim3A_35 = vector.shape_cast %reduce_sum3A_34 : vector<1024xf32> to vector<1024x1xf32>
    %div3A_36 = arith.constant 1.280000e+02 : f32
    %div3A_37 = vector.broadcast %div3A_36 : f32 to vector<1024x1xf32>
    %div3A_38 = arith.divf %broadcast_in_dim3A_35, %div3A_37 : vector<1024x1xf32>
    %add3A_39 = arith.constant 9.99999974E-6 : f32
    %add3A_40 = vector.broadcast %add3A_39 : f32 to vector<1024x1xf32>
    %add3A_41 = arith.addf %div3A_38, %add3A_40 : vector<1024x1xf32>
    %rsqrt3A = math.rsqrt %add3A_41 : vector<1024x1xf32>
    %mul3A_42 = vector.broadcast %rsqrt3A : vector<1024x1xf32> to vector<1024x128xf32>
    %mul3A_43 = arith.mulf %sub3A_32, %mul3A_42 : vector<1024x128xf32>
    %get3A_44 = arith.constant 0 : index
    %get3A_45 = arith.constant 0 : index
    %get3A_46 = vector.load %arg4[%get3A_44, %get3A_45] : memref<1x128xf32, #tpu.memory_space<vmem>>, vector<1x128xf32>
    %mul3A_47 = vector.broadcast %get3A_46 : vector<1x128xf32> to vector<1024x128xf32>
    %mul3A_48 = arith.mulf %mul3A_43, %mul3A_47 : vector<1024x128xf32>
    %get3A_49 = arith.constant 0 : index
    %get3A_50 = arith.constant 0 : index
    %get3A_51 = vector.load %arg5[%get3A_49, %get3A_50] : memref<1x128xf32, #tpu.memory_space<vmem>>, vector<1x128xf32>
    %add3A_52 = vector.broadcast %get3A_51 : vector<1x128xf32> to vector<1024x128xf32>
    %add3A_53 = arith.addf %mul3A_48, %add3A_52 : vector<1024x128xf32>
    %mul3A_54 = arith.constant 5.000000e-01 : f32
    %mul3A_55 = vector.broadcast %mul3A_54 : f32 to vector<1024x128xf32>
    %mul3A_56 = arith.mulf %add3A_53, %mul3A_55 : vector<1024x128xf32>
    %mul3A_57 = arith.constant 0.707106769 : f32
    %mul3A_58 = vector.broadcast %mul3A_57 : f32 to vector<1024x128xf32>
    %mul3A_59 = arith.mulf %add3A_53, %mul3A_58 : vector<1024x128xf32>
    %erf3A = math.erf %mul3A_59 : vector<1024x128xf32>
    %add3A_60 = arith.constant 1.000000e+00 : f32
    %add3A_61 = vector.broadcast %add3A_60 : f32 to vector<1024x128xf32>
    %add3A_62 = arith.addf %add3A_61, %erf3A : vector<1024x128xf32>
    %mul3A_63 = arith.mulf %mul3A_56, %add3A_62 : vector<1024x128xf32>
    %swap3A = arith.constant 0 : index
    %swap3A_64 = arith.constant 0 : index
    %swap3A_65 = vector.load %arg6[%swap3A, %swap3A_64] : memref<1024x128xf32, #tpu.memory_space<vmem>>, vector<1024x128xf32>
    tpu.vector_store %arg6[%swap3A, %swap3A_64], %mul3A_63 {strides = array<i32>} : memref<1024x128xf32, #tpu.memory_space<vmem>>, vector<1024x128xf32>,
    return
  }
  func.func @transform_0(%arg0: i32) -> (i32, i32, i32) {
    %c0_i32 = arith.constant 0 : i32
    %c0_i32_0 = arith.constant 0 : i32
    %c0_i32_1 = arith.constant 0 : i32
    return %c0_i32, %arg0, %c0_i32_0 : i32, i32, i32
  }
  func.func @transform_1(%arg0: i32) -> (i32, i32) {
    %c0_i32 = arith.constant 0 : i32
    %c0_i32_0 = arith.constant 0 : i32
    return %c0_i32, %arg0 : i32, i32
  }
  func.func @transform_2(%arg0: i32) -> (i32, i32) {
    %c0_i32 = arith.constant 0 : i32
    %c0_i32_0 = arith.constant 0 : i32
    return %arg0, %c0_i32 : i32, i32
  }
  func.func @transform_3(%arg0: i32) -> (i32, i32) {
    %c0_i32 = arith.constant 0 : i32
    %c0_i32_0 = arith.constant 0 : i32
    %c0_i32_1 = arith.constant 0 : i32
    return %c0_i32, %c0_i32_0 : i32, i32
  }
  func.func @transform_4(%arg0: i32) -> (i32, i32) {
    %c0_i32 = arith.constant 0 : i32
    %c0_i32_0 = arith.constant 0 : i32
    %c0_i32_1 = arith.constant 0 : i32
    return %c0_i32, %c0_i32_0 : i32, i32
  }
  func.func @transform_5(%arg0: i32) -> (i32, i32) {
    %c0_i32 = arith.constant 0 : i32
    %c0_i32_0 = arith.constant 0 : i32
    return %arg0, %c0_i32 : i32, i32
  }
}

</mosaic_0001>

<sc_bundles>
// kernel: kernel.5.cloned.1.call-start
scs
__scs_entry_jumppad:
0x0: {  	(pc) =	sbr.rel $0x88, $3  }
0x1: {  	(tag) =	ssettag $0x0;
	lr =	simm.s32 $0x1  }
0x2: {  	[smem:$0x3F9B] =	sst lr;
	_ =	strace $0xD0000000  }
0x3: {  	_ = 	snop  }
0x4: {  	_ = 	snop  }
0x5: {  	_ = 	snop  }
0x6: {  	_ = 	snop  }
0x7: {  	_ = 	snop  }
__scs_overlays_trampoline_lowered:
0x8: {  	[smem:$0x3FAA] =	sst s0  }
0x9: {  	[smem:$0x3FAB] =	sst s1  }
0xa: {  	[smem:$0x3FAC] =	sst s2  }
0xb: {  	[smem:$0x3FAD] =	sst s3  }
0xc: {  	[smem:$0x3FAE] =	sst s4  }
0xd: {  	[smem:$0x3FAF] =	sst s5  }
0xe: {  	[smem:$0x3FB0] =	sst s6  }
0xf: {  	[smem:$0x3FB1] =	sst s7  }
0x10: {  	[smem:$0x3FB2] =	sst s8  }
0x11: {  	[smem:$0x3FB3] =	sst s9;
	s0 =	simm.s32 @!p0 $0x0  }
0x12: {  	s1 =	sld [smem:$0x3F99];
	s0 =	simm.s32 @p0 $0x1  }
0x13: {  	[smem:$0x3FB4] =	sst s0;
	s0 =	simm.s32 @!p1 $0x0  }
0x14: {  	s2 =	sld [smem:$0x3F98];
	s0 =	simm.s32 @p1 $0x1  }
0x15: {  	[smem:$0x3FB5] =	sst s0;
	s0 =	simm.s32 @!p2 $0x0  }
0x16: {  	s3 =	sld [smem:$0x3FDB];
	s0 =	simm.s32 @p2 $0x1  }
0x17: {  	s4 =	simm.s32 $0x1BF5;
	[smem:$0x3FB7] =	sst s0  }
0x18: {  	s0 =	sld [smem:$0x3F9A];
	_ =	swait.ge [sflag:s4], $0x0  }
0x19: {  	s7 =	sld [smem:$0x3F9B]  }
0x1a: {  	s8 =	sadd.s32 $0xFFFFE003, lr  }
0x1b: {  	s9 =	sadd.s32 $0xFFFFFEF7, lr;
	s5 =	simm.s32 $0xFFFFFFFF;
	p2 =	slt.u32 s8, $0xFFFFF086  }
0x1c: {  	p1 =	slt.u32 s9, $0xF7A;
	s5 =	simm.s32 @!p2 $0x0  }
0x1d: {  	s5 =	simm.s32 @p1 $0x1;
	p0 =	seq.s32 s7, s2  }
0x1e: {  	s7 =	smul.u32 @!p0 $0xF7A, s2;
	p2 =	seq.s32 @!p0 s5, $0x0  }
0x1f: {  	s9 =	smul.u32 $0xF7A, s1;
	s8 =	simm.s32 @!p0 $0x1BF5;
	p2 =	por !p2, p0  }
0x20: {  	[sflag:s8] =	ssyncset.s32 @!p0 $0xFFFFF086;
	s6 =	sadd.s32 @!p0 s3, s7;
	s7 =	simm.s32 @!p0 $0x108  }
0x21: {  	s3 =	sadd.s32 s3, s9;
	s6 =	sadd.s32 @!p0 $0x88, s6;
	s7 =	simm.s32 @p2 $0x1082  }
0x22: {  	[simem:s7], [sflag:s8] =	dma.local @!p0 [hbm:s6], $0xF7A  }
0x23: {  	s9 =	sor.u32 $0xD0000000, s2;
	s6 =	simm.s32 $0x108;
	_ =	swait.ge @!p0 [sflag:s8], $0x0  }
0x24: {  	s3 =	sadd.s32 $0x88, s3;
	s6 =	simm.s32 @!p1 $0x1082;
	[sflag:s4] =	ssyncset.s32 $0xFFFFF086  }
0x25: {  	[simem:s6], [sflag:s4] =	dma.local [hbm:s3], $0xF7A  }
0x26: {  	[smem:$0x3F9B] =	sst s1;
	(tag) =	ssettag s2;
	_ =	strace s9  }
0x27: {  	s1 =	sld [smem:$0x3FAB]  }
0x28: {  	s2 =	sld [smem:$0x3FAC]  }
0x29: {  	s4 =	sld [smem:$0x3FAE]  }
0x2a: {  	p0 =	seq.s32 s5, $0x0;
	s5 =	sld [smem:$0x3FAF]  }
0x2b: {  	s6 =	sld [smem:$0x3FB0]  }
0x2c: {  	s7 =	sld [smem:$0x3FB1]  }
0x2d: {  	s3 =	simm.s32 $0x108;
	s8 =	sld [smem:$0x3FB2]  }
0x2e: {  	s3 =	simm.s32 @!p0 $0x1082;
	s9 =	sld [smem:$0x3FB3]  }
0x2f: {  	lr =	sadd.s32 s0, s3;
	s0 =	sld [smem:$0x3FAA]  }
0x30: {  	s3 =	sld [smem:$0x3FAD]  }
0x31: {  	[smem:$0x3FB6] =	sst s10  }
0x32: {  	s10 =	sld [smem:$0x3FB4];
	_ =	sdelay $0x3  }
0x33: {  	p0 =	seq.s32 s10, $0x1;
	s10 =	sld [smem:$0x3FB6];
	_ =	sdelay $0x3  }
0x34: {  	[smem:$0x3FB6] =	sst s10  }
0x35: {  	s10 =	sld [smem:$0x3FB5];
	_ =	sdelay $0x3  }
0x36: {  	p1 =	seq.s32 s10, $0x1;
	s10 =	sld [smem:$0x3FB6];
	_ =	sdelay $0x3  }
0x37: {  	[smem:$0x3FB6] =	sst s10  }
0x38: {  	s10 =	sld [smem:$0x3FB7]  }
0x39: {  	_ = 	snop;
	(pc) =	sbr.ind lr, $3  }
0x3a: {  	_ = 	snop  }
0x3b: {  	_ = 	snop  }
0x3c: {  	p2 =	seq.s32 s10, $0x1;
	s10 =	sld [smem:$0x3FB6]  }
0x3d: {  	_ =	shalt  }
0x3e: {  	_ =	shalt  }
0x3f: {  	_ =	shalt  }
0x40: {  	_ =	shalt  }
0x41: {  	_ =	shalt  }
0x42: {  	_ =	shalt  }
0x43: {  	_ =	shalt  }
0x44: {  	_ =	shalt  }
0x45: {  	_ =	shalt  }
0x46: {  	_ =	shalt  }
0x47: {  	_ =	shalt  }
0x48: {  	_ =	shalt  }
0x49: {  	_ =	shalt  }
0x4a: {  	_ =	shalt  }
0x4b: {  	_ =	shalt  }
0x4c: {  	_ =	shalt  }
0x4d: {  	_ =	shalt  }
0x4e: {  	_ =	shalt  }
0x4f: {  	_ =	shalt  }
0x50: {  	_ =	shalt  }
0x51: {  	_ =	shalt  }
0x52: {  	_ =	shalt  }
0x53: {  	_ =	shalt  }
0x54: {  	_ =	shalt  }
0x55: {  	_ =	shalt  }
0x56: {  	_ =	shalt  }
0x57: {  	_ =	shalt  }
0x58: {  	_ =	shalt  }
0x59: {  	_ =	shalt  }
0x5a: {  	_ =	shalt  }
0x5b: {  	_ =	shalt  }
0x5c: {  	_ =	shalt  }
0x5d: {  	_ =	shalt  }
0x5e: {  	_ =	shalt  }
0x5f: {  	_ =	shalt  }
0x60: {  	_ =	shalt  }
0x61: {  	_ =	shalt  }
0x62: {  	_ =	shalt  }
0x63: {  	_ =	shalt  }
0x64: {  	_ =	shalt  }
0x65: {  	_ =	shalt  }
0x66: {  	_ =	shalt  }
0x67: {  	_ =	shalt  }
0x68: {  	_ =	shalt  }
0x69: {  	_ =	shalt  }
0x6a: {  	_ =	shalt  }
0x6b: {  	_ =	shalt  }
0x6c: {  	_ =	shalt  }
0x6d: {  	_ =	shalt  }
0x6e: {  	_ =	shalt  }
0x6f: {  	_ =	shalt  }
0x70: {  	_ =	shalt  }
0x71: {  	_ =	shalt  }
0x72: {  	_ =	shalt  }
0x73: {  	_ =	shalt  }
0x74: {  	_ =	shalt  }
0x75: {  	_ =	shalt  }
0x76: {  	_ =	shalt  }
0x77: {  	_ =	shalt  }
0x78: {  	_ =	shalt  }
0x79: {  	_ =	shalt  }
0x7a: {  	_ =	shalt  }
0x7b: {  	_ =	shalt  }
0x7c: {  	_ =	shalt  }
0x7d: {  	_ =	shalt  }
0x7e: {  	_ =	shalt  }
0x7f: {  	_ =	shalt  }
0x80: {  	_ =	shalt  }
0x81: {  	_ =	shalt  }
0x82: {  	_ =	shalt  }
0x83: {  	_ =	shalt  }
0x84: {  	_ =	shalt  }
0x85: {  	_ =	shalt  }
0x86: {  	_ =	shalt  }
0x87: {  	_ =	shalt  }
.Lfunc_end0:
.L_simem_size_0:
called_computation_lowered:
.L_overlay_start_0:
0x88: {  	s2 =	sld [smem:$0x3FD9]  }
0x89: {  	s3 =	sld [smem:$0x3FFE];
	_ =	sdelay $0x1  }
0x8a: {  	s1 =	srdreg.scid  }
0x8b: {  	s0 =	sand.u32 $0x1, s1  }
0x8c: {  	s17 =	sshll.u32 s0, $0xA;
	s2 =	sadd.s32 s3, s2  }
0x8d: {  	s2 =	sadd.s32 s2, s17  }
0x8e: {  	[smem:$0x3FC2] =	sst s2  }
0x8f: {  	_ = 	snop  }
0x90: {  	s2 =	sld [smem:$0x3FD0];
	(tm) =	ssettm $0x1  }
0x91: {  	s18 =	sld [smem:$0x3FFB];
	_ =	sdelay $0x3  }
0x92: {  	_ =	strace s18  }
0x93: {  	s3 =	sld [smem:$0x3FFC];
	_ =	sdelay $0x3  }
0x94: {  	_ =	strace s3  }
0x95: {  	s3 =	sld [smem:$0x3FFD];
	_ =	sdelay $0x3  }
0x96: {  	_ =	strace s3  }
0x97: {  	_ =	strace $0x8FFFFFFF  }
0x98: {  	s19 =	sld [smem:$0x3FDB];
	_ =	sdelay $0x1  }
0x99: {  	s4 =	simm.s32 $_scs_section_size  }
0x9a: {  	s5 =	simm.s32 $_size__tile_overlayer_lowered;
	s6 =	simm.s32 $_tile_overlayer_lowered  }
0x9b: {  	s22 =	simm.s32 $0x1BFF;
	s21 =	sshll.u32 s6, $0x1;
	s3 =	sadd.s32 s4, s19  }
0x9c: {  	s7 =	simm.s32 $0x0;
	s20 =	sshll.u32 s5, $0x1;
	s5 =	sadd.s32 s21, s3  }
0x9d: {  	[timem:s7], [sflag:s22] =	dma.local [hbm:s5], s20  }
0x9e: {  	_ =	swait.ge [sflag:s22], s20  }
0x9f: {  	s4 =	ssub.s32 $0x0, s20;
	[sflag:s22] =	ssyncset.done $0x0  }
0xa0: {  	[sflag:s22] =	ssyncadd.s32 s4;
	_ =	sdelay $0x1  }
0xa1: {  	s23 =	simm.s32 $0x1B8B  }
0xa2: {  	_ =	swait.ge [sflag:s23], $0x1  }
0xa3: {  	[sflag:s23] =	ssyncset.done $0x0  }
0xa4: {  	s25 =	simm.s32 $0x1B8E;
	s24 =	sld [smem:$0x3FFE];
	[sflag:s23] =	ssyncadd.s32 $0xFFFFFFFF  }
0xa5: {  	s26 =	simm.s32 $execute0_lowered;
	[smem:$0x3FD2] =	sst s25  }
0xa6: {  	s5 =	sshll.u32 s26, $0x1;
	_ =	strace $0x80000046;
	[dreg:$0x1] =	wrdreg $0xFFFFFFFF  }
0xa7: {  	s28 =	simm.s32 $_size_execute0_lowered;
	s3 =	sadd.s32 s3, s5;
	[dreg:$0x0] =	wrdreg $0x0  }
0xa8: {  	s5 =	sshll.u32 s28, $0x1;
	[dreg:$0x2] =	wrdreg s3  }
0xa9: {  	[dreg:$0x3] =	wrdreg s5  }
0xaa: {  	[dreg:$0x4] =	wrdreg $0xC0  }
0xab: {  	_ =	task [dreg:s7], $0x5FFFF  }
0xac: {  	[dreg:$0x1] =	wrdreg $0xFFFFFFFF  }
0xad: {  	[dreg:$0x0] =	wrdreg $0x60  }
0xae: {  	[dreg:$0x2] =	wrdreg s2  }
0xaf: {  	[dreg:$0x3] =	wrdreg s24  }
0xb0: {  	[dreg:$0x4] =	wrdreg $0x182900  }
0xb1: {  	[dreg:$0x5] =	wrdreg $0xE2900  }
0xb2: {  	[dreg:$0x6] =	wrdreg $0x9  }
0xb3: {  	_ =	task.clear_ibuf [dreg:s7], $0x7FFFF;
	_ =	strace $0x90000046  }
0xb4: {  	s29 =	simm.s32 $0x9;
	_ =	strace $0x80000048  }
0xb5: {  	_ =	swait.ge [sflag:s29], $0x1  }
0xb6: {  	[sflag:s29] =	ssyncadd.s32 $0xFFFFFFFF  }
0xb7: {  	_ =	strace $0x90000048  }
0xb8: {  	_ =	sfence  }
0xb9: {  	s30 =	sld [smem:$0x0];
	_ =	sdelay $0x2  }
0xba: {  	s31 =	sshll.u32 s1, $0xD;
	s1 =	sshrl.u32 s1, $0x2  }
0xbb: {  	s3 =	sand.u32 $0x4000, s31;
	s1 =	sadd.s32 s1, s30  }
0xbc: {  	s0 =	sor.u32 s3, s0;
	s1 =	sshll.u32 s1, $0x11  }
0xbd: {  	s0 =	sor.u32 s1, s0  }
0xbe: {  	s0 =	sadd.s32 $0x8F2B, s0  }
0xbf: {  	[sflag:s0] =	ssyncadd.remote.s32 $0x1  }
0xc0: {  	_ =	sfence.sel $0xFFFF  }
0xc1: {  	[dreg:$0x0] =	wrdreg $0xFFFFFFFF;
	(pc) =	sbr.abs _section_cstart, $3  }
0xc2: {  	[dreg:$0x1] =	wrdreg $0xFFFFFFFF  }
0xc3: {  	_ =	task.clear_ibuf [dreg:s7], $0x2FFFF;
	_ =	strace $0x9FFFFFFF  }
0xc4: {  	(tm) =	ssettm $0x7FFFFFFF  }
0xc5: {  	_ =	shalt  }
tec
execute0_lowered:
.L_overlay_start_1:
0x0: {  	(tag) =	ssettag $0x1  }
0x1: {  	s0 =	srdreg.scid;
	s1 =	rddreg [dreg:$0x0]  }
0x2: {  	s2 =	rddreg [dreg:$0x1];
	s12 =	stileid.u32  }
0x3: {  	s3 =	rddreg [dreg:$0x2];
	s5 =	simm.s32 $0x0;
	s28 =	simm.s32 $0xA010  }
0x4: {  	s29 =	simm.s32 $0x3;
	s30 =	simm.s32 $0x4;
	s31 =	simm.s32 $0x80  }
0x5: {  	s0 =	sand.u32 $0x1, s0;
	s8 =	smul.u32 $0x14000, s12;
	[smem:$0x7FF] =	sst s5  }
0x6: {  	s26 =	smul.u32 $0x280, s12;
	s13 =	sadd.s32 $0x2400, s2;
	s4 =	sshll.u32 s0, $0x4  }
0x7: {  	s14 =	sadd.s32 $0x2200, s2;
	s6 =	sor.u32 s12, s4;
	s4 =	rddreg [dreg:$0x3]  }
0x8: {  	s10 =	smul.u32 $0x140000, s0;
	_ =	strace $0x80000047;
	[dreg:$0x5] =	wrdreg s13  }
0x9: {  	s11 =	smul.u32 $0x2800, s0;
	s0 =	ssub.s32 $0x2, s0;
	[dreg:$0x6] =	wrdreg s14  }
0xa: {  	s15 =	sshrl.u32 s0, $0x1;
	s12 =	smul.u32 $0x28000, s12;
	s20 =	sshrl.u32 s8, $0x1  }
0xb: {  	s7 =	smul.u32 $0x4E, s6;
	s9 =	smin.u32 s6, $0x4;
	s10 =	sadd.s32 s8, s10  }
0xc: {  	s11 =	sadd.s32 s26, s11;
	s0 =	ssub.s32 s0, s15;
	p0 =	slt.u32 s6, $0x4  }
0xd: {  	s13 =	sadd.s32 s20, s4;
	s15 =	simm.s32 $0x5000;
	s8 =	simm.s32 $0x0  }
0xe: {  	s10 =	sshrl.u32 s10, $0x4;
	s11 =	sshrl.u32 s11, $0x3;
	s19 =	sshrl.u32 s12, $0x2  }
0xf: {  	s12 =	sadd.s32 s26, s3;
	s0 =	smax.u32 s0, $0x1;
	s21 =	sadd.s32 s19, s4  }
0x10: {  	s7 =	sadd.s32 s9, s7;
	[dreg:$0x11] =	wrdreg s0;
	s22 =	sadd.s32 $0x2000, s21  }
0x11: {  	s10 =	sadd.s32 s10, s2;
	s23 =	sadd.s32 $0x4000, s21;
	[dreg:$0xb] =	wrdreg s22  }
0x12: {  	s0 =	simm.s32 $0x5;
	s24 =	sadd.s32 $0x6000, s21;
	[dreg:$0xc] =	wrdreg s23  }
0x13: {  	s7 =	sshll.u32 s7, $0x4;
	s25 =	sadd.s32 $0x8000, s21;
	[dreg:$0xd] =	wrdreg s24  }
0x14: {  	s26 =	sadd.s32 $0x16800, s10;
	s7 =	sadd.s32 s7, s2;
	[dreg:$0xe] =	wrdreg s25  }
0x15: {  	s2 =	sadd.s32 s11, s2;
	[dreg:$0xf] =	wrdreg s26;
	s24 =	simm.s32 $0x7  }
0x16: {  	s25 =	simm.s32 $0x7780;
	s22 =	simm.s32 $0x9F00;
	s16 =	sadd.s32 $0x2E00, s7  }
0x17: {  	s26 =	simm.s32 $0x9F80;
	s17 =	sadd.s32 $0xCA40, s7;
	[dreg:$0x7] =	wrdreg s16  }
.Ltmp0:
0x18: {  	s18 =	sadd.s32 $0x32E0, s7;
	[dreg:$0x8] =	wrdreg s17;
	(pc) =	sbr.rel .LBB2_1-.Ltmp0, $4  }
0x19: {  	s23 =	simm.s32 $0x2;
	s7 =	sadd.s32 $0xCF20, s7;
	[dreg:$0x9] =	wrdreg s18  }
0x1a: {  	s2 =	sadd.s32 $0x3E800, s2;
	[dreg:$0xa] =	wrdreg s7;
	s17 =	simm.s32 $0x4E  }
0x1b: {  	[dreg:$0x10] =	wrdreg s2;
	s2 =	simm.s32 $0xC010;
	s7 =	simm.s32 $0x6  }
0x1c: {  	v0 =	vimm.bf16 $0.0e+00;
	v1 =	vimm.f32 $0.0e+00;
	s17 =	simm.s32 @!p0 $0x4D;
	p0 =	sgt.u32 s6, $0x3;
	s6 =	simm.s32 $0x1  }
.LBB2_13:
0x1d: {  	s9 =	stileid.u32  }
0x1e: {  	[bflag:$0x0] =	sbarrier.arrive $0xFFFF;
	s9 =	sshll.u32 s9, $0x6  }
0x1f: {  	s11 =	sshrl.u32 s13, $0x3;
	s14 =	rddreg [dreg:$0xf];
	s10 =	sor.u32 $0x1C01, s9  }
0x20: {  	[hbm:s14], [sflag:s10] =	dma.local [spmem:s11], $0x1400  }
0x21: {  	s20 =	sshrl.u32 s12, $0x3;
	s9 =	sor.u32 $0x1C02, s9;
	s11 =	rddreg [dreg:$0x10]  }
0x22: {  	[hbm:s11], [sflag:s9] =	dma.local [spmem:s20], $0x50  }
0x23: {  	_ =	swait.ge [sflag:s6], $0x1400  }
0x24: {  	[sflag:s6] =	ssyncset.done $0x0  }
0x25: {  	[sflag:s6] =	ssyncadd.s32 $0xFFFFEC00  }
0x26: {  	_ =	swait.ge [sflag:s23], $0x50  }
0x27: {  	s8 =	sadd.s32 $0x1, s8;
	s21 =	rddreg [dreg:$0x11]  }
0x28: {  	p1 =	sne.s32 s8, s21  }
.Ltmp1:
0x29: {  	_ = 	snop;
	(pc) =	sbr.rel @!p1 .LBB2_14-.Ltmp1, $3  }
0x2a: {  	_ =	sdelay $0x1  }
0x2b: {  	[sflag:s23] =	ssyncset.done $0x0  }
0x2c: {  	s15 =	simm.s32 $0x5000;
	[sflag:s23] =	ssyncadd.s32 $0xFFFFFFB0  }
.LBB2_1:
0x2d: {  	s9 =	rddreg [dreg:$0x5]  }
0x2e: {  	[tilespmem:s5], [sflag:$0x3] =	stream.linear.gather [hbm4b:s9+s5], $0x5000, $0x38;
	[tilespmem:$0x18510] =	vst v63  }
0x2f: {  	s19 =	rddreg [dreg:$0x6];
	s10 =	simm.s32 $0xA000  }
0x30: {  	[tilespmem:s10], [sflag:$0x4] =	stream.linear.gather [hbm4b:s19+s5], $0x10, $0x38;
	[tilespmem:$0x18510] =	vst v63  }
0x31: {  	s20 =	rddreg [dreg:$0x7]  }
0x32: {  	[tilespmem:s15], [sflag:$0x7] =	stream.linear.gather [hbm4b:s20+s5], $0x2700, $0x38;
	[tilespmem:$0x18510] =	vst v63  }
0x33: {  	_ =	swait.ge [sflag:s24], $0x2700  }
0x34: {  	[sflag:s24] =	ssyncset.done $0x0  }
0x35: {  	s21 =	rddreg [dreg:$0x8];
	[sflag:s24] =	ssyncadd.s32 $0xFFFFD900  }
0x36: {  	[tilespmem:s25], [sflag:$0x7] =	stream.linear.gather [hbm4b:s21+s5], $0x2700, $0x38;
	[tilespmem:$0x18510] =	vst v63  }
0x37: {  	_ =	swait.ge [sflag:s24], $0x2700  }
0x38: {  	s9 =	simm.s32 @!p0 $0x0;
	[sflag:s24] =	ssyncset.done $0x0  }
0x39: {  	s10 =	simm.s32 @!p0 $0x7700;
	s11 =	rddreg [dreg:$0x9];
	[sflag:s24] =	ssyncadd.s32 $0xFFFFD900  }
0x3a: {  	[tilespmem:s10], [sflag:$0x7] =	stream.linear.gather @!p0 [hbm4b:s11+s9], $0x80, $0x38;
	[tilespmem:$0x18510] =	vst v63  }
0x3b: {  	s10 =	simm.s32 @!p0 $0x7  }
0x3c: {  	_ =	swait.ge @!p0 [sflag:s10], $0x80  }
0x3d: {  	[sflag:s10] =	ssyncset.done @!p0 $0x0  }
0x3e: {  	s11 =	simm.s32 @!p0 $0x9E80;
	s14 =	rddreg [dreg:$0xa];
	[sflag:s10] =	ssyncadd.s32 @!p0 $0xFFFFFF80  }
0x3f: {  	[tilespmem:s11], [sflag:$0x7] =	stream.linear.gather @!p0 [hbm4b:s14+s9], $0x80, $0x38;
	[tilespmem:$0x18510] =	vst v63  }
0x40: {  	_ =	swait.ge @!p0 [sflag:s10], $0x80  }
0x41: {  	[sflag:s10] =	ssyncset.done @!p0 $0x0  }
0x42: {  	s9 =	simm.s32 $0x0;
	[sflag:s10] =	ssyncadd.s32 @!p0 $0xFFFFFF80;
	s10 =	simm.s32 $0x100  }
.LBB2_2:
0x43: {  	p1 =	sne.s32 s10, $0x7F00;
	[tilespmem:s9+$0xC040] =	vst v0  }
0x44: {  	[tilespmem:s9+$0xA010] =	vst v0  }
0x45: {  	[tilespmem:s9+$0xC010] =	vst v0  }
.Ltmp2:
0x46: {  	[tilespmem:s9+$0xA020] =	vst v0;
	(pc) =	sbr.rel @p1 .LBB2_2-.Ltmp2, $4  }
0x47: {  	[tilespmem:s9+$0xC020] =	vst v0  }
0x48: {  	[tilespmem:s9+$0xA030] =	vst v0  }
0x49: {  	[tilespmem:s9+$0xC030] =	vst v0  }
0x4a: {  	[tilespmem:s9+$0xA040] =	vst v0;
	s9 =	sshra.s32 s10, $0x2;
	s10 =	sadd.s32 $0x100, s10  }
0x4b: {  	[tilespmem:s9+$0xC040] =	vst v0  }
0x4c: {  	[tilespmem:s9+$0xA010] =	vst v0  }
0x4d: {  	[tilespmem:s9+$0xC010] =	vst v0  }
0x4e: {  	[tilespmem:s9+$0xA020] =	vst v0  }
0x4f: {  	[tilespmem:s9+$0xC020] =	vst v0  }
0x50: {  	[tilespmem:s9+$0xA030] =	vst v0  }
0x51: {  	[tilespmem:s9+$0xC030] =	vst v0  }
0x52: {  	[tilespmem:s9+$0xA040] =	vst v0  }
0x53: {  	[tilespmem:$0xE010] =	vst v1  }
0x54: {  	[tilespmem:$0xE020] =	vst v1  }
0x55: {  	[tilespmem:$0xE030] =	vst v1  }
0x56: {  	[tilespmem:$0xE040] =	vst v1  }
0x57: {  	[tilespmem:$0xE050] =	vst v1  }
0x58: {  	[tilespmem:$0xE060] =	vst v1  }
0x59: {  	[tilespmem:$0xE070] =	vst v1  }
0x5a: {  	[tilespmem:$0xE080] =	vst v1  }
0x5b: {  	[tilespmem:$0xE090] =	vst v1  }
0x5c: {  	[tilespmem:$0xE0A0] =	vst v1  }
0x5d: {  	[tilespmem:$0xE0B0] =	vst v1  }
0x5e: {  	[tilespmem:$0xE0C0] =	vst v1  }
0x5f: {  	[tilespmem:$0xE0D0] =	vst v1  }
0x60: {  	[tilespmem:$0xE0E0] =	vst v1  }
0x61: {  	[tilespmem:$0xE0F0] =	vst v1  }
0x62: {  	[tilespmem:$0xE100] =	vst v1  }
0x63: {  	[tilespmem:$0xE110] =	vst v1  }
0x64: {  	[tilespmem:$0xE120] =	vst v1  }
0x65: {  	[tilespmem:$0xE130] =	vst v1  }
0x66: {  	[tilespmem:$0xE140] =	vst v1  }
0x67: {  	[tilespmem:$0xE150] =	vst v1  }
0x68: {  	[tilespmem:$0xE160] =	vst v1  }
0x69: {  	[tilespmem:$0xE170] =	vst v1  }
0x6a: {  	[tilespmem:$0xE180] =	vst v1  }
0x6b: {  	[tilespmem:$0xE190] =	vst v1  }
0x6c: {  	[tilespmem:$0xE1A0] =	vst v1  }
0x6d: {  	[tilespmem:$0xE1B0] =	vst v1  }
0x6e: {  	[tilespmem:$0xE1C0] =	vst v1  }
0x6f: {  	[tilespmem:$0xE1D0] =	vst v1  }
0x70: {  	[tilespmem:$0xE1E0] =	vst v1  }
0x71: {  	[tilespmem:$0xE1F0] =	vst v1  }
0x72: {  	[tilespmem:$0xE200] =	vst v1  }
0x73: {  	[tilespmem:$0xE210] =	vst v1  }
0x74: {  	[tilespmem:$0xE220] =	vst v1  }
0x75: {  	[tilespmem:$0xE230] =	vst v1  }
0x76: {  	[tilespmem:$0xE240] =	vst v1  }
0x77: {  	[tilespmem:$0xE250] =	vst v1  }
0x78: {  	[tilespmem:$0xE260] =	vst v1  }
0x79: {  	[tilespmem:$0xE270] =	vst v1  }
0x7a: {  	s16 =	simm.s32 $0xE010;
	[tilespmem:$0xE280] =	vst v1  }
0x7b: {  	[spmem:s12] =	stream.linear.scatter [tilespmem:s16], [sflag:$0x7], $0x280, $0x38;
	[tilespmem:$0x18510] =	vst v63  }
0x7c: {  	_ =	swait.ge [sflag:s24], $0x280  }
0x7d: {  	[sflag:s24] =	ssyncset.done $0x0  }
0x7e: {  	[sflag:s24] =	ssyncadd.s32 $0xFFFFFD80  }
0x7f: {  	[spmem:s13] =	stream.linear.scatter [tilespmem:s28], [sflag:$0x7], $0x2000, $0x38;
	[tilespmem:$0x18510] =	vst v63  }
0x80: {  	_ =	swait.ge [sflag:s24], $0x2000  }
0x81: {  	[sflag:s24] =	ssyncset.done $0x0  }
0x82: {  	s18 =	rddreg [dreg:$0xb];
	[sflag:s24] =	ssyncadd.s32 $0xFFFFE000  }
0x83: {  	[spmem:s18] =	stream.linear.scatter [tilespmem:s28], [sflag:$0x7], $0x2000, $0x38;
	[tilespmem:$0x18510] =	vst v63  }
0x84: {  	_ =	swait.ge [sflag:s24], $0x2000  }
0x85: {  	[sflag:s24] =	ssyncset.done $0x0  }
0x86: {  	s19 =	rddreg [dreg:$0xc];
	[sflag:s24] =	ssyncadd.s32 $0xFFFFE000  }
0x87: {  	[spmem:s19] =	stream.linear.scatter [tilespmem:s28], [sflag:$0x7], $0x2000, $0x38;
	[tilespmem:$0x18510] =	vst v63  }
0x88: {  	_ =	swait.ge [sflag:s24], $0x2000  }
0x89: {  	[sflag:s24] =	ssyncset.done $0x0  }
0x8a: {  	s20 =	rddreg [dreg:$0xd];
	[sflag:s24] =	ssyncadd.s32 $0xFFFFE000  }
0x8b: {  	[spmem:s20] =	stream.linear.scatter [tilespmem:s28], [sflag:$0x7], $0x2000, $0x38;
	[tilespmem:$0x18510] =	vst v63  }
0x8c: {  	_ =	swait.ge [sflag:s24], $0x2000  }
0x8d: {  	[sflag:s24] =	ssyncset.done $0x0  }
0x8e: {  	s21 =	rddreg [dreg:$0xe];
	[sflag:s24] =	ssyncadd.s32 $0xFFFFE000  }
0x8f: {  	[spmem:s21] =	stream.linear.scatter [tilespmem:s28], [sflag:$0x7], $0x2000, $0x38;
	[tilespmem:$0x18510] =	vst v63  }
0x90: {  	_ =	swait.ge [sflag:s24], $0x2000  }
0x91: {  	[sflag:s24] =	ssyncset.done $0x0  }
0x92: {  	[sflag:s24] =	ssyncadd.s32 $0xFFFFE000  }
0x93: {  	_ =	swait.ge [sflag:s29], $0x5000  }
0x94: {  	[sflag:s29] =	ssyncset.done $0x0  }
0x95: {  	[sflag:s29] =	ssyncadd.s32 $0xFFFFB000  }
0x96: {  	_ =	swait.ge [sflag:s30], $0x10  }
0x97: {  	[sflag:s30] =	ssyncset.done $0x0  }
0x98: {  	[sflag:s30] =	ssyncadd.s32 $0xFFFFFFF0  }
0x99: {  	v2 =	vld [tilespmem:$0xA000];
	[bflag:$0x0] =	sbarrier.arrive $0xFFFF  }
0x9a: {  	[tilespmem:$0x9F00] =	vst v1  }
0x9b: {  	[tilespmem:$0x9F80] =	vst v1  }
0x9c: {  	[tilespmem:$0x9F10] =	vst v1  }
0x9d: {  	[tilespmem:$0x9F90] =	vst v1  }
0x9e: {  	[tilespmem:$0x9F20] =	vst v1  }
0x9f: {  	[tilespmem:$0x9FA0] =	vst v1  }
0xa0: {  	[tilespmem:$0x9F30] =	vst v1  }
0xa1: {  	[tilespmem:$0x9FB0] =	vst v1  }
0xa2: {  	[tilespmem:$0x9F40] =	vst v1  }
0xa3: {  	[tilespmem:$0x9FC0] =	vst v1  }
0xa4: {  	[tilespmem:$0x9F50] =	vst v1  }
0xa5: {  	[tilespmem:$0x9FD0] =	vst v1  }
0xa6: {  	[tilespmem:$0x9F60] =	vst v1  }
0xa7: {  	[tilespmem:$0x9FE0] =	vst v1  }
0xa8: {  	[tilespmem:$0x9F70] =	vst v1  }
0xa9: {  	[tilespmem:$0x9FF0] =	vst v1  }
0xaa: {  	[tilespmem:s28], [sflag:$0x1] =	stream.indirect.gather [hbm4b:s1+s31], $0x40, s15, s31, $0xb8;
	[tilespmem:$0x18510] =	vst v63  }
0xab: {  	_ = 	snop  }
0xac: {  	[spmem:s4] =	stream.indirect.scatter.add.bf16 [tilespmem:s2], [sflag:$0x4], $0x40, s25, s31, $0xb8;
	[tilespmem:$0x18510] =	vst v63  }
0xad: {  	_ = 	snop  }
0xae: {  	[spmem:s3] =	stream.indirect.scatter.add.f32 [tilespmem:s22], [sflag:$0x5], $0x1, s25, s31, $0xb8;
	[tilespmem:$0x18510] =	vst v63  }
0xaf: {  	s9 =	simm.s32 $0x0;
	s10 =	simm.s32 $0x0  }
0xb0: {  	[spmem:s3] =	stream.indirect.scatter.add.f32 [tilespmem:s26], [sflag:$0x6], $0x1, s25, s31, $0xb8;
	[tilespmem:$0x18510] =	vst v63  }
.LBB2_4:
0xb1: {  	_ =	swait.ge [sflag:s30], $0x2000  }
0xb2: {  	[sflag:s30] =	ssyncset.done $0x0  }
0xb3: {  	[sflag:s30] =	ssyncadd.s32 $0xFFFFE000  }
0xb4: {  	_ =	swait.ge [sflag:s0], $0x80  }
0xb5: {  	[sflag:s0] =	ssyncset.done $0x0  }
0xb6: {  	s11 =	sshll.u32 s10, $0x8;
	[sflag:s0] =	ssyncadd.s32 $0xFFFFFF80  }
0xb7: {  	v3 =	vld [tilespmem:s11+$0x5000]  }
0xb8: {  	v4 =	vld [tilespmem:s11+$0x7780];
	_ =	sdelay $0x4  }
0xb9: {  	v3 =	vshll.u32 v3, $0x1;
	v4 =	vshll.u32 v4, $0x1  }
0xba: {  	v4 =	vor.u32 $0x1, v4;
	_ =	sdelay $0x3  }
0xbb: {  	v3 =	vld.idx.msk [tilespmem:v3+s9+$0x0], $0xffff  }
0xbc: {  	v4 =	vld.idx.msk [tilespmem:v4+s9+$0x0], $0xffff;
	_ =	sdelay $0x4  }
0xbd: {  	v3 =	vadd.f32 v4, v3;
	_ =	sdelay $0x1  }
0xbe: {  	v4 =	vmul.f32 $2.000000030e-01, v3  }
0xbf: {  	vm0 =	vge.f32 v3, $0.0e+00  }
0xc0: {  	v3 =	vsel vm0, v3, v4  }
0xc1: {  	v3 =	vsub.f32 v3, v2;
	_ =	sdelay $0x1  }
0xc2: {  	v3 =	vmul.f32 $1.442695020e+00, v3;
	_ =	sdelay $0x1  }
0xc3: {  	(erf) = vpow2.f32 v3;
	_ =	sdelay $0x8  }
0xc4: {  	v3 =	vpop (erf)  }
0xc5: {  	[tilespmem:$0x9F00] =	vst v3  }
0xc6: {  	v3 =	vld [tilespmem:s11+$0x5010]  }
0xc7: {  	v4 =	vld [tilespmem:s11+$0x7790];
	_ =	sdelay $0x4  }
0xc8: {  	v3 =	vshll.u32 v3, $0x1;
	v4 =	vshll.u32 v4, $0x1  }
0xc9: {  	v4 =	vor.u32 $0x1, v4;
	_ =	sdelay $0x3  }
0xca: {  	v3 =	vld.idx.msk [tilespmem:v3+s9+$0x0], $0xffff  }
0xcb: {  	v4 =	vld.idx.msk [tilespmem:v4+s9+$0x0], $0xffff;
	_ =	sdelay $0x4  }
0xcc: {  	v3 =	vadd.f32 v4, v3;
	_ =	sdelay $0x1  }
0xcd: {  	v4 =	vmul.f32 $2.000000030e-01, v3  }
0xce: {  	vm9 =	vge.f32 v3, $0.0e+00  }
0xcf: {  	v3 =	vsel vm9, v3, v4  }
0xd0: {  	v3 =	vsub.f32 v3, v2;
	_ =	sdelay $0x1  }
0xd1: {  	v3 =	vmul.f32 $1.442695020e+00, v3;
	_ =	sdelay $0x1  }
0xd2: {  	(erf) = vpow2.f32 v3;
	_ =	sdelay $0x8  }
0xd3: {  	v3 =	vpop (erf)  }
0xd4: {  	[tilespmem:$0x9F10] =	vst v3  }
0xd5: {  	v3 =	vld [tilespmem:s11+$0x5020]  }
0xd6: {  	v4 =	vld [tilespmem:s11+$0x77A0];
	_ =	sdelay $0x4  }
0xd7: {  	v3 =	vshll.u32 v3, $0x1;
	v4 =	vshll.u32 v4, $0x1  }
0xd8: {  	v4 =	vor.u32 $0x1, v4;
	_ =	sdelay $0x3  }
0xd9: {  	v3 =	vld.idx.msk [tilespmem:v3+s9+$0x0], $0xffff  }
0xda: {  	v4 =	vld.idx.msk [tilespmem:v4+s9+$0x0], $0xffff;
	_ =	sdelay $0x4  }
0xdb: {  	v3 =	vadd.f32 v4, v3;
	_ =	sdelay $0x1  }
0xdc: {  	v4 =	vmul.f32 $2.000000030e-01, v3  }
0xdd: {  	vm10 =	vge.f32 v3, $0.0e+00  }
0xde: {  	v3 =	vsel vm10, v3, v4  }
0xdf: {  	v3 =	vsub.f32 v3, v2;
	_ =	sdelay $0x1  }
0xe0: {  	v3 =	vmul.f32 $1.442695020e+00, v3;
	_ =	sdelay $0x1  }
0xe1: {  	(erf) = vpow2.f32 v3;
	_ =	sdelay $0x8  }
0xe2: {  	v3 =	vpop (erf)  }
0xe3: {  	[tilespmem:$0x9F20] =	vst v3  }
0xe4: {  	v3 =	vld [tilespmem:s11+$0x5030]  }
0xe5: {  	v4 =	vld [tilespmem:s11+$0x77B0];
	_ =	sdelay $0x4  }
0xe6: {  	v3 =	vshll.u32 v3, $0x1;
	v4 =	vshll.u32 v4, $0x1  }
0xe7: {  	v4 =	vor.u32 $0x1, v4;
	_ =	sdelay $0x3  }
0xe8: {  	v3 =	vld.idx.msk [tilespmem:v3+s9+$0x0], $0xffff  }
0xe9: {  	v4 =	vld.idx.msk [tilespmem:v4+s9+$0x0], $0xffff;
	_ =	sdelay $0x4  }
0xea: {  	v3 =	vadd.f32 v4, v3;
	_ =	sdelay $0x1  }
0xeb: {  	v4 =	vmul.f32 $2.000000030e-01, v3  }
0xec: {  	vm11 =	vge.f32 v3, $0.0e+00  }
0xed: {  	v3 =	vsel vm11, v3, v4  }
0xee: {  	v3 =	vsub.f32 v3, v2;
	_ =	sdelay $0x1  }
0xef: {  	v3 =	vmul.f32 $1.442695020e+00, v3;
	_ =	sdelay $0x1  }
0xf0: {  	(erf) = vpow2.f32 v3;
	_ =	sdelay $0x8  }
0xf1: {  	v3 =	vpop (erf)  }
0xf2: {  	[tilespmem:$0x9F30] =	vst v3  }
0xf3: {  	v3 =	vld [tilespmem:s11+$0x5040]  }
0xf4: {  	v4 =	vld [tilespmem:s11+$0x77C0];
	_ =	sdelay $0x4  }
0xf5: {  	v3 =	vshll.u32 v3, $0x1;
	v4 =	vshll.u32 v4, $0x1  }
0xf6: {  	v4 =	vor.u32 $0x1, v4;
	_ =	sdelay $0x3  }
0xf7: {  	v3 =	vld.idx.msk [tilespmem:v3+s9+$0x0], $0xffff  }
0xf8: {  	v4 =	vld.idx.msk [tilespmem:v4+s9+$0x0], $0xffff;
	_ =	sdelay $0x4  }
0xf9: {  	v3 =	vadd.f32 v4, v3;
	_ =	sdelay $0x1  }
0xfa: {  	v4 =	vmul.f32 $2.000000030e-01, v3  }
0xfb: {  	vm12 =	vge.f32 v3, $0.0e+00  }
0xfc: {  	v3 =	vsel vm12, v3, v4  }
0xfd: {  	v3 =	vsub.f32 v3, v2;
	_ =	sdelay $0x1  }
0xfe: {  	v3 =	vmul.f32 $1.442695020e+00, v3;
	_ =	sdelay $0x1  }
0xff: {  	(erf) = vpow2.f32 v3;
	_ =	sdelay $0x8  }
0x100: {  	v3 =	vpop (erf)  }
0x101: {  	[tilespmem:$0x9F40] =	vst v3  }
0x102: {  	v3 =	vld [tilespmem:s11+$0x5050]  }
0x103: {  	v4 =	vld [tilespmem:s11+$0x77D0];
	_ =	sdelay $0x4  }
0x104: {  	v3 =	vshll.u32 v3, $0x1;
	v4 =	vshll.u32 v4, $0x1  }
0x105: {  	v4 =	vor.u32 $0x1, v4;
	_ =	sdelay $0x3  }
0x106: {  	v3 =	vld.idx.msk [tilespmem:v3+s9+$0x0], $0xffff  }
0x107: {  	v4 =	vld.idx.msk [tilespmem:v4+s9+$0x0], $0xffff;
	_ =	sdelay $0x4  }
0x108: {  	v3 =	vadd.f32 v4, v3;
	_ =	sdelay $0x1  }
0x109: {  	v4 =	vmul.f32 $2.000000030e-01, v3  }
0x10a: {  	vm13 =	vge.f32 v3, $0.0e+00  }
0x10b: {  	v3 =	vsel vm13, v3, v4  }
0x10c: {  	v3 =	vsub.f32 v3, v2;
	_ =	sdelay $0x1  }
0x10d: {  	v3 =	vmul.f32 $1.442695020e+00, v3;
	_ =	sdelay $0x1  }
0x10e: {  	(erf) = vpow2.f32 v3;
	_ =	sdelay $0x8  }
0x10f: {  	v3 =	vpop (erf)  }
0x110: {  	[tilespmem:$0x9F50] =	vst v3  }
0x111: {  	v3 =	vld [tilespmem:s11+$0x5060]  }
0x112: {  	v4 =	vld [tilespmem:s11+$0x77E0];
	_ =	sdelay $0x4  }
0x113: {  	v3 =	vshll.u32 v3, $0x1;
	v4 =	vshll.u32 v4, $0x1  }
0x114: {  	v4 =	vor.u32 $0x1, v4;
	_ =	sdelay $0x3  }
0x115: {  	v3 =	vld.idx.msk [tilespmem:v3+s9+$0x0], $0xffff  }
0x116: {  	v4 =	vld.idx.msk [tilespmem:v4+s9+$0x0], $0xffff;
	_ =	sdelay $0x4  }
0x117: {  	v3 =	vadd.f32 v4, v3;
	_ =	sdelay $0x1  }
0x118: {  	v4 =	vmul.f32 $2.000000030e-01, v3  }
0x119: {  	vm14 =	vge.f32 v3, $0.0e+00  }
0x11a: {  	v3 =	vsel vm14, v3, v4  }
0x11b: {  	v3 =	vsub.f32 v3, v2;
	_ =	sdelay $0x1  }
0x11c: {  	v3 =	vmul.f32 $1.442695020e+00, v3;
	_ =	sdelay $0x1  }
0x11d: {  	(erf) = vpow2.f32 v3;
	_ =	sdelay $0x8  }
0x11e: {  	v3 =	vpop (erf)  }
0x11f: {  	[tilespmem:$0x9F60] =	vst v3  }
0x120: {  	v3 =	vld [tilespmem:s11+$0x5070]  }
0x121: {  	v4 =	vld [tilespmem:s11+$0x77F0];
	_ =	sdelay $0x4  }
0x122: {  	v3 =	vshll.u32 v3, $0x1;
	v4 =	vshll.u32 v4, $0x1  }
0x123: {  	v4 =	vor.u32 $0x1, v4;
	_ =	sdelay $0x3  }
0x124: {  	v3 =	vld.idx.msk [tilespmem:v3+s9+$0x0], $0xffff  }
0x125: {  	v4 =	vld.idx.msk [tilespmem:v4+s9+$0x0], $0xffff;
	_ =	sdelay $0x4  }
0x126: {  	v3 =	vadd.f32 v4, v3;
	_ =	sdelay $0x1  }
0x127: {  	v4 =	vmul.f32 $2.000000030e-01, v3  }
0x128: {  	vm15 =	vge.f32 v3, $0.0e+00  }
0x129: {  	v3 =	vsel vm15, v3, v4  }
0x12a: {  	v3 =	vsub.f32 v3, v2;
	_ =	sdelay $0x1  }
0x12b: {  	v3 =	vmul.f32 $1.442695020e+00, v3;
	_ =	sdelay $0x1  }
0x12c: {  	(erf) = vpow2.f32 v3;
	_ =	sdelay $0x8  }
0x12d: {  	v3 =	vpop (erf)  }
0x12e: {  	s14 =	sadd.s32 $0x7780, s11;
	[tilespmem:$0x9F70] =	vst v3  }
0x12f: {  	[spmem:s3] =	stream.indirect.scatter.add.f32 [tilespmem:s22], [sflag:$0x5], $0x1, s14, s31, $0xb8;
	[tilespmem:$0x18510] =	vst v63  }
0x130: {  	s15 =	sadd.s32 $0x5080, s11  }
0x131: {  	[tilespmem:s2], [sflag:$0x2] =	stream.indirect.gather [hbm4b:s1+s31], $0x40, s15, s31, $0xb8;
	[tilespmem:$0x18510] =	vst v63  }
0x132: {  	_ =	swait.ge [sflag:s6], $0x2000  }
0x133: {  	[sflag:s6] =	ssyncset.done $0x0  }
0x134: {  	v3 =	vmov s9;
	s15 =	simm.s32 $0xA090;
	[sflag:s6] =	ssyncadd.s32 $0xFFFFE000  }
0x135: {  	v3 =	vand.u32 $0xFFFFFFFC, v3;
	v4 =	vld [tilespmem:s15+$0xFFFFFF90]  }
0x136: {  	v3 =	vbroadcast v3, $0x0;
	v5 =	vld [tilespmem:s15+$0xFFFFFF80]  }
0x137: {  	v6 =	vld [tilespmem:s15+$0xFFFFFFB0]  }
0x138: {  	v7 =	vld [tilespmem:s15+$0xFFFFFFA0]  }
0x139: {  	s21 =	simm.s32 $0x2;
	v8 =	vld [tilespmem:s15+$0xFFFFFFE0]  }
0x13a: {  	s16 =	simm.s32 $0x1;
	v21 =	vmov s21;
	v9 =	vld [tilespmem:s15+$0xFFFFFFF0]  }
0x13b: {  	v10 =	vmov s16;
	v21 =	vand.u32 $0xFFFFFFFE, v21;
	v11 =	vld [tilespmem:s15+$0xFFFFFFD0]  }
0x13c: {  	v17 =	vld.idx.msk [tilespmem:v3+s22+$0x0], $0xffff;
	v13 =	vunpack.i.u.bf16.f32 v5;
	v16 =	vunpack.i.u.bf16.f32 v4;
	v12 =	vunpack.i.l.bf16.f32 v5  }
0x13d: {  	v18 =	vld [tilespmem:s15+$0xFFFFFFC0];
	v14 =	vunpack.i.u.bf16.f32 v6;
	v5 =	vand.u32 $0xFFFFFFFD, v10;
	v15 =	vunpack.i.u.bf16.f32 v7  }
0x13e: {  	v7 =	vunpack.i.l.bf16.f32 v7;
	v19 =	vunpack.i.l.bf16.f32 v4;
	v20 =	vunpack.i.l.bf16.f32 v6  }
0x13f: {  	v4 =	vunpack.i.l.bf16.f32 v8;
	v6 =	vunpack.i.u.bf16.f32 v8;
	v8 =	vunpack.i.l.bf16.f32 v9  }
0x140: {  	v10 =	vunpack.i.l.bf16.f32 v11;
	v3 =	vbroadcast v5, $0x0;
	v5 =	vunpack.i.u.bf16.f32 v9  }
0x141: {  	v9 =	vunpack.i.u.bf16.f32 v11;
	v22 =	vmul.f32 v12, v17;
	v23 =	vmul.f32 v7, v17  }
0x142: {  	v11 =	vunpack.i.u.bf16.f32 v18;
	v24 =	vmul.f32 v15, v17;
	v20 =	vmul.f32 v20, v17  }
0x143: {  	v12 =	vunpack.i.l.bf16.f32 v18;
	v18 =	vmul.f32 v13, v17;
	v25 =	vmul.f32 v14, v17;
	v13 =	vld [tilespmem:s15+$0x10]  }
0x144: {  	s18 =	simm.s32 $0x4;
	v15 =	vmul.f32 v19, v17;
	v7 =	vbroadcast v21, $0x0;
	v14 =	vld [tilespmem:s15+$0x0];
	v19 =	vpack.i.f32.bf16 v24, v23  }
0x145: {  	s19 =	simm.s32 $0xA090;
	s16 =	simm.s32 $0x0;
	s11 =	sor.u32 $0x80, s11;
	v17 =	vmul.f32 v16, v17;
	v16 =	vpack.i.f32.bf16 v18, v22;
	v18 =	vpack.i.f32.bf16 v25, v20;
	[tilespmem:s15+$0xFFFFFFA0] =	vst v19  }
.LBB2_5:
0x146: {  	p1 =	sne.s32 s18, $0x7C  }
0x147: {  	v15 =	vpack.i.f32.bf16 v17, v15;
	[tilespmem:s15+$0xFFFFFFB0] =	vst v18;
	s19 =	sadd.s32 $0x100, s19;
	s20 =	smov.u32 s18;
	s18 =	sadd.s32 $0x4, s18  }
0x148: {  	[tilespmem:s15+$0xFFFFFF90] =	vst v15;
	v15 =	vld [tilespmem:s15+$0x30]  }
0x149: {  	v17 =	vunpack.i.l.bf16.f32 v13;
	[tilespmem:s15+$0xFFFFFF80] =	vst v16;
	v16 =	vunpack.i.u.bf16.f32 v14  }
0x14a: {  	v14 =	vunpack.i.l.bf16.f32 v14;
	v3 =	vld.idx.msk [tilespmem:v3+s22+$0x0], $0xffff;
	_ =	sdelay $0x1  }
0x14b: {  	v13 =	vunpack.i.u.bf16.f32 v13;
	v18 =	vld [tilespmem:s15+$0x20]  }
0x14c: {  	v19 =	vunpack.i.u.bf16.f32 v15;
	v15 =	vunpack.i.l.bf16.f32 v15;
	_ =	sdelay $0x2  }
0x14d: {  	v12 =	vmul.f32 v12, v3;
	v11 =	vmul.f32 v11, v3  }
0x14e: {  	v10 =	vmul.f32 v10, v3;
	v9 =	vmul.f32 v9, v3;
	v20 =	vunpack.i.u.bf16.f32 v18;
	v21 =	vld [tilespmem:s15+$0x40]  }
0x14f: {  	v6 =	vmul.f32 v6, v3;
	v8 =	vmul.f32 v8, v3;
	v18 =	vunpack.i.l.bf16.f32 v18  }
0x150: {  	v22 =	vmov s20;
	v5 =	vmul.f32 v5, v3;
	v9 =	vpack.i.f32.bf16 v9, v10;
	v10 =	vld [tilespmem:s15+$0x50]  }
0x151: {  	v22 =	vand.u32 $0xFFFFFFFC, v22;
	v3 =	vmul.f32 v4, v3;
	v11 =	vpack.i.f32.bf16 v11, v12;
	[tilespmem:s15+$0xFFFFFFD0] =	vst v9;
	v4 =	vld [tilespmem:s15+$0x60]  }
0x152: {  	v5 =	vpack.i.f32.bf16 v5, v8;
	v9 =	vbroadcast v22, $0x0;
	[tilespmem:s15+$0xFFFFFFC0] =	vst v11  }
0x153: {  	v3 =	vpack.i.f32.bf16 v6, v3;
	[tilespmem:s15+$0xFFFFFFF0] =	vst v5;
	v5 =	vunpack.i.u.bf16.f32 v21;
	v6 =	vunpack.i.l.bf16.f32 v21  }
0x154: {  	v8 =	vld [tilespmem:s19+$0xFFFFFF90];
	[tilespmem:s15+$0xFFFFFFE0] =	vst v3  }
0x155: {  	v3 =	vld.idx.msk [tilespmem:v7+s22+$0x0], $0xffff;
	v7 =	vunpack.i.u.bf16.f32 v10;
	v10 =	vunpack.i.l.bf16.f32 v10  }
0x156: {  	v11 =	vunpack.i.l.bf16.f32 v4;
	v12 =	vld [tilespmem:s15+$0x70]  }
0x157: {  	v4 =	vunpack.i.u.bf16.f32 v4;
	v21 =	vld [tilespmem:s19+$0xFFFFFF80]  }
0x158: {  	v22 =	vld [tilespmem:s19+$0xFFFFFFB0]  }
0x159: {  	v23 =	vld [tilespmem:s19+$0xFFFFFFA0];
	_ =	sdelay $0x1  }
0x15a: {  	v14 =	vmul.f32 v14, v3;
	v16 =	vmul.f32 v16, v3  }
0x15b: {  	v25 =	vunpack.i.u.bf16.f32 v8;
	v19 =	vmul.f32 v19, v3;
	v24 =	vunpack.i.u.bf16.f32 v21  }
0x15c: {  	v17 =	vmul.f32 v17, v3;
	v21 =	vunpack.i.l.bf16.f32 v21;
	v26 =	vunpack.i.u.bf16.f32 v22  }
0x15d: {  	s21 =	sadd.s32 $0x1, s20;
	v15 =	vmul.f32 v15, v3;
	v28 =	vunpack.i.u.bf16.f32 v12;
	v27 =	vunpack.i.u.bf16.f32 v23  }
0x15e: {  	v29 =	vmov s21;
	v13 =	vmul.f32 v13, v3;
	v18 =	vmul.f32 v18, v3  }
0x15f: {  	s21 =	sadd.s32 $0x3, s16;
	s16 =	smov.u32 s20;
	v20 =	vmul.f32 v20, v3;
	v15 =	vpack.i.f32.bf16 v19, v15;
	v23 =	vunpack.i.l.bf16.f32 v23  }
0x160: {  	v3 =	vand.u32 $0xFFFFFFFD, v29;
	v13 =	vpack.i.f32.bf16 v13, v17;
	v17 =	vmov s21  }
0x161: {  	v3 =	vbroadcast v3, $0x0;
	v14 =	vpack.i.f32.bf16 v16, v14;
	[tilespmem:s15+$0x10] =	vst v13;
	v13 =	vpack.i.f32.bf16 v20, v18  }
0x162: {  	[tilespmem:s15+$0x20] =	vst v13  }
0x163: {  	[tilespmem:s15+$0x30] =	vst v15  }
0x164: {  	v13 =	vunpack.i.l.bf16.f32 v8;
	[tilespmem:s15+$0x0] =	vst v14  }
0x165: {  	v14 =	vunpack.i.l.bf16.f32 v22;
	v8 =	vld.idx.msk [tilespmem:v17+s22+$0x0], $0xffff;
	_ =	sdelay $0x5  }
0x166: {  	v6 =	vmul.f32 v6, v8;
	v5 =	vmul.f32 v5, v8;
	v15 =	vld [tilespmem:s19+$0xFFFFFFE0]  }
0x167: {  	v12 =	vunpack.i.l.bf16.f32 v12;
	v10 =	vmul.f32 v10, v8;
	v7 =	vmul.f32 v7, v8;
	v16 =	vld [tilespmem:s19+$0xFFFFFFF0]  }
0x168: {  	v4 =	vmul.f32 v4, v8;
	v5 =	vpack.i.f32.bf16 v5, v6;
	v6 =	vmul.f32 v11, v8  }
0x169: {  	v11 =	vld [tilespmem:s19+$0xFFFFFFD0];
	[tilespmem:s15+$0x40] =	vst v5;
	v5 =	vpack.i.f32.bf16 v7, v10;
	v7 =	vmul.f32 v12, v8;
	v8 =	vmul.f32 v28, v8  }
0x16a: {  	v4 =	vpack.i.f32.bf16 v4, v6;
	[tilespmem:s15+$0x50] =	vst v5  }
0x16b: {  	[tilespmem:s15+$0x60] =	vst v4;
	v5 =	vpack.i.f32.bf16 v8, v7  }
0x16c: {  	v4 =	vunpack.i.l.bf16.f32 v15;
	v7 =	vld [tilespmem:s19+$0xFFFFFFC0];
	[tilespmem:s15+$0x70] =	vst v5;
	s15 =	smov.u32 s19  }
0x16d: {  	s20 =	sadd.s32 $0x2, s16;
	v6 =	vunpack.i.u.bf16.f32 v15;
	v5 =	vunpack.i.u.bf16.f32 v16;
	v8 =	vunpack.i.l.bf16.f32 v16;
	v17 =	vld.idx.msk [tilespmem:v9+s22+$0x0], $0xffff  }
0x16e: {  	v12 =	vmov s20  }
0x16f: {  	v9 =	vunpack.i.u.bf16.f32 v11;
	v10 =	vunpack.i.l.bf16.f32 v11  }
0x170: {  	v16 =	vand.u32 $0xFFFFFFFE, v12  }
0x171: {  	v11 =	vunpack.i.u.bf16.f32 v7;
	v12 =	vunpack.i.l.bf16.f32 v7;
	_ =	sdelay $0x1  }
0x172: {  	v18 =	vmul.f32 v21, v17;
	v15 =	vmul.f32 v13, v17  }
.Ltmp3:
0x173: {  	v7 =	vbroadcast v16, $0x0;
	v19 =	vmul.f32 v23, v17;
	(pc) =	sbr.rel @p1 .LBB2_5-.Ltmp3, $4  }
0x174: {  	v16 =	vmul.f32 v27, v17;
	v20 =	vmul.f32 v14, v17;
	v13 =	vld [tilespmem:s19+$0x10]  }
0x175: {  	v21 =	vmul.f32 v24, v17;
	v22 =	vmul.f32 v26, v17;
	v14 =	vld [tilespmem:s19+$0x0]  }
0x176: {  	v17 =	vmul.f32 v25, v17;
	v19 =	vpack.i.f32.bf16 v16, v19  }
0x177: {  	v16 =	vpack.i.f32.bf16 v21, v18;
	v18 =	vpack.i.f32.bf16 v22, v20;
	[tilespmem:s19+$0xFFFFFFA0] =	vst v19  }
0x178: {  	_ = 	snop  }
0x179: {  	[tilespmem:s15+$0xFFFFFFB0] =	vst v18  }
0x17a: {  	v15 =	vpack.i.f32.bf16 v17, v15;
	[tilespmem:s15+$0xFFFFFF80] =	vst v16  }
0x17b: {  	[tilespmem:s15+$0xFFFFFF90] =	vst v15  }
0x17c: {  	v3 =	vld.idx.msk [tilespmem:v3+s22+$0x0], $0xffff;
	_ =	sdelay $0x4  }
0x17d: {  	v10 =	vmul.f32 v10, v3;
	v9 =	vmul.f32 v9, v3  }
0x17e: {  	v12 =	vmul.f32 v12, v3;
	v11 =	vmul.f32 v11, v3  }
0x17f: {  	v8 =	vmul.f32 v8, v3;
	v5 =	vmul.f32 v5, v3;
	v9 =	vpack.i.f32.bf16 v9, v10  }
0x180: {  	v6 =	vmul.f32 v6, v3;
	v3 =	vmul.f32 v4, v3;
	v10 =	vpack.i.f32.bf16 v11, v12;
	[tilespmem:s15+$0xFFFFFFD0] =	vst v9  }
0x181: {  	v5 =	vpack.i.f32.bf16 v5, v8;
	[tilespmem:s15+$0xFFFFFFC0] =	vst v10  }
0x182: {  	v4 =	vld [tilespmem:s15+$0x20];
	v3 =	vpack.i.f32.bf16 v6, v3;
	[tilespmem:s15+$0xFFFFFFF0] =	vst v5  }
0x183: {  	v5 =	vld [tilespmem:s15+$0x30];
	[tilespmem:s15+$0xFFFFFFE0] =	vst v3  }
0x184: {  	v3 =	vld.idx.msk [tilespmem:v7+s22+$0x0], $0xffff;
	_ =	sdelay $0x2  }
0x185: {  	v6 =	vunpack.i.u.bf16.f32 v14  }
0x186: {  	v8 =	vunpack.i.l.bf16.f32 v14;
	v10 =	vunpack.i.u.bf16.f32 v13;
	v9 =	vunpack.i.u.bf16.f32 v5  }
0x187: {  	v7 =	vunpack.i.l.bf16.f32 v13;
	v11 =	vunpack.i.u.bf16.f32 v4;
	v9 =	vmul.f32 v9, v3  }
0x188: {  	v4 =	vunpack.i.l.bf16.f32 v4;
	v7 =	vmul.f32 v7, v3;
	v10 =	vmul.f32 v10, v3  }
0x189: {  	s16 =	sadd.s32 $0x3, s16;
	v5 =	vunpack.i.l.bf16.f32 v5;
	v4 =	vmul.f32 v4, v3;
	v11 =	vmul.f32 v11, v3  }
0x18a: {  	v5 =	vmul.f32 v5, v3;
	v7 =	vpack.i.f32.bf16 v10, v7;
	v10 =	vmov s16  }
0x18b: {  	v12 =	vld [tilespmem:s15+$0x40];
	v8 =	vmul.f32 v8, v3;
	v3 =	vmul.f32 v6, v3;
	v4 =	vpack.i.f32.bf16 v11, v4;
	[tilespmem:s15+$0x10] =	vst v7  }
0x18c: {  	v13 =	vld [tilespmem:s15+$0x50];
	v5 =	vpack.i.f32.bf16 v9, v5;
	[tilespmem:s15+$0x20] =	vst v4  }
0x18d: {  	v6 =	vld [tilespmem:s15+$0x60];
	v3 =	vpack.i.f32.bf16 v3, v8;
	[tilespmem:s15+$0x30] =	vst v5  }
0x18e: {  	v4 =	vld [tilespmem:s15+$0x70];
	[tilespmem:s15+$0x0] =	vst v3  }
0x18f: {  	v3 =	vld.idx.msk [tilespmem:v10+s22+$0x0], $0xffff;
	_ =	sdelay $0x2  }
0x190: {  	v8 =	vunpack.i.u.bf16.f32 v13;
	v9 =	vunpack.i.l.bf16.f32 v13;
	v5 =	vunpack.i.u.bf16.f32 v12  }
0x191: {  	v7 =	vunpack.i.l.bf16.f32 v12;
	v10 =	vunpack.i.l.bf16.f32 v6;
	v6 =	vunpack.i.u.bf16.f32 v6  }
0x192: {  	v11 =	vunpack.i.u.bf16.f32 v4;
	v7 =	vmul.f32 v7, v3;
	v5 =	vmul.f32 v5, v3  }
0x193: {  	v4 =	vunpack.i.l.bf16.f32 v4;
	v9 =	vmul.f32 v9, v3;
	v8 =	vmul.f32 v8, v3  }
0x194: {  	v6 =	vmul.f32 v6, v3;
	v5 =	vpack.i.f32.bf16 v5, v7;
	v7 =	vmul.f32 v10, v3  }
0x195: {  	v4 =	vmul.f32 v4, v3;
	v3 =	vmul.f32 v11, v3;
	[tilespmem:s15+$0x40] =	vst v5;
	v5 =	vpack.i.f32.bf16 v8, v9  }
0x196: {  	[tilespmem:s15+$0x50] =	vst v5;
	v5 =	vpack.i.f32.bf16 v6, v7  }
0x197: {  	v3 =	vpack.i.f32.bf16 v3, v4;
	[tilespmem:s15+$0x60] =	vst v5  }
0x198: {  	[tilespmem:s15+$0x70] =	vst v3  }
0x199: {  	[spmem:s4] =	stream.indirect.scatter.add.bf16 [tilespmem:s28], [sflag:$0x3], $0x40, s14, s31, $0xb8;
	[tilespmem:$0x18510] =	vst v63  }
0x19a: {  	_ =	swait.ge [sflag:s7], $0x80  }
0x19b: {  	[sflag:s7] =	ssyncset.done $0x0  }
0x19c: {  	[sflag:s7] =	ssyncadd.s32 $0xFFFFFF80  }
0x19d: {  	v3 =	vld [tilespmem:s11+$0x5000]  }
0x19e: {  	v4 =	vld [tilespmem:s11+$0x7780];
	_ =	sdelay $0x4  }
0x19f: {  	v3 =	vshll.u32 v3, $0x1;
	v4 =	vshll.u32 v4, $0x1  }
0x1a0: {  	v4 =	vor.u32 $0x1, v4;
	_ =	sdelay $0x2  }
0x1a1: {  	s14 =	simm.s32 $0x0  }
0x1a2: {  	v3 =	vld.idx.msk [tilespmem:v3+s14+$0x0], $0xffff  }
0x1a3: {  	v4 =	vld.idx.msk [tilespmem:v4+s14+$0x0], $0xffff;
	_ =	sdelay $0x4  }
0x1a4: {  	v3 =	vadd.f32 v4, v3;
	_ =	sdelay $0x1  }
0x1a5: {  	v4 =	vmul.f32 $2.000000030e-01, v3  }
0x1a6: {  	vm0 =	vge.f32 v3, $0.0e+00  }
0x1a7: {  	v3 =	vsel vm0, v3, v4  }
0x1a8: {  	v3 =	vsub.f32 v3, v2;
	_ =	sdelay $0x1  }
0x1a9: {  	v3 =	vmul.f32 $1.442695020e+00, v3;
	_ =	sdelay $0x1  }
0x1aa: {  	(erf) = vpow2.f32 v3;
	_ =	sdelay $0x8  }
0x1ab: {  	v3 =	vpop (erf)  }
0x1ac: {  	[tilespmem:$0x9F80] =	vst v3  }
0x1ad: {  	v3 =	vld [tilespmem:s11+$0x5010]  }
0x1ae: {  	v4 =	vld [tilespmem:s11+$0x7790];
	_ =	sdelay $0x4  }
0x1af: {  	v3 =	vshll.u32 v3, $0x1;
	v4 =	vshll.u32 v4, $0x1  }
0x1b0: {  	v4 =	vor.u32 $0x1, v4;
	_ =	sdelay $0x3  }
0x1b1: {  	v3 =	vld.idx.msk [tilespmem:v3+s14+$0x0], $0xffff  }
0x1b2: {  	v4 =	vld.idx.msk [tilespmem:v4+s14+$0x0], $0xffff;
	_ =	sdelay $0x4  }
0x1b3: {  	v3 =	vadd.f32 v4, v3;
	_ =	sdelay $0x1  }
0x1b4: {  	v4 =	vmul.f32 $2.000000030e-01, v3  }
0x1b5: {  	vm9 =	vge.f32 v3, $0.0e+00  }
0x1b6: {  	v3 =	vsel vm9, v3, v4  }
0x1b7: {  	v3 =	vsub.f32 v3, v2;
	_ =	sdelay $0x1  }
0x1b8: {  	v3 =	vmul.f32 $1.442695020e+00, v3;
	_ =	sdelay $0x1  }
0x1b9: {  	(erf) = vpow2.f32 v3;
	_ =	sdelay $0x8  }
0x1ba: {  	v3 =	vpop (erf)  }
0x1bb: {  	[tilespmem:$0x9F90] =	vst v3  }
0x1bc: {  	v3 =	vld [tilespmem:s11+$0x5020]  }
0x1bd: {  	v4 =	vld [tilespmem:s11+$0x77A0];
	_ =	sdelay $0x4  }
0x1be: {  	v3 =	vshll.u32 v3, $0x1;
	v4 =	vshll.u32 v4, $0x1  }
0x1bf: {  	v4 =	vor.u32 $0x1, v4;
	_ =	sdelay $0x3  }
0x1c0: {  	v3 =	vld.idx.msk [tilespmem:v3+s14+$0x0], $0xffff  }
0x1c1: {  	v4 =	vld.idx.msk [tilespmem:v4+s14+$0x0], $0xffff;
	_ =	sdelay $0x4  }
0x1c2: {  	v3 =	vadd.f32 v4, v3;
	_ =	sdelay $0x1  }
0x1c3: {  	v4 =	vmul.f32 $2.000000030e-01, v3  }
0x1c4: {  	vm10 =	vge.f32 v3, $0.0e+00  }
0x1c5: {  	v3 =	vsel vm10, v3, v4  }
0x1c6: {  	v3 =	vsub.f32 v3, v2;
	_ =	sdelay $0x1  }
0x1c7: {  	v3 =	vmul.f32 $1.442695020e+00, v3;
	_ =	sdelay $0x1  }
0x1c8: {  	(erf) = vpow2.f32 v3;
	_ =	sdelay $0x8  }
0x1c9: {  	v3 =	vpop (erf)  }
0x1ca: {  	[tilespmem:$0x9FA0] =	vst v3  }
0x1cb: {  	v3 =	vld [tilespmem:s11+$0x5030]  }
0x1cc: {  	v4 =	vld [tilespmem:s11+$0x77B0];
	_ =	sdelay $0x4  }
0x1cd: {  	v3 =	vshll.u32 v3, $0x1;
	v4 =	vshll.u32 v4, $0x1  }
0x1ce: {  	v4 =	vor.u32 $0x1, v4;
	_ =	sdelay $0x3  }
0x1cf: {  	v3 =	vld.idx.msk [tilespmem:v3+s14+$0x0], $0xffff  }
0x1d0: {  	v4 =	vld.idx.msk [tilespmem:v4+s14+$0x0], $0xffff;
	_ =	sdelay $0x4  }
0x1d1: {  	v3 =	vadd.f32 v4, v3;
	_ =	sdelay $0x1  }
0x1d2: {  	v4 =	vmul.f32 $2.000000030e-01, v3  }
0x1d3: {  	vm11 =	vge.f32 v3, $0.0e+00  }
0x1d4: {  	v3 =	vsel vm11, v3, v4  }
0x1d5: {  	v3 =	vsub.f32 v3, v2;
	_ =	sdelay $0x1  }
0x1d6: {  	v3 =	vmul.f32 $1.442695020e+00, v3;
	_ =	sdelay $0x1  }
0x1d7: {  	(erf) = vpow2.f32 v3;
	_ =	sdelay $0x8  }
0x1d8: {  	v3 =	vpop (erf)  }
0x1d9: {  	[tilespmem:$0x9FB0] =	vst v3  }
0x1da: {  	v3 =	vld [tilespmem:s11+$0x5040]  }
0x1db: {  	v4 =	vld [tilespmem:s11+$0x77C0];
	_ =	sdelay $0x4  }
0x1dc: {  	v3 =	vshll.u32 v3, $0x1;
	v4 =	vshll.u32 v4, $0x1  }
0x1dd: {  	v4 =	vor.u32 $0x1, v4;
	_ =	sdelay $0x3  }
0x1de: {  	v3 =	vld.idx.msk [tilespmem:v3+s14+$0x0], $0xffff  }
0x1df: {  	v4 =	vld.idx.msk [tilespmem:v4+s14+$0x0], $0xffff;
	_ =	sdelay $0x4  }
0x1e0: {  	v3 =	vadd.f32 v4, v3;
	_ =	sdelay $0x1  }
0x1e1: {  	v4 =	vmul.f32 $2.000000030e-01, v3  }
0x1e2: {  	vm12 =	vge.f32 v3, $0.0e+00  }
0x1e3: {  	v3 =	vsel vm12, v3, v4  }
0x1e4: {  	v3 =	vsub.f32 v3, v2;
	_ =	sdelay $0x1  }
0x1e5: {  	v3 =	vmul.f32 $1.442695020e+00, v3;
	_ =	sdelay $0x1  }
0x1e6: {  	(erf) = vpow2.f32 v3;
	_ =	sdelay $0x8  }
0x1e7: {  	v3 =	vpop (erf)  }
0x1e8: {  	[tilespmem:$0x9FC0] =	vst v3  }
0x1e9: {  	v3 =	vld [tilespmem:s11+$0x5050]  }
0x1ea: {  	v4 =	vld [tilespmem:s11+$0x77D0];
	_ =	sdelay $0x4  }
0x1eb: {  	v3 =	vshll.u32 v3, $0x1;
	v4 =	vshll.u32 v4, $0x1  }
0x1ec: {  	v4 =	vor.u32 $0x1, v4;
	_ =	sdelay $0x3  }
0x1ed: {  	v3 =	vld.idx.msk [tilespmem:v3+s14+$0x0], $0xffff  }
0x1ee: {  	v4 =	vld.idx.msk [tilespmem:v4+s14+$0x0], $0xffff;
	_ =	sdelay $0x4  }
0x1ef: {  	v3 =	vadd.f32 v4, v3;
	_ =	sdelay $0x1  }
0x1f0: {  	v4 =	vmul.f32 $2.000000030e-01, v3  }
0x1f1: {  	vm13 =	vge.f32 v3, $0.0e+00  }
0x1f2: {  	v3 =	vsel vm13, v3, v4  }
0x1f3: {  	v3 =	vsub.f32 v3, v2;
	_ =	sdelay $0x1  }
0x1f4: {  	v3 =	vmul.f32 $1.442695020e+00, v3;
	_ =	sdelay $0x1  }
0x1f5: {  	(erf) = vpow2.f32 v3;
	_ =	sdelay $0x8  }
0x1f6: {  	v3 =	vpop (erf)  }
0x1f7: {  	[tilespmem:$0x9FD0] =	vst v3  }
0x1f8: {  	v3 =	vld [tilespmem:s11+$0x5060]  }
0x1f9: {  	v4 =	vld [tilespmem:s11+$0x77E0];
	_ =	sdelay $0x4  }
0x1fa: {  	v3 =	vshll.u32 v3, $0x1;
	v4 =	vshll.u32 v4, $0x1  }
0x1fb: {  	v4 =	vor.u32 $0x1, v4;
	_ =	sdelay $0x3  }
0x1fc: {  	v3 =	vld.idx.msk [tilespmem:v3+s14+$0x0], $0xffff  }
0x1fd: {  	v4 =	vld.idx.msk [tilespmem:v4+s14+$0x0], $0xffff;
	_ =	sdelay $0x4  }
0x1fe: {  	v3 =	vadd.f32 v4, v3;
	_ =	sdelay $0x1  }
0x1ff: {  	v4 =	vmul.f32 $2.000000030e-01, v3  }
0x200: {  	vm14 =	vge.f32 v3, $0.0e+00  }
0x201: {  	v3 =	vsel vm14, v3, v4  }
0x202: {  	v3 =	vsub.f32 v3, v2;
	_ =	sdelay $0x1  }
0x203: {  	v3 =	vmul.f32 $1.442695020e+00, v3;
	_ =	sdelay $0x1  }
0x204: {  	(erf) = vpow2.f32 v3;
	_ =	sdelay $0x8  }
0x205: {  	v3 =	vpop (erf)  }
0x206: {  	[tilespmem:$0x9FE0] =	vst v3  }
0x207: {  	v3 =	vld [tilespmem:s11+$0x5070]  }
0x208: {  	v4 =	vld [tilespmem:s11+$0x77F0];
	_ =	sdelay $0x4  }
0x209: {  	v3 =	vshll.u32 v3, $0x1;
	v4 =	vshll.u32 v4, $0x1  }
0x20a: {  	v4 =	vor.u32 $0x1, v4;
	_ =	sdelay $0x3  }
0x20b: {  	v3 =	vld.idx.msk [tilespmem:v3+s14+$0x0], $0xffff  }
0x20c: {  	v4 =	vld.idx.msk [tilespmem:v4+s14+$0x0], $0xffff;
	_ =	sdelay $0x4  }
0x20d: {  	v3 =	vadd.f32 v4, v3;
	_ =	sdelay $0x1  }
0x20e: {  	v4 =	vmul.f32 $2.000000030e-01, v3  }
0x20f: {  	vm15 =	vge.f32 v3, $0.0e+00  }
0x210: {  	v3 =	vsel vm15, v3, v4  }
0x211: {  	v3 =	vsub.f32 v3, v2;
	_ =	sdelay $0x1  }
0x212: {  	v3 =	vmul.f32 $1.442695020e+00, v3;
	_ =	sdelay $0x1  }
0x213: {  	(erf) = vpow2.f32 v3;
	_ =	sdelay $0x8  }
0x214: {  	v3 =	vpop (erf)  }
0x215: {  	s11 =	sadd.s32 $0x7780, s11;
	[tilespmem:$0x9FF0] =	vst v3  }
0x216: {  	[spmem:s3] =	stream.indirect.scatter.add.f32 [tilespmem:s26], [sflag:$0x6], $0x1, s11, s31, $0xb8;
	[tilespmem:$0x18510] =	vst v63  }
0x217: {  	_ =	swait.ge [sflag:s23], $0x2000  }
0x218: {  	[sflag:s23] =	ssyncset.done $0x0  }
0x219: {  	s15 =	simm.s32 $0xC090;
	v3 =	vmov s14;
	[sflag:s23] =	ssyncadd.s32 $0xFFFFE000  }
0x21a: {  	v3 =	vand.u32 $0xFFFFFFFC, v3;
	v4 =	vld [tilespmem:s15+$0xFFFFFF90]  }
0x21b: {  	v3 =	vbroadcast v3, $0x0;
	v5 =	vld [tilespmem:s15+$0xFFFFFF80]  }
0x21c: {  	v6 =	vld [tilespmem:s15+$0xFFFFFFB0]  }
0x21d: {  	v7 =	vld [tilespmem:s15+$0xFFFFFFA0]  }
0x21e: {  	s21 =	simm.s32 $0x2;
	v8 =	vld [tilespmem:s15+$0xFFFFFFE0]  }
0x21f: {  	s20 =	simm.s32 $0x1;
	v21 =	vmov s21;
	v9 =	vld [tilespmem:s15+$0xFFFFFFF0]  }
0x220: {  	v21 =	vand.u32 $0xFFFFFFFE, v21;
	v10 =	vmov s20;
	v11 =	vld [tilespmem:s15+$0xFFFFFFD0]  }
0x221: {  	v17 =	vld.idx.msk [tilespmem:v3+s26+$0x0], $0xffff;
	v13 =	vunpack.i.u.bf16.f32 v5;
	v16 =	vunpack.i.u.bf16.f32 v4;
	v12 =	vunpack.i.l.bf16.f32 v5  }
0x222: {  	v19 =	vld [tilespmem:s15+$0xFFFFFFC0];
	v14 =	vunpack.i.u.bf16.f32 v6;
	v5 =	vand.u32 $0xFFFFFFFD, v10;
	v15 =	vunpack.i.u.bf16.f32 v7  }
0x223: {  	v18 =	vunpack.i.l.bf16.f32 v7;
	v20 =	vunpack.i.l.bf16.f32 v4;
	v6 =	vunpack.i.l.bf16.f32 v6  }
0x224: {  	v4 =	vunpack.i.l.bf16.f32 v8;
	v7 =	vunpack.i.u.bf16.f32 v8;
	v8 =	vunpack.i.l.bf16.f32 v9  }
0x225: {  	v10 =	vunpack.i.l.bf16.f32 v11;
	v3 =	vbroadcast v5, $0x0;
	v5 =	vunpack.i.u.bf16.f32 v9  }
0x226: {  	v9 =	vunpack.i.u.bf16.f32 v11;
	v22 =	vmul.f32 v12, v17;
	v18 =	vmul.f32 v18, v17  }
0x227: {  	v11 =	vunpack.i.u.bf16.f32 v19;
	v23 =	vmul.f32 v15, v17;
	v24 =	vmul.f32 v6, v17  }
0x228: {  	v12 =	vunpack.i.l.bf16.f32 v19;
	v19 =	vmul.f32 v13, v17;
	v25 =	vmul.f32 v14, v17;
	v13 =	vld [tilespmem:s15+$0x10]  }
0x229: {  	v15 =	vmul.f32 v20, v17;
	v6 =	vbroadcast v21, $0x0;
	v14 =	vld [tilespmem:s15+$0x0];
	v18 =	vpack.i.f32.bf16 v23, v18  }
0x22a: {  	s18 =	simm.s32 $0xC090;
	s16 =	simm.s32 $0x4;
	v17 =	vmul.f32 v16, v17;
	v16 =	vpack.i.f32.bf16 v19, v22;
	[tilespmem:s15+$0xFFFFFFA0] =	vst v18;
	v18 =	vpack.i.f32.bf16 v25, v24  }
.LBB2_7:
0x22b: {  	p1 =	sne.s32 s16, $0x7C  }
0x22c: {  	v15 =	vpack.i.f32.bf16 v17, v15;
	[tilespmem:s15+$0xFFFFFFB0] =	vst v18;
	s18 =	sadd.s32 $0x100, s18;
	s19 =	smov.u32 s16;
	s16 =	sadd.s32 $0x4, s16  }
0x22d: {  	[tilespmem:s15+$0xFFFFFF90] =	vst v15;
	v15 =	vld [tilespmem:s15+$0x30]  }
0x22e: {  	v17 =	vunpack.i.l.bf16.f32 v13;
	[tilespmem:s15+$0xFFFFFF80] =	vst v16;
	v16 =	vunpack.i.u.bf16.f32 v14  }
0x22f: {  	v14 =	vunpack.i.l.bf16.f32 v14;
	v3 =	vld.idx.msk [tilespmem:v3+s26+$0x0], $0xffff;
	_ =	sdelay $0x1  }
0x230: {  	v13 =	vunpack.i.u.bf16.f32 v13;
	v18 =	vld [tilespmem:s15+$0x20]  }
0x231: {  	v19 =	vunpack.i.u.bf16.f32 v15;
	v15 =	vunpack.i.l.bf16.f32 v15;
	_ =	sdelay $0x2  }
0x232: {  	v12 =	vmul.f32 v12, v3;
	v11 =	vmul.f32 v11, v3  }
0x233: {  	v10 =	vmul.f32 v10, v3;
	v9 =	vmul.f32 v9, v3;
	v20 =	vunpack.i.u.bf16.f32 v18;
	v21 =	vld [tilespmem:s15+$0x40]  }
0x234: {  	v7 =	vmul.f32 v7, v3;
	v8 =	vmul.f32 v8, v3;
	v18 =	vunpack.i.l.bf16.f32 v18  }
0x235: {  	v22 =	vmov s19;
	v5 =	vmul.f32 v5, v3;
	v9 =	vpack.i.f32.bf16 v9, v10;
	v10 =	vld [tilespmem:s15+$0x50]  }
0x236: {  	v22 =	vand.u32 $0xFFFFFFFC, v22;
	v3 =	vmul.f32 v4, v3;
	v11 =	vpack.i.f32.bf16 v11, v12;
	[tilespmem:s15+$0xFFFFFFD0] =	vst v9;
	v4 =	vld [tilespmem:s15+$0x60]  }
0x237: {  	v5 =	vpack.i.f32.bf16 v5, v8;
	v9 =	vbroadcast v22, $0x0;
	[tilespmem:s15+$0xFFFFFFC0] =	vst v11  }
0x238: {  	v3 =	vpack.i.f32.bf16 v7, v3;
	[tilespmem:s15+$0xFFFFFFF0] =	vst v5;
	v5 =	vunpack.i.u.bf16.f32 v21;
	v7 =	vunpack.i.l.bf16.f32 v21  }
0x239: {  	v8 =	vld [tilespmem:s18+$0xFFFFFF90];
	[tilespmem:s15+$0xFFFFFFE0] =	vst v3  }
0x23a: {  	v3 =	vld.idx.msk [tilespmem:v6+s26+$0x0], $0xffff;
	v6 =	vunpack.i.u.bf16.f32 v10;
	v10 =	vunpack.i.l.bf16.f32 v10  }
0x23b: {  	v11 =	vunpack.i.l.bf16.f32 v4;
	v12 =	vld [tilespmem:s15+$0x70]  }
0x23c: {  	v4 =	vunpack.i.u.bf16.f32 v4;
	v21 =	vld [tilespmem:s18+$0xFFFFFF80]  }
0x23d: {  	v22 =	vld [tilespmem:s18+$0xFFFFFFB0]  }
0x23e: {  	v23 =	vld [tilespmem:s18+$0xFFFFFFA0];
	_ =	sdelay $0x1  }
0x23f: {  	v14 =	vmul.f32 v14, v3;
	v16 =	vmul.f32 v16, v3  }
0x240: {  	v25 =	vunpack.i.u.bf16.f32 v8;
	v19 =	vmul.f32 v19, v3;
	v24 =	vunpack.i.u.bf16.f32 v21  }
0x241: {  	v17 =	vmul.f32 v17, v3;
	v21 =	vunpack.i.l.bf16.f32 v21;
	v26 =	vunpack.i.u.bf16.f32 v22  }
0x242: {  	s20 =	sadd.s32 $0x1, s19;
	v15 =	vmul.f32 v15, v3;
	v28 =	vunpack.i.u.bf16.f32 v12;
	v27 =	vunpack.i.u.bf16.f32 v23  }
0x243: {  	v29 =	vmov s20;
	v13 =	vmul.f32 v13, v3;
	v18 =	vmul.f32 v18, v3  }
0x244: {  	s20 =	sadd.s32 $0x3, s14;
	s14 =	smov.u32 s19;
	v20 =	vmul.f32 v20, v3;
	v15 =	vpack.i.f32.bf16 v19, v15;
	v23 =	vunpack.i.l.bf16.f32 v23  }
0x245: {  	v3 =	vand.u32 $0xFFFFFFFD, v29;
	v13 =	vpack.i.f32.bf16 v13, v17;
	v17 =	vmov s20  }
0x246: {  	v3 =	vbroadcast v3, $0x0;
	v14 =	vpack.i.f32.bf16 v16, v14;
	[tilespmem:s15+$0x10] =	vst v13;
	v13 =	vpack.i.f32.bf16 v20, v18  }
0x247: {  	[tilespmem:s15+$0x20] =	vst v13  }
0x248: {  	[tilespmem:s15+$0x30] =	vst v15  }
0x249: {  	v13 =	vunpack.i.l.bf16.f32 v8;
	[tilespmem:s15+$0x0] =	vst v14  }
0x24a: {  	v14 =	vunpack.i.l.bf16.f32 v22;
	v8 =	vld.idx.msk [tilespmem:v17+s26+$0x0], $0xffff;
	_ =	sdelay $0x5  }
0x24b: {  	v7 =	vmul.f32 v7, v8;
	v5 =	vmul.f32 v5, v8;
	v15 =	vld [tilespmem:s18+$0xFFFFFFE0]  }
0x24c: {  	v12 =	vunpack.i.l.bf16.f32 v12;
	v10 =	vmul.f32 v10, v8;
	v6 =	vmul.f32 v6, v8;
	v16 =	vld [tilespmem:s18+$0xFFFFFFF0]  }
0x24d: {  	v4 =	vmul.f32 v4, v8;
	v5 =	vpack.i.f32.bf16 v5, v7;
	v7 =	vmul.f32 v11, v8  }
0x24e: {  	v11 =	vld [tilespmem:s18+$0xFFFFFFD0];
	[tilespmem:s15+$0x40] =	vst v5;
	v5 =	vpack.i.f32.bf16 v6, v10;
	v6 =	vmul.f32 v12, v8;
	v8 =	vmul.f32 v28, v8  }
0x24f: {  	v4 =	vpack.i.f32.bf16 v4, v7;
	[tilespmem:s15+$0x50] =	vst v5  }
0x250: {  	[tilespmem:s15+$0x60] =	vst v4;
	v5 =	vpack.i.f32.bf16 v8, v6  }
0x251: {  	v4 =	vunpack.i.l.bf16.f32 v15;
	v6 =	vld [tilespmem:s18+$0xFFFFFFC0];
	[tilespmem:s15+$0x70] =	vst v5;
	s15 =	smov.u32 s18  }
0x252: {  	s19 =	sadd.s32 $0x2, s14;
	v7 =	vunpack.i.u.bf16.f32 v15;
	v5 =	vunpack.i.u.bf16.f32 v16;
	v8 =	vunpack.i.l.bf16.f32 v16;
	v17 =	vld.idx.msk [tilespmem:v9+s26+$0x0], $0xffff  }
0x253: {  	v12 =	vmov s19  }
0x254: {  	v9 =	vunpack.i.u.bf16.f32 v11;
	v10 =	vunpack.i.l.bf16.f32 v11  }
0x255: {  	v16 =	vand.u32 $0xFFFFFFFE, v12  }
0x256: {  	v11 =	vunpack.i.u.bf16.f32 v6;
	v12 =	vunpack.i.l.bf16.f32 v6;
	_ =	sdelay $0x1  }
0x257: {  	v18 =	vmul.f32 v21, v17;
	v15 =	vmul.f32 v13, v17  }
.Ltmp4:
0x258: {  	v6 =	vbroadcast v16, $0x0;
	v19 =	vmul.f32 v23, v17;
	(pc) =	sbr.rel @p1 .LBB2_7-.Ltmp4, $4  }
0x259: {  	v16 =	vmul.f32 v27, v17;
	v20 =	vmul.f32 v14, v17;
	v13 =	vld [tilespmem:s18+$0x10]  }
0x25a: {  	v21 =	vmul.f32 v24, v17;
	v22 =	vmul.f32 v26, v17;
	v14 =	vld [tilespmem:s18+$0x0]  }
0x25b: {  	v17 =	vmul.f32 v25, v17;
	v19 =	vpack.i.f32.bf16 v16, v19  }
0x25c: {  	v16 =	vpack.i.f32.bf16 v21, v18;
	v18 =	vpack.i.f32.bf16 v22, v20;
	[tilespmem:s18+$0xFFFFFFA0] =	vst v19  }
0x25d: {  	_ = 	snop  }
0x25e: {  	[tilespmem:s15+$0xFFFFFFB0] =	vst v18  }
0x25f: {  	v15 =	vpack.i.f32.bf16 v17, v15;
	[tilespmem:s15+$0xFFFFFF80] =	vst v16  }
0x260: {  	[tilespmem:s15+$0xFFFFFF90] =	vst v15  }
0x261: {  	v3 =	vld.idx.msk [tilespmem:v3+s26+$0x0], $0xffff;
	_ =	sdelay $0x4  }
0x262: {  	v10 =	vmul.f32 v10, v3;
	v9 =	vmul.f32 v9, v3  }
0x263: {  	v12 =	vmul.f32 v12, v3;
	v11 =	vmul.f32 v11, v3  }
0x264: {  	v8 =	vmul.f32 v8, v3;
	v5 =	vmul.f32 v5, v3;
	v9 =	vpack.i.f32.bf16 v9, v10  }
0x265: {  	v7 =	vmul.f32 v7, v3;
	v3 =	vmul.f32 v4, v3;
	v41 =	vpack.i.f32.bf16 v11, v12;
	[tilespmem:s15+$0xFFFFFFD0] =	vst v9  }
0x266: {  	v5 =	vpack.i.f32.bf16 v5, v8;
	[tilespmem:s15+$0xFFFFFFC0] =	vst v41  }
0x267: {  	v42 =	vld [tilespmem:s15+$0x20];
	v3 =	vpack.i.f32.bf16 v7, v3;
	[tilespmem:s15+$0xFFFFFFF0] =	vst v5  }
0x268: {  	v43 =	vld [tilespmem:s15+$0x30];
	[tilespmem:s15+$0xFFFFFFE0] =	vst v3  }
0x269: {  	v3 =	vld.idx.msk [tilespmem:v6+s26+$0x0], $0xffff;
	_ =	sdelay $0x1  }
0x26a: {  	s14 =	sadd.s32 $0x3, s14;
	v45 =	vunpack.i.l.bf16.f32 v13  }
0x26b: {  	v48 =	vunpack.i.u.bf16.f32 v13;
	v51 =	vmov s14;
	v44 =	vunpack.i.u.bf16.f32 v14  }
0x26c: {  	v46 =	vunpack.i.l.bf16.f32 v14;
	v47 =	vunpack.i.u.bf16.f32 v43;
	v49 =	vunpack.i.u.bf16.f32 v42  }
0x26d: {  	v4 =	vunpack.i.l.bf16.f32 v42;
	v7 =	vmul.f32 v45, v3;
	v10 =	vmul.f32 v48, v3  }
0x26e: {  	v5 =	vunpack.i.l.bf16.f32 v43;
	v4 =	vmul.f32 v4, v3;
	v11 =	vmul.f32 v49, v3  }
0x26f: {  	v9 =	vmul.f32 v47, v3;
	v5 =	vmul.f32 v5, v3;
	v7 =	vpack.i.f32.bf16 v10, v7  }
0x270: {  	v50 =	vld [tilespmem:s15+$0x40];
	v8 =	vmul.f32 v46, v3;
	v3 =	vmul.f32 v44, v3;
	v4 =	vpack.i.f32.bf16 v11, v4;
	[tilespmem:s15+$0x10] =	vst v7  }
0x271: {  	v52 =	vld [tilespmem:s15+$0x50];
	v5 =	vpack.i.f32.bf16 v9, v5;
	[tilespmem:s15+$0x20] =	vst v4  }
0x272: {  	v53 =	vld [tilespmem:s15+$0x60];
	v3 =	vpack.i.f32.bf16 v3, v8;
	[tilespmem:s15+$0x30] =	vst v5  }
0x273: {  	v54 =	vld [tilespmem:s15+$0x70];
	[tilespmem:s15+$0x0] =	vst v3  }
0x274: {  	v3 =	vld.idx.msk [tilespmem:v51+s26+$0x0], $0xffff;
	_ =	sdelay $0x2  }
0x275: {  	v55 =	vunpack.i.u.bf16.f32 v50;
	v56 =	vunpack.i.l.bf16.f32 v50;
	v57 =	vunpack.i.u.bf16.f32 v52  }
0x276: {  	v58 =	vunpack.i.l.bf16.f32 v52;
	v59 =	vunpack.i.l.bf16.f32 v53;
	v60 =	vunpack.i.u.bf16.f32 v54  }
0x277: {  	v6 =	vunpack.i.u.bf16.f32 v53;
	v7 =	vmul.f32 v56, v3;
	v5 =	vmul.f32 v55, v3  }
0x278: {  	v4 =	vunpack.i.l.bf16.f32 v54;
	v9 =	vmul.f32 v58, v3;
	v8 =	vmul.f32 v57, v3  }
0x279: {  	v61 =	vmul.f32 v59, v3;
	v6 =	vmul.f32 v6, v3;
	v5 =	vpack.i.f32.bf16 v5, v7  }
0x27a: {  	v4 =	vmul.f32 v4, v3;
	v3 =	vmul.f32 v60, v3;
	v62 =	vpack.i.f32.bf16 v8, v9;
	[tilespmem:s15+$0x40] =	vst v5  }
0x27b: {  	v63 =	vpack.i.f32.bf16 v6, v61;
	[tilespmem:s15+$0x50] =	vst v62  }
0x27c: {  	s21 =	sshll.u32 s10, $0x1;
	v3 =	vpack.i.f32.bf16 v3, v4;
	[tilespmem:s15+$0x60] =	vst v63  }
0x27d: {  	s10 =	sadd.s32 $0x1, s10;
	s14 =	sadd.s32 $0x2, s21;
	[tilespmem:s15+$0x70] =	vst v3  }
0x27e: {  	p1 =	sne.s32 s10, $0x27;
	s14 =	smin.u32 s14, s17;
	_ =	swait.ge [sflag:s29], $0x2000  }
.Ltmp5:
0x27f: {  	s14 =	sshll.u32 s14, $0x7;
	[sflag:s29] =	ssyncset.done $0x0;
	(pc) =	sbr.rel @p1 .LBB2_4-.Ltmp5, $4  }
0x280: {  	s14 =	sadd.s32 $0x5000, s14;
	[sflag:s29] =	ssyncadd.s32 $0xFFFFE000  }
0x281: {  	[tilespmem:s28], [sflag:$0x1] =	stream.indirect.gather [hbm4b:s1+s31], $0x40, s14, s31, $0xb8;
	[tilespmem:$0x18510] =	vst v63  }
0x282: {  	_ = 	snop  }
0x283: {  	[spmem:s4] =	stream.indirect.scatter.add.bf16 [tilespmem:s2], [sflag:$0x4], $0x40, s11, s31, $0xb8;
	[tilespmem:$0x18510] =	vst v63  }
0x284: {  	_ =	swait.ge [sflag:s30], $0x2000  }
0x285: {  	[sflag:s30] =	ssyncset.done $0x0  }
0x286: {  	[sflag:s30] =	ssyncadd.s32 $0xFFFFE000  }
0x287: {  	_ =	swait.ge [sflag:s0], $0x80  }
0x288: {  	[sflag:s0] =	ssyncset.done $0x0  }
0x289: {  	[sflag:s0] =	ssyncadd.s32 $0xFFFFFF80  }
0x28a: {  	_ =	swait.ge [sflag:s7], $0x80  }
.Ltmp6:
0x28b: {  	[sflag:s7] =	ssyncset.done $0x0;
	(pc) =	sbr.rel @p0 .LBB2_13-.Ltmp6, $4  }
0x28c: {  	[sflag:s7] =	ssyncadd.s32 $0xFFFFFF80  }
0x28d: {  	_ =	swait.ge [sflag:s6], $0x2000  }
0x28e: {  	[sflag:s6] =	ssyncset.done $0x0  }
0x28f: {  	[sflag:s6] =	ssyncadd.s32 $0xFFFFE000  }
0x290: {  	v3 =	vld [tilespmem:$0x7700]  }
0x291: {  	v4 =	vld [tilespmem:$0x9E80];
	_ =	sdelay $0x4  }
0x292: {  	v3 =	vshll.u32 v3, $0x1;
	v4 =	vshll.u32 v4, $0x1  }
0x293: {  	v4 =	vor.u32 $0x1, v4;
	_ =	sdelay $0x2  }
0x294: {  	s9 =	simm.s32 $0x0  }
0x295: {  	v3 =	vld.idx.msk [tilespmem:v3+s9+$0x0], $0xffff  }
0x296: {  	v4 =	vld.idx.msk [tilespmem:v4+s9+$0x0], $0xffff;
	_ =	sdelay $0x4  }
0x297: {  	v3 =	vadd.f32 v4, v3;
	_ =	sdelay $0x1  }
0x298: {  	v4 =	vmul.f32 $2.000000030e-01, v3  }
0x299: {  	vm0 =	vge.f32 v3, $0.0e+00  }
0x29a: {  	v3 =	vsel vm0, v3, v4  }
0x29b: {  	v3 =	vsub.f32 v3, v2;
	_ =	sdelay $0x1  }
0x29c: {  	v3 =	vmul.f32 $1.442695020e+00, v3;
	_ =	sdelay $0x1  }
0x29d: {  	v4 =	vld [tilespmem:$0x9E90];
	(erf) = vpow2.f32 v3  }
0x29e: {  	v3 =	vld [tilespmem:$0x7710];
	_ =	sdelay $0x4  }
0x29f: {  	v4 =	vshll.u32 v4, $0x1;
	v3 =	vshll.u32 v3, $0x1  }
0x2a0: {  	v4 =	vor.u32 $0x1, v4;
	_ =	sdelay $0x1  }
0x2a1: {  	v5 =	vpop (erf)  }
0x2a2: {  	[tilespmem:$0x9F00] =	vst v5  }
0x2a3: {  	v3 =	vld.idx.msk [tilespmem:v3+s9+$0x0], $0xffff  }
0x2a4: {  	v4 =	vld.idx.msk [tilespmem:v4+s9+$0x0], $0xffff;
	_ =	sdelay $0x4  }
0x2a5: {  	v3 =	vadd.f32 v4, v3;
	_ =	sdelay $0x1  }
0x2a6: {  	v4 =	vmul.f32 $2.000000030e-01, v3  }
0x2a7: {  	vm9 =	vge.f32 v3, $0.0e+00  }
0x2a8: {  	v3 =	vsel vm9, v3, v4  }
0x2a9: {  	v3 =	vsub.f32 v3, v2;
	_ =	sdelay $0x1  }
0x2aa: {  	v3 =	vmul.f32 $1.442695020e+00, v3;
	_ =	sdelay $0x1  }
0x2ab: {  	v4 =	vld [tilespmem:$0x9EA0];
	(erf) = vpow2.f32 v3  }
0x2ac: {  	v3 =	vld [tilespmem:$0x7720];
	_ =	sdelay $0x4  }
0x2ad: {  	v4 =	vshll.u32 v4, $0x1;
	v3 =	vshll.u32 v3, $0x1  }
0x2ae: {  	v4 =	vor.u32 $0x1, v4;
	_ =	sdelay $0x1  }
0x2af: {  	v5 =	vpop (erf)  }
0x2b0: {  	[tilespmem:$0x9F10] =	vst v5  }
0x2b1: {  	v3 =	vld.idx.msk [tilespmem:v3+s9+$0x0], $0xffff  }
0x2b2: {  	v4 =	vld.idx.msk [tilespmem:v4+s9+$0x0], $0xffff;
	_ =	sdelay $0x4  }
0x2b3: {  	v3 =	vadd.f32 v4, v3;
	_ =	sdelay $0x1  }
0x2b4: {  	v4 =	vmul.f32 $2.000000030e-01, v3  }
0x2b5: {  	vm10 =	vge.f32 v3, $0.0e+00  }
0x2b6: {  	v3 =	vsel vm10, v3, v4  }
0x2b7: {  	v3 =	vsub.f32 v3, v2;
	_ =	sdelay $0x1  }
0x2b8: {  	v3 =	vmul.f32 $1.442695020e+00, v3;
	_ =	sdelay $0x1  }
0x2b9: {  	v4 =	vld [tilespmem:$0x9EB0];
	(erf) = vpow2.f32 v3  }
0x2ba: {  	v3 =	vld [tilespmem:$0x7730];
	_ =	sdelay $0x4  }
0x2bb: {  	v4 =	vshll.u32 v4, $0x1;
	v3 =	vshll.u32 v3, $0x1  }
0x2bc: {  	v4 =	vor.u32 $0x1, v4;
	_ =	sdelay $0x1  }
0x2bd: {  	v5 =	vpop (erf)  }
0x2be: {  	[tilespmem:$0x9F20] =	vst v5  }
0x2bf: {  	v3 =	vld.idx.msk [tilespmem:v3+s9+$0x0], $0xffff  }
0x2c0: {  	v4 =	vld.idx.msk [tilespmem:v4+s9+$0x0], $0xffff;
	_ =	sdelay $0x4  }
0x2c1: {  	v3 =	vadd.f32 v4, v3;
	_ =	sdelay $0x1  }
0x2c2: {  	v4 =	vmul.f32 $2.000000030e-01, v3  }
0x2c3: {  	vm11 =	vge.f32 v3, $0.0e+00  }
0x2c4: {  	v3 =	vsel vm11, v3, v4  }
0x2c5: {  	v3 =	vsub.f32 v3, v2;
	_ =	sdelay $0x1  }
0x2c6: {  	v3 =	vmul.f32 $1.442695020e+00, v3;
	_ =	sdelay $0x1  }
0x2c7: {  	v4 =	vld [tilespmem:$0x9EC0];
	(erf) = vpow2.f32 v3  }
0x2c8: {  	v3 =	vld [tilespmem:$0x7740];
	_ =	sdelay $0x4  }
0x2c9: {  	v4 =	vshll.u32 v4, $0x1;
	v3 =	vshll.u32 v3, $0x1  }
0x2ca: {  	v4 =	vor.u32 $0x1, v4;
	_ =	sdelay $0x1  }
0x2cb: {  	v5 =	vpop (erf)  }
0x2cc: {  	[tilespmem:$0x9F30] =	vst v5  }
0x2cd: {  	v3 =	vld.idx.msk [tilespmem:v3+s9+$0x0], $0xffff  }
0x2ce: {  	v4 =	vld.idx.msk [tilespmem:v4+s9+$0x0], $0xffff;
	_ =	sdelay $0x4  }
0x2cf: {  	v3 =	vadd.f32 v4, v3;
	_ =	sdelay $0x1  }
0x2d0: {  	v4 =	vmul.f32 $2.000000030e-01, v3  }
0x2d1: {  	vm12 =	vge.f32 v3, $0.0e+00  }
0x2d2: {  	v3 =	vsel vm12, v3, v4  }
0x2d3: {  	v3 =	vsub.f32 v3, v2;
	_ =	sdelay $0x1  }
0x2d4: {  	v3 =	vmul.f32 $1.442695020e+00, v3;
	_ =	sdelay $0x1  }
0x2d5: {  	v4 =	vld [tilespmem:$0x9ED0];
	(erf) = vpow2.f32 v3  }
0x2d6: {  	v3 =	vld [tilespmem:$0x7750];
	_ =	sdelay $0x4  }
0x2d7: {  	v4 =	vshll.u32 v4, $0x1;
	v3 =	vshll.u32 v3, $0x1  }
0x2d8: {  	v4 =	vor.u32 $0x1, v4;
	_ =	sdelay $0x1  }
0x2d9: {  	v5 =	vpop (erf)  }
0x2da: {  	[tilespmem:$0x9F40] =	vst v5  }
0x2db: {  	v3 =	vld.idx.msk [tilespmem:v3+s9+$0x0], $0xffff  }
0x2dc: {  	v4 =	vld.idx.msk [tilespmem:v4+s9+$0x0], $0xffff;
	_ =	sdelay $0x4  }
0x2dd: {  	v3 =	vadd.f32 v4, v3;
	_ =	sdelay $0x1  }
0x2de: {  	v4 =	vmul.f32 $2.000000030e-01, v3  }
0x2df: {  	vm13 =	vge.f32 v3, $0.0e+00  }
0x2e0: {  	v3 =	vsel vm13, v3, v4  }
0x2e1: {  	v3 =	vsub.f32 v3, v2;
	_ =	sdelay $0x1  }
0x2e2: {  	v3 =	vmul.f32 $1.442695020e+00, v3;
	_ =	sdelay $0x1  }
0x2e3: {  	v4 =	vld [tilespmem:$0x9EE0];
	(erf) = vpow2.f32 v3  }
0x2e4: {  	v3 =	vld [tilespmem:$0x7760];
	_ =	sdelay $0x4  }
0x2e5: {  	v4 =	vshll.u32 v4, $0x1;
	v3 =	vshll.u32 v3, $0x1  }
0x2e6: {  	v4 =	vor.u32 $0x1, v4;
	_ =	sdelay $0x1  }
0x2e7: {  	v5 =	vpop (erf)  }
0x2e8: {  	[tilespmem:$0x9F50] =	vst v5  }
0x2e9: {  	v3 =	vld.idx.msk [tilespmem:v3+s9+$0x0], $0xffff  }
0x2ea: {  	v4 =	vld.idx.msk [tilespmem:v4+s9+$0x0], $0xffff;
	_ =	sdelay $0x4  }
0x2eb: {  	v3 =	vadd.f32 v4, v3;
	_ =	sdelay $0x1  }
0x2ec: {  	v4 =	vmul.f32 $2.000000030e-01, v3  }
0x2ed: {  	vm14 =	vge.f32 v3, $0.0e+00  }
0x2ee: {  	v3 =	vsel vm14, v3, v4  }
0x2ef: {  	v3 =	vsub.f32 v3, v2;
	_ =	sdelay $0x1  }
0x2f0: {  	v3 =	vmul.f32 $1.442695020e+00, v3;
	_ =	sdelay $0x1  }
0x2f1: {  	v4 =	vld [tilespmem:$0x9EF0];
	(erf) = vpow2.f32 v3  }
0x2f2: {  	v3 =	vld [tilespmem:$0x7770];
	_ =	sdelay $0x4  }
0x2f3: {  	v4 =	vshll.u32 v4, $0x1;
	v3 =	vshll.u32 v3, $0x1  }
0x2f4: {  	v4 =	vor.u32 $0x1, v4;
	_ =	sdelay $0x1  }
0x2f5: {  	v5 =	vpop (erf)  }
0x2f6: {  	[tilespmem:$0x9F60] =	vst v5  }
0x2f7: {  	v3 =	vld.idx.msk [tilespmem:v3+s9+$0x0], $0xffff  }
0x2f8: {  	v4 =	vld.idx.msk [tilespmem:v4+s9+$0x0], $0xffff;
	_ =	sdelay $0x4  }
0x2f9: {  	v3 =	vadd.f32 v4, v3;
	_ =	sdelay $0x1  }
0x2fa: {  	v4 =	vmul.f32 $2.000000030e-01, v3  }
0x2fb: {  	vm15 =	vge.f32 v3, $0.0e+00  }
0x2fc: {  	v3 =	vsel vm15, v3, v4  }
0x2fd: {  	v2 =	vsub.f32 v3, v2;
	_ =	sdelay $0x1  }
0x2fe: {  	v2 =	vmul.f32 $1.442695020e+00, v2;
	_ =	sdelay $0x1  }
0x2ff: {  	(erf) = vpow2.f32 v2;
	_ =	sdelay $0x8  }
0x300: {  	v2 =	vpop (erf)  }
0x301: {  	s10 =	simm.s32 $0x9E80;
	[tilespmem:$0x9F70] =	vst v2  }
0x302: {  	[spmem:s3] =	stream.indirect.scatter.add.f32 [tilespmem:s22], [sflag:$0x7], $0x1, s10, s31, $0xb8;
	[tilespmem:$0x18510] =	vst v63  }
0x303: {  	_ =	swait.ge [sflag:s24], $0x80  }
0x304: {  	[sflag:s24] =	ssyncset.done $0x0  }
0x305: {  	v2 =	vmov s9;
	s10 =	simm.s32 $0xA090;
	[sflag:s24] =	ssyncadd.s32 $0xFFFFFF80  }
0x306: {  	v2 =	vand.u32 $0xFFFFFFFC, v2;
	v3 =	vld [tilespmem:s10+$0xFFFFFF90]  }
0x307: {  	v2 =	vbroadcast v2, $0x0;
	v4 =	vld [tilespmem:s10+$0xFFFFFF80]  }
0x308: {  	v5 =	vld [tilespmem:s10+$0xFFFFFFB0]  }
0x309: {  	v6 =	vld [tilespmem:s10+$0xFFFFFFA0]  }
0x30a: {  	s21 =	simm.s32 $0x2;
	v7 =	vld [tilespmem:s10+$0xFFFFFFE0]  }
0x30b: {  	s11 =	simm.s32 $0x1;
	v20 =	vmov s21;
	v8 =	vld [tilespmem:s10+$0xFFFFFFF0]  }
0x30c: {  	v9 =	vmov s11;
	v20 =	vand.u32 $0xFFFFFFFE, v20;
	v10 =	vld [tilespmem:s10+$0xFFFFFFD0]  }
0x30d: {  	v16 =	vld.idx.msk [tilespmem:v2+s22+$0x0], $0xffff;
	v12 =	vunpack.i.u.bf16.f32 v4;
	v15 =	vunpack.i.u.bf16.f32 v3;
	v11 =	vunpack.i.l.bf16.f32 v4  }
0x30e: {  	v18 =	vld [tilespmem:s10+$0xFFFFFFC0];
	v13 =	vunpack.i.u.bf16.f32 v5;
	v4 =	vand.u32 $0xFFFFFFFD, v9;
	v14 =	vunpack.i.u.bf16.f32 v6  }
0x30f: {  	v17 =	vunpack.i.l.bf16.f32 v6;
	v19 =	vunpack.i.l.bf16.f32 v3;
	v5 =	vunpack.i.l.bf16.f32 v5  }
0x310: {  	v3 =	vunpack.i.l.bf16.f32 v7;
	v6 =	vunpack.i.u.bf16.f32 v7;
	v7 =	vunpack.i.l.bf16.f32 v8  }
0x311: {  	v9 =	vunpack.i.l.bf16.f32 v10;
	v2 =	vbroadcast v4, $0x0;
	v4 =	vunpack.i.u.bf16.f32 v8  }
0x312: {  	v8 =	vunpack.i.u.bf16.f32 v10;
	v21 =	vmul.f32 v11, v16;
	v17 =	vmul.f32 v17, v16  }
0x313: {  	v10 =	vunpack.i.u.bf16.f32 v18;
	v22 =	vmul.f32 v14, v16;
	v23 =	vmul.f32 v5, v16  }
0x314: {  	v11 =	vunpack.i.l.bf16.f32 v18;
	v18 =	vmul.f32 v12, v16;
	v24 =	vmul.f32 v13, v16;
	v12 =	vld [tilespmem:s10+$0x10]  }
0x315: {  	v14 =	vmul.f32 v19, v16;
	v5 =	vbroadcast v20, $0x0;
	v13 =	vld [tilespmem:s10+$0x0];
	v17 =	vpack.i.f32.bf16 v22, v17  }
0x316: {  	s14 =	simm.s32 $0xA090;
	s11 =	simm.s32 $0x4;
	v16 =	vmul.f32 v15, v16;
	v15 =	vpack.i.f32.bf16 v18, v21;
	[tilespmem:s10+$0xFFFFFFA0] =	vst v17;
	v17 =	vpack.i.f32.bf16 v24, v23  }
.LBB2_11:
0x317: {  	p1 =	sne.s32 s11, $0x7C  }
0x318: {  	v14 =	vpack.i.f32.bf16 v16, v14;
	[tilespmem:s10+$0xFFFFFFB0] =	vst v17;
	s14 =	sadd.s32 $0x100, s14;
	s15 =	smov.u32 s11;
	s11 =	sadd.s32 $0x4, s11  }
0x319: {  	[tilespmem:s10+$0xFFFFFF90] =	vst v14;
	v14 =	vld [tilespmem:s10+$0x30]  }
0x31a: {  	v16 =	vunpack.i.l.bf16.f32 v12;
	[tilespmem:s10+$0xFFFFFF80] =	vst v15;
	v15 =	vunpack.i.u.bf16.f32 v13  }
0x31b: {  	v13 =	vunpack.i.l.bf16.f32 v13;
	v2 =	vld.idx.msk [tilespmem:v2+s22+$0x0], $0xffff;
	_ =	sdelay $0x1  }
0x31c: {  	v12 =	vunpack.i.u.bf16.f32 v12;
	v17 =	vld [tilespmem:s10+$0x20]  }
0x31d: {  	v18 =	vunpack.i.u.bf16.f32 v14;
	v14 =	vunpack.i.l.bf16.f32 v14;
	_ =	sdelay $0x2  }
0x31e: {  	v11 =	vmul.f32 v11, v2;
	v10 =	vmul.f32 v10, v2  }
0x31f: {  	v9 =	vmul.f32 v9, v2;
	v8 =	vmul.f32 v8, v2;
	v19 =	vunpack.i.u.bf16.f32 v17;
	v20 =	vld [tilespmem:s10+$0x40]  }
0x320: {  	v6 =	vmul.f32 v6, v2;
	v7 =	vmul.f32 v7, v2;
	v17 =	vunpack.i.l.bf16.f32 v17  }
0x321: {  	v21 =	vmov s15;
	v4 =	vmul.f32 v4, v2;
	v8 =	vpack.i.f32.bf16 v8, v9;
	v9 =	vld [tilespmem:s10+$0x50]  }
0x322: {  	v21 =	vand.u32 $0xFFFFFFFC, v21;
	v2 =	vmul.f32 v3, v2;
	v10 =	vpack.i.f32.bf16 v10, v11;
	[tilespmem:s10+$0xFFFFFFD0] =	vst v8;
	v3 =	vld [tilespmem:s10+$0x60]  }
0x323: {  	v4 =	vpack.i.f32.bf16 v4, v7;
	v8 =	vbroadcast v21, $0x0;
	[tilespmem:s10+$0xFFFFFFC0] =	vst v10  }
0x324: {  	v2 =	vpack.i.f32.bf16 v6, v2;
	[tilespmem:s10+$0xFFFFFFF0] =	vst v4;
	v4 =	vunpack.i.u.bf16.f32 v20;
	v6 =	vunpack.i.l.bf16.f32 v20  }
0x325: {  	v7 =	vld [tilespmem:s14+$0xFFFFFF90];
	[tilespmem:s10+$0xFFFFFFE0] =	vst v2  }
0x326: {  	v2 =	vld.idx.msk [tilespmem:v5+s22+$0x0], $0xffff;
	v5 =	vunpack.i.u.bf16.f32 v9;
	v9 =	vunpack.i.l.bf16.f32 v9  }
0x327: {  	v10 =	vunpack.i.l.bf16.f32 v3;
	v11 =	vld [tilespmem:s10+$0x70]  }
0x328: {  	v3 =	vunpack.i.u.bf16.f32 v3;
	v20 =	vld [tilespmem:s14+$0xFFFFFF80]  }
0x329: {  	v21 =	vld [tilespmem:s14+$0xFFFFFFB0]  }
0x32a: {  	v22 =	vld [tilespmem:s14+$0xFFFFFFA0];
	_ =	sdelay $0x1  }
0x32b: {  	v13 =	vmul.f32 v13, v2;
	v15 =	vmul.f32 v15, v2  }
0x32c: {  	v24 =	vunpack.i.u.bf16.f32 v7;
	v18 =	vmul.f32 v18, v2;
	v23 =	vunpack.i.u.bf16.f32 v20  }
0x32d: {  	v16 =	vmul.f32 v16, v2;
	v20 =	vunpack.i.l.bf16.f32 v20;
	v25 =	vunpack.i.u.bf16.f32 v21  }
0x32e: {  	s16 =	sadd.s32 $0x1, s15;
	v14 =	vmul.f32 v14, v2;
	v27 =	vunpack.i.u.bf16.f32 v11;
	v26 =	vunpack.i.u.bf16.f32 v22  }
0x32f: {  	v28 =	vmov s16;
	v12 =	vmul.f32 v12, v2;
	v17 =	vmul.f32 v17, v2  }
0x330: {  	s16 =	sadd.s32 $0x3, s9;
	s9 =	smov.u32 s15;
	v19 =	vmul.f32 v19, v2;
	v14 =	vpack.i.f32.bf16 v18, v14;
	v22 =	vunpack.i.l.bf16.f32 v22  }
0x331: {  	v2 =	vand.u32 $0xFFFFFFFD, v28;
	v12 =	vpack.i.f32.bf16 v12, v16;
	v16 =	vmov s16  }
0x332: {  	v2 =	vbroadcast v2, $0x0;
	v13 =	vpack.i.f32.bf16 v15, v13;
	[tilespmem:s10+$0x10] =	vst v12;
	v12 =	vpack.i.f32.bf16 v19, v17  }
0x333: {  	[tilespmem:s10+$0x20] =	vst v12  }
0x334: {  	[tilespmem:s10+$0x30] =	vst v14  }
0x335: {  	v12 =	vunpack.i.l.bf16.f32 v7;
	[tilespmem:s10+$0x0] =	vst v13  }
0x336: {  	v13 =	vunpack.i.l.bf16.f32 v21;
	v7 =	vld.idx.msk [tilespmem:v16+s22+$0x0], $0xffff;
	_ =	sdelay $0x5  }
0x337: {  	v6 =	vmul.f32 v6, v7;
	v4 =	vmul.f32 v4, v7;
	v14 =	vld [tilespmem:s14+$0xFFFFFFE0]  }
0x338: {  	v11 =	vunpack.i.l.bf16.f32 v11;
	v9 =	vmul.f32 v9, v7;
	v5 =	vmul.f32 v5, v7;
	v15 =	vld [tilespmem:s14+$0xFFFFFFF0]  }
0x339: {  	v3 =	vmul.f32 v3, v7;
	v4 =	vpack.i.f32.bf16 v4, v6;
	v6 =	vmul.f32 v10, v7  }
0x33a: {  	v10 =	vld [tilespmem:s14+$0xFFFFFFD0];
	[tilespmem:s10+$0x40] =	vst v4;
	v4 =	vpack.i.f32.bf16 v5, v9;
	v5 =	vmul.f32 v11, v7;
	v7 =	vmul.f32 v27, v7  }
0x33b: {  	v3 =	vpack.i.f32.bf16 v3, v6;
	[tilespmem:s10+$0x50] =	vst v4  }
0x33c: {  	[tilespmem:s10+$0x60] =	vst v3;
	v4 =	vpack.i.f32.bf16 v7, v5  }
0x33d: {  	v3 =	vunpack.i.l.bf16.f32 v14;
	v5 =	vld [tilespmem:s14+$0xFFFFFFC0];
	[tilespmem:s10+$0x70] =	vst v4;
	s10 =	smov.u32 s14  }
0x33e: {  	s15 =	sadd.s32 $0x2, s9;
	v6 =	vunpack.i.u.bf16.f32 v14;
	v4 =	vunpack.i.u.bf16.f32 v15;
	v7 =	vunpack.i.l.bf16.f32 v15;
	v16 =	vld.idx.msk [tilespmem:v8+s22+$0x0], $0xffff  }
0x33f: {  	v11 =	vmov s15  }
0x340: {  	v8 =	vunpack.i.u.bf16.f32 v10;
	v9 =	vunpack.i.l.bf16.f32 v10  }
0x341: {  	v15 =	vand.u32 $0xFFFFFFFE, v11  }
0x342: {  	v10 =	vunpack.i.u.bf16.f32 v5;
	v11 =	vunpack.i.l.bf16.f32 v5;
	_ =	sdelay $0x1  }
0x343: {  	v17 =	vmul.f32 v20, v16;
	v14 =	vmul.f32 v12, v16  }
.Ltmp7:
0x344: {  	v5 =	vbroadcast v15, $0x0;
	v18 =	vmul.f32 v22, v16;
	(pc) =	sbr.rel @p1 .LBB2_11-.Ltmp7, $4  }
0x345: {  	v15 =	vmul.f32 v26, v16;
	v19 =	vmul.f32 v13, v16;
	v12 =	vld [tilespmem:s14+$0x10]  }
0x346: {  	v20 =	vmul.f32 v23, v16;
	v21 =	vmul.f32 v25, v16;
	v13 =	vld [tilespmem:s14+$0x0]  }
0x347: {  	v16 =	vmul.f32 v24, v16;
	v18 =	vpack.i.f32.bf16 v15, v18  }
0x348: {  	v15 =	vpack.i.f32.bf16 v20, v17;
	v17 =	vpack.i.f32.bf16 v21, v19;
	[tilespmem:s14+$0xFFFFFFA0] =	vst v18  }
0x349: {  	_ = 	snop  }
0x34a: {  	[tilespmem:s10+$0xFFFFFFB0] =	vst v17  }
0x34b: {  	v14 =	vpack.i.f32.bf16 v16, v14;
	[tilespmem:s10+$0xFFFFFF80] =	vst v15  }
0x34c: {  	[tilespmem:s10+$0xFFFFFF90] =	vst v14  }
0x34d: {  	v2 =	vld.idx.msk [tilespmem:v2+s22+$0x0], $0xffff;
	_ =	sdelay $0x4  }
0x34e: {  	v9 =	vmul.f32 v9, v2;
	v8 =	vmul.f32 v8, v2  }
0x34f: {  	v11 =	vmul.f32 v11, v2;
	v10 =	vmul.f32 v10, v2  }
0x350: {  	v7 =	vmul.f32 v7, v2;
	v4 =	vmul.f32 v4, v2;
	v8 =	vpack.i.f32.bf16 v8, v9  }
0x351: {  	v6 =	vmul.f32 v6, v2;
	v2 =	vmul.f32 v3, v2;
	v43 =	vpack.i.f32.bf16 v10, v11;
	[tilespmem:s10+$0xFFFFFFD0] =	vst v8  }
0x352: {  	v4 =	vpack.i.f32.bf16 v4, v7;
	[tilespmem:s10+$0xFFFFFFC0] =	vst v43  }
0x353: {  	v44 =	vld [tilespmem:s10+$0x30];
	v2 =	vpack.i.f32.bf16 v6, v2;
	[tilespmem:s10+$0xFFFFFFF0] =	vst v4  }
0x354: {  	v3 =	vld [tilespmem:s10+$0x20];
	[tilespmem:s10+$0xFFFFFFE0] =	vst v2  }
0x355: {  	v2 =	vld.idx.msk [tilespmem:v5+s22+$0x0], $0xffff;
	_ =	sdelay $0x1  }
0x356: {  	s9 =	sadd.s32 $0x3, s9;
	v46 =	vunpack.i.l.bf16.f32 v12  }
0x357: {  	v49 =	vunpack.i.u.bf16.f32 v12;
	v52 =	vmov s9;
	v45 =	vunpack.i.u.bf16.f32 v13  }
0x358: {  	v47 =	vunpack.i.l.bf16.f32 v13;
	v48 =	vunpack.i.u.bf16.f32 v44;
	v50 =	vunpack.i.u.bf16.f32 v3  }
0x359: {  	v3 =	vunpack.i.l.bf16.f32 v3;
	v6 =	vmul.f32 v46, v2;
	v9 =	vmul.f32 v49, v2  }
0x35a: {  	v4 =	vunpack.i.l.bf16.f32 v44;
	v3 =	vmul.f32 v3, v2;
	v10 =	vmul.f32 v50, v2  }
0x35b: {  	v8 =	vmul.f32 v48, v2;
	v4 =	vmul.f32 v4, v2;
	v6 =	vpack.i.f32.bf16 v9, v6  }
0x35c: {  	v51 =	vld [tilespmem:s10+$0x40];
	v7 =	vmul.f32 v47, v2;
	v2 =	vmul.f32 v45, v2;
	v3 =	vpack.i.f32.bf16 v10, v3;
	[tilespmem:s10+$0x10] =	vst v6  }
0x35d: {  	v53 =	vld [tilespmem:s10+$0x50];
	v4 =	vpack.i.f32.bf16 v8, v4;
	[tilespmem:s10+$0x20] =	vst v3  }
0x35e: {  	v54 =	vld [tilespmem:s10+$0x60];
	v2 =	vpack.i.f32.bf16 v2, v7;
	[tilespmem:s10+$0x30] =	vst v4  }
0x35f: {  	v3 =	vld [tilespmem:s10+$0x70];
	[tilespmem:s10+$0x0] =	vst v2  }
0x360: {  	v2 =	vld.idx.msk [tilespmem:v52+s22+$0x0], $0xffff;
	_ =	sdelay $0x2  }
0x361: {  	v55 =	vunpack.i.u.bf16.f32 v51;
	v56 =	vunpack.i.l.bf16.f32 v51;
	v57 =	vunpack.i.u.bf16.f32 v53  }
0x362: {  	v58 =	vunpack.i.l.bf16.f32 v53;
	v59 =	vunpack.i.l.bf16.f32 v54;
	v5 =	vunpack.i.u.bf16.f32 v54  }
0x363: {  	v60 =	vunpack.i.u.bf16.f32 v3;
	v6 =	vmul.f32 v56, v2;
	v4 =	vmul.f32 v55, v2  }
0x364: {  	v3 =	vunpack.i.l.bf16.f32 v3;
	v8 =	vmul.f32 v58, v2;
	v7 =	vmul.f32 v57, v2  }
0x365: {  	v61 =	vmul.f32 v59, v2;
	v5 =	vmul.f32 v5, v2;
	v4 =	vpack.i.f32.bf16 v4, v6  }
0x366: {  	v3 =	vmul.f32 v3, v2;
	v2 =	vmul.f32 v60, v2;
	v62 =	vpack.i.f32.bf16 v7, v8;
	[tilespmem:s10+$0x40] =	vst v4  }
0x367: {  	v63 =	vpack.i.f32.bf16 v5, v61;
	[tilespmem:s10+$0x50] =	vst v62  }
0x368: {  	v2 =	vpack.i.f32.bf16 v2, v3;
	[tilespmem:s10+$0x60] =	vst v63  }
.Ltmp8:
0x369: {  	s21 =	simm.s32 $0x9E80;
	[tilespmem:s10+$0x70] =	vst v2;
	(pc) =	sbr.rel .LBB2_13-.Ltmp8, $4  }
0x36a: {  	[spmem:s4] =	stream.indirect.scatter.add.bf16 [tilespmem:s28], [sflag:$0x7], $0x40, s21, s31, $0xb8;
	[tilespmem:$0x18510] =	vst v63  }
0x36b: {  	_ =	swait.ge [sflag:s24], $0x2000  }
0x36c: {  	[sflag:s24] =	ssyncset.done $0x0  }
0x36d: {  	[sflag:s24] =	ssyncadd.s32 $0xFFFFE000  }
.LBB2_14:
0x36e: {  	_ =	sfence.sel $0x180000  }
0x36f: {  	[bflag:$0x0] =	sbarrier.arrive $0xFFFF  }
0x370: {  	_ =	strace $0x90000047  }
0x371: {  	s0 =	stileid.u32;
	[bflag:$0x2] =	sbarrier.arrive $0xFFFF  }
0x372: {  	p0 =	sne.s32 s0, $0x0;
	s0 =	rddreg [dreg:$0x4]  }
0x373: {  	s0 =	sadd.s32 @!p0 $0x100000, s0  }
0x374: {  	[sflag:s0] =	ssyncadd.tile.s32 @!p0 $0x1;
	_ =	shalt  }
.Lfunc_end2:
_tile_overlayer_lowered:
.L_overlay_start_2:
0x375: {  	(tag) =	ssettag $0x2  }
0x376: {  	s0 =	rddreg [dreg:$0x0];
	s2 =	stileid.u32  }
0x377: {  	s1 =	rddreg [dreg:$0x1];
	p0 =	sne.s32 s2, $0x0  }
0x378: {  	s3 =	rddreg [dreg:$0x2];
	[bflag:$0x3] =	sbarrier.arrive $0xFFFF;
	s2 =	simm.s32 @!p0 $0x1C07  }
0x379: {  	[timem:s3], [sflag:s2] =	dma.local @!p0 [hbm:s0], s1  }
0x37a: {  	s0 =	simm.s32 @!p0 $0x7  }
0x37b: {  	_ =	swait.ge @!p0 [sflag:s0], s1  }
0x37c: {  	s1 =	ssub.s32 @!p0 $0x0, s1;
	[sflag:s0] =	ssyncset.done @!p0 $0x0  }
0x37d: {  	[sflag:s0] =	ssyncadd.s32 @!p0 s1  }
0x37e: {  	[bflag:$0x3] =	sbarrier.arrive $0xFFFF  }
0x37f: {  	_ =	shalt  }

</sc_bundles>
